<compile_context>
chip_gen: v7x
topology: tpu7x:2x2x1
jax: 0.10.2.dev20260603
libtpu: 0.0.44.dev20260713+nightly
codegen_flags: <defaults>
</compile_context>

<pallas_src>
import functools

import numpy as np
import jax
import jax.numpy as jnp
from jax import lax
from jax.experimental import pallas as pl
from jax.experimental.pallas import tpu as pltpu
from jax.experimental.pallas import tpu_sc as plsc

_T, _B, _C = 1024, 64, 192
_RATIO = 0.75
_REMAIN = int(_T * (1.0 - _RATIO))
_ROWS = _REMAIN * _B
_NC, _NS = 2, 16
_NW = _NC * _NS
_RPW = _ROWS // _NW
_CHUNK = 128
_NCHUNK = _RPW // _CHUNK

_cache = {}


def _rotl(x, r):
    return ((x << np.uint32(r)) | (x >> np.uint32(32 - r))).astype(np.uint32)


def _threefry2x32(k1, k2, x0, x1):
    x0 = x0.astype(np.uint32).copy()
    x1 = x1.astype(np.uint32).copy()
    ks0, ks1 = np.uint32(k1), np.uint32(k2)
    ks2 = np.uint32(ks0 ^ ks1 ^ np.uint32(0x1BD11BDA))
    rot1, rot2 = (13, 15, 26, 6), (17, 29, 16, 24)
    x0 = (x0 + ks0).astype(np.uint32)
    x1 = (x1 + ks1).astype(np.uint32)
    inject = [(ks1, ks2, 1), (ks2, ks0, 2), (ks0, ks1, 3),
              (ks1, ks2, 4), (ks2, ks0, 5)]
    for i, rots in enumerate((rot1, rot2, rot1, rot2, rot1)):
        for r in rots:
            x0 = (x0 + x1).astype(np.uint32)
            x1 = _rotl(x1, r)
            x1 = (x1 ^ x0).astype(np.uint32)
        a, b, c = inject[i]
        x0 = (x0 + a).astype(np.uint32)
        x1 = (x1 + b + np.uint32(c)).astype(np.uint32)
    return x0, x1


def _split(key, num):
    b1, b2 = _threefry2x32(key[0], key[1],
                           np.zeros(num, dtype=np.uint32),
                           np.arange(num, dtype=np.uint32))
    return np.stack([b1, b2], axis=1)


def _random_bits32(key, n):
    b1, b2 = _threefry2x32(key[0], key[1],
                           np.zeros(n, dtype=np.uint32),
                           np.arange(n, dtype=np.uint32))
    return (b1 ^ b2).astype(np.uint32)


def _permutation_arange(key, n):
    num_rounds = int(np.ceil(3 * np.log(max(1, n)) / np.log(2**32 - 1)))
    x = np.arange(n, dtype=np.int32)
    for _ in range(num_rounds):
        ks = _split(key, 2)
        key, subkey = ks[0], ks[1]
        order = np.argsort(_random_bits32(subkey, n), kind="stable")
        x = x[order]
    return x


def _indices():
    if "fwd" not in _cache:
        keys = _split(np.array([0, 42], dtype=np.uint32), _B)
        fwd = np.stack(
            [_permutation_arange(keys[i], _T) for i in range(_B)]
        ).T.astype(np.int32)
        bwd = np.argsort(fwd, axis=0).astype(np.int32)
        flat = fwd[:_REMAIN].reshape(_NW, _RPW).astype(np.int32)
        _cache["fwd"], _cache["bwd"], _cache["flat"] = fwd, bwd, flat
    return _cache["fwd"], _cache["bwd"], _cache["flat"]


_TPW = _REMAIN // _NW
_TCH = _CHUNK // _B


def _gather_body(src, tidx, out, idx_v, rows_v, sem):
    wid = lax.axis_index("s") * _NC + lax.axis_index("c")
    pltpu.sync_copy(tidx.at[wid], idx_v)
    t0 = wid * _TPW
    for j in range(_NCHUNK):
        def fire(g, carry):
            tvec = idx_v[pl.ds(j * _CHUNK + g * 16, 16)]
            for k in range(16):
                i = g * 16 + k
                tt = tvec[k]
                pltpu.async_copy(src.at[tt, i % _B],
                                 rows_v.at[i // _B, i % _B], sem)
            return carry
        lax.fori_loop(0, _CHUNK // 16, fire, 0)
        pltpu.make_async_copy(out.at[pl.ds(t0 + j * _TCH, _TCH)],
                              rows_v, sem).wait()
        pltpu.sync_copy(rows_v, out.at[pl.ds(t0 + j * _TCH, _TCH)])


def _build_gather():
    if "gather" not in _cache:
        _cache["gather"] = pl.kernel(
            _gather_body,
            out_type=jax.ShapeDtypeStruct((_REMAIN, _B, _C), jnp.float32),
            mesh=plsc.VectorSubcoreMesh(core_axis_name="c",
                                        subcore_axis_name="s",
                                        num_cores=_NC, num_subcores=_NS),
            scratch_types=[
                pltpu.VMEM((_RPW,), jnp.int32),
                pltpu.VMEM((_TCH, _B, _C), jnp.float32),
                pltpu.SemaphoreType.DMA,
            ],
            compiler_params=pltpu.CompilerParams(use_tc_tiling_on_sc=False),
        )
    return _cache["gather"]


def kernel(patches):
    fwd, bwd, flat = _indices()
    out = _build_gather()(patches, jnp.asarray(flat))
    return (out, jnp.asarray(fwd), jnp.asarray(bwd))

# --- scband reference (transcript-rebuilt; emitter-appended) ---
"""Pipeline reference for scband-patch-shuffle-18915035971752 (READ-ONLY COPY).

The authoritative reference and input builder live on the scoring server;
editing this copy changes nothing except your own understanding.
"""

import jax, jax.numpy as jnp
import numpy as np

RATIO = 0.75

def setup_inputs(seed: int = 0) -> dict:
    key = jax.random.key(seed)
    patches = jax.random.normal(key, (1024, 64, 192), dtype=jnp.float32)
    return {"patches": patches}

def reference(patches):
    T, B, C = patches.shape
    remain_T = int(T * (1.0 - RATIO))
    # Per-batch-item independent random permutations (deterministic via fixed key)
    pkey = jax.random.key(42)
    keys = jax.random.split(pkey, B)
    forward_indexes = jax.vmap(lambda k: jax.random.permutation(k, T))(keys).T  # (T, B)
    backward_indexes = jnp.argsort(forward_indexes, axis=0)  # (T, B)
    # take_indexes: gathered[t, b, :] = patches[forward_indexes[t, b], b, :]
    gathered = jnp.take_along_axis(patches, forward_indexes[:, :, None], axis=0)
    remaining = gathered[:remain_T]
    return remaining, forward_indexes, backward_indexes

if __name__ == "__main__":
    import jax
    _d = setup_inputs()
    print(jax.jit(kernel)(*tuple(_d.values())))

</pallas_src>

<mosaic_0001>
#map = affine_map<(d0, d1) -> (0, 0, 0)>
#map1 = affine_map<(d0, d1) -> (0, 0)>
module attributes {stable_mosaic.version = 14 : i64} {
  func.func @_gather_body(%arg0: i32, %arg1: i32, %arg2: memref<1024x64x192xf32, #tpu.memory_space<hbm>>, %arg3: memref<32x512xi32, #tpu.memory_space<hbm>>, %arg4: memref<256x64x192xf32, #tpu.memory_space<hbm>>, %arg5: memref<512xi32, #tpu.memory_space<vmem>>, %arg6: memref<2x64x192xf32, #tpu.memory_space<vmem>>, %arg7: memref<!tpu.dma_semaphore, #tpu.memory_space<semaphore_mem>>) attributes {dimension_semantics = [#tpu.dimension_semantics<core_parallel>, #tpu.dimension_semantics<subcore_parallel>], iteration_bounds = array<i64: 2, 16>, scalar_prefetch = 0 : i64, scratch_operands = 3 : i64, tpu.core_type = #tpu.core_type<sc_vector_subcore>, window_params = [{transform_indices = #map}, {transform_indices = #map1}, {transform_indices = #map}]} {
    %mul3A = arith.constant 2 : i32
    %mul3A_0 = arith.muli %arg1, %mul3A : i32
    %add3A = arith.addi %mul3A_0, %arg0 : i32
    "tpu.region"() ({
      %run_scoped3A = tpu.sem_alloc : memref<!tpu.dma_semaphore, #tpu.memory_space<semaphore_mem>>
      %dma_start3A = arith.constant 0 : i32
      %dma_start3A_65 = tpu.memref_slice %arg3[%add3A, %dma_start3A] : memref<32x512xi32, #tpu.memory_space<hbm>> -> memref<1x512xi32, #tpu.memory_space<hbm>>
      %dma_start3A_66 = tpu.memref_squeeze %dma_start3A_65 : memref<1x512xi32, #tpu.memory_space<hbm>> -> memref<512xi32, #tpu.memory_space<hbm>>
      %dma_start3A_67 = arith.constant 0 : i32
      %dma_start3A_68 = tpu.memref_slice %arg3[%add3A, %dma_start3A_67] : memref<32x512xi32, #tpu.memory_space<hbm>> -> memref<1x512xi32, #tpu.memory_space<hbm>>
      %dma_start3A_69 = tpu.memref_squeeze %dma_start3A_68 : memref<1x512xi32, #tpu.memory_space<hbm>> -> memref<512xi32, #tpu.memory_space<hbm>>
      tpu.enqueue_dma source(%dma_start3A_69 : memref<512xi32, #tpu.memory_space<hbm>>) target(%arg5 : memref<512xi32, #tpu.memory_space<vmem>>) target_semaphore(%run_scoped3A : memref<!tpu.dma_semaphore, #tpu.memory_space<semaphore_mem>>)
      %dma_wait3A_70 = arith.constant 0 : i32
      %dma_wait3A_71 = tpu.memref_slice %arg3[%add3A, %dma_wait3A_70] : memref<32x512xi32, #tpu.memory_space<hbm>> -> memref<1x512xi32, #tpu.memory_space<hbm>>
      %dma_wait3A_72 = tpu.memref_squeeze %dma_wait3A_71 : memref<1x512xi32, #tpu.memory_space<hbm>> -> memref<512xi32, #tpu.memory_space<hbm>>
      %dma_wait3A_73 = arith.constant 0 : i32
      %dma_wait3A_74 = tpu.memref_slice %arg3[%add3A, %dma_wait3A_73] : memref<32x512xi32, #tpu.memory_space<hbm>> -> memref<1x512xi32, #tpu.memory_space<hbm>>
      %dma_wait3A_75 = tpu.memref_squeeze %dma_wait3A_74 : memref<1x512xi32, #tpu.memory_space<hbm>> -> memref<512xi32, #tpu.memory_space<hbm>>
      tpu.wait_dma2 semaphore(%run_scoped3A : memref<!tpu.dma_semaphore, #tpu.memory_space<semaphore_mem>>) src(%dma_wait3A_75 : memref<512xi32, #tpu.memory_space<hbm>>) dst(%arg5 : memref<512xi32, #tpu.memory_space<vmem>>)
      tpu.yield
    }) : () -> ()
    %mul3A_1 = arith.constant 8 : i32
    %mul3A_2 = arith.muli %add3A, %mul3A_1 : i32
    %scan3A = arith.constant 0 : i32
    %scan3A_3 = arith.constant 0 : i32
    %scan3A_4 = arith.constant 8 : i32
    %scan3A_5 = arith.addi %scan3A_3, %scan3A_4 : i32
    %scan3A_6 = arith.constant 1 : i32
    scf.for %scan3A_65 = %scan3A_3 to %scan3A_5 step %scan3A_6  : i32 {
      %mul3A_66 = arith.constant 16 : i32
      %mul3A_67 = arith.muli %scan3A_65, %mul3A_66 : i32
      %add3A_68 = arith.constant 0 : i32
      %add3A_69 = arith.addi %add3A_68, %mul3A_67 : i32
      %get3A = arith.index_cast %add3A_69 : i32 to index
      %get3A_70 = tpu.vector_load %arg5[%get3A] {strides = array<i32>} : memref<512xi32, #tpu.memory_space<vmem>>, vector<16xi32>,
      %get3A_71 = vector.shape_cast %get3A_70 : vector<16xi32> to vector<16xi32>
      %mul3A_72 = arith.constant 16 : i32
      %mul3A_73 = arith.muli %scan3A_65, %mul3A_72 : i32
      %add3A_74 = arith.constant 0 : i32
      %add3A_75 = arith.addi %mul3A_73, %add3A_74 : i32
      %slice3A = vector.extract_strided_slice %get3A_71 {offsets = [0], sizes = [1], strides = [1]} : vector<16xi32> to vector<1xi32>
      %squeeze3A = vector.extract %slice3A[0] : i32 from vector<1xi32>
      %jit3A = arith.constant 64 : i32
      %eq3A = arith.constant 0 : i32
      %eq3A_76 = arith.cmpi eq, %jit3A, %eq3A : i32
      %jit3A_77 = arith.constant 1 : i32
      %select_n3A = arith.select %eq3A_76, %jit3A_77, %jit3A : i32
      %rem3A = arith.remsi %add3A_75, %select_n3A : i32
      %ne3A = arith.constant 0 : i32
      %ne3A_78 = arith.cmpi ne, %rem3A, %ne3A : i32
      %lt3A = arith.constant 0 : i32
      %lt3A_79 = arith.cmpi slt, %rem3A, %lt3A : i32
      %lt3A_80 = arith.constant 0 : i32
      %lt3A_81 = arith.cmpi slt, %select_n3A, %lt3A_80 : i32
      %ne3A_82 = arith.xori %lt3A_79, %lt3A_81 : i1
      %and3A = arith.andi %ne3A_82, %ne3A_78 : i1
      %add3A_83 = arith.addi %rem3A, %select_n3A : i32
      %select_n3A_84 = arith.select %and3A, %add3A_83, %rem3A : i32
      %jit3A_85 = arith.constant 64 : i32
      %div3A = arith.divsi %add3A_75, %jit3A_85 : i32
      %sign3A = arith.constant 0 : i32
      %sign3A_86 = arith.cmpi sgt, %add3A_75, %sign3A : i32
      %sign3A_87 = arith.extui %sign3A_86 : i1 to i32
      %sign3A_88 = arith.constant 0 : i32
      %sign3A_89 = arith.cmpi slt, %add3A_75, %sign3A_88 : i32
      %sign3A_90 = arith.extui %sign3A_89 : i1 to i32
      %sign3A_91 = arith.subi %sign3A_87, %sign3A_90 : i32
      %sign3A_92 = arith.constant 0 : i32
      %sign3A_93 = arith.cmpi sgt, %jit3A_85, %sign3A_92 : i32
      %sign3A_94 = arith.extui %sign3A_93 : i1 to i32
      %sign3A_95 = arith.constant 0 : i32
      %sign3A_96 = arith.cmpi slt, %jit3A_85, %sign3A_95 : i32
      %sign3A_97 = arith.extui %sign3A_96 : i1 to i32
      %sign3A_98 = arith.subi %sign3A_94, %sign3A_97 : i32
      %ne3A_99 = arith.cmpi ne, %sign3A_91, %sign3A_98 : i32
      %rem3A_100 = arith.remsi %add3A_75, %jit3A_85 : i32
      %ne3A_101 = arith.constant 0 : i32
      %ne3A_102 = arith.cmpi ne, %rem3A_100, %ne3A_101 : i32
      %and3A_103 = arith.andi %ne3A_99, %ne3A_102 : i1
      %sub3A = arith.constant 1 : i32
      %sub3A_104 = arith.subi %div3A, %sub3A : i32
      %select_n3A_105 = arith.select %and3A_103, %sub3A_104, %div3A : i32
      %jit3A_106 = arith.constant 64 : i32
      %eq3A_107 = arith.constant 0 : i32
      %eq3A_108 = arith.cmpi eq, %jit3A_106, %eq3A_107 : i32
      %jit3A_109 = arith.constant 1 : i32
      %select_n3A_110 = arith.select %eq3A_108, %jit3A_109, %jit3A_106 : i32
      %rem3A_111 = arith.remsi %add3A_75, %select_n3A_110 : i32
      %ne3A_112 = arith.constant 0 : i32
      %ne3A_113 = arith.cmpi ne, %rem3A_111, %ne3A_112 : i32
      %lt3A_114 = arith.constant 0 : i32
      %lt3A_115 = arith.cmpi slt, %rem3A_111, %lt3A_114 : i32
      %lt3A_116 = arith.constant 0 : i32
      %lt3A_117 = arith.cmpi slt, %select_n3A_110, %lt3A_116 : i32
      %ne3A_118 = arith.xori %lt3A_115, %lt3A_117 : i1
      %and3A_119 = arith.andi %ne3A_118, %ne3A_113 : i1
      %add3A_120 = arith.addi %rem3A_111, %select_n3A_110 : i32
      %select_n3A_121 = arith.select %and3A_119, %add3A_120, %rem3A_111 : i32
      %dma_start3A = arith.constant 0 : i32
      %dma_start3A_122 = tpu.memref_slice %arg6[%select_n3A_105, %select_n3A_121, %dma_start3A] : memref<2x64x192xf32, #tpu.memory_space<vmem>> -> memref<1x1x192xf32, #tpu.memory_space<vmem>>
      %dma_start3A_123 = tpu.memref_squeeze %dma_start3A_122 : memref<1x1x192xf32, #tpu.memory_space<vmem>> -> memref<192xf32, #tpu.memory_space<vmem>>
      %dma_start3A_124 = arith.constant 0 : i32
      %dma_start3A_125 = tpu.memref_slice %arg2[%squeeze3A, %select_n3A_84, %dma_start3A_124] : memref<1024x64x192xf32, #tpu.memory_space<hbm>> -> memref<1x1x192xf32, #tpu.memory_space<hbm>>
      %dma_start3A_126 = tpu.memref_squeeze %dma_start3A_125 : memref<1x1x192xf32, #tpu.memory_space<hbm>> -> memref<192xf32, #tpu.memory_space<hbm>>
      %dma_start3A_127 = arith.constant 0 : i32
      %dma_start3A_128 = tpu.memref_slice %arg6[%select_n3A_105, %select_n3A_121, %dma_start3A_127] : memref<2x64x192xf32, #tpu.memory_space<vmem>> -> memref<1x1x192xf32, #tpu.memory_space<vmem>>
      %dma_start3A_129 = tpu.memref_squeeze %dma_start3A_128 : memref<1x1x192xf32, #tpu.memory_space<vmem>> -> memref<192xf32, #tpu.memory_space<vmem>>
      %dma_start3A_130 = arith.constant 0 : i32
      %dma_start3A_131 = tpu.memref_slice %arg2[%squeeze3A, %select_n3A_84, %dma_start3A_130] : memref<1024x64x192xf32, #tpu.memory_space<hbm>> -> memref<1x1x192xf32, #tpu.memory_space<hbm>>
      %dma_start3A_132 = tpu.memref_squeeze %dma_start3A_131 : memref<1x1x192xf32, #tpu.memory_space<hbm>> -> memref<192xf32, #tpu.memory_space<hbm>>
      tpu.enqueue_dma source(%dma_start3A_132 : memref<192xf32, #tpu.memory_space<hbm>>) target(%dma_start3A_129 : memref<192xf32, #tpu.memory_space<vmem>>) target_semaphore(%arg7 : memref<!tpu.dma_semaphore, #tpu.memory_space<semaphore_mem>>)
      %mul3A_133 = arith.constant 16 : i32
      %mul3A_134 = arith.muli %scan3A_65, %mul3A_133 : i32
      %add3A_135 = arith.constant 1 : i32
      %add3A_136 = arith.addi %mul3A_134, %add3A_135 : i32
      %slice3A_137 = vector.extract_strided_slice %get3A_71 {offsets = [1], sizes = [1], strides = [1]} : vector<16xi32> to vector<1xi32>
      %squeeze3A_138 = vector.extract %slice3A_137[0] : i32 from vector<1xi32>
      %jit3A_139 = arith.constant 64 : i32
      %eq3A_140 = arith.constant 0 : i32
      %eq3A_141 = arith.cmpi eq, %jit3A_139, %eq3A_140 : i32
      %jit3A_142 = arith.constant 1 : i32
      %select_n3A_143 = arith.select %eq3A_141, %jit3A_142, %jit3A_139 : i32
      %rem3A_144 = arith.remsi %add3A_136, %select_n3A_143 : i32
      %ne3A_145 = arith.constant 0 : i32
      %ne3A_146 = arith.cmpi ne, %rem3A_144, %ne3A_145 : i32
      %lt3A_147 = arith.constant 0 : i32
      %lt3A_148 = arith.cmpi slt, %rem3A_144, %lt3A_147 : i32
      %lt3A_149 = arith.constant 0 : i32
      %lt3A_150 = arith.cmpi slt, %select_n3A_143, %lt3A_149 : i32
      %ne3A_151 = arith.xori %lt3A_148, %lt3A_150 : i1
      %and3A_152 = arith.andi %ne3A_151, %ne3A_146 : i1
      %add3A_153 = arith.addi %rem3A_144, %select_n3A_143 : i32
      %select_n3A_154 = arith.select %and3A_152, %add3A_153, %rem3A_144 : i32
      %jit3A_155 = arith.constant 64 : i32
      %div3A_156 = arith.divsi %add3A_136, %jit3A_155 : i32
      %sign3A_157 = arith.constant 0 : i32
      %sign3A_158 = arith.cmpi sgt, %add3A_136, %sign3A_157 : i32
      %sign3A_159 = arith.extui %sign3A_158 : i1 to i32
      %sign3A_160 = arith.constant 0 : i32
      %sign3A_161 = arith.cmpi slt, %add3A_136, %sign3A_160 : i32
      %sign3A_162 = arith.extui %sign3A_161 : i1 to i32
      %sign3A_163 = arith.subi %sign3A_159, %sign3A_162 : i32
      %sign3A_164 = arith.constant 0 : i32
      %sign3A_165 = arith.cmpi sgt, %jit3A_155, %sign3A_164 : i32
      %sign3A_166 = arith.extui %sign3A_165 : i1 to i32
      %sign3A_167 = arith.constant 0 : i32
      %sign3A_168 = arith.cmpi slt, %jit3A_155, %sign3A_167 : i32
      %sign3A_169 = arith.extui %sign3A_168 : i1 to i32
      %sign3A_170 = arith.subi %sign3A_166, %sign3A_169 : i32
      %ne3A_171 = arith.cmpi ne, %sign3A_163, %sign3A_170 : i32
      %rem3A_172 = arith.remsi %add3A_136, %jit3A_155 : i32
      %ne3A_173 = arith.constant 0 : i32
      %ne3A_174 = arith.cmpi ne, %rem3A_172, %ne3A_173 : i32
      %and3A_175 = arith.andi %ne3A_171, %ne3A_174 : i1
      %sub3A_176 = arith.constant 1 : i32
      %sub3A_177 = arith.subi %div3A_156, %sub3A_176 : i32
      %select_n3A_178 = arith.select %and3A_175, %sub3A_177, %div3A_156 : i32
      %jit3A_179 = arith.constant 64 : i32
      %eq3A_180 = arith.constant 0 : i32
      %eq3A_181 = arith.cmpi eq, %jit3A_179, %eq3A_180 : i32
      %jit3A_182 = arith.constant 1 : i32
      %select_n3A_183 = arith.select %eq3A_181, %jit3A_182, %jit3A_179 : i32
      %rem3A_184 = arith.remsi %add3A_136, %select_n3A_183 : i32
      %ne3A_185 = arith.constant 0 : i32
      %ne3A_186 = arith.cmpi ne, %rem3A_184, %ne3A_185 : i32
      %lt3A_187 = arith.constant 0 : i32
      %lt3A_188 = arith.cmpi slt, %rem3A_184, %lt3A_187 : i32
      %lt3A_189 = arith.constant 0 : i32
      %lt3A_190 = arith.cmpi slt, %select_n3A_183, %lt3A_189 : i32
      %ne3A_191 = arith.xori %lt3A_188, %lt3A_190 : i1
      %and3A_192 = arith.andi %ne3A_191, %ne3A_186 : i1
      %add3A_193 = arith.addi %rem3A_184, %select_n3A_183 : i32
      %select_n3A_194 = arith.select %and3A_192, %add3A_193, %rem3A_184 : i32
      %dma_start3A_195 = arith.constant 0 : i32
      %dma_start3A_196 = tpu.memref_slice %arg6[%select_n3A_178, %select_n3A_194, %dma_start3A_195] : memref<2x64x192xf32, #tpu.memory_space<vmem>> -> memref<1x1x192xf32, #tpu.memory_space<vmem>>
      %dma_start3A_197 = tpu.memref_squeeze %dma_start3A_196 : memref<1x1x192xf32, #tpu.memory_space<vmem>> -> memref<192xf32, #tpu.memory_space<vmem>>
      %dma_start3A_198 = arith.constant 0 : i32
      %dma_start3A_199 = tpu.memref_slice %arg2[%squeeze3A_138, %select_n3A_154, %dma_start3A_198] : memref<1024x64x192xf32, #tpu.memory_space<hbm>> -> memref<1x1x192xf32, #tpu.memory_space<hbm>>
      %dma_start3A_200 = tpu.memref_squeeze %dma_start3A_199 : memref<1x1x192xf32, #tpu.memory_space<hbm>> -> memref<192xf32, #tpu.memory_space<hbm>>
      %dma_start3A_201 = arith.constant 0 : i32
      %dma_start3A_202 = tpu.memref_slice %arg6[%select_n3A_178, %select_n3A_194, %dma_start3A_201] : memref<2x64x192xf32, #tpu.memory_space<vmem>> -> memref<1x1x192xf32, #tpu.memory_space<vmem>>
      %dma_start3A_203 = tpu.memref_squeeze %dma_start3A_202 : memref<1x1x192xf32, #tpu.memory_space<vmem>> -> memref<192xf32, #tpu.memory_space<vmem>>
      %dma_start3A_204 = arith.constant 0 : i32
      %dma_start3A_205 = tpu.memref_slice %arg2[%squeeze3A_138, %select_n3A_154, %dma_start3A_204] : memref<1024x64x192xf32, #tpu.memory_space<hbm>> -> memref<1x1x192xf32, #tpu.memory_space<hbm>>
      %dma_start3A_206 = tpu.memref_squeeze %dma_start3A_205 : memref<1x1x192xf32, #tpu.memory_space<hbm>> -> memref<192xf32, #tpu.memory_space<hbm>>
      tpu.enqueue_dma source(%dma_start3A_206 : memref<192xf32, #tpu.memory_space<hbm>>) target(%dma_start3A_203 : memref<192xf32, #tpu.memory_space<vmem>>) target_semaphore(%arg7 : memref<!tpu.dma_semaphore, #tpu.memory_space<semaphore_mem>>)
      %mul3A_207 = arith.constant 16 : i32
      %mul3A_208 = arith.muli %scan3A_65, %mul3A_207 : i32
      %add3A_209 = arith.constant 2 : i32
      %add3A_210 = arith.addi %mul3A_208, %add3A_209 : i32
      %slice3A_211 = vector.extract_strided_slice %get3A_71 {offsets = [2], sizes = [1], strides = [1]} : vector<16xi32> to vector<1xi32>
      %squeeze3A_212 = vector.extract %slice3A_211[0] : i32 from vector<1xi32>
      %jit3A_213 = arith.constant 64 : i32
      %eq3A_214 = arith.constant 0 : i32
      %eq3A_215 = arith.cmpi eq, %jit3A_213, %eq3A_214 : i32
      %jit3A_216 = arith.constant 1 : i32
      %select_n3A_217 = arith.select %eq3A_215, %jit3A_216, %jit3A_213 : i32
      %rem3A_218 = arith.remsi %add3A_210, %select_n3A_217 : i32
      %ne3A_219 = arith.constant 0 : i32
      %ne3A_220 = arith.cmpi ne, %rem3A_218, %ne3A_219 : i32
      %lt3A_221 = arith.constant 0 : i32
      %lt3A_222 = arith.cmpi slt, %rem3A_218, %lt3A_221 : i32
      %lt3A_223 = arith.constant 0 : i32
      %lt3A_224 = arith.cmpi slt, %select_n3A_217, %lt3A_223 : i32
      %ne3A_225 = arith.xori %lt3A_222, %lt3A_224 : i1
      %and3A_226 = arith.andi %ne3A_225, %ne3A_220 : i1
      %add3A_227 = arith.addi %rem3A_218, %select_n3A_217 : i32
      %select_n3A_228 = arith.select %and3A_226, %add3A_227, %rem3A_218 : i32
      %jit3A_229 = arith.constant 64 : i32
      %div3A_230 = arith.divsi %add3A_210, %jit3A_229 : i32
      %sign3A_231 = arith.constant 0 : i32
      %sign3A_232 = arith.cmpi sgt, %add3A_210, %sign3A_231 : i32
      %sign3A_233 = arith.extui %sign3A_232 : i1 to i32
      %sign3A_234 = arith.constant 0 : i32
      %sign3A_235 = arith.cmpi slt, %add3A_210, %sign3A_234 : i32
      %sign3A_236 = arith.extui %sign3A_235 : i1 to i32
      %sign3A_237 = arith.subi %sign3A_233, %sign3A_236 : i32
      %sign3A_238 = arith.constant 0 : i32
      %sign3A_239 = arith.cmpi sgt, %jit3A_229, %sign3A_238 : i32
      %sign3A_240 = arith.extui %sign3A_239 : i1 to i32
      %sign3A_241 = arith.constant 0 : i32
      %sign3A_242 = arith.cmpi slt, %jit3A_229, %sign3A_241 : i32
      %sign3A_243 = arith.extui %sign3A_242 : i1 to i32
      %sign3A_244 = arith.subi %sign3A_240, %sign3A_243 : i32
      %ne3A_245 = arith.cmpi ne, %sign3A_237, %sign3A_244 : i32
      %rem3A_246 = arith.remsi %add3A_210, %jit3A_229 : i32
      %ne3A_247 = arith.constant 0 : i32
      %ne3A_248 = arith.cmpi ne, %rem3A_246, %ne3A_247 : i32
      %and3A_249 = arith.andi %ne3A_245, %ne3A_248 : i1
      %sub3A_250 = arith.constant 1 : i32
      %sub3A_251 = arith.subi %div3A_230, %sub3A_250 : i32
      %select_n3A_252 = arith.select %and3A_249, %sub3A_251, %div3A_230 : i32
      %jit3A_253 = arith.constant 64 : i32
      %eq3A_254 = arith.constant 0 : i32
      %eq3A_255 = arith.cmpi eq, %jit3A_253, %eq3A_254 : i32
      %jit3A_256 = arith.constant 1 : i32
      %select_n3A_257 = arith.select %eq3A_255, %jit3A_256, %jit3A_253 : i32
      %rem3A_258 = arith.remsi %add3A_210, %select_n3A_257 : i32
      %ne3A_259 = arith.constant 0 : i32
      %ne3A_260 = arith.cmpi ne, %rem3A_258, %ne3A_259 : i32
      %lt3A_261 = arith.constant 0 : i32
      %lt3A_262 = arith.cmpi slt, %rem3A_258, %lt3A_261 : i32
      %lt3A_263 = arith.constant 0 : i32
      %lt3A_264 = arith.cmpi slt, %select_n3A_257, %lt3A_263 : i32
      %ne3A_265 = arith.xori %lt3A_262, %lt3A_264 : i1
      %and3A_266 = arith.andi %ne3A_265, %ne3A_260 : i1
      %add3A_267 = arith.addi %rem3A_258, %select_n3A_257 : i32
      %select_n3A_268 = arith.select %and3A_266, %add3A_267, %rem3A_258 : i32
      %dma_start3A_269 = arith.constant 0 : i32
      %dma_start3A_270 = tpu.memref_slice %arg6[%select_n3A_252, %select_n3A_268, %dma_start3A_269] : memref<2x64x192xf32, #tpu.memory_space<vmem>> -> memref<1x1x192xf32, #tpu.memory_space<vmem>>
      %dma_start3A_271 = tpu.memref_squeeze %dma_start3A_270 : memref<1x1x192xf32, #tpu.memory_space<vmem>> -> memref<192xf32, #tpu.memory_space<vmem>>
      %dma_start3A_272 = arith.constant 0 : i32
      %dma_start3A_273 = tpu.memref_slice %arg2[%squeeze3A_212, %select_n3A_228, %dma_start3A_272] : memref<1024x64x192xf32, #tpu.memory_space<hbm>> -> memref<1x1x192xf32, #tpu.memory_space<hbm>>
      %dma_start3A_274 = tpu.memref_squeeze %dma_start3A_273 : memref<1x1x192xf32, #tpu.memory_space<hbm>> -> memref<192xf32, #tpu.memory_space<hbm>>
      %dma_start3A_275 = arith.constant 0 : i32
      %dma_start3A_276 = tpu.memref_slice %arg6[%select_n3A_252, %select_n3A_268, %dma_start3A_275] : memref<2x64x192xf32, #tpu.memory_space<vmem>> -> memref<1x1x192xf32, #tpu.memory_space<vmem>>
      %dma_start3A_277 = tpu.memref_squeeze %dma_start3A_276 : memref<1x1x192xf32, #tpu.memory_space<vmem>> -> memref<192xf32, #tpu.memory_space<vmem>>
      %dma_start3A_278 = arith.constant 0 : i32
      %dma_start3A_279 = tpu.memref_slice %arg2[%squeeze3A_212, %select_n3A_228, %dma_start3A_278] : memref<1024x64x192xf32, #tpu.memory_space<hbm>> -> memref<1x1x192xf32, #tpu.memory_space<hbm>>
      %dma_start3A_280 = tpu.memref_squeeze %dma_start3A_279 : memref<1x1x192xf32, #tpu.memory_space<hbm>> -> memref<192xf32, #tpu.memory_space<hbm>>
      tpu.enqueue_dma source(%dma_start3A_280 : memref<192xf32, #tpu.memory_space<hbm>>) target(%dma_start3A_277 : memref<192xf32, #tpu.memory_space<vmem>>) target_semaphore(%arg7 : memref<!tpu.dma_semaphore, #tpu.memory_space<semaphore_mem>>)
      %mul3A_281 = arith.constant 16 : i32
      %mul3A_282 = arith.muli %scan3A_65, %mul3A_281 : i32
      %add3A_283 = arith.constant 3 : i32
      %add3A_284 = arith.addi %mul3A_282, %add3A_283 : i32
      %slice3A_285 = vector.extract_strided_slice %get3A_71 {offsets = [3], sizes = [1], strides = [1]} : vector<16xi32> to vector<1xi32>
      %squeeze3A_286 = vector.extract %slice3A_285[0] : i32 from vector<1xi32>
      %jit3A_287 = arith.constant 64 : i32
      %eq3A_288 = arith.constant 0 : i32
      %eq3A_289 = arith.cmpi eq, %jit3A_287, %eq3A_288 : i32
      %jit3A_290 = arith.constant 1 : i32
      %select_n3A_291 = arith.select %eq3A_289, %jit3A_290, %jit3A_287 : i32
      %rem3A_292 = arith.remsi %add3A_284, %select_n3A_291 : i32
      %ne3A_293 = arith.constant 0 : i32
      %ne3A_294 = arith.cmpi ne, %rem3A_292, %ne3A_293 : i32
      %lt3A_295 = arith.constant 0 : i32
      %lt3A_296 = arith.cmpi slt, %rem3A_292, %lt3A_295 : i32
      %lt3A_297 = arith.constant 0 : i32
      %lt3A_298 = arith.cmpi slt, %select_n3A_291, %lt3A_297 : i32
      %ne3A_299 = arith.xori %lt3A_296, %lt3A_298 : i1
      %and3A_300 = arith.andi %ne3A_299, %ne3A_294 : i1
      %add3A_301 = arith.addi %rem3A_292, %select_n3A_291 : i32
      %select_n3A_302 = arith.select %and3A_300, %add3A_301, %rem3A_292 : i32
      %jit3A_303 = arith.constant 64 : i32
      %div3A_304 = arith.divsi %add3A_284, %jit3A_303 : i32
      %sign3A_305 = arith.constant 0 : i32
      %sign3A_306 = arith.cmpi sgt, %add3A_284, %sign3A_305 : i32
      %sign3A_307 = arith.extui %sign3A_306 : i1 to i32
      %sign3A_308 = arith.constant 0 : i32
      %sign3A_309 = arith.cmpi slt, %add3A_284, %sign3A_308 : i32
      %sign3A_310 = arith.extui %sign3A_309 : i1 to i32
      %sign3A_311 = arith.subi %sign3A_307, %sign3A_310 : i32
      %sign3A_312 = arith.constant 0 : i32
      %sign3A_313 = arith.cmpi sgt, %jit3A_303, %sign3A_312 : i32
      %sign3A_314 = arith.extui %sign3A_313 : i1 to i32
      %sign3A_315 = arith.constant 0 : i32
      %sign3A_316 = arith.cmpi slt, %jit3A_303, %sign3A_315 : i32
      %sign3A_317 = arith.extui %sign3A_316 : i1 to i32
      %sign3A_318 = arith.subi %sign3A_314, %sign3A_317 : i32
      %ne3A_319 = arith.cmpi ne, %sign3A_311, %sign3A_318 : i32
      %rem3A_320 = arith.remsi %add3A_284, %jit3A_303 : i32
      %ne3A_321 = arith.constant 0 : i32
      %ne3A_322 = arith.cmpi ne, %rem3A_320, %ne3A_321 : i32
      %and3A_323 = arith.andi %ne3A_319, %ne3A_322 : i1
      %sub3A_324 = arith.constant 1 : i32
      %sub3A_325 = arith.subi %div3A_304, %sub3A_324 : i32
      %select_n3A_326 = arith.select %and3A_323, %sub3A_325, %div3A_304 : i32
      %jit3A_327 = arith.constant 64 : i32
      %eq3A_328 = arith.constant 0 : i32
      %eq3A_329 = arith.cmpi eq, %jit3A_327, %eq3A_328 : i32
      %jit3A_330 = arith.constant 1 : i32
      %select_n3A_331 = arith.select %eq3A_329, %jit3A_330, %jit3A_327 : i32
      %rem3A_332 = arith.remsi %add3A_284, %select_n3A_331 : i32
      %ne3A_333 = arith.constant 0 : i32
      %ne3A_334 = arith.cmpi ne, %rem3A_332, %ne3A_333 : i32
      %lt3A_335 = arith.constant 0 : i32
      %lt3A_336 = arith.cmpi slt, %rem3A_332, %lt3A_335 : i32
      %lt3A_337 = arith.constant 0 : i32
      %lt3A_338 = arith.cmpi slt, %select_n3A_331, %lt3A_337 : i32
      %ne3A_339 = arith.xori %lt3A_336, %lt3A_338 : i1
      %and3A_340 = arith.andi %ne3A_339, %ne3A_334 : i1
      %add3A_341 = arith.addi %rem3A_332, %select_n3A_331 : i32
      %select_n3A_342 = arith.select %and3A_340, %add3A_341, %rem3A_332 : i32
      %dma_start3A_343 = arith.constant 0 : i32
      %dma_start3A_344 = tpu.memref_slice %arg6[%select_n3A_326, %select_n3A_342, %dma_start3A_343] : memref<2x64x192xf32, #tpu.memory_space<vmem>> -> memref<1x1x192xf32, #tpu.memory_space<vmem>>
      %dma_start3A_345 = tpu.memref_squeeze %dma_start3A_344 : memref<1x1x192xf32, #tpu.memory_space<vmem>> -> memref<192xf32, #tpu.memory_space<vmem>>
      %dma_start3A_346 = arith.constant 0 : i32
      %dma_start3A_347 = tpu.memref_slice %arg2[%squeeze3A_286, %select_n3A_302, %dma_start3A_346] : memref<1024x64x192xf32, #tpu.memory_space<hbm>> -> memref<1x1x192xf32, #tpu.memory_space<hbm>>
      %dma_start3A_348 = tpu.memref_squeeze %dma_start3A_347 : memref<1x1x192xf32, #tpu.memory_space<hbm>> -> memref<192xf32, #tpu.memory_space<hbm>>
      %dma_start3A_349 = arith.constant 0 : i32
      %dma_start3A_350 = tpu.memref_slice %arg6[%select_n3A_326, %select_n3A_342, %dma_start3A_349] : memref<2x64x192xf32, #tpu.memory_space<vmem>> -> memref<1x1x192xf32, #tpu.memory_space<vmem>>
      %dma_start3A_351 = tpu.memref_squeeze %dma_start3A_350 : memref<1x1x192xf32, #tpu.memory_space<vmem>> -> memref<192xf32, #tpu.memory_space<vmem>>
      %dma_start3A_352 = arith.constant 0 : i32
      %dma_start3A_353 = tpu.memref_slice %arg2[%squeeze3A_286, %select_n3A_302, %dma_start3A_352] : memref<1024x64x192xf32, #tpu.memory_space<hbm>> -> memref<1x1x192xf32, #tpu.memory_space<hbm>>
      %dma_start3A_354 = tpu.memref_squeeze %dma_start3A_353 : memref<1x1x192xf32, #tpu.memory_space<hbm>> -> memref<192xf32, #tpu.memory_space<hbm>>
      tpu.enqueue_dma source(%dma_start3A_354 : memref<192xf32, #tpu.memory_space<hbm>>) target(%dma_start3A_351 : memref<192xf32, #tpu.memory_space<vmem>>) target_semaphore(%arg7 : memref<!tpu.dma_semaphore, #tpu.memory_space<semaphore_mem>>)
      %mul3A_355 = arith.constant 16 : i32
      %mul3A_356 = arith.muli %scan3A_65, %mul3A_355 : i32
      %add3A_357 = arith.constant 4 : i32
      %add3A_358 = arith.addi %mul3A_356, %add3A_357 : i32
      %slice3A_359 = vector.extract_strided_slice %get3A_71 {offsets = [4], sizes = [1], strides = [1]} : vector<16xi32> to vector<1xi32>
      %squeeze3A_360 = vector.extract %slice3A_359[0] : i32 from vector<1xi32>
      %jit3A_361 = arith.constant 64 : i32
      %eq3A_362 = arith.constant 0 : i32
      %eq3A_363 = arith.cmpi eq, %jit3A_361, %eq3A_362 : i32
      %jit3A_364 = arith.constant 1 : i32
      %select_n3A_365 = arith.select %eq3A_363, %jit3A_364, %jit3A_361 : i32
      %rem3A_366 = arith.remsi %add3A_358, %select_n3A_365 : i32
      %ne3A_367 = arith.constant 0 : i32
      %ne3A_368 = arith.cmpi ne, %rem3A_366, %ne3A_367 : i32
      %lt3A_369 = arith.constant 0 : i32
      %lt3A_370 = arith.cmpi slt, %rem3A_366, %lt3A_369 : i32
      %lt3A_371 = arith.constant 0 : i32
      %lt3A_372 = arith.cmpi slt, %select_n3A_365, %lt3A_371 : i32
      %ne3A_373 = arith.xori %lt3A_370, %lt3A_372 : i1
      %and3A_374 = arith.andi %ne3A_373, %ne3A_368 : i1
      %add3A_375 = arith.addi %rem3A_366, %select_n3A_365 : i32
      %select_n3A_376 = arith.select %and3A_374, %add3A_375, %rem3A_366 : i32
      %jit3A_377 = arith.constant 64 : i32
      %div3A_378 = arith.divsi %add3A_358, %jit3A_377 : i32
      %sign3A_379 = arith.constant 0 : i32
      %sign3A_380 = arith.cmpi sgt, %add3A_358, %sign3A_379 : i32
      %sign3A_381 = arith.extui %sign3A_380 : i1 to i32
      %sign3A_382 = arith.constant 0 : i32
      %sign3A_383 = arith.cmpi slt, %add3A_358, %sign3A_382 : i32
      %sign3A_384 = arith.extui %sign3A_383 : i1 to i32
      %sign3A_385 = arith.subi %sign3A_381, %sign3A_384 : i32
      %sign3A_386 = arith.constant 0 : i32
      %sign3A_387 = arith.cmpi sgt, %jit3A_377, %sign3A_386 : i32
      %sign3A_388 = arith.extui %sign3A_387 : i1 to i32
      %sign3A_389 = arith.constant 0 : i32
      %sign3A_390 = arith.cmpi slt, %jit3A_377, %sign3A_389 : i32
      %sign3A_391 = arith.extui %sign3A_390 : i1 to i32
      %sign3A_392 = arith.subi %sign3A_388, %sign3A_391 : i32
      %ne3A_393 = arith.cmpi ne, %sign3A_385, %sign3A_392 : i32
      %rem3A_394 = arith.remsi %add3A_358, %jit3A_377 : i32
      %ne3A_395 = arith.constant 0 : i32
      %ne3A_396 = arith.cmpi ne, %rem3A_394, %ne3A_395 : i32
      %and3A_397 = arith.andi %ne3A_393, %ne3A_396 : i1
      %sub3A_398 = arith.constant 1 : i32
      %sub3A_399 = arith.subi %div3A_378, %sub3A_398 : i32
      %select_n3A_400 = arith.select %and3A_397, %sub3A_399, %div3A_378 : i32
      %jit3A_401 = arith.constant 64 : i32
      %eq3A_402 = arith.constant 0 : i32
      %eq3A_403 = arith.cmpi eq, %jit3A_401, %eq3A_402 : i32
      %jit3A_404 = arith.constant 1 : i32
      %select_n3A_405 = arith.select %eq3A_403, %jit3A_404, %jit3A_401 : i32
      %rem3A_406 = arith.remsi %add3A_358, %select_n3A_405 : i32
      %ne3A_407 = arith.constant 0 : i32
      %ne3A_408 = arith.cmpi ne, %rem3A_406, %ne3A_407 : i32
      %lt3A_409 = arith.constant 0 : i32
      %lt3A_410 = arith.cmpi slt, %rem3A_406, %lt3A_409 : i32
      %lt3A_411 = arith.constant 0 : i32
      %lt3A_412 = arith.cmpi slt, %select_n3A_405, %lt3A_411 : i32
      %ne3A_413 = arith.xori %lt3A_410, %lt3A_412 : i1
      %and3A_414 = arith.andi %ne3A_413, %ne3A_408 : i1
      %add3A_415 = arith.addi %rem3A_406, %select_n3A_405 : i32
      %select_n3A_416 = arith.select %and3A_414, %add3A_415, %rem3A_406 : i32
      %dma_start3A_417 = arith.constant 0 : i32
      %dma_start3A_418 = tpu.memref_slice %arg6[%select_n3A_400, %select_n3A_416, %dma_start3A_417] : memref<2x64x192xf32, #tpu.memory_space<vmem>> -> memref<1x1x192xf32, #tpu.memory_space<vmem>>
      %dma_start3A_419 = tpu.memref_squeeze %dma_start3A_418 : memref<1x1x192xf32, #tpu.memory_space<vmem>> -> memref<192xf32, #tpu.memory_space<vmem>>
      %dma_start3A_420 = arith.constant 0 : i32
      %dma_start3A_421 = tpu.memref_slice %arg2[%squeeze3A_360, %select_n3A_376, %dma_start3A_420] : memref<1024x64x192xf32, #tpu.memory_space<hbm>> -> memref<1x1x192xf32, #tpu.memory_space<hbm>>
      %dma_start3A_422 = tpu.memref_squeeze %dma_start3A_421 : memref<1x1x192xf32, #tpu.memory_space<hbm>> -> memref<192xf32, #tpu.memory_space<hbm>>
      %dma_start3A_423 = arith.constant 0 : i32
      %dma_start3A_424 = tpu.memref_slice %arg6[%select_n3A_400, %select_n3A_416, %dma_start3A_423] : memref<2x64x192xf32, #tpu.memory_space<vmem>> -> memref<1x1x192xf32, #tpu.memory_space<vmem>>
      %dma_start3A_425 = tpu.memref_squeeze %dma_start3A_424 : memref<1x1x192xf32, #tpu.memory_space<vmem>> -> memref<192xf32, #tpu.memory_space<vmem>>
      %dma_start3A_426 = arith.constant 0 : i32
      %dma_start3A_427 = tpu.memref_slice %arg2[%squeeze3A_360, %select_n3A_376, %dma_start3A_426] : memref<1024x64x192xf32, #tpu.memory_space<hbm>> -> memref<1x1x192xf32, #tpu.memory_space<hbm>>
      %dma_start3A_428 = tpu.memref_squeeze %dma_start3A_427 : memref<1x1x192xf32, #tpu.memory_space<hbm>> -> memref<192xf32, #tpu.memory_space<hbm>>
      tpu.enqueue_dma source(%dma_start3A_428 : memref<192xf32, #tpu.memory_space<hbm>>) target(%dma_start3A_425 : memref<192xf32, #tpu.memory_space<vmem>>) target_semaphore(%arg7 : memref<!tpu.dma_semaphore, #tpu.memory_space<semaphore_mem>>)
      %mul3A_429 = arith.constant 16 : i32
      %mul3A_430 = arith.muli %scan3A_65, %mul3A_429 : i32
      %add3A_431 = arith.constant 5 : i32
      %add3A_432 = arith.addi %mul3A_430, %add3A_431 : i32
      %slice3A_433 = vector.extract_strided_slice %get3A_71 {offsets = [5], sizes = [1], strides = [1]} : vector<16xi32> to vector<1xi32>
      %squeeze3A_434 = vector.extract %slice3A_433[0] : i32 from vector<1xi32>
      %jit3A_435 = arith.constant 64 : i32
      %eq3A_436 = arith.constant 0 : i32
      %eq3A_437 = arith.cmpi eq, %jit3A_435, %eq3A_436 : i32
      %jit3A_438 = arith.constant 1 : i32
      %select_n3A_439 = arith.select %eq3A_437, %jit3A_438, %jit3A_435 : i32
      %rem3A_440 = arith.remsi %add3A_432, %select_n3A_439 : i32
      %ne3A_441 = arith.constant 0 : i32
      %ne3A_442 = arith.cmpi ne, %rem3A_440, %ne3A_441 : i32
      %lt3A_443 = arith.constant 0 : i32
      %lt3A_444 = arith.cmpi slt, %rem3A_440, %lt3A_443 : i32
      %lt3A_445 = arith.constant 0 : i32
      %lt3A_446 = arith.cmpi slt, %select_n3A_439, %lt3A_445 : i32
      %ne3A_447 = arith.xori %lt3A_444, %lt3A_446 : i1
      %and3A_448 = arith.andi %ne3A_447, %ne3A_442 : i1
      %add3A_449 = arith.addi %rem3A_440, %select_n3A_439 : i32
      %select_n3A_450 = arith.select %and3A_448, %add3A_449, %rem3A_440 : i32
      %jit3A_451 = arith.constant 64 : i32
      %div3A_452 = arith.divsi %add3A_432, %jit3A_451 : i32
      %sign3A_453 = arith.constant 0 : i32
      %sign3A_454 = arith.cmpi sgt, %add3A_432, %sign3A_453 : i32
      %sign3A_455 = arith.extui %sign3A_454 : i1 to i32
      %sign3A_456 = arith.constant 0 : i32
      %sign3A_457 = arith.cmpi slt, %add3A_432, %sign3A_456 : i32
      %sign3A_458 = arith.extui %sign3A_457 : i1 to i32
      %sign3A_459 = arith.subi %sign3A_455, %sign3A_458 : i32
      %sign3A_460 = arith.constant 0 : i32
      %sign3A_461 = arith.cmpi sgt, %jit3A_451, %sign3A_460 : i32
      %sign3A_462 = arith.extui %sign3A_461 : i1 to i32
      %sign3A_463 = arith.constant 0 : i32
      %sign3A_464 = arith.cmpi slt, %jit3A_451, %sign3A_463 : i32
      %sign3A_465 = arith.extui %sign3A_464 : i1 to i32
      %sign3A_466 = arith.subi %sign3A_462, %sign3A_465 : i32
      %ne3A_467 = arith.cmpi ne, %sign3A_459, %sign3A_466 : i32
      %rem3A_468 = arith.remsi %add3A_432, %jit3A_451 : i32
      %ne3A_469 = arith.constant 0 : i32
      %ne3A_470 = arith.cmpi ne, %rem3A_468, %ne3A_469 : i32
      %and3A_471 = arith.andi %ne3A_467, %ne3A_470 : i1
      %sub3A_472 = arith.constant 1 : i32
      %sub3A_473 = arith.subi %div3A_452, %sub3A_472 : i32
      %select_n3A_474 = arith.select %and3A_471, %sub3A_473, %div3A_452 : i32
      %jit3A_475 = arith.constant 64 : i32
      %eq3A_476 = arith.constant 0 : i32
      %eq3A_477 = arith.cmpi eq, %jit3A_475, %eq3A_476 : i32
      %jit3A_478 = arith.constant 1 : i32
      %select_n3A_479 = arith.select %eq3A_477, %jit3A_478, %jit3A_475 : i32
      %rem3A_480 = arith.remsi %add3A_432, %select_n3A_479 : i32
      %ne3A_481 = arith.constant 0 : i32
      %ne3A_482 = arith.cmpi ne, %rem3A_480, %ne3A_481 : i32
      %lt3A_483 = arith.constant 0 : i32
      %lt3A_484 = arith.cmpi slt, %rem3A_480, %lt3A_483 : i32
      %lt3A_485 = arith.constant 0 : i32
      %lt3A_486 = arith.cmpi slt, %select_n3A_479, %lt3A_485 : i32
      %ne3A_487 = arith.xori %lt3A_484, %lt3A_486 : i1
      %and3A_488 = arith.andi %ne3A_487, %ne3A_482 : i1
      %add3A_489 = arith.addi %rem3A_480, %select_n3A_479 : i32
      %select_n3A_490 = arith.select %and3A_488, %add3A_489, %rem3A_480 : i32
      %dma_start3A_491 = arith.constant 0 : i32
      %dma_start3A_492 = tpu.memref_slice %arg6[%select_n3A_474, %select_n3A_490, %dma_start3A_491] : memref<2x64x192xf32, #tpu.memory_space<vmem>> -> memref<1x1x192xf32, #tpu.memory_space<vmem>>
      %dma_start3A_493 = tpu.memref_squeeze %dma_start3A_492 : memref<1x1x192xf32, #tpu.memory_space<vmem>> -> memref<192xf32, #tpu.memory_space<vmem>>
      %dma_start3A_494 = arith.constant 0 : i32
      %dma_start3A_495 = tpu.memref_slice %arg2[%squeeze3A_434, %select_n3A_450, %dma_start3A_494] : memref<1024x64x192xf32, #tpu.memory_space<hbm>> -> memref<1x1x192xf32, #tpu.memory_space<hbm>>
      %dma_start3A_496 = tpu.memref_squeeze %dma_start3A_495 : memref<1x1x192xf32, #tpu.memory_space<hbm>> -> memref<192xf32, #tpu.memory_space<hbm>>
      %dma_start3A_497 = arith.constant 0 : i32
      %dma_start3A_498 = tpu.memref_slice %arg6[%select_n3A_474, %select_n3A_490, %dma_start3A_497] : memref<2x64x192xf32, #tpu.memory_space<vmem>> -> memref<1x1x192xf32, #tpu.memory_space<vmem>>
      %dma_start3A_499 = tpu.memref_squeeze %dma_start3A_498 : memref<1x1x192xf32, #tpu.memory_space<vmem>> -> memref<192xf32, #tpu.memory_space<vmem>>
      %dma_start3A_500 = arith.constant 0 : i32
      %dma_start3A_501 = tpu.memref_slice %arg2[%squeeze3A_434, %select_n3A_450, %dma_start3A_500] : memref<1024x64x192xf32, #tpu.memory_space<hbm>> -> memref<1x1x192xf32, #tpu.memory_space<hbm>>
      %dma_start3A_502 = tpu.memref_squeeze %dma_start3A_501 : memref<1x1x192xf32, #tpu.memory_space<hbm>> -> memref<192xf32, #tpu.memory_space<hbm>>
      tpu.enqueue_dma source(%dma_start3A_502 : memref<192xf32, #tpu.memory_space<hbm>>) target(%dma_start3A_499 : memref<192xf32, #tpu.memory_space<vmem>>) target_semaphore(%arg7 : memref<!tpu.dma_semaphore, #tpu.memory_space<semaphore_mem>>)
      %mul3A_503 = arith.constant 16 : i32
      %mul3A_504 = arith.muli %scan3A_65, %mul3A_503 : i32
      %add3A_505 = arith.constant 6 : i32
      %add3A_506 = arith.addi %mul3A_504, %add3A_505 : i32
      %slice3A_507 = vector.extract_strided_slice %get3A_71 {offsets = [6], sizes = [1], strides = [1]} : vector<16xi32> to vector<1xi32>
      %squeeze3A_508 = vector.extract %slice3A_507[0] : i32 from vector<1xi32>
      %jit3A_509 = arith.constant 64 : i32
      %eq3A_510 = arith.constant 0 : i32
      %eq3A_511 = arith.cmpi eq, %jit3A_509, %eq3A_510 : i32
      %jit3A_512 = arith.constant 1 : i32
      %select_n3A_513 = arith.select %eq3A_511, %jit3A_512, %jit3A_509 : i32
      %rem3A_514 = arith.remsi %add3A_506, %select_n3A_513 : i32
      %ne3A_515 = arith.constant 0 : i32
      %ne3A_516 = arith.cmpi ne, %rem3A_514, %ne3A_515 : i32
      %lt3A_517 = arith.constant 0 : i32
      %lt3A_518 = arith.cmpi slt, %rem3A_514, %lt3A_517 : i32
      %lt3A_519 = arith.constant 0 : i32
      %lt3A_520 = arith.cmpi slt, %select_n3A_513, %lt3A_519 : i32
      %ne3A_521 = arith.xori %lt3A_518, %lt3A_520 : i1
      %and3A_522 = arith.andi %ne3A_521, %ne3A_516 : i1
      %add3A_523 = arith.addi %rem3A_514, %select_n3A_513 : i32
      %select_n3A_524 = arith.select %and3A_522, %add3A_523, %rem3A_514 : i32
      %jit3A_525 = arith.constant 64 : i32
      %div3A_526 = arith.divsi %add3A_506, %jit3A_525 : i32
      %sign3A_527 = arith.constant 0 : i32
      %sign3A_528 = arith.cmpi sgt, %add3A_506, %sign3A_527 : i32
      %sign3A_529 = arith.extui %sign3A_528 : i1 to i32
      %sign3A_530 = arith.constant 0 : i32
      %sign3A_531 = arith.cmpi slt, %add3A_506, %sign3A_530 : i32
      %sign3A_532 = arith.extui %sign3A_531 : i1 to i32
      %sign3A_533 = arith.subi %sign3A_529, %sign3A_532 : i32
      %sign3A_534 = arith.constant 0 : i32
      %sign3A_535 = arith.cmpi sgt, %jit3A_525, %sign3A_534 : i32
      %sign3A_536 = arith.extui %sign3A_535 : i1 to i32
      %sign3A_537 = arith.constant 0 : i32
      %sign3A_538 = arith.cmpi slt, %jit3A_525, %sign3A_537 : i32
      %sign3A_539 = arith.extui %sign3A_538 : i1 to i32
      %sign3A_540 = arith.subi %sign3A_536, %sign3A_539 : i32
      %ne3A_541 = arith.cmpi ne, %sign3A_533, %sign3A_540 : i32
      %rem3A_542 = arith.remsi %add3A_506, %jit3A_525 : i32
      %ne3A_543 = arith.constant 0 : i32
      %ne3A_544 = arith.cmpi ne, %rem3A_542, %ne3A_543 : i32
      %and3A_545 = arith.andi %ne3A_541, %ne3A_544 : i1
      %sub3A_546 = arith.constant 1 : i32
      %sub3A_547 = arith.subi %div3A_526, %sub3A_546 : i32
      %select_n3A_548 = arith.select %and3A_545, %sub3A_547, %div3A_526 : i32
      %jit3A_549 = arith.constant 64 : i32
      %eq3A_550 = arith.constant 0 : i32
      %eq3A_551 = arith.cmpi eq, %jit3A_549, %eq3A_550 : i32
      %jit3A_552 = arith.constant 1 : i32
      %select_n3A_553 = arith.select %eq3A_551, %jit3A_552, %jit3A_549 : i32
      %rem3A_554 = arith.remsi %add3A_506, %select_n3A_553 : i32
      %ne3A_555 = arith.constant 0 : i32
      %ne3A_556 = arith.cmpi ne, %rem3A_554, %ne3A_555 : i32
      %lt3A_557 = arith.constant 0 : i32
      %lt3A_558 = arith.cmpi slt, %rem3A_554, %lt3A_557 : i32
      %lt3A_559 = arith.constant 0 : i32
      %lt3A_560 = arith.cmpi slt, %select_n3A_553, %lt3A_559 : i32
      %ne3A_561 = arith.xori %lt3A_558, %lt3A_560 : i1
      %and3A_562 = arith.andi %ne3A_561, %ne3A_556 : i1
      %add3A_563 = arith.addi %rem3A_554, %select_n3A_553 : i32
      %select_n3A_564 = arith.select %and3A_562, %add3A_563, %rem3A_554 : i32
      %dma_start3A_565 = arith.constant 0 : i32
      %dma_start3A_566 = tpu.memref_slice %arg6[%select_n3A_548, %select_n3A_564, %dma_start3A_565] : memref<2x64x192xf32, #tpu.memory_space<vmem>> -> memref<1x1x192xf32, #tpu.memory_space<vmem>>
      %dma_start3A_567 = tpu.memref_squeeze %dma_start3A_566 : memref<1x1x192xf32, #tpu.memory_space<vmem>> -> memref<192xf32, #tpu.memory_space<vmem>>
      %dma_start3A_568 = arith.constant 0 : i32
      %dma_start3A_569 = tpu.memref_slice %arg2[%squeeze3A_508, %select_n3A_524, %dma_start3A_568] : memref<1024x64x192xf32, #tpu.memory_space<hbm>> -> memref<1x1x192xf32, #tpu.memory_space<hbm>>
      %dma_start3A_570 = tpu.memref_squeeze %dma_start3A_569 : memref<1x1x192xf32, #tpu.memory_space<hbm>> -> memref<192xf32, #tpu.memory_space<hbm>>
      %dma_start3A_571 = arith.constant 0 : i32
      %dma_start3A_572 = tpu.memref_slice %arg6[%select_n3A_548, %select_n3A_564, %dma_start3A_571] : memref<2x64x192xf32, #tpu.memory_space<vmem>> -> memref<1x1x192xf32, #tpu.memory_space<vmem>>
      %dma_start3A_573 = tpu.memref_squeeze %dma_start3A_572 : memref<1x1x192xf32, #tpu.memory_space<vmem>> -> memref<192xf32, #tpu.memory_space<vmem>>
      %dma_start3A_574 = arith.constant 0 : i32
      %dma_start3A_575 = tpu.memref_slice %arg2[%squeeze3A_508, %select_n3A_524, %dma_start3A_574] : memref<1024x64x192xf32, #tpu.memory_space<hbm>> -> memref<1x1x192xf32, #tpu.memory_space<hbm>>
      %dma_start3A_576 = tpu.memref_squeeze %dma_start3A_575 : memref<1x1x192xf32, #tpu.memory_space<hbm>> -> memref<192xf32, #tpu.memory_space<hbm>>
      tpu.enqueue_dma source(%dma_start3A_576 : memref<192xf32, #tpu.memory_space<hbm>>) target(%dma_start3A_573 : memref<192xf32, #tpu.memory_space<vmem>>) target_semaphore(%arg7 : memref<!tpu.dma_semaphore, #tpu.memory_space<semaphore_mem>>)
      %mul3A_577 = arith.constant 16 : i32
      %mul3A_578 = arith.muli %scan3A_65, %mul3A_577 : i32
      %add3A_579 = arith.constant 7 : i32
      %add3A_580 = arith.addi %mul3A_578, %add3A_579 : i32
      %slice3A_581 = vector.extract_strided_slice %get3A_71 {offsets = [7], sizes = [1], strides = [1]} : vector<16xi32> to vector<1xi32>
      %squeeze3A_582 = vector.extract %slice3A_581[0] : i32 from vector<1xi32>
      %jit3A_583 = arith.constant 64 : i32
      %eq3A_584 = arith.constant 0 : i32
      %eq3A_585 = arith.cmpi eq, %jit3A_583, %eq3A_584 : i32
      %jit3A_586 = arith.constant 1 : i32
      %select_n3A_587 = arith.select %eq3A_585, %jit3A_586, %jit3A_583 : i32
      %rem3A_588 = arith.remsi %add3A_580, %select_n3A_587 : i32
      %ne3A_589 = arith.constant 0 : i32
      %ne3A_590 = arith.cmpi ne, %rem3A_588, %ne3A_589 : i32
      %lt3A_591 = arith.constant 0 : i32
      %lt3A_592 = arith.cmpi slt, %rem3A_588, %lt3A_591 : i32
      %lt3A_593 = arith.constant 0 : i32
      %lt3A_594 = arith.cmpi slt, %select_n3A_587, %lt3A_593 : i32
      %ne3A_595 = arith.xori %lt3A_592, %lt3A_594 : i1
      %and3A_596 = arith.andi %ne3A_595, %ne3A_590 : i1
      %add3A_597 = arith.addi %rem3A_588, %select_n3A_587 : i32
      %select_n3A_598 = arith.select %and3A_596, %add3A_597, %rem3A_588 : i32
      %jit3A_599 = arith.constant 64 : i32
      %div3A_600 = arith.divsi %add3A_580, %jit3A_599 : i32
      %sign3A_601 = arith.constant 0 : i32
      %sign3A_602 = arith.cmpi sgt, %add3A_580, %sign3A_601 : i32
      %sign3A_603 = arith.extui %sign3A_602 : i1 to i32
      %sign3A_604 = arith.constant 0 : i32
      %sign3A_605 = arith.cmpi slt, %add3A_580, %sign3A_604 : i32
      %sign3A_606 = arith.extui %sign3A_605 : i1 to i32
      %sign3A_607 = arith.subi %sign3A_603, %sign3A_606 : i32
      %sign3A_608 = arith.constant 0 : i32
      %sign3A_609 = arith.cmpi sgt, %jit3A_599, %sign3A_608 : i32
      %sign3A_610 = arith.extui %sign3A_609 : i1 to i32
      %sign3A_611 = arith.constant 0 : i32
      %sign3A_612 = arith.cmpi slt, %jit3A_599, %sign3A_611 : i32
      %sign3A_613 = arith.extui %sign3A_612 : i1 to i32
      %sign3A_614 = arith.subi %sign3A_610, %sign3A_613 : i32
      %ne3A_615 = arith.cmpi ne, %sign3A_607, %sign3A_614 : i32
      %rem3A_616 = arith.remsi %add3A_580, %jit3A_599 : i32
      %ne3A_617 = arith.constant 0 : i32
      %ne3A_618 = arith.cmpi ne, %rem3A_616, %ne3A_617 : i32
      %and3A_619 = arith.andi %ne3A_615, %ne3A_618 : i1
      %sub3A_620 = arith.constant 1 : i32
      %sub3A_621 = arith.subi %div3A_600, %sub3A_620 : i32
      %select_n3A_622 = arith.select %and3A_619, %sub3A_621, %div3A_600 : i32
      %jit3A_623 = arith.constant 64 : i32
      %eq3A_624 = arith.constant 0 : i32
      %eq3A_625 = arith.cmpi eq, %jit3A_623, %eq3A_624 : i32
      %jit3A_626 = arith.constant 1 : i32
      %select_n3A_627 = arith.select %eq3A_625, %jit3A_626, %jit3A_623 : i32
      %rem3A_628 = arith.remsi %add3A_580, %select_n3A_627 : i32
      %ne3A_629 = arith.constant 0 : i32
      %ne3A_630 = arith.cmpi ne, %rem3A_628, %ne3A_629 : i32
      %lt3A_631 = arith.constant 0 : i32
      %lt3A_632 = arith.cmpi slt, %rem3A_628, %lt3A_631 : i32
      %lt3A_633 = arith.constant 0 : i32
      %lt3A_634 = arith.cmpi slt, %select_n3A_627, %lt3A_633 : i32
      %ne3A_635 = arith.xori %lt3A_632, %lt3A_634 : i1
      %and3A_636 = arith.andi %ne3A_635, %ne3A_630 : i1
      %add3A_637 = arith.addi %rem3A_628, %select_n3A_627 : i32
      %select_n3A_638 = arith.select %and3A_636, %add3A_637, %rem3A_628 : i32
      %dma_start3A_639 = arith.constant 0 : i32
      %dma_start3A_640 = tpu.memref_slice %arg6[%select_n3A_622, %select_n3A_638, %dma_start3A_639] : memref<2x64x192xf32, #tpu.memory_space<vmem>> -> memref<1x1x192xf32, #tpu.memory_space<vmem>>
      %dma_start3A_641 = tpu.memref_squeeze %dma_start3A_640 : memref<1x1x192xf32, #tpu.memory_space<vmem>> -> memref<192xf32, #tpu.memory_space<vmem>>
      %dma_start3A_642 = arith.constant 0 : i32
      %dma_start3A_643 = tpu.memref_slice %arg2[%squeeze3A_582, %select_n3A_598, %dma_start3A_642] : memref<1024x64x192xf32, #tpu.memory_space<hbm>> -> memref<1x1x192xf32, #tpu.memory_space<hbm>>
      %dma_start3A_644 = tpu.memref_squeeze %dma_start3A_643 : memref<1x1x192xf32, #tpu.memory_space<hbm>> -> memref<192xf32, #tpu.memory_space<hbm>>
      %dma_start3A_645 = arith.constant 0 : i32
      %dma_start3A_646 = tpu.memref_slice %arg6[%select_n3A_622, %select_n3A_638, %dma_start3A_645] : memref<2x64x192xf32, #tpu.memory_space<vmem>> -> memref<1x1x192xf32, #tpu.memory_space<vmem>>
      %dma_start3A_647 = tpu.memref_squeeze %dma_start3A_646 : memref<1x1x192xf32, #tpu.memory_space<vmem>> -> memref<192xf32, #tpu.memory_space<vmem>>
      %dma_start3A_648 = arith.constant 0 : i32
      %dma_start3A_649 = tpu.memref_slice %arg2[%squeeze3A_582, %select_n3A_598, %dma_start3A_648] : memref<1024x64x192xf32, #tpu.memory_space<hbm>> -> memref<1x1x192xf32, #tpu.memory_space<hbm>>
      %dma_start3A_650 = tpu.memref_squeeze %dma_start3A_649 : memref<1x1x192xf32, #tpu.memory_space<hbm>> -> memref<192xf32, #tpu.memory_space<hbm>>
      tpu.enqueue_dma source(%dma_start3A_650 : memref<192xf32, #tpu.memory_space<hbm>>) target(%dma_start3A_647 : memref<192xf32, #tpu.memory_space<vmem>>) target_semaphore(%arg7 : memref<!tpu.dma_semaphore, #tpu.memory_space<semaphore_mem>>)
      %mul3A_651 = arith.constant 16 : i32
      %mul3A_652 = arith.muli %scan3A_65, %mul3A_651 : i32
      %add3A_653 = arith.constant 8 : i32
      %add3A_654 = arith.addi %mul3A_652, %add3A_653 : i32
      %slice3A_655 = vector.extract_strided_slice %get3A_71 {offsets = [8], sizes = [1], strides = [1]} : vector<16xi32> to vector<1xi32>
      %squeeze3A_656 = vector.extract %slice3A_655[0] : i32 from vector<1xi32>
      %jit3A_657 = arith.constant 64 : i32
      %eq3A_658 = arith.constant 0 : i32
      %eq3A_659 = arith.cmpi eq, %jit3A_657, %eq3A_658 : i32
      %jit3A_660 = arith.constant 1 : i32
      %select_n3A_661 = arith.select %eq3A_659, %jit3A_660, %jit3A_657 : i32
      %rem3A_662 = arith.remsi %add3A_654, %select_n3A_661 : i32
      %ne3A_663 = arith.constant 0 : i32
      %ne3A_664 = arith.cmpi ne, %rem3A_662, %ne3A_663 : i32
      %lt3A_665 = arith.constant 0 : i32
      %lt3A_666 = arith.cmpi slt, %rem3A_662, %lt3A_665 : i32
      %lt3A_667 = arith.constant 0 : i32
      %lt3A_668 = arith.cmpi slt, %select_n3A_661, %lt3A_667 : i32
      %ne3A_669 = arith.xori %lt3A_666, %lt3A_668 : i1
      %and3A_670 = arith.andi %ne3A_669, %ne3A_664 : i1
      %add3A_671 = arith.addi %rem3A_662, %select_n3A_661 : i32
      %select_n3A_672 = arith.select %and3A_670, %add3A_671, %rem3A_662 : i32
      %jit3A_673 = arith.constant 64 : i32
      %div3A_674 = arith.divsi %add3A_654, %jit3A_673 : i32
      %sign3A_675 = arith.constant 0 : i32
      %sign3A_676 = arith.cmpi sgt, %add3A_654, %sign3A_675 : i32
      %sign3A_677 = arith.extui %sign3A_676 : i1 to i32
      %sign3A_678 = arith.constant 0 : i32
      %sign3A_679 = arith.cmpi slt, %add3A_654, %sign3A_678 : i32
      %sign3A_680 = arith.extui %sign3A_679 : i1 to i32
      %sign3A_681 = arith.subi %sign3A_677, %sign3A_680 : i32
      %sign3A_682 = arith.constant 0 : i32
      %sign3A_683 = arith.cmpi sgt, %jit3A_673, %sign3A_682 : i32
      %sign3A_684 = arith.extui %sign3A_683 : i1 to i32
      %sign3A_685 = arith.constant 0 : i32
      %sign3A_686 = arith.cmpi slt, %jit3A_673, %sign3A_685 : i32
      %sign3A_687 = arith.extui %sign3A_686 : i1 to i32
      %sign3A_688 = arith.subi %sign3A_684, %sign3A_687 : i32
      %ne3A_689 = arith.cmpi ne, %sign3A_681, %sign3A_688 : i32
      %rem3A_690 = arith.remsi %add3A_654, %jit3A_673 : i32
      %ne3A_691 = arith.constant 0 : i32
      %ne3A_692 = arith.cmpi ne, %rem3A_690, %ne3A_691 : i32
      %and3A_693 = arith.andi %ne3A_689, %ne3A_692 : i1
      %sub3A_694 = arith.constant 1 : i32
      %sub3A_695 = arith.subi %div3A_674, %sub3A_694 : i32
      %select_n3A_696 = arith.select %and3A_693, %sub3A_695, %div3A_674 : i32
      %jit3A_697 = arith.constant 64 : i32
      %eq3A_698 = arith.constant 0 : i32
      %eq3A_699 = arith.cmpi eq, %jit3A_697, %eq3A_698 : i32
      %jit3A_700 = arith.constant 1 : i32
      %select_n3A_701 = arith.select %eq3A_699, %jit3A_700, %jit3A_697 : i32
      %rem3A_702 = arith.remsi %add3A_654, %select_n3A_701 : i32
      %ne3A_703 = arith.constant 0 : i32
      %ne3A_704 = arith.cmpi ne, %rem3A_702, %ne3A_703 : i32
      %lt3A_705 = arith.constant 0 : i32
      %lt3A_706 = arith.cmpi slt, %rem3A_702, %lt3A_705 : i32
      %lt3A_707 = arith.constant 0 : i32
      %lt3A_708 = arith.cmpi slt, %select_n3A_701, %lt3A_707 : i32
      %ne3A_709 = arith.xori %lt3A_706, %lt3A_708 : i1
      %and3A_710 = arith.andi %ne3A_709, %ne3A_704 : i1
      %add3A_711 = arith.addi %rem3A_702, %select_n3A_701 : i32
      %select_n3A_712 = arith.select %and3A_710, %add3A_711, %rem3A_702 : i32
      %dma_start3A_713 = arith.constant 0 : i32
      %dma_start3A_714 = tpu.memref_slice %arg6[%select_n3A_696, %select_n3A_712, %dma_start3A_713] : memref<2x64x192xf32, #tpu.memory_space<vmem>> -> memref<1x1x192xf32, #tpu.memory_space<vmem>>
      %dma_start3A_715 = tpu.memref_squeeze %dma_start3A_714 : memref<1x1x192xf32, #tpu.memory_space<vmem>> -> memref<192xf32, #tpu.memory_space<vmem>>
      %dma_start3A_716 = arith.constant 0 : i32
      %dma_start3A_717 = tpu.memref_slice %arg2[%squeeze3A_656, %select_n3A_672, %dma_start3A_716] : memref<1024x64x192xf32, #tpu.memory_space<hbm>> -> memref<1x1x192xf32, #tpu.memory_space<hbm>>
      %dma_start3A_718 = tpu.memref_squeeze %dma_start3A_717 : memref<1x1x192xf32, #tpu.memory_space<hbm>> -> memref<192xf32, #tpu.memory_space<hbm>>
      %dma_start3A_719 = arith.constant 0 : i32
      %dma_start3A_720 = tpu.memref_slice %arg6[%select_n3A_696, %select_n3A_712, %dma_start3A_719] : memref<2x64x192xf32, #tpu.memory_space<vmem>> -> memref<1x1x192xf32, #tpu.memory_space<vmem>>
      %dma_start3A_721 = tpu.memref_squeeze %dma_start3A_720 : memref<1x1x192xf32, #tpu.memory_space<vmem>> -> memref<192xf32, #tpu.memory_space<vmem>>
      %dma_start3A_722 = arith.constant 0 : i32
      %dma_start3A_723 = tpu.memref_slice %arg2[%squeeze3A_656, %select_n3A_672, %dma_start3A_722] : memref<1024x64x192xf32, #tpu.memory_space<hbm>> -> memref<1x1x192xf32, #tpu.memory_space<hbm>>
      %dma_start3A_724 = tpu.memref_squeeze %dma_start3A_723 : memref<1x1x192xf32, #tpu.memory_space<hbm>> -> memref<192xf32, #tpu.memory_space<hbm>>
      tpu.enqueue_dma source(%dma_start3A_724 : memref<192xf32, #tpu.memory_space<hbm>>) target(%dma_start3A_721 : memref<192xf32, #tpu.memory_space<vmem>>) target_semaphore(%arg7 : memref<!tpu.dma_semaphore, #tpu.memory_space<semaphore_mem>>)
      %mul3A_725 = arith.constant 16 : i32
      %mul3A_726 = arith.muli %scan3A_65, %mul3A_725 : i32
      %add3A_727 = arith.constant 9 : i32
      %add3A_728 = arith.addi %mul3A_726, %add3A_727 : i32
      %slice3A_729 = vector.extract_strided_slice %get3A_71 {offsets = [9], sizes = [1], strides = [1]} : vector<16xi32> to vector<1xi32>
      %squeeze3A_730 = vector.extract %slice3A_729[0] : i32 from vector<1xi32>
      %jit3A_731 = arith.constant 64 : i32
      %eq3A_732 = arith.constant 0 : i32
      %eq3A_733 = arith.cmpi eq, %jit3A_731, %eq3A_732 : i32
      %jit3A_734 = arith.constant 1 : i32
      %select_n3A_735 = arith.select %eq3A_733, %jit3A_734, %jit3A_731 : i32
      %rem3A_736 = arith.remsi %add3A_728, %select_n3A_735 : i32
      %ne3A_737 = arith.constant 0 : i32
      %ne3A_738 = arith.cmpi ne, %rem3A_736, %ne3A_737 : i32
      %lt3A_739 = arith.constant 0 : i32
      %lt3A_740 = arith.cmpi slt, %rem3A_736, %lt3A_739 : i32
      %lt3A_741 = arith.constant 0 : i32
      %lt3A_742 = arith.cmpi slt, %select_n3A_735, %lt3A_741 : i32
      %ne3A_743 = arith.xori %lt3A_740, %lt3A_742 : i1
      %and3A_744 = arith.andi %ne3A_743, %ne3A_738 : i1
      %add3A_745 = arith.addi %rem3A_736, %select_n3A_735 : i32
      %select_n3A_746 = arith.select %and3A_744, %add3A_745, %rem3A_736 : i32
      %jit3A_747 = arith.constant 64 : i32
      %div3A_748 = arith.divsi %add3A_728, %jit3A_747 : i32
      %sign3A_749 = arith.constant 0 : i32
      %sign3A_750 = arith.cmpi sgt, %add3A_728, %sign3A_749 : i32
      %sign3A_751 = arith.extui %sign3A_750 : i1 to i32
      %sign3A_752 = arith.constant 0 : i32
      %sign3A_753 = arith.cmpi slt, %add3A_728, %sign3A_752 : i32
      %sign3A_754 = arith.extui %sign3A_753 : i1 to i32
      %sign3A_755 = arith.subi %sign3A_751, %sign3A_754 : i32
      %sign3A_756 = arith.constant 0 : i32
      %sign3A_757 = arith.cmpi sgt, %jit3A_747, %sign3A_756 : i32
      %sign3A_758 = arith.extui %sign3A_757 : i1 to i32
      %sign3A_759 = arith.constant 0 : i32
      %sign3A_760 = arith.cmpi slt, %jit3A_747, %sign3A_759 : i32
      %sign3A_761 = arith.extui %sign3A_760 : i1 to i32
      %sign3A_762 = arith.subi %sign3A_758, %sign3A_761 : i32
      %ne3A_763 = arith.cmpi ne, %sign3A_755, %sign3A_762 : i32
      %rem3A_764 = arith.remsi %add3A_728, %jit3A_747 : i32
      %ne3A_765 = arith.constant 0 : i32
      %ne3A_766 = arith.cmpi ne, %rem3A_764, %ne3A_765 : i32
      %and3A_767 = arith.andi %ne3A_763, %ne3A_766 : i1
      %sub3A_768 = arith.constant 1 : i32
      %sub3A_769 = arith.subi %div3A_748, %sub3A_768 : i32
      %select_n3A_770 = arith.select %and3A_767, %sub3A_769, %div3A_748 : i32
      %jit3A_771 = arith.constant 64 : i32
      %eq3A_772 = arith.constant 0 : i32
      %eq3A_773 = arith.cmpi eq, %jit3A_771, %eq3A_772 : i32
      %jit3A_774 = arith.constant 1 : i32
      %select_n3A_775 = arith.select %eq3A_773, %jit3A_774, %jit3A_771 : i32
      %rem3A_776 = arith.remsi %add3A_728, %select_n3A_775 : i32
      %ne3A_777 = arith.constant 0 : i32
      %ne3A_778 = arith.cmpi ne, %rem3A_776, %ne3A_777 : i32
      %lt3A_779 = arith.constant 0 : i32
      %lt3A_780 = arith.cmpi slt, %rem3A_776, %lt3A_779 : i32
      %lt3A_781 = arith.constant 0 : i32
      %lt3A_782 = arith.cmpi slt, %select_n3A_775, %lt3A_781 : i32
      %ne3A_783 = arith.xori %lt3A_780, %lt3A_782 : i1
      %and3A_784 = arith.andi %ne3A_783, %ne3A_778 : i1
      %add3A_785 = arith.addi %rem3A_776, %select_n3A_775 : i32
      %select_n3A_786 = arith.select %and3A_784, %add3A_785, %rem3A_776 : i32
      %dma_start3A_787 = arith.constant 0 : i32
      %dma_start3A_788 = tpu.memref_slice %arg6[%select_n3A_770, %select_n3A_786, %dma_start3A_787] : memref<2x64x192xf32, #tpu.memory_space<vmem>> -> memref<1x1x192xf32, #tpu.memory_space<vmem>>
      %dma_start3A_789 = tpu.memref_squeeze %dma_start3A_788 : memref<1x1x192xf32, #tpu.memory_space<vmem>> -> memref<192xf32, #tpu.memory_space<vmem>>
      %dma_start3A_790 = arith.constant 0 : i32
      %dma_start3A_791 = tpu.memref_slice %arg2[%squeeze3A_730, %select_n3A_746, %dma_start3A_790] : memref<1024x64x192xf32, #tpu.memory_space<hbm>> -> memref<1x1x192xf32, #tpu.memory_space<hbm>>
      %dma_start3A_792 = tpu.memref_squeeze %dma_start3A_791 : memref<1x1x192xf32, #tpu.memory_space<hbm>> -> memref<192xf32, #tpu.memory_space<hbm>>
      %dma_start3A_793 = arith.constant 0 : i32
      %dma_start3A_794 = tpu.memref_slice %arg6[%select_n3A_770, %select_n3A_786, %dma_start3A_793] : memref<2x64x192xf32, #tpu.memory_space<vmem>> -> memref<1x1x192xf32, #tpu.memory_space<vmem>>
      %dma_start3A_795 = tpu.memref_squeeze %dma_start3A_794 : memref<1x1x192xf32, #tpu.memory_space<vmem>> -> memref<192xf32, #tpu.memory_space<vmem>>
      %dma_start3A_796 = arith.constant 0 : i32
      %dma_start3A_797 = tpu.memref_slice %arg2[%squeeze3A_730, %select_n3A_746, %dma_start3A_796] : memref<1024x64x192xf32, #tpu.memory_space<hbm>> -> memref<1x1x192xf32, #tpu.memory_space<hbm>>
      %dma_start3A_798 = tpu.memref_squeeze %dma_start3A_797 : memref<1x1x192xf32, #tpu.memory_space<hbm>> -> memref<192xf32, #tpu.memory_space<hbm>>
      tpu.enqueue_dma source(%dma_start3A_798 : memref<192xf32, #tpu.memory_space<hbm>>) target(%dma_start3A_795 : memref<192xf32, #tpu.memory_space<vmem>>) target_semaphore(%arg7 : memref<!tpu.dma_semaphore, #tpu.memory_space<semaphore_mem>>)
      %mul3A_799 = arith.constant 16 : i32
      %mul3A_800 = arith.muli %scan3A_65, %mul3A_799 : i32
      %add3A_801 = arith.constant 10 : i32
      %add3A_802 = arith.addi %mul3A_800, %add3A_801 : i32
      %slice3A_803 = vector.extract_strided_slice %get3A_71 {offsets = [10], sizes = [1], strides = [1]} : vector<16xi32> to vector<1xi32>
      %squeeze3A_804 = vector.extract %slice3A_803[0] : i32 from vector<1xi32>
      %jit3A_805 = arith.constant 64 : i32
      %eq3A_806 = arith.constant 0 : i32
      %eq3A_807 = arith.cmpi eq, %jit3A_805, %eq3A_806 : i32
      %jit3A_808 = arith.constant 1 : i32
      %select_n3A_809 = arith.select %eq3A_807, %jit3A_808, %jit3A_805 : i32
      %rem3A_810 = arith.remsi %add3A_802, %select_n3A_809 : i32
      %ne3A_811 = arith.constant 0 : i32
      %ne3A_812 = arith.cmpi ne, %rem3A_810, %ne3A_811 : i32
      %lt3A_813 = arith.constant 0 : i32
      %lt3A_814 = arith.cmpi slt, %rem3A_810, %lt3A_813 : i32
      %lt3A_815 = arith.constant 0 : i32
      %lt3A_816 = arith.cmpi slt, %select_n3A_809, %lt3A_815 : i32
      %ne3A_817 = arith.xori %lt3A_814, %lt3A_816 : i1
      %and3A_818 = arith.andi %ne3A_817, %ne3A_812 : i1
      %add3A_819 = arith.addi %rem3A_810, %select_n3A_809 : i32
      %select_n3A_820 = arith.select %and3A_818, %add3A_819, %rem3A_810 : i32
      %jit3A_821 = arith.constant 64 : i32
      %div3A_822 = arith.divsi %add3A_802, %jit3A_821 : i32
      %sign3A_823 = arith.constant 0 : i32
      %sign3A_824 = arith.cmpi sgt, %add3A_802, %sign3A_823 : i32
      %sign3A_825 = arith.extui %sign3A_824 : i1 to i32
      %sign3A_826 = arith.constant 0 : i32
      %sign3A_827 = arith.cmpi slt, %add3A_802, %sign3A_826 : i32
      %sign3A_828 = arith.extui %sign3A_827 : i1 to i32
      %sign3A_829 = arith.subi %sign3A_825, %sign3A_828 : i32
      %sign3A_830 = arith.constant 0 : i32
      %sign3A_831 = arith.cmpi sgt, %jit3A_821, %sign3A_830 : i32
      %sign3A_832 = arith.extui %sign3A_831 : i1 to i32
      %sign3A_833 = arith.constant 0 : i32
      %sign3A_834 = arith.cmpi slt, %jit3A_821, %sign3A_833 : i32
      %sign3A_835 = arith.extui %sign3A_834 : i1 to i32
      %sign3A_836 = arith.subi %sign3A_832, %sign3A_835 : i32
      %ne3A_837 = arith.cmpi ne, %sign3A_829, %sign3A_836 : i32
      %rem3A_838 = arith.remsi %add3A_802, %jit3A_821 : i32
      %ne3A_839 = arith.constant 0 : i32
      %ne3A_840 = arith.cmpi ne, %rem3A_838, %ne3A_839 : i32
      %and3A_841 = arith.andi %ne3A_837, %ne3A_840 : i1
      %sub3A_842 = arith.constant 1 : i32
      %sub3A_843 = arith.subi %div3A_822, %sub3A_842 : i32
      %select_n3A_844 = arith.select %and3A_841, %sub3A_843, %div3A_822 : i32
      %jit3A_845 = arith.constant 64 : i32
      %eq3A_846 = arith.constant 0 : i32
      %eq3A_847 = arith.cmpi eq, %jit3A_845, %eq3A_846 : i32
      %jit3A_848 = arith.constant 1 : i32
      %select_n3A_849 = arith.select %eq3A_847, %jit3A_848, %jit3A_845 : i32
      %rem3A_850 = arith.remsi %add3A_802, %select_n3A_849 : i32
      %ne3A_851 = arith.constant 0 : i32
      %ne3A_852 = arith.cmpi ne, %rem3A_850, %ne3A_851 : i32
      %lt3A_853 = arith.constant 0 : i32
      %lt3A_854 = arith.cmpi slt, %rem3A_850, %lt3A_853 : i32
      %lt3A_855 = arith.constant 0 : i32
      %lt3A_856 = arith.cmpi slt, %select_n3A_849, %lt3A_855 : i32
      %ne3A_857 = arith.xori %lt3A_854, %lt3A_856 : i1
      %and3A_858 = arith.andi %ne3A_857, %ne3A_852 : i1
      %add3A_859 = arith.addi %rem3A_850, %select_n3A_849 : i32
      %select_n3A_860 = arith.select %and3A_858, %add3A_859, %rem3A_850 : i32
      %dma_start3A_861 = arith.constant 0 : i32
      %dma_start3A_862 = tpu.memref_slice %arg6[%select_n3A_844, %select_n3A_860, %dma_start3A_861] : memref<2x64x192xf32, #tpu.memory_space<vmem>> -> memref<1x1x192xf32, #tpu.memory_space<vmem>>
      %dma_start3A_863 = tpu.memref_squeeze %dma_start3A_862 : memref<1x1x192xf32, #tpu.memory_space<vmem>> -> memref<192xf32, #tpu.memory_space<vmem>>
      %dma_start3A_864 = arith.constant 0 : i32
      %dma_start3A_865 = tpu.memref_slice %arg2[%squeeze3A_804, %select_n3A_820, %dma_start3A_864] : memref<1024x64x192xf32, #tpu.memory_space<hbm>> -> memref<1x1x192xf32, #tpu.memory_space<hbm>>
      %dma_start3A_866 = tpu.memref_squeeze %dma_start3A_865 : memref<1x1x192xf32, #tpu.memory_space<hbm>> -> memref<192xf32, #tpu.memory_space<hbm>>
      %dma_start3A_867 = arith.constant 0 : i32
      %dma_start3A_868 = tpu.memref_slice %arg6[%select_n3A_844, %select_n3A_860, %dma_start3A_867] : memref<2x64x192xf32, #tpu.memory_space<vmem>> -> memref<1x1x192xf32, #tpu.memory_space<vmem>>
      %dma_start3A_869 = tpu.memref_squeeze %dma_start3A_868 : memref<1x1x192xf32, #tpu.memory_space<vmem>> -> memref<192xf32, #tpu.memory_space<vmem>>
      %dma_start3A_870 = arith.constant 0 : i32
      %dma_start3A_871 = tpu.memref_slice %arg2[%squeeze3A_804, %select_n3A_820, %dma_start3A_870] : memref<1024x64x192xf32, #tpu.memory_space<hbm>> -> memref<1x1x192xf32, #tpu.memory_space<hbm>>
      %dma_start3A_872 = tpu.memref_squeeze %dma_start3A_871 : memref<1x1x192xf32, #tpu.memory_space<hbm>> -> memref<192xf32, #tpu.memory_space<hbm>>
      tpu.enqueue_dma source(%dma_start3A_872 : memref<192xf32, #tpu.memory_space<hbm>>) target(%dma_start3A_869 : memref<192xf32, #tpu.memory_space<vmem>>) target_semaphore(%arg7 : memref<!tpu.dma_semaphore, #tpu.memory_space<semaphore_mem>>)
      %mul3A_873 = arith.constant 16 : i32
      %mul3A_874 = arith.muli %scan3A_65, %mul3A_873 : i32
      %add3A_875 = arith.constant 11 : i32
      %add3A_876 = arith.addi %mul3A_874, %add3A_875 : i32
      %slice3A_877 = vector.extract_strided_slice %get3A_71 {offsets = [11], sizes = [1], strides = [1]} : vector<16xi32> to vector<1xi32>
      %squeeze3A_878 = vector.extract %slice3A_877[0] : i32 from vector<1xi32>
      %jit3A_879 = arith.constant 64 : i32
      %eq3A_880 = arith.constant 0 : i32
      %eq3A_881 = arith.cmpi eq, %jit3A_879, %eq3A_880 : i32
      %jit3A_882 = arith.constant 1 : i32
      %select_n3A_883 = arith.select %eq3A_881, %jit3A_882, %jit3A_879 : i32
      %rem3A_884 = arith.remsi %add3A_876, %select_n3A_883 : i32
      %ne3A_885 = arith.constant 0 : i32
      %ne3A_886 = arith.cmpi ne, %rem3A_884, %ne3A_885 : i32
      %lt3A_887 = arith.constant 0 : i32
      %lt3A_888 = arith.cmpi slt, %rem3A_884, %lt3A_887 : i32
      %lt3A_889 = arith.constant 0 : i32
      %lt3A_890 = arith.cmpi slt, %select_n3A_883, %lt3A_889 : i32
      %ne3A_891 = arith.xori %lt3A_888, %lt3A_890 : i1
      %and3A_892 = arith.andi %ne3A_891, %ne3A_886 : i1
      %add3A_893 = arith.addi %rem3A_884, %select_n3A_883 : i32
      %select_n3A_894 = arith.select %and3A_892, %add3A_893, %rem3A_884 : i32
      %jit3A_895 = arith.constant 64 : i32
      %div3A_896 = arith.divsi %add3A_876, %jit3A_895 : i32
      %sign3A_897 = arith.constant 0 : i32
      %sign3A_898 = arith.cmpi sgt, %add3A_876, %sign3A_897 : i32
      %sign3A_899 = arith.extui %sign3A_898 : i1 to i32
      %sign3A_900 = arith.constant 0 : i32
      %sign3A_901 = arith.cmpi slt, %add3A_876, %sign3A_900 : i32
      %sign3A_902 = arith.extui %sign3A_901 : i1 to i32
      %sign3A_903 = arith.subi %sign3A_899, %sign3A_902 : i32
      %sign3A_904 = arith.constant 0 : i32
      %sign3A_905 = arith.cmpi sgt, %jit3A_895, %sign3A_904 : i32
      %sign3A_906 = arith.extui %sign3A_905 : i1 to i32
      %sign3A_907 = arith.constant 0 : i32
      %sign3A_908 = arith.cmpi slt, %jit3A_895, %sign3A_907 : i32
      %sign3A_909 = arith.extui %sign3A_908 : i1 to i32
      %sign3A_910 = arith.subi %sign3A_906, %sign3A_909 : i32
      %ne3A_911 = arith.cmpi ne, %sign3A_903, %sign3A_910 : i32
      %rem3A_912 = arith.remsi %add3A_876, %jit3A_895 : i32
      %ne3A_913 = arith.constant 0 : i32
      %ne3A_914 = arith.cmpi ne, %rem3A_912, %ne3A_913 : i32
      %and3A_915 = arith.andi %ne3A_911, %ne3A_914 : i1
      %sub3A_916 = arith.constant 1 : i32
      %sub3A_917 = arith.subi %div3A_896, %sub3A_916 : i32
      %select_n3A_918 = arith.select %and3A_915, %sub3A_917, %div3A_896 : i32
      %jit3A_919 = arith.constant 64 : i32
      %eq3A_920 = arith.constant 0 : i32
      %eq3A_921 = arith.cmpi eq, %jit3A_919, %eq3A_920 : i32
      %jit3A_922 = arith.constant 1 : i32
      %select_n3A_923 = arith.select %eq3A_921, %jit3A_922, %jit3A_919 : i32
      %rem3A_924 = arith.remsi %add3A_876, %select_n3A_923 : i32
      %ne3A_925 = arith.constant 0 : i32
      %ne3A_926 = arith.cmpi ne, %rem3A_924, %ne3A_925 : i32
      %lt3A_927 = arith.constant 0 : i32
      %lt3A_928 = arith.cmpi slt, %rem3A_924, %lt3A_927 : i32
      %lt3A_929 = arith.constant 0 : i32
      %lt3A_930 = arith.cmpi slt, %select_n3A_923, %lt3A_929 : i32
      %ne3A_931 = arith.xori %lt3A_928, %lt3A_930 : i1
      %and3A_932 = arith.andi %ne3A_931, %ne3A_926 : i1
      %add3A_933 = arith.addi %rem3A_924, %select_n3A_923 : i32
      %select_n3A_934 = arith.select %and3A_932, %add3A_933, %rem3A_924 : i32
      %dma_start3A_935 = arith.constant 0 : i32
      %dma_start3A_936 = tpu.memref_slice %arg6[%select_n3A_918, %select_n3A_934, %dma_start3A_935] : memref<2x64x192xf32, #tpu.memory_space<vmem>> -> memref<1x1x192xf32, #tpu.memory_space<vmem>>
      %dma_start3A_937 = tpu.memref_squeeze %dma_start3A_936 : memref<1x1x192xf32, #tpu.memory_space<vmem>> -> memref<192xf32, #tpu.memory_space<vmem>>
      %dma_start3A_938 = arith.constant 0 : i32
      %dma_start3A_939 = tpu.memref_slice %arg2[%squeeze3A_878, %select_n3A_894, %dma_start3A_938] : memref<1024x64x192xf32, #tpu.memory_space<hbm>> -> memref<1x1x192xf32, #tpu.memory_space<hbm>>
      %dma_start3A_940 = tpu.memref_squeeze %dma_start3A_939 : memref<1x1x192xf32, #tpu.memory_space<hbm>> -> memref<192xf32, #tpu.memory_space<hbm>>
      %dma_start3A_941 = arith.constant 0 : i32
      %dma_start3A_942 = tpu.memref_slice %arg6[%select_n3A_918, %select_n3A_934, %dma_start3A_941] : memref<2x64x192xf32, #tpu.memory_space<vmem>> -> memref<1x1x192xf32, #tpu.memory_space<vmem>>
      %dma_start3A_943 = tpu.memref_squeeze %dma_start3A_942 : memref<1x1x192xf32, #tpu.memory_space<vmem>> -> memref<192xf32, #tpu.memory_space<vmem>>
      %dma_start3A_944 = arith.constant 0 : i32
      %dma_start3A_945 = tpu.memref_slice %arg2[%squeeze3A_878, %select_n3A_894, %dma_start3A_944] : memref<1024x64x192xf32, #tpu.memory_space<hbm>> -> memref<1x1x192xf32, #tpu.memory_space<hbm>>
      %dma_start3A_946 = tpu.memref_squeeze %dma_start3A_945 : memref<1x1x192xf32, #tpu.memory_space<hbm>> -> memref<192xf32, #tpu.memory_space<hbm>>
      tpu.enqueue_dma source(%dma_start3A_946 : memref<192xf32, #tpu.memory_space<hbm>>) target(%dma_start3A_943 : memref<192xf32, #tpu.memory_space<vmem>>) target_semaphore(%arg7 : memref<!tpu.dma_semaphore, #tpu.memory_space<semaphore_mem>>)
      %mul3A_947 = arith.constant 16 : i32
      %mul3A_948 = arith.muli %scan3A_65, %mul3A_947 : i32
      %add3A_949 = arith.constant 12 : i32
      %add3A_950 = arith.addi %mul3A_948, %add3A_949 : i32
      %slice3A_951 = vector.extract_strided_slice %get3A_71 {offsets = [12], sizes = [1], strides = [1]} : vector<16xi32> to vector<1xi32>
      %squeeze3A_952 = vector.extract %slice3A_951[0] : i32 from vector<1xi32>
      %jit3A_953 = arith.constant 64 : i32
      %eq3A_954 = arith.constant 0 : i32
      %eq3A_955 = arith.cmpi eq, %jit3A_953, %eq3A_954 : i32
      %jit3A_956 = arith.constant 1 : i32
      %select_n3A_957 = arith.select %eq3A_955, %jit3A_956, %jit3A_953 : i32
      %rem3A_958 = arith.remsi %add3A_950, %select_n3A_957 : i32
      %ne3A_959 = arith.constant 0 : i32
      %ne3A_960 = arith.cmpi ne, %rem3A_958, %ne3A_959 : i32
      %lt3A_961 = arith.constant 0 : i32
      %lt3A_962 = arith.cmpi slt, %rem3A_958, %lt3A_961 : i32
      %lt3A_963 = arith.constant 0 : i32
      %lt3A_964 = arith.cmpi slt, %select_n3A_957, %lt3A_963 : i32
      %ne3A_965 = arith.xori %lt3A_962, %lt3A_964 : i1
      %and3A_966 = arith.andi %ne3A_965, %ne3A_960 : i1
      %add3A_967 = arith.addi %rem3A_958, %select_n3A_957 : i32
      %select_n3A_968 = arith.select %and3A_966, %add3A_967, %rem3A_958 : i32
      %jit3A_969 = arith.constant 64 : i32
      %div3A_970 = arith.divsi %add3A_950, %jit3A_969 : i32
      %sign3A_971 = arith.constant 0 : i32
      %sign3A_972 = arith.cmpi sgt, %add3A_950, %sign3A_971 : i32
      %sign3A_973 = arith.extui %sign3A_972 : i1 to i32
      %sign3A_974 = arith.constant 0 : i32
      %sign3A_975 = arith.cmpi slt, %add3A_950, %sign3A_974 : i32
      %sign3A_976 = arith.extui %sign3A_975 : i1 to i32
      %sign3A_977 = arith.subi %sign3A_973, %sign3A_976 : i32
      %sign3A_978 = arith.constant 0 : i32
      %sign3A_979 = arith.cmpi sgt, %jit3A_969, %sign3A_978 : i32
      %sign3A_980 = arith.extui %sign3A_979 : i1 to i32
      %sign3A_981 = arith.constant 0 : i32
      %sign3A_982 = arith.cmpi slt, %jit3A_969, %sign3A_981 : i32
      %sign3A_983 = arith.extui %sign3A_982 : i1 to i32
      %sign3A_984 = arith.subi %sign3A_980, %sign3A_983 : i32
      %ne3A_985 = arith.cmpi ne, %sign3A_977, %sign3A_984 : i32
      %rem3A_986 = arith.remsi %add3A_950, %jit3A_969 : i32
      %ne3A_987 = arith.constant 0 : i32
      %ne3A_988 = arith.cmpi ne, %rem3A_986, %ne3A_987 : i32
      %and3A_989 = arith.andi %ne3A_985, %ne3A_988 : i1
      %sub3A_990 = arith.constant 1 : i32
      %sub3A_991 = arith.subi %div3A_970, %sub3A_990 : i32
      %select_n3A_992 = arith.select %and3A_989, %sub3A_991, %div3A_970 : i32
      %jit3A_993 = arith.constant 64 : i32
      %eq3A_994 = arith.constant 0 : i32
      %eq3A_995 = arith.cmpi eq, %jit3A_993, %eq3A_994 : i32
      %jit3A_996 = arith.constant 1 : i32
      %select_n3A_997 = arith.select %eq3A_995, %jit3A_996, %jit3A_993 : i32
      %rem3A_998 = arith.remsi %add3A_950, %select_n3A_997 : i32
      %ne3A_999 = arith.constant 0 : i32
      %ne3A_1000 = arith.cmpi ne, %rem3A_998, %ne3A_999 : i32
      %lt3A_1001 = arith.constant 0 : i32
      %lt3A_1002 = arith.cmpi slt, %rem3A_998, %lt3A_1001 : i32
      %lt3A_1003 = arith.constant 0 : i32
      %lt3A_1004 = arith.cmpi slt, %select_n3A_997, %lt3A_1003 : i32
      %ne3A_1005 = arith.xori %lt3A_1002, %lt3A_1004 : i1
      %and3A_1006 = arith.andi %ne3A_1005, %ne3A_1000 : i1
      %add3A_1007 = arith.addi %rem3A_998, %select_n3A_997 : i32
      %select_n3A_1008 = arith.select %and3A_1006, %add3A_1007, %rem3A_998 : i32
      %dma_start3A_1009 = arith.constant 0 : i32
      %dma_start3A_1010 = tpu.memref_slice %arg6[%select_n3A_992, %select_n3A_1008, %dma_start3A_1009] : memref<2x64x192xf32, #tpu.memory_space<vmem>> -> memref<1x1x192xf32, #tpu.memory_space<vmem>>
      %dma_start3A_1011 = tpu.memref_squeeze %dma_start3A_1010 : memref<1x1x192xf32, #tpu.memory_space<vmem>> -> memref<192xf32, #tpu.memory_space<vmem>>
      %dma_start3A_1012 = arith.constant 0 : i32
      %dma_start3A_1013 = tpu.memref_slice %arg2[%squeeze3A_952, %select_n3A_968, %dma_start3A_1012] : memref<1024x64x192xf32, #tpu.memory_space<hbm>> -> memref<1x1x192xf32, #tpu.memory_space<hbm>>
      %dma_start3A_1014 = tpu.memref_squeeze %dma_start3A_1013 : memref<1x1x192xf32, #tpu.memory_space<hbm>> -> memref<192xf32, #tpu.memory_space<hbm>>
      %dma_start3A_1015 = arith.constant 0 : i32
      %dma_start3A_1016 = tpu.memref_slice %arg6[%select_n3A_992, %select_n3A_1008, %dma_start3A_1015] : memref<2x64x192xf32, #tpu.memory_space<vmem>> -> memref<1x1x192xf32, #tpu.memory_space<vmem>>
      %dma_start3A_1017 = tpu.memref_squeeze %dma_start3A_1016 : memref<1x1x192xf32, #tpu.memory_space<vmem>> -> memref<192xf32, #tpu.memory_space<vmem>>
      %dma_start3A_1018 = arith.constant 0 : i32
      %dma_start3A_1019 = tpu.memref_slice %arg2[%squeeze3A_952, %select_n3A_968, %dma_start3A_1018] : memref<1024x64x192xf32, #tpu.memory_space<hbm>> -> memref<1x1x192xf32, #tpu.memory_space<hbm>>
      %dma_start3A_1020 = tpu.memref_squeeze %dma_start3A_1019 : memref<1x1x192xf32, #tpu.memory_space<hbm>> -> memref<192xf32, #tpu.memory_space<hbm>>
      tpu.enqueue_dma source(%dma_start3A_1020 : memref<192xf32, #tpu.memory_space<hbm>>) target(%dma_start3A_1017 : memref<192xf32, #tpu.memory_space<vmem>>) target_semaphore(%arg7 : memref<!tpu.dma_semaphore, #tpu.memory_space<semaphore_mem>>)
      %mul3A_1021 = arith.constant 16 : i32
      %mul3A_1022 = arith.muli %scan3A_65, %mul3A_1021 : i32
      %add3A_1023 = arith.constant 13 : i32
      %add3A_1024 = arith.addi %mul3A_1022, %add3A_1023 : i32
      %slice3A_1025 = vector.extract_strided_slice %get3A_71 {offsets = [13], sizes = [1], strides = [1]} : vector<16xi32> to vector<1xi32>
      %squeeze3A_1026 = vector.extract %slice3A_1025[0] : i32 from vector<1xi32>
      %jit3A_1027 = arith.constant 64 : i32
      %eq3A_1028 = arith.constant 0 : i32
      %eq3A_1029 = arith.cmpi eq, %jit3A_1027, %eq3A_1028 : i32
      %jit3A_1030 = arith.constant 1 : i32
      %select_n3A_1031 = arith.select %eq3A_1029, %jit3A_1030, %jit3A_1027 : i32
      %rem3A_1032 = arith.remsi %add3A_1024, %select_n3A_1031 : i32
      %ne3A_1033 = arith.constant 0 : i32
      %ne3A_1034 = arith.cmpi ne, %rem3A_1032, %ne3A_1033 : i32
      %lt3A_1035 = arith.constant 0 : i32
      %lt3A_1036 = arith.cmpi slt, %rem3A_1032, %lt3A_1035 : i32
      %lt3A_1037 = arith.constant 0 : i32
      %lt3A_1038 = arith.cmpi slt, %select_n3A_1031, %lt3A_1037 : i32
      %ne3A_1039 = arith.xori %lt3A_1036, %lt3A_1038 : i1
      %and3A_1040 = arith.andi %ne3A_1039, %ne3A_1034 : i1
      %add3A_1041 = arith.addi %rem3A_1032, %select_n3A_1031 : i32
      %select_n3A_1042 = arith.select %and3A_1040, %add3A_1041, %rem3A_1032 : i32
      %jit3A_1043 = arith.constant 64 : i32
      %div3A_1044 = arith.divsi %add3A_1024, %jit3A_1043 : i32
      %sign3A_1045 = arith.constant 0 : i32
      %sign3A_1046 = arith.cmpi sgt, %add3A_1024, %sign3A_1045 : i32
      %sign3A_1047 = arith.extui %sign3A_1046 : i1 to i32
      %sign3A_1048 = arith.constant 0 : i32
      %sign3A_1049 = arith.cmpi slt, %add3A_1024, %sign3A_1048 : i32
      %sign3A_1050 = arith.extui %sign3A_1049 : i1 to i32
      %sign3A_1051 = arith.subi %sign3A_1047, %sign3A_1050 : i32
      %sign3A_1052 = arith.constant 0 : i32
      %sign3A_1053 = arith.cmpi sgt, %jit3A_1043, %sign3A_1052 : i32
      %sign3A_1054 = arith.extui %sign3A_1053 : i1 to i32
      %sign3A_1055 = arith.constant 0 : i32
      %sign3A_1056 = arith.cmpi slt, %jit3A_1043, %sign3A_1055 : i32
      %sign3A_1057 = arith.extui %sign3A_1056 : i1 to i32
      %sign3A_1058 = arith.subi %sign3A_1054, %sign3A_1057 : i32
      %ne3A_1059 = arith.cmpi ne, %sign3A_1051, %sign3A_1058 : i32
      %rem3A_1060 = arith.remsi %add3A_1024, %jit3A_1043 : i32
      %ne3A_1061 = arith.constant 0 : i32
      %ne3A_1062 = arith.cmpi ne, %rem3A_1060, %ne3A_1061 : i32
      %and3A_1063 = arith.andi %ne3A_1059, %ne3A_1062 : i1
      %sub3A_1064 = arith.constant 1 : i32
      %sub3A_1065 = arith.subi %div3A_1044, %sub3A_1064 : i32
      %select_n3A_1066 = arith.select %and3A_1063, %sub3A_1065, %div3A_1044 : i32
      %jit3A_1067 = arith.constant 64 : i32
      %eq3A_1068 = arith.constant 0 : i32
      %eq3A_1069 = arith.cmpi eq, %jit3A_1067, %eq3A_1068 : i32
      %jit3A_1070 = arith.constant 1 : i32
      %select_n3A_1071 = arith.select %eq3A_1069, %jit3A_1070, %jit3A_1067 : i32
      %rem3A_1072 = arith.remsi %add3A_1024, %select_n3A_1071 : i32
      %ne3A_1073 = arith.constant 0 : i32
      %ne3A_1074 = arith.cmpi ne, %rem3A_1072, %ne3A_1073 : i32
      %lt3A_1075 = arith.constant 0 : i32
      %lt3A_1076 = arith.cmpi slt, %rem3A_1072, %lt3A_1075 : i32
      %lt3A_1077 = arith.constant 0 : i32
      %lt3A_1078 = arith.cmpi slt, %select_n3A_1071, %lt3A_1077 : i32
      %ne3A_1079 = arith.xori %lt3A_1076, %lt3A_1078 : i1
      %and3A_1080 = arith.andi %ne3A_1079, %ne3A_1074 : i1
      %add3A_1081 = arith.addi %rem3A_1072, %select_n3A_1071 : i32
      %select_n3A_1082 = arith.select %and3A_1080, %add3A_1081, %rem3A_1072 : i32
      %dma_start3A_1083 = arith.constant 0 : i32
      %dma_start3A_1084 = tpu.memref_slice %arg6[%select_n3A_1066, %select_n3A_1082, %dma_start3A_1083] : memref<2x64x192xf32, #tpu.memory_space<vmem>> -> memref<1x1x192xf32, #tpu.memory_space<vmem>>
      %dma_start3A_1085 = tpu.memref_squeeze %dma_start3A_1084 : memref<1x1x192xf32, #tpu.memory_space<vmem>> -> memref<192xf32, #tpu.memory_space<vmem>>
      %dma_start3A_1086 = arith.constant 0 : i32
      %dma_start3A_1087 = tpu.memref_slice %arg2[%squeeze3A_1026, %select_n3A_1042, %dma_start3A_1086] : memref<1024x64x192xf32, #tpu.memory_space<hbm>> -> memref<1x1x192xf32, #tpu.memory_space<hbm>>
      %dma_start3A_1088 = tpu.memref_squeeze %dma_start3A_1087 : memref<1x1x192xf32, #tpu.memory_space<hbm>> -> memref<192xf32, #tpu.memory_space<hbm>>
      %dma_start3A_1089 = arith.constant 0 : i32
      %dma_start3A_1090 = tpu.memref_slice %arg6[%select_n3A_1066, %select_n3A_1082, %dma_start3A_1089] : memref<2x64x192xf32, #tpu.memory_space<vmem>> -> memref<1x1x192xf32, #tpu.memory_space<vmem>>
      %dma_start3A_1091 = tpu.memref_squeeze %dma_start3A_1090 : memref<1x1x192xf32, #tpu.memory_space<vmem>> -> memref<192xf32, #tpu.memory_space<vmem>>
      %dma_start3A_1092 = arith.constant 0 : i32
      %dma_start3A_1093 = tpu.memref_slice %arg2[%squeeze3A_1026, %select_n3A_1042, %dma_start3A_1092] : memref<1024x64x192xf32, #tpu.memory_space<hbm>> -> memref<1x1x192xf32, #tpu.memory_space<hbm>>
      %dma_start3A_1094 = tpu.memref_squeeze %dma_start3A_1093 : memref<1x1x192xf32, #tpu.memory_space<hbm>> -> memref<192xf32, #tpu.memory_space<hbm>>
      tpu.enqueue_dma source(%dma_start3A_1094 : memref<192xf32, #tpu.memory_space<hbm>>) target(%dma_start3A_1091 : memref<192xf32, #tpu.memory_space<vmem>>) target_semaphore(%arg7 : memref<!tpu.dma_semaphore, #tpu.memory_space<semaphore_mem>>)
      %mul3A_1095 = arith.constant 16 : i32
      %mul3A_1096 = arith.muli %scan3A_65, %mul3A_1095 : i32
      %add3A_1097 = arith.constant 14 : i32
      %add3A_1098 = arith.addi %mul3A_1096, %add3A_1097 : i32
      %slice3A_1099 = vector.extract_strided_slice %get3A_71 {offsets = [14], sizes = [1], strides = [1]} : vector<16xi32> to vector<1xi32>
      %squeeze3A_1100 = vector.extract %slice3A_1099[0] : i32 from vector<1xi32>
      %jit3A_1101 = arith.constant 64 : i32
      %eq3A_1102 = arith.constant 0 : i32
      %eq3A_1103 = arith.cmpi eq, %jit3A_1101, %eq3A_1102 : i32
      %jit3A_1104 = arith.constant 1 : i32
      %select_n3A_1105 = arith.select %eq3A_1103, %jit3A_1104, %jit3A_1101 : i32
      %rem3A_1106 = arith.remsi %add3A_1098, %select_n3A_1105 : i32
      %ne3A_1107 = arith.constant 0 : i32
      %ne3A_1108 = arith.cmpi ne, %rem3A_1106, %ne3A_1107 : i32
      %lt3A_1109 = arith.constant 0 : i32
      %lt3A_1110 = arith.cmpi slt, %rem3A_1106, %lt3A_1109 : i32
      %lt3A_1111 = arith.constant 0 : i32
      %lt3A_1112 = arith.cmpi slt, %select_n3A_1105, %lt3A_1111 : i32
      %ne3A_1113 = arith.xori %lt3A_1110, %lt3A_1112 : i1
      %and3A_1114 = arith.andi %ne3A_1113, %ne3A_1108 : i1
      %add3A_1115 = arith.addi %rem3A_1106, %select_n3A_1105 : i32
      %select_n3A_1116 = arith.select %and3A_1114, %add3A_1115, %rem3A_1106 : i32
      %jit3A_1117 = arith.constant 64 : i32
      %div3A_1118 = arith.divsi %add3A_1098, %jit3A_1117 : i32
      %sign3A_1119 = arith.constant 0 : i32
      %sign3A_1120 = arith.cmpi sgt, %add3A_1098, %sign3A_1119 : i32
      %sign3A_1121 = arith.extui %sign3A_1120 : i1 to i32
      %sign3A_1122 = arith.constant 0 : i32
      %sign3A_1123 = arith.cmpi slt, %add3A_1098, %sign3A_1122 : i32
      %sign3A_1124 = arith.extui %sign3A_1123 : i1 to i32
      %sign3A_1125 = arith.subi %sign3A_1121, %sign3A_1124 : i32
      %sign3A_1126 = arith.constant 0 : i32
      %sign3A_1127 = arith.cmpi sgt, %jit3A_1117, %sign3A_1126 : i32
      %sign3A_1128 = arith.extui %sign3A_1127 : i1 to i32
      %sign3A_1129 = arith.constant 0 : i32
      %sign3A_1130 = arith.cmpi slt, %jit3A_1117, %sign3A_1129 : i32
      %sign3A_1131 = arith.extui %sign3A_1130 : i1 to i32
      %sign3A_1132 = arith.subi %sign3A_1128, %sign3A_1131 : i32
      %ne3A_1133 = arith.cmpi ne, %sign3A_1125, %sign3A_1132 : i32
      %rem3A_1134 = arith.remsi %add3A_1098, %jit3A_1117 : i32
      %ne3A_1135 = arith.constant 0 : i32
      %ne3A_1136 = arith.cmpi ne, %rem3A_1134, %ne3A_1135 : i32
      %and3A_1137 = arith.andi %ne3A_1133, %ne3A_1136 : i1
      %sub3A_1138 = arith.constant 1 : i32
      %sub3A_1139 = arith.subi %div3A_1118, %sub3A_1138 : i32
      %select_n3A_1140 = arith.select %and3A_1137, %sub3A_1139, %div3A_1118 : i32
      %jit3A_1141 = arith.constant 64 : i32
      %eq3A_1142 = arith.constant 0 : i32
      %eq3A_1143 = arith.cmpi eq, %jit3A_1141, %eq3A_1142 : i32
      %jit3A_1144 = arith.constant 1 : i32
      %select_n3A_1145 = arith.select %eq3A_1143, %jit3A_1144, %jit3A_1141 : i32
      %rem3A_1146 = arith.remsi %add3A_1098, %select_n3A_1145 : i32
      %ne3A_1147 = arith.constant 0 : i32
      %ne3A_1148 = arith.cmpi ne, %rem3A_1146, %ne3A_1147 : i32
      %lt3A_1149 = arith.constant 0 : i32
      %lt3A_1150 = arith.cmpi slt, %rem3A_1146, %lt3A_1149 : i32
      %lt3A_1151 = arith.constant 0 : i32
      %lt3A_1152 = arith.cmpi slt, %select_n3A_1145, %lt3A_1151 : i32
      %ne3A_1153 = arith.xori %lt3A_1150, %lt3A_1152 : i1
      %and3A_1154 = arith.andi %ne3A_1153, %ne3A_1148 : i1
      %add3A_1155 = arith.addi %rem3A_1146, %select_n3A_1145 : i32
      %select_n3A_1156 = arith.select %and3A_1154, %add3A_1155, %rem3A_1146 : i32
      %dma_start3A_1157 = arith.constant 0 : i32
      %dma_start3A_1158 = tpu.memref_slice %arg6[%select_n3A_1140, %select_n3A_1156, %dma_start3A_1157] : memref<2x64x192xf32, #tpu.memory_space<vmem>> -> memref<1x1x192xf32, #tpu.memory_space<vmem>>
      %dma_start3A_1159 = tpu.memref_squeeze %dma_start3A_1158 : memref<1x1x192xf32, #tpu.memory_space<vmem>> -> memref<192xf32, #tpu.memory_space<vmem>>
      %dma_start3A_1160 = arith.constant 0 : i32
      %dma_start3A_1161 = tpu.memref_slice %arg2[%squeeze3A_1100, %select_n3A_1116, %dma_start3A_1160] : memref<1024x64x192xf32, #tpu.memory_space<hbm>> -> memref<1x1x192xf32, #tpu.memory_space<hbm>>
      %dma_start3A_1162 = tpu.memref_squeeze %dma_start3A_1161 : memref<1x1x192xf32, #tpu.memory_space<hbm>> -> memref<192xf32, #tpu.memory_space<hbm>>
      %dma_start3A_1163 = arith.constant 0 : i32
      %dma_start3A_1164 = tpu.memref_slice %arg6[%select_n3A_1140, %select_n3A_1156, %dma_start3A_1163] : memref<2x64x192xf32, #tpu.memory_space<vmem>> -> memref<1x1x192xf32, #tpu.memory_space<vmem>>
      %dma_start3A_1165 = tpu.memref_squeeze %dma_start3A_1164 : memref<1x1x192xf32, #tpu.memory_space<vmem>> -> memref<192xf32, #tpu.memory_space<vmem>>
      %dma_start3A_1166 = arith.constant 0 : i32
      %dma_start3A_1167 = tpu.memref_slice %arg2[%squeeze3A_1100, %select_n3A_1116, %dma_start3A_1166] : memref<1024x64x192xf32, #tpu.memory_space<hbm>> -> memref<1x1x192xf32, #tpu.memory_space<hbm>>
      %dma_start3A_1168 = tpu.memref_squeeze %dma_start3A_1167 : memref<1x1x192xf32, #tpu.memory_space<hbm>> -> memref<192xf32, #tpu.memory_space<hbm>>
      tpu.enqueue_dma source(%dma_start3A_1168 : memref<192xf32, #tpu.memory_space<hbm>>) target(%dma_start3A_1165 : memref<192xf32, #tpu.memory_space<vmem>>) target_semaphore(%arg7 : memref<!tpu.dma_semaphore, #tpu.memory_space<semaphore_mem>>)
      %mul3A_1169 = arith.constant 16 : i32
      %mul3A_1170 = arith.muli %scan3A_65, %mul3A_1169 : i32
      %add3A_1171 = arith.constant 15 : i32
      %add3A_1172 = arith.addi %mul3A_1170, %add3A_1171 : i32
      %slice3A_1173 = vector.extract_strided_slice %get3A_71 {offsets = [15], sizes = [1], strides = [1]} : vector<16xi32> to vector<1xi32>
      %squeeze3A_1174 = vector.extract %slice3A_1173[0] : i32 from vector<1xi32>
      %jit3A_1175 = arith.constant 64 : i32
      %eq3A_1176 = arith.constant 0 : i32
      %eq3A_1177 = arith.cmpi eq, %jit3A_1175, %eq3A_1176 : i32
      %jit3A_1178 = arith.constant 1 : i32
      %select_n3A_1179 = arith.select %eq3A_1177, %jit3A_1178, %jit3A_1175 : i32
      %rem3A_1180 = arith.remsi %add3A_1172, %select_n3A_1179 : i32
      %ne3A_1181 = arith.constant 0 : i32
      %ne3A_1182 = arith.cmpi ne, %rem3A_1180, %ne3A_1181 : i32
      %lt3A_1183 = arith.constant 0 : i32
      %lt3A_1184 = arith.cmpi slt, %rem3A_1180, %lt3A_1183 : i32
      %lt3A_1185 = arith.constant 0 : i32
      %lt3A_1186 = arith.cmpi slt, %select_n3A_1179, %lt3A_1185 : i32
      %ne3A_1187 = arith.xori %lt3A_1184, %lt3A_1186 : i1
      %and3A_1188 = arith.andi %ne3A_1187, %ne3A_1182 : i1
      %add3A_1189 = arith.addi %rem3A_1180, %select_n3A_1179 : i32
      %select_n3A_1190 = arith.select %and3A_1188, %add3A_1189, %rem3A_1180 : i32
      %jit3A_1191 = arith.constant 64 : i32
      %div3A_1192 = arith.divsi %add3A_1172, %jit3A_1191 : i32
      %sign3A_1193 = arith.constant 0 : i32
      %sign3A_1194 = arith.cmpi sgt, %add3A_1172, %sign3A_1193 : i32
      %sign3A_1195 = arith.extui %sign3A_1194 : i1 to i32
      %sign3A_1196 = arith.constant 0 : i32
      %sign3A_1197 = arith.cmpi slt, %add3A_1172, %sign3A_1196 : i32
      %sign3A_1198 = arith.extui %sign3A_1197 : i1 to i32
      %sign3A_1199 = arith.subi %sign3A_1195, %sign3A_1198 : i32
      %sign3A_1200 = arith.constant 0 : i32
      %sign3A_1201 = arith.cmpi sgt, %jit3A_1191, %sign3A_1200 : i32
      %sign3A_1202 = arith.extui %sign3A_1201 : i1 to i32
      %sign3A_1203 = arith.constant 0 : i32
      %sign3A_1204 = arith.cmpi slt, %jit3A_1191, %sign3A_1203 : i32
      %sign3A_1205 = arith.extui %sign3A_1204 : i1 to i32
      %sign3A_1206 = arith.subi %sign3A_1202, %sign3A_1205 : i32
      %ne3A_1207 = arith.cmpi ne, %sign3A_1199, %sign3A_1206 : i32
      %rem3A_1208 = arith.remsi %add3A_1172, %jit3A_1191 : i32
      %ne3A_1209 = arith.constant 0 : i32
      %ne3A_1210 = arith.cmpi ne, %rem3A_1208, %ne3A_1209 : i32
      %and3A_1211 = arith.andi %ne3A_1207, %ne3A_1210 : i1
      %sub3A_1212 = arith.constant 1 : i32
      %sub3A_1213 = arith.subi %div3A_1192, %sub3A_1212 : i32
      %select_n3A_1214 = arith.select %and3A_1211, %sub3A_1213, %div3A_1192 : i32
      %jit3A_1215 = arith.constant 64 : i32
      %eq3A_1216 = arith.constant 0 : i32
      %eq3A_1217 = arith.cmpi eq, %jit3A_1215, %eq3A_1216 : i32
      %jit3A_1218 = arith.constant 1 : i32
      %select_n3A_1219 = arith.select %eq3A_1217, %jit3A_1218, %jit3A_1215 : i32
      %rem3A_1220 = arith.remsi %add3A_1172, %select_n3A_1219 : i32
      %ne3A_1221 = arith.constant 0 : i32
      %ne3A_1222 = arith.cmpi ne, %rem3A_1220, %ne3A_1221 : i32
      %lt3A_1223 = arith.constant 0 : i32
      %lt3A_1224 = arith.cmpi slt, %rem3A_1220, %lt3A_1223 : i32
      %lt3A_1225 = arith.constant 0 : i32
      %lt3A_1226 = arith.cmpi slt, %select_n3A_1219, %lt3A_1225 : i32
      %ne3A_1227 = arith.xori %lt3A_1224, %lt3A_1226 : i1
      %and3A_1228 = arith.andi %ne3A_1227, %ne3A_1222 : i1
      %add3A_1229 = arith.addi %rem3A_1220, %select_n3A_1219 : i32
      %select_n3A_1230 = arith.select %and3A_1228, %add3A_1229, %rem3A_1220 : i32
      %dma_start3A_1231 = arith.constant 0 : i32
      %dma_start3A_1232 = tpu.memref_slice %arg6[%select_n3A_1214, %select_n3A_1230, %dma_start3A_1231] : memref<2x64x192xf32, #tpu.memory_space<vmem>> -> memref<1x1x192xf32, #tpu.memory_space<vmem>>
      %dma_start3A_1233 = tpu.memref_squeeze %dma_start3A_1232 : memref<1x1x192xf32, #tpu.memory_space<vmem>> -> memref<192xf32, #tpu.memory_space<vmem>>
      %dma_start3A_1234 = arith.constant 0 : i32
      %dma_start3A_1235 = tpu.memref_slice %arg2[%squeeze3A_1174, %select_n3A_1190, %dma_start3A_1234] : memref<1024x64x192xf32, #tpu.memory_space<hbm>> -> memref<1x1x192xf32, #tpu.memory_space<hbm>>
      %dma_start3A_1236 = tpu.memref_squeeze %dma_start3A_1235 : memref<1x1x192xf32, #tpu.memory_space<hbm>> -> memref<192xf32, #tpu.memory_space<hbm>>
      %dma_start3A_1237 = arith.constant 0 : i32
      %dma_start3A_1238 = tpu.memref_slice %arg6[%select_n3A_1214, %select_n3A_1230, %dma_start3A_1237] : memref<2x64x192xf32, #tpu.memory_space<vmem>> -> memref<1x1x192xf32, #tpu.memory_space<vmem>>
      %dma_start3A_1239 = tpu.memref_squeeze %dma_start3A_1238 : memref<1x1x192xf32, #tpu.memory_space<vmem>> -> memref<192xf32, #tpu.memory_space<vmem>>
      %dma_start3A_1240 = arith.constant 0 : i32
      %dma_start3A_1241 = tpu.memref_slice %arg2[%squeeze3A_1174, %select_n3A_1190, %dma_start3A_1240] : memref<1024x64x192xf32, #tpu.memory_space<hbm>> -> memref<1x1x192xf32, #tpu.memory_space<hbm>>
      %dma_start3A_1242 = tpu.memref_squeeze %dma_start3A_1241 : memref<1x1x192xf32, #tpu.memory_space<hbm>> -> memref<192xf32, #tpu.memory_space<hbm>>
      tpu.enqueue_dma source(%dma_start3A_1242 : memref<192xf32, #tpu.memory_space<hbm>>) target(%dma_start3A_1239 : memref<192xf32, #tpu.memory_space<vmem>>) target_semaphore(%arg7 : memref<!tpu.dma_semaphore, #tpu.memory_space<semaphore_mem>>)
    }
    %scan3A_7 = arith.constant 8 : i32
    %add3A_8 = arith.constant 0 : i32
    %add3A_9 = arith.addi %mul3A_2, %add3A_8 : i32
    %dma_wait3A = arith.constant 0 : i32
    %dma_wait3A_10 = arith.constant 0 : i32
    %dma_wait3A_11 = tpu.memref_slice %arg4[%add3A_9, %dma_wait3A, %dma_wait3A_10] : memref<256x64x192xf32, #tpu.memory_space<hbm>> -> memref<2x64x192xf32, #tpu.memory_space<hbm>>
    %dma_wait3A_12 = arith.constant 0 : i32
    %dma_wait3A_13 = arith.constant 0 : i32
    %dma_wait3A_14 = tpu.memref_slice %arg4[%add3A_9, %dma_wait3A_12, %dma_wait3A_13] : memref<256x64x192xf32, #tpu.memory_space<hbm>> -> memref<2x64x192xf32, #tpu.memory_space<hbm>>
    tpu.wait_dma2 semaphore(%arg7 : memref<!tpu.dma_semaphore, #tpu.memory_space<semaphore_mem>>) src(%dma_wait3A_14 : memref<2x64x192xf32, #tpu.memory_space<hbm>>) dst(%arg6 : memref<2x64x192xf32, #tpu.memory_space<vmem>>)
    %add3A_15 = arith.constant 0 : i32
    %add3A_16 = arith.addi %mul3A_2, %add3A_15 : i32
    "tpu.region"() ({
      %run_scoped3A = tpu.sem_alloc : memref<!tpu.dma_semaphore, #tpu.memory_space<semaphore_mem>>
      %dma_start3A = arith.constant 0 : i32
      %dma_start3A_65 = arith.constant 0 : i32
      %dma_start3A_66 = tpu.memref_slice %arg4[%add3A_16, %dma_start3A, %dma_start3A_65] : memref<256x64x192xf32, #tpu.memory_space<hbm>> -> memref<2x64x192xf32, #tpu.memory_space<hbm>>
      %dma_start3A_67 = arith.constant 0 : i32
      %dma_start3A_68 = arith.constant 0 : i32
      %dma_start3A_69 = tpu.memref_slice %arg4[%add3A_16, %dma_start3A_67, %dma_start3A_68] : memref<256x64x192xf32, #tpu.memory_space<hbm>> -> memref<2x64x192xf32, #tpu.memory_space<hbm>>
      tpu.enqueue_dma source(%arg6 : memref<2x64x192xf32, #tpu.memory_space<vmem>>) target(%dma_start3A_69 : memref<2x64x192xf32, #tpu.memory_space<hbm>>) target_semaphore(%run_scoped3A : memref<!tpu.dma_semaphore, #tpu.memory_space<semaphore_mem>>)
      %dma_wait3A_70 = arith.constant 0 : i32
      %dma_wait3A_71 = arith.constant 0 : i32
      %dma_wait3A_72 = tpu.memref_slice %arg4[%add3A_16, %dma_wait3A_70, %dma_wait3A_71] : memref<256x64x192xf32, #tpu.memory_space<hbm>> -> memref<2x64x192xf32, #tpu.memory_space<hbm>>
      %dma_wait3A_73 = arith.constant 0 : i32
      %dma_wait3A_74 = arith.constant 0 : i32
      %dma_wait3A_75 = tpu.memref_slice %arg4[%add3A_16, %dma_wait3A_73, %dma_wait3A_74] : memref<256x64x192xf32, #tpu.memory_space<hbm>> -> memref<2x64x192xf32, #tpu.memory_space<hbm>>
      tpu.wait_dma2 semaphore(%run_scoped3A : memref<!tpu.dma_semaphore, #tpu.memory_space<semaphore_mem>>) src(%arg6 : memref<2x64x192xf32, #tpu.memory_space<vmem>>) dst(%dma_wait3A_75 : memref<2x64x192xf32, #tpu.memory_space<hbm>>)
      tpu.yield
    }) : () -> ()
    %scan3A_17 = arith.constant 0 : i32
    %scan3A_18 = arith.constant 0 : i32
    %scan3A_19 = arith.constant 8 : i32
    %scan3A_20 = arith.addi %scan3A_18, %scan3A_19 : i32
    %scan3A_21 = arith.constant 1 : i32
    scf.for %scan3A_65 = %scan3A_18 to %scan3A_20 step %scan3A_21  : i32 {
      %mul3A_66 = arith.constant 16 : i32
      %mul3A_67 = arith.muli %scan3A_65, %mul3A_66 : i32
      %add3A_68 = arith.constant 128 : i32
      %add3A_69 = arith.addi %add3A_68, %mul3A_67 : i32
      %get3A = arith.index_cast %add3A_69 : i32 to index
      %get3A_70 = tpu.vector_load %arg5[%get3A] {strides = array<i32>} : memref<512xi32, #tpu.memory_space<vmem>>, vector<16xi32>,
      %get3A_71 = vector.shape_cast %get3A_70 : vector<16xi32> to vector<16xi32>
      %mul3A_72 = arith.constant 16 : i32
      %mul3A_73 = arith.muli %scan3A_65, %mul3A_72 : i32
      %add3A_74 = arith.constant 0 : i32
      %add3A_75 = arith.addi %mul3A_73, %add3A_74 : i32
      %slice3A = vector.extract_strided_slice %get3A_71 {offsets = [0], sizes = [1], strides = [1]} : vector<16xi32> to vector<1xi32>
      %squeeze3A = vector.extract %slice3A[0] : i32 from vector<1xi32>
      %jit3A = arith.constant 64 : i32
      %eq3A = arith.constant 0 : i32
      %eq3A_76 = arith.cmpi eq, %jit3A, %eq3A : i32
      %jit3A_77 = arith.constant 1 : i32
      %select_n3A = arith.select %eq3A_76, %jit3A_77, %jit3A : i32
      %rem3A = arith.remsi %add3A_75, %select_n3A : i32
      %ne3A = arith.constant 0 : i32
      %ne3A_78 = arith.cmpi ne, %rem3A, %ne3A : i32
      %lt3A = arith.constant 0 : i32
      %lt3A_79 = arith.cmpi slt, %rem3A, %lt3A : i32
      %lt3A_80 = arith.constant 0 : i32
      %lt3A_81 = arith.cmpi slt, %select_n3A, %lt3A_80 : i32
      %ne3A_82 = arith.xori %lt3A_79, %lt3A_81 : i1
      %and3A = arith.andi %ne3A_82, %ne3A_78 : i1
      %add3A_83 = arith.addi %rem3A, %select_n3A : i32
      %select_n3A_84 = arith.select %and3A, %add3A_83, %rem3A : i32
      %jit3A_85 = arith.constant 64 : i32
      %div3A = arith.divsi %add3A_75, %jit3A_85 : i32
      %sign3A = arith.constant 0 : i32
      %sign3A_86 = arith.cmpi sgt, %add3A_75, %sign3A : i32
      %sign3A_87 = arith.extui %sign3A_86 : i1 to i32
      %sign3A_88 = arith.constant 0 : i32
      %sign3A_89 = arith.cmpi slt, %add3A_75, %sign3A_88 : i32
      %sign3A_90 = arith.extui %sign3A_89 : i1 to i32
      %sign3A_91 = arith.subi %sign3A_87, %sign3A_90 : i32
      %sign3A_92 = arith.constant 0 : i32
      %sign3A_93 = arith.cmpi sgt, %jit3A_85, %sign3A_92 : i32
      %sign3A_94 = arith.extui %sign3A_93 : i1 to i32
      %sign3A_95 = arith.constant 0 : i32
      %sign3A_96 = arith.cmpi slt, %jit3A_85, %sign3A_95 : i32
      %sign3A_97 = arith.extui %sign3A_96 : i1 to i32
      %sign3A_98 = arith.subi %sign3A_94, %sign3A_97 : i32
      %ne3A_99 = arith.cmpi ne, %sign3A_91, %sign3A_98 : i32
      %rem3A_100 = arith.remsi %add3A_75, %jit3A_85 : i32
      %ne3A_101 = arith.constant 0 : i32
      %ne3A_102 = arith.cmpi ne, %rem3A_100, %ne3A_101 : i32
      %and3A_103 = arith.andi %ne3A_99, %ne3A_102 : i1
      %sub3A = arith.constant 1 : i32
      %sub3A_104 = arith.subi %div3A, %sub3A : i32
      %select_n3A_105 = arith.select %and3A_103, %sub3A_104, %div3A : i32
      %jit3A_106 = arith.constant 64 : i32
      %eq3A_107 = arith.constant 0 : i32
      %eq3A_108 = arith.cmpi eq, %jit3A_106, %eq3A_107 : i32
      %jit3A_109 = arith.constant 1 : i32
      %select_n3A_110 = arith.select %eq3A_108, %jit3A_109, %jit3A_106 : i32
      %rem3A_111 = arith.remsi %add3A_75, %select_n3A_110 : i32
      %ne3A_112 = arith.constant 0 : i32
      %ne3A_113 = arith.cmpi ne, %rem3A_111, %ne3A_112 : i32
      %lt3A_114 = arith.constant 0 : i32
      %lt3A_115 = arith.cmpi slt, %rem3A_111, %lt3A_114 : i32
      %lt3A_116 = arith.constant 0 : i32
      %lt3A_117 = arith.cmpi slt, %select_n3A_110, %lt3A_116 : i32
      %ne3A_118 = arith.xori %lt3A_115, %lt3A_117 : i1
      %and3A_119 = arith.andi %ne3A_118, %ne3A_113 : i1
      %add3A_120 = arith.addi %rem3A_111, %select_n3A_110 : i32
      %select_n3A_121 = arith.select %and3A_119, %add3A_120, %rem3A_111 : i32
      %dma_start3A = arith.constant 0 : i32
      %dma_start3A_122 = tpu.memref_slice %arg6[%select_n3A_105, %select_n3A_121, %dma_start3A] : memref<2x64x192xf32, #tpu.memory_space<vmem>> -> memref<1x1x192xf32, #tpu.memory_space<vmem>>
      %dma_start3A_123 = tpu.memref_squeeze %dma_start3A_122 : memref<1x1x192xf32, #tpu.memory_space<vmem>> -> memref<192xf32, #tpu.memory_space<vmem>>
      %dma_start3A_124 = arith.constant 0 : i32
      %dma_start3A_125 = tpu.memref_slice %arg2[%squeeze3A, %select_n3A_84, %dma_start3A_124] : memref<1024x64x192xf32, #tpu.memory_space<hbm>> -> memref<1x1x192xf32, #tpu.memory_space<hbm>>
      %dma_start3A_126 = tpu.memref_squeeze %dma_start3A_125 : memref<1x1x192xf32, #tpu.memory_space<hbm>> -> memref<192xf32, #tpu.memory_space<hbm>>
      %dma_start3A_127 = arith.constant 0 : i32
      %dma_start3A_128 = tpu.memref_slice %arg6[%select_n3A_105, %select_n3A_121, %dma_start3A_127] : memref<2x64x192xf32, #tpu.memory_space<vmem>> -> memref<1x1x192xf32, #tpu.memory_space<vmem>>
      %dma_start3A_129 = tpu.memref_squeeze %dma_start3A_128 : memref<1x1x192xf32, #tpu.memory_space<vmem>> -> memref<192xf32, #tpu.memory_space<vmem>>
      %dma_start3A_130 = arith.constant 0 : i32
      %dma_start3A_131 = tpu.memref_slice %arg2[%squeeze3A, %select_n3A_84, %dma_start3A_130] : memref<1024x64x192xf32, #tpu.memory_space<hbm>> -> memref<1x1x192xf32, #tpu.memory_space<hbm>>
      %dma_start3A_132 = tpu.memref_squeeze %dma_start3A_131 : memref<1x1x192xf32, #tpu.memory_space<hbm>> -> memref<192xf32, #tpu.memory_space<hbm>>
      tpu.enqueue_dma source(%dma_start3A_132 : memref<192xf32, #tpu.memory_space<hbm>>) target(%dma_start3A_129 : memref<192xf32, #tpu.memory_space<vmem>>) target_semaphore(%arg7 : memref<!tpu.dma_semaphore, #tpu.memory_space<semaphore_mem>>)
      %mul3A_133 = arith.constant 16 : i32
      %mul3A_134 = arith.muli %scan3A_65, %mul3A_133 : i32
      %add3A_135 = arith.constant 1 : i32
      %add3A_136 = arith.addi %mul3A_134, %add3A_135 : i32
      %slice3A_137 = vector.extract_strided_slice %get3A_71 {offsets = [1], sizes = [1], strides = [1]} : vector<16xi32> to vector<1xi32>
      %squeeze3A_138 = vector.extract %slice3A_137[0] : i32 from vector<1xi32>
      %jit3A_139 = arith.constant 64 : i32
      %eq3A_140 = arith.constant 0 : i32
      %eq3A_141 = arith.cmpi eq, %jit3A_139, %eq3A_140 : i32
      %jit3A_142 = arith.constant 1 : i32
      %select_n3A_143 = arith.select %eq3A_141, %jit3A_142, %jit3A_139 : i32
      %rem3A_144 = arith.remsi %add3A_136, %select_n3A_143 : i32
      %ne3A_145 = arith.constant 0 : i32
      %ne3A_146 = arith.cmpi ne, %rem3A_144, %ne3A_145 : i32
      %lt3A_147 = arith.constant 0 : i32
      %lt3A_148 = arith.cmpi slt, %rem3A_144, %lt3A_147 : i32
      %lt3A_149 = arith.constant 0 : i32
      %lt3A_150 = arith.cmpi slt, %select_n3A_143, %lt3A_149 : i32
      %ne3A_151 = arith.xori %lt3A_148, %lt3A_150 : i1
      %and3A_152 = arith.andi %ne3A_151, %ne3A_146 : i1
      %add3A_153 = arith.addi %rem3A_144, %select_n3A_143 : i32
      %select_n3A_154 = arith.select %and3A_152, %add3A_153, %rem3A_144 : i32
      %jit3A_155 = arith.constant 64 : i32
      %div3A_156 = arith.divsi %add3A_136, %jit3A_155 : i32
      %sign3A_157 = arith.constant 0 : i32
      %sign3A_158 = arith.cmpi sgt, %add3A_136, %sign3A_157 : i32
      %sign3A_159 = arith.extui %sign3A_158 : i1 to i32
      %sign3A_160 = arith.constant 0 : i32
      %sign3A_161 = arith.cmpi slt, %add3A_136, %sign3A_160 : i32
      %sign3A_162 = arith.extui %sign3A_161 : i1 to i32
      %sign3A_163 = arith.subi %sign3A_159, %sign3A_162 : i32
      %sign3A_164 = arith.constant 0 : i32
      %sign3A_165 = arith.cmpi sgt, %jit3A_155, %sign3A_164 : i32
      %sign3A_166 = arith.extui %sign3A_165 : i1 to i32
      %sign3A_167 = arith.constant 0 : i32
      %sign3A_168 = arith.cmpi slt, %jit3A_155, %sign3A_167 : i32
      %sign3A_169 = arith.extui %sign3A_168 : i1 to i32
      %sign3A_170 = arith.subi %sign3A_166, %sign3A_169 : i32
      %ne3A_171 = arith.cmpi ne, %sign3A_163, %sign3A_170 : i32
      %rem3A_172 = arith.remsi %add3A_136, %jit3A_155 : i32
      %ne3A_173 = arith.constant 0 : i32
      %ne3A_174 = arith.cmpi ne, %rem3A_172, %ne3A_173 : i32
      %and3A_175 = arith.andi %ne3A_171, %ne3A_174 : i1
      %sub3A_176 = arith.constant 1 : i32
      %sub3A_177 = arith.subi %div3A_156, %sub3A_176 : i32
      %select_n3A_178 = arith.select %and3A_175, %sub3A_177, %div3A_156 : i32
      %jit3A_179 = arith.constant 64 : i32
      %eq3A_180 = arith.constant 0 : i32
      %eq3A_181 = arith.cmpi eq, %jit3A_179, %eq3A_180 : i32
      %jit3A_182 = arith.constant 1 : i32
      %select_n3A_183 = arith.select %eq3A_181, %jit3A_182, %jit3A_179 : i32
      %rem3A_184 = arith.remsi %add3A_136, %select_n3A_183 : i32
      %ne3A_185 = arith.constant 0 : i32
      %ne3A_186 = arith.cmpi ne, %rem3A_184, %ne3A_185 : i32
      %lt3A_187 = arith.constant 0 : i32
      %lt3A_188 = arith.cmpi slt, %rem3A_184, %lt3A_187 : i32
      %lt3A_189 = arith.constant 0 : i32
      %lt3A_190 = arith.cmpi slt, %select_n3A_183, %lt3A_189 : i32
      %ne3A_191 = arith.xori %lt3A_188, %lt3A_190 : i1
      %and3A_192 = arith.andi %ne3A_191, %ne3A_186 : i1
      %add3A_193 = arith.addi %rem3A_184, %select_n3A_183 : i32
      %select_n3A_194 = arith.select %and3A_192, %add3A_193, %rem3A_184 : i32
      %dma_start3A_195 = arith.constant 0 : i32
      %dma_start3A_196 = tpu.memref_slice %arg6[%select_n3A_178, %select_n3A_194, %dma_start3A_195] : memref<2x64x192xf32, #tpu.memory_space<vmem>> -> memref<1x1x192xf32, #tpu.memory_space<vmem>>
      %dma_start3A_197 = tpu.memref_squeeze %dma_start3A_196 : memref<1x1x192xf32, #tpu.memory_space<vmem>> -> memref<192xf32, #tpu.memory_space<vmem>>
      %dma_start3A_198 = arith.constant 0 : i32
      %dma_start3A_199 = tpu.memref_slice %arg2[%squeeze3A_138, %select_n3A_154, %dma_start3A_198] : memref<1024x64x192xf32, #tpu.memory_space<hbm>> -> memref<1x1x192xf32, #tpu.memory_space<hbm>>
      %dma_start3A_200 = tpu.memref_squeeze %dma_start3A_199 : memref<1x1x192xf32, #tpu.memory_space<hbm>> -> memref<192xf32, #tpu.memory_space<hbm>>
      %dma_start3A_201 = arith.constant 0 : i32
      %dma_start3A_202 = tpu.memref_slice %arg6[%select_n3A_178, %select_n3A_194, %dma_start3A_201] : memref<2x64x192xf32, #tpu.memory_space<vmem>> -> memref<1x1x192xf32, #tpu.memory_space<vmem>>
      %dma_start3A_203 = tpu.memref_squeeze %dma_start3A_202 : memref<1x1x192xf32, #tpu.memory_space<vmem>> -> memref<192xf32, #tpu.memory_space<vmem>>
      %dma_start3A_204 = arith.constant 0 : i32
      %dma_start3A_205 = tpu.memref_slice %arg2[%squeeze3A_138, %select_n3A_154, %dma_start3A_204] : memref<1024x64x192xf32, #tpu.memory_space<hbm>> -> memref<1x1x192xf32, #tpu.memory_space<hbm>>
      %dma_start3A_206 = tpu.memref_squeeze %dma_start3A_205 : memref<1x1x192xf32, #tpu.memory_space<hbm>> -> memref<192xf32, #tpu.memory_space<hbm>>
      tpu.enqueue_dma source(%dma_start3A_206 : memref<192xf32, #tpu.memory_space<hbm>>) target(%dma_start3A_203 : memref<192xf32, #tpu.memory_space<vmem>>) target_semaphore(%arg7 : memref<!tpu.dma_semaphore, #tpu.memory_space<semaphore_mem>>)
      %mul3A_207 = arith.constant 16 : i32
      %mul3A_208 = arith.muli %scan3A_65, %mul3A_207 : i32
      %add3A_209 = arith.constant 2 : i32
      %add3A_210 = arith.addi %mul3A_208, %add3A_209 : i32
      %slice3A_211 = vector.extract_strided_slice %get3A_71 {offsets = [2], sizes = [1], strides = [1]} : vector<16xi32> to vector<1xi32>
      %squeeze3A_212 = vector.extract %slice3A_211[0] : i32 from vector<1xi32>
      %jit3A_213 = arith.constant 64 : i32
      %eq3A_214 = arith.constant 0 : i32
      %eq3A_215 = arith.cmpi eq, %jit3A_213, %eq3A_214 : i32
      %jit3A_216 = arith.constant 1 : i32
      %select_n3A_217 = arith.select %eq3A_215, %jit3A_216, %jit3A_213 : i32
      %rem3A_218 = arith.remsi %add3A_210, %select_n3A_217 : i32
      %ne3A_219 = arith.constant 0 : i32
      %ne3A_220 = arith.cmpi ne, %rem3A_218, %ne3A_219 : i32
      %lt3A_221 = arith.constant 0 : i32
      %lt3A_222 = arith.cmpi slt, %rem3A_218, %lt3A_221 : i32
      %lt3A_223 = arith.constant 0 : i32
      %lt3A_224 = arith.cmpi slt, %select_n3A_217, %lt3A_223 : i32
      %ne3A_225 = arith.xori %lt3A_222, %lt3A_224 : i1
      %and3A_226 = arith.andi %ne3A_225, %ne3A_220 : i1
      %add3A_227 = arith.addi %rem3A_218, %select_n3A_217 : i32
      %select_n3A_228 = arith.select %and3A_226, %add3A_227, %rem3A_218 : i32
      %jit3A_229 = arith.constant 64 : i32
      %div3A_230 = arith.divsi %add3A_210, %jit3A_229 : i32
      %sign3A_231 = arith.constant 0 : i32
      %sign3A_232 = arith.cmpi sgt, %add3A_210, %sign3A_231 : i32
      %sign3A_233 = arith.extui %sign3A_232 : i1 to i32
      %sign3A_234 = arith.constant 0 : i32
      %sign3A_235 = arith.cmpi slt, %add3A_210, %sign3A_234 : i32
      %sign3A_236 = arith.extui %sign3A_235 : i1 to i32
      %sign3A_237 = arith.subi %sign3A_233, %sign3A_236 : i32
      %sign3A_238 = arith.constant 0 : i32
      %sign3A_239 = arith.cmpi sgt, %jit3A_229, %sign3A_238 : i32
      %sign3A_240 = arith.extui %sign3A_239 : i1 to i32
      %sign3A_241 = arith.constant 0 : i32
      %sign3A_242 = arith.cmpi slt, %jit3A_229, %sign3A_241 : i32
      %sign3A_243 = arith.extui %sign3A_242 : i1 to i32
      %sign3A_244 = arith.subi %sign3A_240, %sign3A_243 : i32
      %ne3A_245 = arith.cmpi ne, %sign3A_237, %sign3A_244 : i32
      %rem3A_246 = arith.remsi %add3A_210, %jit3A_229 : i32
      %ne3A_247 = arith.constant 0 : i32
      %ne3A_248 = arith.cmpi ne, %rem3A_246, %ne3A_247 : i32
      %and3A_249 = arith.andi %ne3A_245, %ne3A_248 : i1
      %sub3A_250 = arith.constant 1 : i32
      %sub3A_251 = arith.subi %div3A_230, %sub3A_250 : i32
      %select_n3A_252 = arith.select %and3A_249, %sub3A_251, %div3A_230 : i32
      %jit3A_253 = arith.constant 64 : i32
      %eq3A_254 = arith.constant 0 : i32
      %eq3A_255 = arith.cmpi eq, %jit3A_253, %eq3A_254 : i32
      %jit3A_256 = arith.constant 1 : i32
      %select_n3A_257 = arith.select %eq3A_255, %jit3A_256, %jit3A_253 : i32
      %rem3A_258 = arith.remsi %add3A_210, %select_n3A_257 : i32
      %ne3A_259 = arith.constant 0 : i32
      %ne3A_260 = arith.cmpi ne, %rem3A_258, %ne3A_259 : i32
      %lt3A_261 = arith.constant 0 : i32
      %lt3A_262 = arith.cmpi slt, %rem3A_258, %lt3A_261 : i32
      %lt3A_263 = arith.constant 0 : i32
      %lt3A_264 = arith.cmpi slt, %select_n3A_257, %lt3A_263 : i32
      %ne3A_265 = arith.xori %lt3A_262, %lt3A_264 : i1
      %and3A_266 = arith.andi %ne3A_265, %ne3A_260 : i1
      %add3A_267 = arith.addi %rem3A_258, %select_n3A_257 : i32
      %select_n3A_268 = arith.select %and3A_266, %add3A_267, %rem3A_258 : i32
      %dma_start3A_269 = arith.constant 0 : i32
      %dma_start3A_270 = tpu.memref_slice %arg6[%select_n3A_252, %select_n3A_268, %dma_start3A_269] : memref<2x64x192xf32, #tpu.memory_space<vmem>> -> memref<1x1x192xf32, #tpu.memory_space<vmem>>
      %dma_start3A_271 = tpu.memref_squeeze %dma_start3A_270 : memref<1x1x192xf32, #tpu.memory_space<vmem>> -> memref<192xf32, #tpu.memory_space<vmem>>
      %dma_start3A_272 = arith.constant 0 : i32
      %dma_start3A_273 = tpu.memref_slice %arg2[%squeeze3A_212, %select_n3A_228, %dma_start3A_272] : memref<1024x64x192xf32, #tpu.memory_space<hbm>> -> memref<1x1x192xf32, #tpu.memory_space<hbm>>
      %dma_start3A_274 = tpu.memref_squeeze %dma_start3A_273 : memref<1x1x192xf32, #tpu.memory_space<hbm>> -> memref<192xf32, #tpu.memory_space<hbm>>
      %dma_start3A_275 = arith.constant 0 : i32
      %dma_start3A_276 = tpu.memref_slice %arg6[%select_n3A_252, %select_n3A_268, %dma_start3A_275] : memref<2x64x192xf32, #tpu.memory_space<vmem>> -> memref<1x1x192xf32, #tpu.memory_space<vmem>>
      %dma_start3A_277 = tpu.memref_squeeze %dma_start3A_276 : memref<1x1x192xf32, #tpu.memory_space<vmem>> -> memref<192xf32, #tpu.memory_space<vmem>>
      %dma_start3A_278 = arith.constant 0 : i32
      %dma_start3A_279 = tpu.memref_slice %arg2[%squeeze3A_212, %select_n3A_228, %dma_start3A_278] : memref<1024x64x192xf32, #tpu.memory_space<hbm>> -> memref<1x1x192xf32, #tpu.memory_space<hbm>>
      %dma_start3A_280 = tpu.memref_squeeze %dma_start3A_279 : memref<1x1x192xf32, #tpu.memory_space<hbm>> -> memref<192xf32, #tpu.memory_space<hbm>>
      tpu.enqueue_dma source(%dma_start3A_280 : memref<192xf32, #tpu.memory_space<hbm>>) target(%dma_start3A_277 : memref<192xf32, #tpu.memory_space<vmem>>) target_semaphore(%arg7 : memref<!tpu.dma_semaphore, #tpu.memory_space<semaphore_mem>>)
      %mul3A_281 = arith.constant 16 : i32
      %mul3A_282 = arith.muli %scan3A_65, %mul3A_281 : i32
      %add3A_283 = arith.constant 3 : i32
      %add3A_284 = arith.addi %mul3A_282, %add3A_283 : i32
      %slice3A_285 = vector.extract_strided_slice %get3A_71 {offsets = [3], sizes = [1], strides = [1]} : vector<16xi32> to vector<1xi32>
      %squeeze3A_286 = vector.extract %slice3A_285[0] : i32 from vector<1xi32>
      %jit3A_287 = arith.constant 64 : i32
      %eq3A_288 = arith.constant 0 : i32
      %eq3A_289 = arith.cmpi eq, %jit3A_287, %eq3A_288 : i32
      %jit3A_290 = arith.constant 1 : i32
      %select_n3A_291 = arith.select %eq3A_289, %jit3A_290, %jit3A_287 : i32
      %rem3A_292 = arith.remsi %add3A_284, %select_n3A_291 : i32
      %ne3A_293 = arith.constant 0 : i32
      %ne3A_294 = arith.cmpi ne, %rem3A_292, %ne3A_293 : i32
      %lt3A_295 = arith.constant 0 : i32
      %lt3A_296 = arith.cmpi slt, %rem3A_292, %lt3A_295 : i32
      %lt3A_297 = arith.constant 0 : i32
      %lt3A_298 = arith.cmpi slt, %select_n3A_291, %lt3A_297 : i32
      %ne3A_299 = arith.xori %lt3A_296, %lt3A_298 : i1
      %and3A_300 = arith.andi %ne3A_299, %ne3A_294 : i1
      %add3A_301 = arith.addi %rem3A_292, %select_n3A_291 : i32
      %select_n3A_302 = arith.select %and3A_300, %add3A_301, %rem3A_292 : i32
      %jit3A_303 = arith.constant 64 : i32
      %div3A_304 = arith.divsi %add3A_284, %jit3A_303 : i32
      %sign3A_305 = arith.constant 0 : i32
      %sign3A_306 = arith.cmpi sgt, %add3A_284, %sign3A_305 : i32
      %sign3A_307 = arith.extui %sign3A_306 : i1 to i32
      %sign3A_308 = arith.constant 0 : i32
      %sign3A_309 = arith.cmpi slt, %add3A_284, %sign3A_308 : i32
      %sign3A_310 = arith.extui %sign3A_309 : i1 to i32
      %sign3A_311 = arith.subi %sign3A_307, %sign3A_310 : i32
      %sign3A_312 = arith.constant 0 : i32
      %sign3A_313 = arith.cmpi sgt, %jit3A_303, %sign3A_312 : i32
      %sign3A_314 = arith.extui %sign3A_313 : i1 to i32
      %sign3A_315 = arith.constant 0 : i32
      %sign3A_316 = arith.cmpi slt, %jit3A_303, %sign3A_315 : i32
      %sign3A_317 = arith.extui %sign3A_316 : i1 to i32
      %sign3A_318 = arith.subi %sign3A_314, %sign3A_317 : i32
      %ne3A_319 = arith.cmpi ne, %sign3A_311, %sign3A_318 : i32
      %rem3A_320 = arith.remsi %add3A_284, %jit3A_303 : i32
      %ne3A_321 = arith.constant 0 : i32
      %ne3A_322 = arith.cmpi ne, %rem3A_320, %ne3A_321 : i32
      %and3A_323 = arith.andi %ne3A_319, %ne3A_322 : i1
      %sub3A_324 = arith.constant 1 : i32
      %sub3A_325 = arith.subi %div3A_304, %sub3A_324 : i32
      %select_n3A_326 = arith.select %and3A_323, %sub3A_325, %div3A_304 : i32
      %jit3A_327 = arith.constant 64 : i32
      %eq3A_328 = arith.constant 0 : i32
      %eq3A_329 = arith.cmpi eq, %jit3A_327, %eq3A_328 : i32
      %jit3A_330 = arith.constant 1 : i32
      %select_n3A_331 = arith.select %eq3A_329, %jit3A_330, %jit3A_327 : i32
      %rem3A_332 = arith.remsi %add3A_284, %select_n3A_331 : i32
      %ne3A_333 = arith.constant 0 : i32
      %ne3A_334 = arith.cmpi ne, %rem3A_332, %ne3A_333 : i32
      %lt3A_335 = arith.constant 0 : i32
      %lt3A_336 = arith.cmpi slt, %rem3A_332, %lt3A_335 : i32
      %lt3A_337 = arith.constant 0 : i32
      %lt3A_338 = arith.cmpi slt, %select_n3A_331, %lt3A_337 : i32
      %ne3A_339 = arith.xori %lt3A_336, %lt3A_338 : i1
      %and3A_340 = arith.andi %ne3A_339, %ne3A_334 : i1
      %add3A_341 = arith.addi %rem3A_332, %select_n3A_331 : i32
      %select_n3A_342 = arith.select %and3A_340, %add3A_341, %rem3A_332 : i32
      %dma_start3A_343 = arith.constant 0 : i32
      %dma_start3A_344 = tpu.memref_slice %arg6[%select_n3A_326, %select_n3A_342, %dma_start3A_343] : memref<2x64x192xf32, #tpu.memory_space<vmem>> -> memref<1x1x192xf32, #tpu.memory_space<vmem>>
      %dma_start3A_345 = tpu.memref_squeeze %dma_start3A_344 : memref<1x1x192xf32, #tpu.memory_space<vmem>> -> memref<192xf32, #tpu.memory_space<vmem>>
      %dma_start3A_346 = arith.constant 0 : i32
      %dma_start3A_347 = tpu.memref_slice %arg2[%squeeze3A_286, %select_n3A_302, %dma_start3A_346] : memref<1024x64x192xf32, #tpu.memory_space<hbm>> -> memref<1x1x192xf32, #tpu.memory_space<hbm>>
      %dma_start3A_348 = tpu.memref_squeeze %dma_start3A_347 : memref<1x1x192xf32, #tpu.memory_space<hbm>> -> memref<192xf32, #tpu.memory_space<hbm>>
      %dma_start3A_349 = arith.constant 0 : i32
      %dma_start3A_350 = tpu.memref_slice %arg6[%select_n3A_326, %select_n3A_342, %dma_start3A_349] : memref<2x64x192xf32, #tpu.memory_space<vmem>> -> memref<1x1x192xf32, #tpu.memory_space<vmem>>
      %dma_start3A_351 = tpu.memref_squeeze %dma_start3A_350 : memref<1x1x192xf32, #tpu.memory_space<vmem>> -> memref<192xf32, #tpu.memory_space<vmem>>
      %dma_start3A_352 = arith.constant 0 : i32
      %dma_start3A_353 = tpu.memref_slice %arg2[%squeeze3A_286, %select_n3A_302, %dma_start3A_352] : memref<1024x64x192xf32, #tpu.memory_space<hbm>> -> memref<1x1x192xf32, #tpu.memory_space<hbm>>
      %dma_start3A_354 = tpu.memref_squeeze %dma_start3A_353 : memref<1x1x192xf32, #tpu.memory_space<hbm>> -> memref<192xf32, #tpu.memory_space<hbm>>
      tpu.enqueue_dma source(%dma_start3A_354 : memref<192xf32, #tpu.memory_space<hbm>>) target(%dma_start3A_351 : memref<192xf32, #tpu.memory_space<vmem>>) target_semaphore(%arg7 : memref<!tpu.dma_semaphore, #tpu.memory_space<semaphore_mem>>)
      %mul3A_355 = arith.constant 16 : i32
      %mul3A_356 = arith.muli %scan3A_65, %mul3A_355 : i32
      %add3A_357 = arith.constant 4 : i32
      %add3A_358 = arith.addi %mul3A_356, %add3A_357 : i32
      %slice3A_359 = vector.extract_strided_slice %get3A_71 {offsets = [4], sizes = [1], strides = [1]} : vector<16xi32> to vector<1xi32>
      %squeeze3A_360 = vector.extract %slice3A_359[0] : i32 from vector<1xi32>
      %jit3A_361 = arith.constant 64 : i32
      %eq3A_362 = arith.constant 0 : i32
      %eq3A_363 = arith.cmpi eq, %jit3A_361, %eq3A_362 : i32
      %jit3A_364 = arith.constant 1 : i32
      %select_n3A_365 = arith.select %eq3A_363, %jit3A_364, %jit3A_361 : i32
      %rem3A_366 = arith.remsi %add3A_358, %select_n3A_365 : i32
      %ne3A_367 = arith.constant 0 : i32
      %ne3A_368 = arith.cmpi ne, %rem3A_366, %ne3A_367 : i32
      %lt3A_369 = arith.constant 0 : i32
      %lt3A_370 = arith.cmpi slt, %rem3A_366, %lt3A_369 : i32
      %lt3A_371 = arith.constant 0 : i32
      %lt3A_372 = arith.cmpi slt, %select_n3A_365, %lt3A_371 : i32
      %ne3A_373 = arith.xori %lt3A_370, %lt3A_372 : i1
      %and3A_374 = arith.andi %ne3A_373, %ne3A_368 : i1
      %add3A_375 = arith.addi %rem3A_366, %select_n3A_365 : i32
      %select_n3A_376 = arith.select %and3A_374, %add3A_375, %rem3A_366 : i32
      %jit3A_377 = arith.constant 64 : i32
      %div3A_378 = arith.divsi %add3A_358, %jit3A_377 : i32
      %sign3A_379 = arith.constant 0 : i32
      %sign3A_380 = arith.cmpi sgt, %add3A_358, %sign3A_379 : i32
      %sign3A_381 = arith.extui %sign3A_380 : i1 to i32
      %sign3A_382 = arith.constant 0 : i32
      %sign3A_383 = arith.cmpi slt, %add3A_358, %sign3A_382 : i32
      %sign3A_384 = arith.extui %sign3A_383 : i1 to i32
      %sign3A_385 = arith.subi %sign3A_381, %sign3A_384 : i32
      %sign3A_386 = arith.constant 0 : i32
      %sign3A_387 = arith.cmpi sgt, %jit3A_377, %sign3A_386 : i32
      %sign3A_388 = arith.extui %sign3A_387 : i1 to i32
      %sign3A_389 = arith.constant 0 : i32
      %sign3A_390 = arith.cmpi slt, %jit3A_377, %sign3A_389 : i32
      %sign3A_391 = arith.extui %sign3A_390 : i1 to i32
      %sign3A_392 = arith.subi %sign3A_388, %sign3A_391 : i32
      %ne3A_393 = arith.cmpi ne, %sign3A_385, %sign3A_392 : i32
      %rem3A_394 = arith.remsi %add3A_358, %jit3A_377 : i32
      %ne3A_395 = arith.constant 0 : i32
      %ne3A_396 = arith.cmpi ne, %rem3A_394, %ne3A_395 : i32
      %and3A_397 = arith.andi %ne3A_393, %ne3A_396 : i1
      %sub3A_398 = arith.constant 1 : i32
      %sub3A_399 = arith.subi %div3A_378, %sub3A_398 : i32
      %select_n3A_400 = arith.select %and3A_397, %sub3A_399, %div3A_378 : i32
      %jit3A_401 = arith.constant 64 : i32
      %eq3A_402 = arith.constant 0 : i32
      %eq3A_403 = arith.cmpi eq, %jit3A_401, %eq3A_402 : i32
      %jit3A_404 = arith.constant 1 : i32
      %select_n3A_405 = arith.select %eq3A_403, %jit3A_404, %jit3A_401 : i32
      %rem3A_406 = arith.remsi %add3A_358, %select_n3A_405 : i32
      %ne3A_407 = arith.constant 0 : i32
      %ne3A_408 = arith.cmpi ne, %rem3A_406, %ne3A_407 : i32
      %lt3A_409 = arith.constant 0 : i32
      %lt3A_410 = arith.cmpi slt, %rem3A_406, %lt3A_409 : i32
      %lt3A_411 = arith.constant 0 : i32
      %lt3A_412 = arith.cmpi slt, %select_n3A_405, %lt3A_411 : i32
      %ne3A_413 = arith.xori %lt3A_410, %lt3A_412 : i1
      %and3A_414 = arith.andi %ne3A_413, %ne3A_408 : i1
      %add3A_415 = arith.addi %rem3A_406, %select_n3A_405 : i32
      %select_n3A_416 = arith.select %and3A_414, %add3A_415, %rem3A_406 : i32
      %dma_start3A_417 = arith.constant 0 : i32
      %dma_start3A_418 = tpu.memref_slice %arg6[%select_n3A_400, %select_n3A_416, %dma_start3A_417] : memref<2x64x192xf32, #tpu.memory_space<vmem>> -> memref<1x1x192xf32, #tpu.memory_space<vmem>>
      %dma_start3A_419 = tpu.memref_squeeze %dma_start3A_418 : memref<1x1x192xf32, #tpu.memory_space<vmem>> -> memref<192xf32, #tpu.memory_space<vmem>>
      %dma_start3A_420 = arith.constant 0 : i32
      %dma_start3A_421 = tpu.memref_slice %arg2[%squeeze3A_360, %select_n3A_376, %dma_start3A_420] : memref<1024x64x192xf32, #tpu.memory_space<hbm>> -> memref<1x1x192xf32, #tpu.memory_space<hbm>>
      %dma_start3A_422 = tpu.memref_squeeze %dma_start3A_421 : memref<1x1x192xf32, #tpu.memory_space<hbm>> -> memref<192xf32, #tpu.memory_space<hbm>>
      %dma_start3A_423 = arith.constant 0 : i32
      %dma_start3A_424 = tpu.memref_slice %arg6[%select_n3A_400, %select_n3A_416, %dma_start3A_423] : memref<2x64x192xf32, #tpu.memory_space<vmem>> -> memref<1x1x192xf32, #tpu.memory_space<vmem>>
      %dma_start3A_425 = tpu.memref_squeeze %dma_start3A_424 : memref<1x1x192xf32, #tpu.memory_space<vmem>> -> memref<192xf32, #tpu.memory_space<vmem>>
      %dma_start3A_426 = arith.constant 0 : i32
      %dma_start3A_427 = tpu.memref_slice %arg2[%squeeze3A_360, %select_n3A_376, %dma_start3A_426] : memref<1024x64x192xf32, #tpu.memory_space<hbm>> -> memref<1x1x192xf32, #tpu.memory_space<hbm>>
      %dma_start3A_428 = tpu.memref_squeeze %dma_start3A_427 : memref<1x1x192xf32, #tpu.memory_space<hbm>> -> memref<192xf32, #tpu.memory_space<hbm>>
      tpu.enqueue_dma source(%dma_start3A_428 : memref<192xf32, #tpu.memory_space<hbm>>) target(%dma_start3A_425 : memref<192xf32, #tpu.memory_space<vmem>>) target_semaphore(%arg7 : memref<!tpu.dma_semaphore, #tpu.memory_space<semaphore_mem>>)
      %mul3A_429 = arith.constant 16 : i32
      %mul3A_430 = arith.muli %scan3A_65, %mul3A_429 : i32
      %add3A_431 = arith.constant 5 : i32
      %add3A_432 = arith.addi %mul3A_430, %add3A_431 : i32
      %slice3A_433 = vector.extract_strided_slice %get3A_71 {offsets = [5], sizes = [1], strides = [1]} : vector<16xi32> to vector<1xi32>
      %squeeze3A_434 = vector.extract %slice3A_433[0] : i32 from vector<1xi32>
      %jit3A_435 = arith.constant 64 : i32
      %eq3A_436 = arith.constant 0 : i32
      %eq3A_437 = arith.cmpi eq, %jit3A_435, %eq3A_436 : i32
      %jit3A_438 = arith.constant 1 : i32
      %select_n3A_439 = arith.select %eq3A_437, %jit3A_438, %jit3A_435 : i32
      %rem3A_440 = arith.remsi %add3A_432, %select_n3A_439 : i32
      %ne3A_441 = arith.constant 0 : i32
      %ne3A_442 = arith.cmpi ne, %rem3A_440, %ne3A_441 : i32
      %lt3A_443 = arith.constant 0 : i32
      %lt3A_444 = arith.cmpi slt, %rem3A_440, %lt3A_443 : i32
      %lt3A_445 = arith.constant 0 : i32
      %lt3A_446 = arith.cmpi slt, %select_n3A_439, %lt3A_445 : i32
      %ne3A_447 = arith.xori %lt3A_444, %lt3A_446 : i1
      %and3A_448 = arith.andi %ne3A_447, %ne3A_442 : i1
      %add3A_449 = arith.addi %rem3A_440, %select_n3A_439 : i32
      %select_n3A_450 = arith.select %and3A_448, %add3A_449, %rem3A_440 : i32
      %jit3A_451 = arith.constant 64 : i32
      %div3A_452 = arith.divsi %add3A_432, %jit3A_451 : i32
      %sign3A_453 = arith.constant 0 : i32
      %sign3A_454 = arith.cmpi sgt, %add3A_432, %sign3A_453 : i32
      %sign3A_455 = arith.extui %sign3A_454 : i1 to i32
      %sign3A_456 = arith.constant 0 : i32
      %sign3A_457 = arith.cmpi slt, %add3A_432, %sign3A_456 : i32
      %sign3A_458 = arith.extui %sign3A_457 : i1 to i32
      %sign3A_459 = arith.subi %sign3A_455, %sign3A_458 : i32
      %sign3A_460 = arith.constant 0 : i32
      %sign3A_461 = arith.cmpi sgt, %jit3A_451, %sign3A_460 : i32
      %sign3A_462 = arith.extui %sign3A_461 : i1 to i32
      %sign3A_463 = arith.constant 0 : i32
      %sign3A_464 = arith.cmpi slt, %jit3A_451, %sign3A_463 : i32
      %sign3A_465 = arith.extui %sign3A_464 : i1 to i32
      %sign3A_466 = arith.subi %sign3A_462, %sign3A_465 : i32
      %ne3A_467 = arith.cmpi ne, %sign3A_459, %sign3A_466 : i32
      %rem3A_468 = arith.remsi %add3A_432, %jit3A_451 : i32
      %ne3A_469 = arith.constant 0 : i32
      %ne3A_470 = arith.cmpi ne, %rem3A_468, %ne3A_469 : i32
      %and3A_471 = arith.andi %ne3A_467, %ne3A_470 : i1
      %sub3A_472 = arith.constant 1 : i32
      %sub3A_473 = arith.subi %div3A_452, %sub3A_472 : i32
      %select_n3A_474 = arith.select %and3A_471, %sub3A_473, %div3A_452 : i32
      %jit3A_475 = arith.constant 64 : i32
      %eq3A_476 = arith.constant 0 : i32
      %eq3A_477 = arith.cmpi eq, %jit3A_475, %eq3A_476 : i32
      %jit3A_478 = arith.constant 1 : i32
      %select_n3A_479 = arith.select %eq3A_477, %jit3A_478, %jit3A_475 : i32
      %rem3A_480 = arith.remsi %add3A_432, %select_n3A_479 : i32
      %ne3A_481 = arith.constant 0 : i32
      %ne3A_482 = arith.cmpi ne, %rem3A_480, %ne3A_481 : i32
      %lt3A_483 = arith.constant 0 : i32
      %lt3A_484 = arith.cmpi slt, %rem3A_480, %lt3A_483 : i32
      %lt3A_485 = arith.constant 0 : i32
      %lt3A_486 = arith.cmpi slt, %select_n3A_479, %lt3A_485 : i32
      %ne3A_487 = arith.xori %lt3A_484, %lt3A_486 : i1
      %and3A_488 = arith.andi %ne3A_487, %ne3A_482 : i1
      %add3A_489 = arith.addi %rem3A_480, %select_n3A_479 : i32
      %select_n3A_490 = arith.select %and3A_488, %add3A_489, %rem3A_480 : i32
      %dma_start3A_491 = arith.constant 0 : i32
      %dma_start3A_492 = tpu.memref_slice %arg6[%select_n3A_474, %select_n3A_490, %dma_start3A_491] : memref<2x64x192xf32, #tpu.memory_space<vmem>> -> memref<1x1x192xf32, #tpu.memory_space<vmem>>
      %dma_start3A_493 = tpu.memref_squeeze %dma_start3A_492 : memref<1x1x192xf32, #tpu.memory_space<vmem>> -> memref<192xf32, #tpu.memory_space<vmem>>
      %dma_start3A_494 = arith.constant 0 : i32
      %dma_start3A_495 = tpu.memref_slice %arg2[%squeeze3A_434, %select_n3A_450, %dma_start3A_494] : memref<1024x64x192xf32, #tpu.memory_space<hbm>> -> memref<1x1x192xf32, #tpu.memory_space<hbm>>
      %dma_start3A_496 = tpu.memref_squeeze %dma_start3A_495 : memref<1x1x192xf32, #tpu.memory_space<hbm>> -> memref<192xf32, #tpu.memory_space<hbm>>
      %dma_start3A_497 = arith.constant 0 : i32
      %dma_start3A_498 = tpu.memref_slice %arg6[%select_n3A_474, %select_n3A_490, %dma_start3A_497] : memref<2x64x192xf32, #tpu.memory_space<vmem>> -> memref<1x1x192xf32, #tpu.memory_space<vmem>>
      %dma_start3A_499 = tpu.memref_squeeze %dma_start3A_498 : memref<1x1x192xf32, #tpu.memory_space<vmem>> -> memref<192xf32, #tpu.memory_space<vmem>>
      %dma_start3A_500 = arith.constant 0 : i32
      %dma_start3A_501 = tpu.memref_slice %arg2[%squeeze3A_434, %select_n3A_450, %dma_start3A_500] : memref<1024x64x192xf32, #tpu.memory_space<hbm>> -> memref<1x1x192xf32, #tpu.memory_space<hbm>>
      %dma_start3A_502 = tpu.memref_squeeze %dma_start3A_501 : memref<1x1x192xf32, #tpu.memory_space<hbm>> -> memref<192xf32, #tpu.memory_space<hbm>>
      tpu.enqueue_dma source(%dma_start3A_502 : memref<192xf32, #tpu.memory_space<hbm>>) target(%dma_start3A_499 : memref<192xf32, #tpu.memory_space<vmem>>) target_semaphore(%arg7 : memref<!tpu.dma_semaphore, #tpu.memory_space<semaphore_mem>>)
      %mul3A_503 = arith.constant 16 : i32
      %mul3A_504 = arith.muli %scan3A_65, %mul3A_503 : i32
      %add3A_505 = arith.constant 6 : i32
      %add3A_506 = arith.addi %mul3A_504, %add3A_505 : i32
      %slice3A_507 = vector.extract_strided_slice %get3A_71 {offsets = [6], sizes = [1], strides = [1]} : vector<16xi32> to vector<1xi32>
      %squeeze3A_508 = vector.extract %slice3A_507[0] : i32 from vector<1xi32>
      %jit3A_509 = arith.constant 64 : i32
      %eq3A_510 = arith.constant 0 : i32
      %eq3A_511 = arith.cmpi eq, %jit3A_509, %eq3A_510 : i32
      %jit3A_512 = arith.constant 1 : i32
      %select_n3A_513 = arith.select %eq3A_511, %jit3A_512, %jit3A_509 : i32
      %rem3A_514 = arith.remsi %add3A_506, %select_n3A_513 : i32
      %ne3A_515 = arith.constant 0 : i32
      %ne3A_516 = arith.cmpi ne, %rem3A_514, %ne3A_515 : i32
      %lt3A_517 = arith.constant 0 : i32
      %lt3A_518 = arith.cmpi slt, %rem3A_514, %lt3A_517 : i32
      %lt3A_519 = arith.constant 0 : i32
      %lt3A_520 = arith.cmpi slt, %select_n3A_513, %lt3A_519 : i32
      %ne3A_521 = arith.xori %lt3A_518, %lt3A_520 : i1
      %and3A_522 = arith.andi %ne3A_521, %ne3A_516 : i1
      %add3A_523 = arith.addi %rem3A_514, %select_n3A_513 : i32
      %select_n3A_524 = arith.select %and3A_522, %add3A_523, %rem3A_514 : i32
      %jit3A_525 = arith.constant 64 : i32
      %div3A_526 = arith.divsi %add3A_506, %jit3A_525 : i32
      %sign3A_527 = arith.constant 0 : i32
      %sign3A_528 = arith.cmpi sgt, %add3A_506, %sign3A_527 : i32
      %sign3A_529 = arith.extui %sign3A_528 : i1 to i32
      %sign3A_530 = arith.constant 0 : i32
      %sign3A_531 = arith.cmpi slt, %add3A_506, %sign3A_530 : i32
      %sign3A_532 = arith.extui %sign3A_531 : i1 to i32
      %sign3A_533 = arith.subi %sign3A_529, %sign3A_532 : i32
      %sign3A_534 = arith.constant 0 : i32
      %sign3A_535 = arith.cmpi sgt, %jit3A_525, %sign3A_534 : i32
      %sign3A_536 = arith.extui %sign3A_535 : i1 to i32
      %sign3A_537 = arith.constant 0 : i32
      %sign3A_538 = arith.cmpi slt, %jit3A_525, %sign3A_537 : i32
      %sign3A_539 = arith.extui %sign3A_538 : i1 to i32
      %sign3A_540 = arith.subi %sign3A_536, %sign3A_539 : i32
      %ne3A_541 = arith.cmpi ne, %sign3A_533, %sign3A_540 : i32
      %rem3A_542 = arith.remsi %add3A_506, %jit3A_525 : i32
      %ne3A_543 = arith.constant 0 : i32
      %ne3A_544 = arith.cmpi ne, %rem3A_542, %ne3A_543 : i32
      %and3A_545 = arith.andi %ne3A_541, %ne3A_544 : i1
      %sub3A_546 = arith.constant 1 : i32
      %sub3A_547 = arith.subi %div3A_526, %sub3A_546 : i32
      %select_n3A_548 = arith.select %and3A_545, %sub3A_547, %div3A_526 : i32
      %jit3A_549 = arith.constant 64 : i32
      %eq3A_550 = arith.constant 0 : i32
      %eq3A_551 = arith.cmpi eq, %jit3A_549, %eq3A_550 : i32
      %jit3A_552 = arith.constant 1 : i32
      %select_n3A_553 = arith.select %eq3A_551, %jit3A_552, %jit3A_549 : i32
      %rem3A_554 = arith.remsi %add3A_506, %select_n3A_553 : i32
      %ne3A_555 = arith.constant 0 : i32
      %ne3A_556 = arith.cmpi ne, %rem3A_554, %ne3A_555 : i32
      %lt3A_557 = arith.constant 0 : i32
      %lt3A_558 = arith.cmpi slt, %rem3A_554, %lt3A_557 : i32
      %lt3A_559 = arith.constant 0 : i32
      %lt3A_560 = arith.cmpi slt, %select_n3A_553, %lt3A_559 : i32
      %ne3A_561 = arith.xori %lt3A_558, %lt3A_560 : i1
      %and3A_562 = arith.andi %ne3A_561, %ne3A_556 : i1
      %add3A_563 = arith.addi %rem3A_554, %select_n3A_553 : i32
      %select_n3A_564 = arith.select %and3A_562, %add3A_563, %rem3A_554 : i32
      %dma_start3A_565 = arith.constant 0 : i32
      %dma_start3A_566 = tpu.memref_slice %arg6[%select_n3A_548, %select_n3A_564, %dma_start3A_565] : memref<2x64x192xf32, #tpu.memory_space<vmem>> -> memref<1x1x192xf32, #tpu.memory_space<vmem>>
      %dma_start3A_567 = tpu.memref_squeeze %dma_start3A_566 : memref<1x1x192xf32, #tpu.memory_space<vmem>> -> memref<192xf32, #tpu.memory_space<vmem>>
      %dma_start3A_568 = arith.constant 0 : i32
      %dma_start3A_569 = tpu.memref_slice %arg2[%squeeze3A_508, %select_n3A_524, %dma_start3A_568] : memref<1024x64x192xf32, #tpu.memory_space<hbm>> -> memref<1x1x192xf32, #tpu.memory_space<hbm>>
      %dma_start3A_570 = tpu.memref_squeeze %dma_start3A_569 : memref<1x1x192xf32, #tpu.memory_space<hbm>> -> memref<192xf32, #tpu.memory_space<hbm>>
      %dma_start3A_571 = arith.constant 0 : i32
      %dma_start3A_572 = tpu.memref_slice %arg6[%select_n3A_548, %select_n3A_564, %dma_start3A_571] : memref<2x64x192xf32, #tpu.memory_space<vmem>> -> memref<1x1x192xf32, #tpu.memory_space<vmem>>
      %dma_start3A_573 = tpu.memref_squeeze %dma_start3A_572 : memref<1x1x192xf32, #tpu.memory_space<vmem>> -> memref<192xf32, #tpu.memory_space<vmem>>
      %dma_start3A_574 = arith.constant 0 : i32
      %dma_start3A_575 = tpu.memref_slice %arg2[%squeeze3A_508, %select_n3A_524, %dma_start3A_574] : memref<1024x64x192xf32, #tpu.memory_space<hbm>> -> memref<1x1x192xf32, #tpu.memory_space<hbm>>
      %dma_start3A_576 = tpu.memref_squeeze %dma_start3A_575 : memref<1x1x192xf32, #tpu.memory_space<hbm>> -> memref<192xf32, #tpu.memory_space<hbm>>
      tpu.enqueue_dma source(%dma_start3A_576 : memref<192xf32, #tpu.memory_space<hbm>>) target(%dma_start3A_573 : memref<192xf32, #tpu.memory_space<vmem>>) target_semaphore(%arg7 : memref<!tpu.dma_semaphore, #tpu.memory_space<semaphore_mem>>)
      %mul3A_577 = arith.constant 16 : i32
      %mul3A_578 = arith.muli %scan3A_65, %mul3A_577 : i32
      %add3A_579 = arith.constant 7 : i32
      %add3A_580 = arith.addi %mul3A_578, %add3A_579 : i32
      %slice3A_581 = vector.extract_strided_slice %get3A_71 {offsets = [7], sizes = [1], strides = [1]} : vector<16xi32> to vector<1xi32>
      %squeeze3A_582 = vector.extract %slice3A_581[0] : i32 from vector<1xi32>
      %jit3A_583 = arith.constant 64 : i32
      %eq3A_584 = arith.constant 0 : i32
      %eq3A_585 = arith.cmpi eq, %jit3A_583, %eq3A_584 : i32
      %jit3A_586 = arith.constant 1 : i32
      %select_n3A_587 = arith.select %eq3A_585, %jit3A_586, %jit3A_583 : i32
      %rem3A_588 = arith.remsi %add3A_580, %select_n3A_587 : i32
      %ne3A_589 = arith.constant 0 : i32
      %ne3A_590 = arith.cmpi ne, %rem3A_588, %ne3A_589 : i32
      %lt3A_591 = arith.constant 0 : i32
      %lt3A_592 = arith.cmpi slt, %rem3A_588, %lt3A_591 : i32
      %lt3A_593 = arith.constant 0 : i32
      %lt3A_594 = arith.cmpi slt, %select_n3A_587, %lt3A_593 : i32
      %ne3A_595 = arith.xori %lt3A_592, %lt3A_594 : i1
      %and3A_596 = arith.andi %ne3A_595, %ne3A_590 : i1
      %add3A_597 = arith.addi %rem3A_588, %select_n3A_587 : i32
      %select_n3A_598 = arith.select %and3A_596, %add3A_597, %rem3A_588 : i32
      %jit3A_599 = arith.constant 64 : i32
      %div3A_600 = arith.divsi %add3A_580, %jit3A_599 : i32
      %sign3A_601 = arith.constant 0 : i32
      %sign3A_602 = arith.cmpi sgt, %add3A_580, %sign3A_601 : i32
      %sign3A_603 = arith.extui %sign3A_602 : i1 to i32
      %sign3A_604 = arith.constant 0 : i32
      %sign3A_605 = arith.cmpi slt, %add3A_580, %sign3A_604 : i32
      %sign3A_606 = arith.extui %sign3A_605 : i1 to i32
      %sign3A_607 = arith.subi %sign3A_603, %sign3A_606 : i32
      %sign3A_608 = arith.constant 0 : i32
      %sign3A_609 = arith.cmpi sgt, %jit3A_599, %sign3A_608 : i32
      %sign3A_610 = arith.extui %sign3A_609 : i1 to i32
      %sign3A_611 = arith.constant 0 : i32
      %sign3A_612 = arith.cmpi slt, %jit3A_599, %sign3A_611 : i32
      %sign3A_613 = arith.extui %sign3A_612 : i1 to i32
      %sign3A_614 = arith.subi %sign3A_610, %sign3A_613 : i32
      %ne3A_615 = arith.cmpi ne, %sign3A_607, %sign3A_614 : i32
      %rem3A_616 = arith.remsi %add3A_580, %jit3A_599 : i32
      %ne3A_617 = arith.constant 0 : i32
      %ne3A_618 = arith.cmpi ne, %rem3A_616, %ne3A_617 : i32
      %and3A_619 = arith.andi %ne3A_615, %ne3A_618 : i1
      %sub3A_620 = arith.constant 1 : i32
      %sub3A_621 = arith.subi %div3A_600, %sub3A_620 : i32
      %select_n3A_622 = arith.select %and3A_619, %sub3A_621, %div3A_600 : i32
      %jit3A_623 = arith.constant 64 : i32
      %eq3A_624 = arith.constant 0 : i32
      %eq3A_625 = arith.cmpi eq, %jit3A_623, %eq3A_624 : i32
      %jit3A_626 = arith.constant 1 : i32
      %select_n3A_627 = arith.select %eq3A_625, %jit3A_626, %jit3A_623 : i32
      %rem3A_628 = arith.remsi %add3A_580, %select_n3A_627 : i32
      %ne3A_629 = arith.constant 0 : i32
      %ne3A_630 = arith.cmpi ne, %rem3A_628, %ne3A_629 : i32
      %lt3A_631 = arith.constant 0 : i32
      %lt3A_632 = arith.cmpi slt, %rem3A_628, %lt3A_631 : i32
      %lt3A_633 = arith.constant 0 : i32
      %lt3A_634 = arith.cmpi slt, %select_n3A_627, %lt3A_633 : i32
      %ne3A_635 = arith.xori %lt3A_632, %lt3A_634 : i1
      %and3A_636 = arith.andi %ne3A_635, %ne3A_630 : i1
      %add3A_637 = arith.addi %rem3A_628, %select_n3A_627 : i32
      %select_n3A_638 = arith.select %and3A_636, %add3A_637, %rem3A_628 : i32
      %dma_start3A_639 = arith.constant 0 : i32
      %dma_start3A_640 = tpu.memref_slice %arg6[%select_n3A_622, %select_n3A_638, %dma_start3A_639] : memref<2x64x192xf32, #tpu.memory_space<vmem>> -> memref<1x1x192xf32, #tpu.memory_space<vmem>>
      %dma_start3A_641 = tpu.memref_squeeze %dma_start3A_640 : memref<1x1x192xf32, #tpu.memory_space<vmem>> -> memref<192xf32, #tpu.memory_space<vmem>>
      %dma_start3A_642 = arith.constant 0 : i32
      %dma_start3A_643 = tpu.memref_slice %arg2[%squeeze3A_582, %select_n3A_598, %dma_start3A_642] : memref<1024x64x192xf32, #tpu.memory_space<hbm>> -> memref<1x1x192xf32, #tpu.memory_space<hbm>>
      %dma_start3A_644 = tpu.memref_squeeze %dma_start3A_643 : memref<1x1x192xf32, #tpu.memory_space<hbm>> -> memref<192xf32, #tpu.memory_space<hbm>>
      %dma_start3A_645 = arith.constant 0 : i32
      %dma_start3A_646 = tpu.memref_slice %arg6[%select_n3A_622, %select_n3A_638, %dma_start3A_645] : memref<2x64x192xf32, #tpu.memory_space<vmem>> -> memref<1x1x192xf32, #tpu.memory_space<vmem>>
      %dma_start3A_647 = tpu.memref_squeeze %dma_start3A_646 : memref<1x1x192xf32, #tpu.memory_space<vmem>> -> memref<192xf32, #tpu.memory_space<vmem>>
      %dma_start3A_648 = arith.constant 0 : i32
      %dma_start3A_649 = tpu.memref_slice %arg2[%squeeze3A_582, %select_n3A_598, %dma_start3A_648] : memref<1024x64x192xf32, #tpu.memory_space<hbm>> -> memref<1x1x192xf32, #tpu.memory_space<hbm>>
      %dma_start3A_650 = tpu.memref_squeeze %dma_start3A_649 : memref<1x1x192xf32, #tpu.memory_space<hbm>> -> memref<192xf32, #tpu.memory_space<hbm>>
      tpu.enqueue_dma source(%dma_start3A_650 : memref<192xf32, #tpu.memory_space<hbm>>) target(%dma_start3A_647 : memref<192xf32, #tpu.memory_space<vmem>>) target_semaphore(%arg7 : memref<!tpu.dma_semaphore, #tpu.memory_space<semaphore_mem>>)
      %mul3A_651 = arith.constant 16 : i32
      %mul3A_652 = arith.muli %scan3A_65, %mul3A_651 : i32
      %add3A_653 = arith.constant 8 : i32
      %add3A_654 = arith.addi %mul3A_652, %add3A_653 : i32
      %slice3A_655 = vector.extract_strided_slice %get3A_71 {offsets = [8], sizes = [1], strides = [1]} : vector<16xi32> to vector<1xi32>
      %squeeze3A_656 = vector.extract %slice3A_655[0] : i32 from vector<1xi32>
      %jit3A_657 = arith.constant 64 : i32
      %eq3A_658 = arith.constant 0 : i32
      %eq3A_659 = arith.cmpi eq, %jit3A_657, %eq3A_658 : i32
      %jit3A_660 = arith.constant 1 : i32
      %select_n3A_661 = arith.select %eq3A_659, %jit3A_660, %jit3A_657 : i32
      %rem3A_662 = arith.remsi %add3A_654, %select_n3A_661 : i32
      %ne3A_663 = arith.constant 0 : i32
      %ne3A_664 = arith.cmpi ne, %rem3A_662, %ne3A_663 : i32
      %lt3A_665 = arith.constant 0 : i32
      %lt3A_666 = arith.cmpi slt, %rem3A_662, %lt3A_665 : i32
      %lt3A_667 = arith.constant 0 : i32
      %lt3A_668 = arith.cmpi slt, %select_n3A_661, %lt3A_667 : i32
      %ne3A_669 = arith.xori %lt3A_666, %lt3A_668 : i1
      %and3A_670 = arith.andi %ne3A_669, %ne3A_664 : i1
      %add3A_671 = arith.addi %rem3A_662, %select_n3A_661 : i32
      %select_n3A_672 = arith.select %and3A_670, %add3A_671, %rem3A_662 : i32
      %jit3A_673 = arith.constant 64 : i32
      %div3A_674 = arith.divsi %add3A_654, %jit3A_673 : i32
      %sign3A_675 = arith.constant 0 : i32
      %sign3A_676 = arith.cmpi sgt, %add3A_654, %sign3A_675 : i32
      %sign3A_677 = arith.extui %sign3A_676 : i1 to i32
      %sign3A_678 = arith.constant 0 : i32
      %sign3A_679 = arith.cmpi slt, %add3A_654, %sign3A_678 : i32
      %sign3A_680 = arith.extui %sign3A_679 : i1 to i32
      %sign3A_681 = arith.subi %sign3A_677, %sign3A_680 : i32
      %sign3A_682 = arith.constant 0 : i32
      %sign3A_683 = arith.cmpi sgt, %jit3A_673, %sign3A_682 : i32
      %sign3A_684 = arith.extui %sign3A_683 : i1 to i32
      %sign3A_685 = arith.constant 0 : i32
      %sign3A_686 = arith.cmpi slt, %jit3A_673, %sign3A_685 : i32
      %sign3A_687 = arith.extui %sign3A_686 : i1 to i32
      %sign3A_688 = arith.subi %sign3A_684, %sign3A_687 : i32
      %ne3A_689 = arith.cmpi ne, %sign3A_681, %sign3A_688 : i32
      %rem3A_690 = arith.remsi %add3A_654, %jit3A_673 : i32
      %ne3A_691 = arith.constant 0 : i32
      %ne3A_692 = arith.cmpi ne, %rem3A_690, %ne3A_691 : i32
      %and3A_693 = arith.andi %ne3A_689, %ne3A_692 : i1
      %sub3A_694 = arith.constant 1 : i32
      %sub3A_695 = arith.subi %div3A_674, %sub3A_694 : i32
      %select_n3A_696 = arith.select %and3A_693, %sub3A_695, %div3A_674 : i32
      %jit3A_697 = arith.constant 64 : i32
      %eq3A_698 = arith.constant 0 : i32
      %eq3A_699 = arith.cmpi eq, %jit3A_697, %eq3A_698 : i32
      %jit3A_700 = arith.constant 1 : i32
      %select_n3A_701 = arith.select %eq3A_699, %jit3A_700, %jit3A_697 : i32
      %rem3A_702 = arith.remsi %add3A_654, %select_n3A_701 : i32
      %ne3A_703 = arith.constant 0 : i32
      %ne3A_704 = arith.cmpi ne, %rem3A_702, %ne3A_703 : i32
      %lt3A_705 = arith.constant 0 : i32
      %lt3A_706 = arith.cmpi slt, %rem3A_702, %lt3A_705 : i32
      %lt3A_707 = arith.constant 0 : i32
      %lt3A_708 = arith.cmpi slt, %select_n3A_701, %lt3A_707 : i32
      %ne3A_709 = arith.xori %lt3A_706, %lt3A_708 : i1
      %and3A_710 = arith.andi %ne3A_709, %ne3A_704 : i1
      %add3A_711 = arith.addi %rem3A_702, %select_n3A_701 : i32
      %select_n3A_712 = arith.select %and3A_710, %add3A_711, %rem3A_702 : i32
      %dma_start3A_713 = arith.constant 0 : i32
      %dma_start3A_714 = tpu.memref_slice %arg6[%select_n3A_696, %select_n3A_712, %dma_start3A_713] : memref<2x64x192xf32, #tpu.memory_space<vmem>> -> memref<1x1x192xf32, #tpu.memory_space<vmem>>
      %dma_start3A_715 = tpu.memref_squeeze %dma_start3A_714 : memref<1x1x192xf32, #tpu.memory_space<vmem>> -> memref<192xf32, #tpu.memory_space<vmem>>
      %dma_start3A_716 = arith.constant 0 : i32
      %dma_start3A_717 = tpu.memref_slice %arg2[%squeeze3A_656, %select_n3A_672, %dma_start3A_716] : memref<1024x64x192xf32, #tpu.memory_space<hbm>> -> memref<1x1x192xf32, #tpu.memory_space<hbm>>
      %dma_start3A_718 = tpu.memref_squeeze %dma_start3A_717 : memref<1x1x192xf32, #tpu.memory_space<hbm>> -> memref<192xf32, #tpu.memory_space<hbm>>
      %dma_start3A_719 = arith.constant 0 : i32
      %dma_start3A_720 = tpu.memref_slice %arg6[%select_n3A_696, %select_n3A_712, %dma_start3A_719] : memref<2x64x192xf32, #tpu.memory_space<vmem>> -> memref<1x1x192xf32, #tpu.memory_space<vmem>>
      %dma_start3A_721 = tpu.memref_squeeze %dma_start3A_720 : memref<1x1x192xf32, #tpu.memory_space<vmem>> -> memref<192xf32, #tpu.memory_space<vmem>>
      %dma_start3A_722 = arith.constant 0 : i32
      %dma_start3A_723 = tpu.memref_slice %arg2[%squeeze3A_656, %select_n3A_672, %dma_start3A_722] : memref<1024x64x192xf32, #tpu.memory_space<hbm>> -> memref<1x1x192xf32, #tpu.memory_space<hbm>>
      %dma_start3A_724 = tpu.memref_squeeze %dma_start3A_723 : memref<1x1x192xf32, #tpu.memory_space<hbm>> -> memref<192xf32, #tpu.memory_space<hbm>>
      tpu.enqueue_dma source(%dma_start3A_724 : memref<192xf32, #tpu.memory_space<hbm>>) target(%dma_start3A_721 : memref<192xf32, #tpu.memory_space<vmem>>) target_semaphore(%arg7 : memref<!tpu.dma_semaphore, #tpu.memory_space<semaphore_mem>>)
      %mul3A_725 = arith.constant 16 : i32
      %mul3A_726 = arith.muli %scan3A_65, %mul3A_725 : i32
      %add3A_727 = arith.constant 9 : i32
      %add3A_728 = arith.addi %mul3A_726, %add3A_727 : i32
      %slice3A_729 = vector.extract_strided_slice %get3A_71 {offsets = [9], sizes = [1], strides = [1]} : vector<16xi32> to vector<1xi32>
      %squeeze3A_730 = vector.extract %slice3A_729[0] : i32 from vector<1xi32>
      %jit3A_731 = arith.constant 64 : i32
      %eq3A_732 = arith.constant 0 : i32
      %eq3A_733 = arith.cmpi eq, %jit3A_731, %eq3A_732 : i32
      %jit3A_734 = arith.constant 1 : i32
      %select_n3A_735 = arith.select %eq3A_733, %jit3A_734, %jit3A_731 : i32
      %rem3A_736 = arith.remsi %add3A_728, %select_n3A_735 : i32
      %ne3A_737 = arith.constant 0 : i32
      %ne3A_738 = arith.cmpi ne, %rem3A_736, %ne3A_737 : i32
      %lt3A_739 = arith.constant 0 : i32
      %lt3A_740 = arith.cmpi slt, %rem3A_736, %lt3A_739 : i32
      %lt3A_741 = arith.constant 0 : i32
      %lt3A_742 = arith.cmpi slt, %select_n3A_735, %lt3A_741 : i32
      %ne3A_743 = arith.xori %lt3A_740, %lt3A_742 : i1
      %and3A_744 = arith.andi %ne3A_743, %ne3A_738 : i1
      %add3A_745 = arith.addi %rem3A_736, %select_n3A_735 : i32
      %select_n3A_746 = arith.select %and3A_744, %add3A_745, %rem3A_736 : i32
      %jit3A_747 = arith.constant 64 : i32
      %div3A_748 = arith.divsi %add3A_728, %jit3A_747 : i32
      %sign3A_749 = arith.constant 0 : i32
      %sign3A_750 = arith.cmpi sgt, %add3A_728, %sign3A_749 : i32
      %sign3A_751 = arith.extui %sign3A_750 : i1 to i32
      %sign3A_752 = arith.constant 0 : i32
      %sign3A_753 = arith.cmpi slt, %add3A_728, %sign3A_752 : i32
      %sign3A_754 = arith.extui %sign3A_753 : i1 to i32
      %sign3A_755 = arith.subi %sign3A_751, %sign3A_754 : i32
      %sign3A_756 = arith.constant 0 : i32
      %sign3A_757 = arith.cmpi sgt, %jit3A_747, %sign3A_756 : i32
      %sign3A_758 = arith.extui %sign3A_757 : i1 to i32
      %sign3A_759 = arith.constant 0 : i32
      %sign3A_760 = arith.cmpi slt, %jit3A_747, %sign3A_759 : i32
      %sign3A_761 = arith.extui %sign3A_760 : i1 to i32
      %sign3A_762 = arith.subi %sign3A_758, %sign3A_761 : i32
      %ne3A_763 = arith.cmpi ne, %sign3A_755, %sign3A_762 : i32
      %rem3A_764 = arith.remsi %add3A_728, %jit3A_747 : i32
      %ne3A_765 = arith.constant 0 : i32
      %ne3A_766 = arith.cmpi ne, %rem3A_764, %ne3A_765 : i32
      %and3A_767 = arith.andi %ne3A_763, %ne3A_766 : i1
      %sub3A_768 = arith.constant 1 : i32
      %sub3A_769 = arith.subi %div3A_748, %sub3A_768 : i32
      %select_n3A_770 = arith.select %and3A_767, %sub3A_769, %div3A_748 : i32
      %jit3A_771 = arith.constant 64 : i32
      %eq3A_772 = arith.constant 0 : i32
      %eq3A_773 = arith.cmpi eq, %jit3A_771, %eq3A_772 : i32
      %jit3A_774 = arith.constant 1 : i32
      %select_n3A_775 = arith.select %eq3A_773, %jit3A_774, %jit3A_771 : i32
      %rem3A_776 = arith.remsi %add3A_728, %select_n3A_775 : i32
      %ne3A_777 = arith.constant 0 : i32
      %ne3A_778 = arith.cmpi ne, %rem3A_776, %ne3A_777 : i32
      %lt3A_779 = arith.constant 0 : i32
      %lt3A_780 = arith.cmpi slt, %rem3A_776, %lt3A_779 : i32
      %lt3A_781 = arith.constant 0 : i32
      %lt3A_782 = arith.cmpi slt, %select_n3A_775, %lt3A_781 : i32
      %ne3A_783 = arith.xori %lt3A_780, %lt3A_782 : i1
      %and3A_784 = arith.andi %ne3A_783, %ne3A_778 : i1
      %add3A_785 = arith.addi %rem3A_776, %select_n3A_775 : i32
      %select_n3A_786 = arith.select %and3A_784, %add3A_785, %rem3A_776 : i32
      %dma_start3A_787 = arith.constant 0 : i32
      %dma_start3A_788 = tpu.memref_slice %arg6[%select_n3A_770, %select_n3A_786, %dma_start3A_787] : memref<2x64x192xf32, #tpu.memory_space<vmem>> -> memref<1x1x192xf32, #tpu.memory_space<vmem>>
      %dma_start3A_789 = tpu.memref_squeeze %dma_start3A_788 : memref<1x1x192xf32, #tpu.memory_space<vmem>> -> memref<192xf32, #tpu.memory_space<vmem>>
      %dma_start3A_790 = arith.constant 0 : i32
      %dma_start3A_791 = tpu.memref_slice %arg2[%squeeze3A_730, %select_n3A_746, %dma_start3A_790] : memref<1024x64x192xf32, #tpu.memory_space<hbm>> -> memref<1x1x192xf32, #tpu.memory_space<hbm>>
      %dma_start3A_792 = tpu.memref_squeeze %dma_start3A_791 : memref<1x1x192xf32, #tpu.memory_space<hbm>> -> memref<192xf32, #tpu.memory_space<hbm>>
      %dma_start3A_793 = arith.constant 0 : i32
      %dma_start3A_794 = tpu.memref_slice %arg6[%select_n3A_770, %select_n3A_786, %dma_start3A_793] : memref<2x64x192xf32, #tpu.memory_space<vmem>> -> memref<1x1x192xf32, #tpu.memory_space<vmem>>
      %dma_start3A_795 = tpu.memref_squeeze %dma_start3A_794 : memref<1x1x192xf32, #tpu.memory_space<vmem>> -> memref<192xf32, #tpu.memory_space<vmem>>
      %dma_start3A_796 = arith.constant 0 : i32
      %dma_start3A_797 = tpu.memref_slice %arg2[%squeeze3A_730, %select_n3A_746, %dma_start3A_796] : memref<1024x64x192xf32, #tpu.memory_space<hbm>> -> memref<1x1x192xf32, #tpu.memory_space<hbm>>
      %dma_start3A_798 = tpu.memref_squeeze %dma_start3A_797 : memref<1x1x192xf32, #tpu.memory_space<hbm>> -> memref<192xf32, #tpu.memory_space<hbm>>
      tpu.enqueue_dma source(%dma_start3A_798 : memref<192xf32, #tpu.memory_space<hbm>>) target(%dma_start3A_795 : memref<192xf32, #tpu.memory_space<vmem>>) target_semaphore(%arg7 : memref<!tpu.dma_semaphore, #tpu.memory_space<semaphore_mem>>)
      %mul3A_799 = arith.constant 16 : i32
      %mul3A_800 = arith.muli %scan3A_65, %mul3A_799 : i32
      %add3A_801 = arith.constant 10 : i32
      %add3A_802 = arith.addi %mul3A_800, %add3A_801 : i32
      %slice3A_803 = vector.extract_strided_slice %get3A_71 {offsets = [10], sizes = [1], strides = [1]} : vector<16xi32> to vector<1xi32>
      %squeeze3A_804 = vector.extract %slice3A_803[0] : i32 from vector<1xi32>
      %jit3A_805 = arith.constant 64 : i32
      %eq3A_806 = arith.constant 0 : i32
      %eq3A_807 = arith.cmpi eq, %jit3A_805, %eq3A_806 : i32
      %jit3A_808 = arith.constant 1 : i32
      %select_n3A_809 = arith.select %eq3A_807, %jit3A_808, %jit3A_805 : i32
      %rem3A_810 = arith.remsi %add3A_802, %select_n3A_809 : i32
      %ne3A_811 = arith.constant 0 : i32
      %ne3A_812 = arith.cmpi ne, %rem3A_810, %ne3A_811 : i32
      %lt3A_813 = arith.constant 0 : i32
      %lt3A_814 = arith.cmpi slt, %rem3A_810, %lt3A_813 : i32
      %lt3A_815 = arith.constant 0 : i32
      %lt3A_816 = arith.cmpi slt, %select_n3A_809, %lt3A_815 : i32
      %ne3A_817 = arith.xori %lt3A_814, %lt3A_816 : i1
      %and3A_818 = arith.andi %ne3A_817, %ne3A_812 : i1
      %add3A_819 = arith.addi %rem3A_810, %select_n3A_809 : i32
      %select_n3A_820 = arith.select %and3A_818, %add3A_819, %rem3A_810 : i32
      %jit3A_821 = arith.constant 64 : i32
      %div3A_822 = arith.divsi %add3A_802, %jit3A_821 : i32
      %sign3A_823 = arith.constant 0 : i32
      %sign3A_824 = arith.cmpi sgt, %add3A_802, %sign3A_823 : i32
      %sign3A_825 = arith.extui %sign3A_824 : i1 to i32
      %sign3A_826 = arith.constant 0 : i32
      %sign3A_827 = arith.cmpi slt, %add3A_802, %sign3A_826 : i32
      %sign3A_828 = arith.extui %sign3A_827 : i1 to i32
      %sign3A_829 = arith.subi %sign3A_825, %sign3A_828 : i32
      %sign3A_830 = arith.constant 0 : i32
      %sign3A_831 = arith.cmpi sgt, %jit3A_821, %sign3A_830 : i32
      %sign3A_832 = arith.extui %sign3A_831 : i1 to i32
      %sign3A_833 = arith.constant 0 : i32
      %sign3A_834 = arith.cmpi slt, %jit3A_821, %sign3A_833 : i32
      %sign3A_835 = arith.extui %sign3A_834 : i1 to i32
      %sign3A_836 = arith.subi %sign3A_832, %sign3A_835 : i32
      %ne3A_837 = arith.cmpi ne, %sign3A_829, %sign3A_836 : i32
      %rem3A_838 = arith.remsi %add3A_802, %jit3A_821 : i32
      %ne3A_839 = arith.constant 0 : i32
      %ne3A_840 = arith.cmpi ne, %rem3A_838, %ne3A_839 : i32
      %and3A_841 = arith.andi %ne3A_837, %ne3A_840 : i1
      %sub3A_842 = arith.constant 1 : i32
      %sub3A_843 = arith.subi %div3A_822, %sub3A_842 : i32
      %select_n3A_844 = arith.select %and3A_841, %sub3A_843, %div3A_822 : i32
      %jit3A_845 = arith.constant 64 : i32
      %eq3A_846 = arith.constant 0 : i32
      %eq3A_847 = arith.cmpi eq, %jit3A_845, %eq3A_846 : i32
      %jit3A_848 = arith.constant 1 : i32
      %select_n3A_849 = arith.select %eq3A_847, %jit3A_848, %jit3A_845 : i32
      %rem3A_850 = arith.remsi %add3A_802, %select_n3A_849 : i32
      %ne3A_851 = arith.constant 0 : i32
      %ne3A_852 = arith.cmpi ne, %rem3A_850, %ne3A_851 : i32
      %lt3A_853 = arith.constant 0 : i32
      %lt3A_854 = arith.cmpi slt, %rem3A_850, %lt3A_853 : i32
      %lt3A_855 = arith.constant 0 : i32
      %lt3A_856 = arith.cmpi slt, %select_n3A_849, %lt3A_855 : i32
      %ne3A_857 = arith.xori %lt3A_854, %lt3A_856 : i1
      %and3A_858 = arith.andi %ne3A_857, %ne3A_852 : i1
      %add3A_859 = arith.addi %rem3A_850, %select_n3A_849 : i32
      %select_n3A_860 = arith.select %and3A_858, %add3A_859, %rem3A_850 : i32
      %dma_start3A_861 = arith.constant 0 : i32
      %dma_start3A_862 = tpu.memref_slice %arg6[%select_n3A_844, %select_n3A_860, %dma_start3A_861] : memref<2x64x192xf32, #tpu.memory_space<vmem>> -> memref<1x1x192xf32, #tpu.memory_space<vmem>>
      %dma_start3A_863 = tpu.memref_squeeze %dma_start3A_862 : memref<1x1x192xf32, #tpu.memory_space<vmem>> -> memref<192xf32, #tpu.memory_space<vmem>>
      %dma_start3A_864 = arith.constant 0 : i32
      %dma_start3A_865 = tpu.memref_slice %arg2[%squeeze3A_804, %select_n3A_820, %dma_start3A_864] : memref<1024x64x192xf32, #tpu.memory_space<hbm>> -> memref<1x1x192xf32, #tpu.memory_space<hbm>>
      %dma_start3A_866 = tpu.memref_squeeze %dma_start3A_865 : memref<1x1x192xf32, #tpu.memory_space<hbm>> -> memref<192xf32, #tpu.memory_space<hbm>>
      %dma_start3A_867 = arith.constant 0 : i32
      %dma_start3A_868 = tpu.memref_slice %arg6[%select_n3A_844, %select_n3A_860, %dma_start3A_867] : memref<2x64x192xf32, #tpu.memory_space<vmem>> -> memref<1x1x192xf32, #tpu.memory_space<vmem>>
      %dma_start3A_869 = tpu.memref_squeeze %dma_start3A_868 : memref<1x1x192xf32, #tpu.memory_space<vmem>> -> memref<192xf32, #tpu.memory_space<vmem>>
      %dma_start3A_870 = arith.constant 0 : i32
      %dma_start3A_871 = tpu.memref_slice %arg2[%squeeze3A_804, %select_n3A_820, %dma_start3A_870] : memref<1024x64x192xf32, #tpu.memory_space<hbm>> -> memref<1x1x192xf32, #tpu.memory_space<hbm>>
      %dma_start3A_872 = tpu.memref_squeeze %dma_start3A_871 : memref<1x1x192xf32, #tpu.memory_space<hbm>> -> memref<192xf32, #tpu.memory_space<hbm>>
      tpu.enqueue_dma source(%dma_start3A_872 : memref<192xf32, #tpu.memory_space<hbm>>) target(%dma_start3A_869 : memref<192xf32, #tpu.memory_space<vmem>>) target_semaphore(%arg7 : memref<!tpu.dma_semaphore, #tpu.memory_space<semaphore_mem>>)
      %mul3A_873 = arith.constant 16 : i32
      %mul3A_874 = arith.muli %scan3A_65, %mul3A_873 : i32
      %add3A_875 = arith.constant 11 : i32
      %add3A_876 = arith.addi %mul3A_874, %add3A_875 : i32
      %slice3A_877 = vector.extract_strided_slice %get3A_71 {offsets = [11], sizes = [1], strides = [1]} : vector<16xi32> to vector<1xi32>
      %squeeze3A_878 = vector.extract %slice3A_877[0] : i32 from vector<1xi32>
      %jit3A_879 = arith.constant 64 : i32
      %eq3A_880 = arith.constant 0 : i32
      %eq3A_881 = arith.cmpi eq, %jit3A_879, %eq3A_880 : i32
      %jit3A_882 = arith.constant 1 : i32
      %select_n3A_883 = arith.select %eq3A_881, %jit3A_882, %jit3A_879 : i32
      %rem3A_884 = arith.remsi %add3A_876, %select_n3A_883 : i32
      %ne3A_885 = arith.constant 0 : i32
      %ne3A_886 = arith.cmpi ne, %rem3A_884, %ne3A_885 : i32
      %lt3A_887 = arith.constant 0 : i32
      %lt3A_888 = arith.cmpi slt, %rem3A_884, %lt3A_887 : i32
      %lt3A_889 = arith.constant 0 : i32
      %lt3A_890 = arith.cmpi slt, %select_n3A_883, %lt3A_889 : i32
      %ne3A_891 = arith.xori %lt3A_888, %lt3A_890 : i1
      %and3A_892 = arith.andi %ne3A_891, %ne3A_886 : i1
      %add3A_893 = arith.addi %rem3A_884, %select_n3A_883 : i32
      %select_n3A_894 = arith.select %and3A_892, %add3A_893, %rem3A_884 : i32
      %jit3A_895 = arith.constant 64 : i32
      %div3A_896 = arith.divsi %add3A_876, %jit3A_895 : i32
      %sign3A_897 = arith.constant 0 : i32
      %sign3A_898 = arith.cmpi sgt, %add3A_876, %sign3A_897 : i32
      %sign3A_899 = arith.extui %sign3A_898 : i1 to i32
      %sign3A_900 = arith.constant 0 : i32
      %sign3A_901 = arith.cmpi slt, %add3A_876, %sign3A_900 : i32
      %sign3A_902 = arith.extui %sign3A_901 : i1 to i32
      %sign3A_903 = arith.subi %sign3A_899, %sign3A_902 : i32
      %sign3A_904 = arith.constant 0 : i32
      %sign3A_905 = arith.cmpi sgt, %jit3A_895, %sign3A_904 : i32
      %sign3A_906 = arith.extui %sign3A_905 : i1 to i32
      %sign3A_907 = arith.constant 0 : i32
      %sign3A_908 = arith.cmpi slt, %jit3A_895, %sign3A_907 : i32
      %sign3A_909 = arith.extui %sign3A_908 : i1 to i32
      %sign3A_910 = arith.subi %sign3A_906, %sign3A_909 : i32
      %ne3A_911 = arith.cmpi ne, %sign3A_903, %sign3A_910 : i32
      %rem3A_912 = arith.remsi %add3A_876, %jit3A_895 : i32
      %ne3A_913 = arith.constant 0 : i32
      %ne3A_914 = arith.cmpi ne, %rem3A_912, %ne3A_913 : i32
      %and3A_915 = arith.andi %ne3A_911, %ne3A_914 : i1
      %sub3A_916 = arith.constant 1 : i32
      %sub3A_917 = arith.subi %div3A_896, %sub3A_916 : i32
      %select_n3A_918 = arith.select %and3A_915, %sub3A_917, %div3A_896 : i32
      %jit3A_919 = arith.constant 64 : i32
      %eq3A_920 = arith.constant 0 : i32
      %eq3A_921 = arith.cmpi eq, %jit3A_919, %eq3A_920 : i32
      %jit3A_922 = arith.constant 1 : i32
      %select_n3A_923 = arith.select %eq3A_921, %jit3A_922, %jit3A_919 : i32
      %rem3A_924 = arith.remsi %add3A_876, %select_n3A_923 : i32
      %ne3A_925 = arith.constant 0 : i32
      %ne3A_926 = arith.cmpi ne, %rem3A_924, %ne3A_925 : i32
      %lt3A_927 = arith.constant 0 : i32
      %lt3A_928 = arith.cmpi slt, %rem3A_924, %lt3A_927 : i32
      %lt3A_929 = arith.constant 0 : i32
      %lt3A_930 = arith.cmpi slt, %select_n3A_923, %lt3A_929 : i32
      %ne3A_931 = arith.xori %lt3A_928, %lt3A_930 : i1
      %and3A_932 = arith.andi %ne3A_931, %ne3A_926 : i1
      %add3A_933 = arith.addi %rem3A_924, %select_n3A_923 : i32
      %select_n3A_934 = arith.select %and3A_932, %add3A_933, %rem3A_924 : i32
      %dma_start3A_935 = arith.constant 0 : i32
      %dma_start3A_936 = tpu.memref_slice %arg6[%select_n3A_918, %select_n3A_934, %dma_start3A_935] : memref<2x64x192xf32, #tpu.memory_space<vmem>> -> memref<1x1x192xf32, #tpu.memory_space<vmem>>
      %dma_start3A_937 = tpu.memref_squeeze %dma_start3A_936 : memref<1x1x192xf32, #tpu.memory_space<vmem>> -> memref<192xf32, #tpu.memory_space<vmem>>
      %dma_start3A_938 = arith.constant 0 : i32
      %dma_start3A_939 = tpu.memref_slice %arg2[%squeeze3A_878, %select_n3A_894, %dma_start3A_938] : memref<1024x64x192xf32, #tpu.memory_space<hbm>> -> memref<1x1x192xf32, #tpu.memory_space<hbm>>
      %dma_start3A_940 = tpu.memref_squeeze %dma_start3A_939 : memref<1x1x192xf32, #tpu.memory_space<hbm>> -> memref<192xf32, #tpu.memory_space<hbm>>
      %dma_start3A_941 = arith.constant 0 : i32
      %dma_start3A_942 = tpu.memref_slice %arg6[%select_n3A_918, %select_n3A_934, %dma_start3A_941] : memref<2x64x192xf32, #tpu.memory_space<vmem>> -> memref<1x1x192xf32, #tpu.memory_space<vmem>>
      %dma_start3A_943 = tpu.memref_squeeze %dma_start3A_942 : memref<1x1x192xf32, #tpu.memory_space<vmem>> -> memref<192xf32, #tpu.memory_space<vmem>>
      %dma_start3A_944 = arith.constant 0 : i32
      %dma_start3A_945 = tpu.memref_slice %arg2[%squeeze3A_878, %select_n3A_894, %dma_start3A_944] : memref<1024x64x192xf32, #tpu.memory_space<hbm>> -> memref<1x1x192xf32, #tpu.memory_space<hbm>>
      %dma_start3A_946 = tpu.memref_squeeze %dma_start3A_945 : memref<1x1x192xf32, #tpu.memory_space<hbm>> -> memref<192xf32, #tpu.memory_space<hbm>>
      tpu.enqueue_dma source(%dma_start3A_946 : memref<192xf32, #tpu.memory_space<hbm>>) target(%dma_start3A_943 : memref<192xf32, #tpu.memory_space<vmem>>) target_semaphore(%arg7 : memref<!tpu.dma_semaphore, #tpu.memory_space<semaphore_mem>>)
      %mul3A_947 = arith.constant 16 : i32
      %mul3A_948 = arith.muli %scan3A_65, %mul3A_947 : i32
      %add3A_949 = arith.constant 12 : i32
      %add3A_950 = arith.addi %mul3A_948, %add3A_949 : i32
      %slice3A_951 = vector.extract_strided_slice %get3A_71 {offsets = [12], sizes = [1], strides = [1]} : vector<16xi32> to vector<1xi32>
      %squeeze3A_952 = vector.extract %slice3A_951[0] : i32 from vector<1xi32>
      %jit3A_953 = arith.constant 64 : i32
      %eq3A_954 = arith.constant 0 : i32
      %eq3A_955 = arith.cmpi eq, %jit3A_953, %eq3A_954 : i32
      %jit3A_956 = arith.constant 1 : i32
      %select_n3A_957 = arith.select %eq3A_955, %jit3A_956, %jit3A_953 : i32
      %rem3A_958 = arith.remsi %add3A_950, %select_n3A_957 : i32
      %ne3A_959 = arith.constant 0 : i32
      %ne3A_960 = arith.cmpi ne, %rem3A_958, %ne3A_959 : i32
      %lt3A_961 = arith.constant 0 : i32
      %lt3A_962 = arith.cmpi slt, %rem3A_958, %lt3A_961 : i32
      %lt3A_963 = arith.constant 0 : i32
      %lt3A_964 = arith.cmpi slt, %select_n3A_957, %lt3A_963 : i32
      %ne3A_965 = arith.xori %lt3A_962, %lt3A_964 : i1
      %and3A_966 = arith.andi %ne3A_965, %ne3A_960 : i1
      %add3A_967 = arith.addi %rem3A_958, %select_n3A_957 : i32
      %select_n3A_968 = arith.select %and3A_966, %add3A_967, %rem3A_958 : i32
      %jit3A_969 = arith.constant 64 : i32
      %div3A_970 = arith.divsi %add3A_950, %jit3A_969 : i32
      %sign3A_971 = arith.constant 0 : i32
      %sign3A_972 = arith.cmpi sgt, %add3A_950, %sign3A_971 : i32
      %sign3A_973 = arith.extui %sign3A_972 : i1 to i32
      %sign3A_974 = arith.constant 0 : i32
      %sign3A_975 = arith.cmpi slt, %add3A_950, %sign3A_974 : i32
      %sign3A_976 = arith.extui %sign3A_975 : i1 to i32
      %sign3A_977 = arith.subi %sign3A_973, %sign3A_976 : i32
      %sign3A_978 = arith.constant 0 : i32
      %sign3A_979 = arith.cmpi sgt, %jit3A_969, %sign3A_978 : i32
      %sign3A_980 = arith.extui %sign3A_979 : i1 to i32
      %sign3A_981 = arith.constant 0 : i32
      %sign3A_982 = arith.cmpi slt, %jit3A_969, %sign3A_981 : i32
      %sign3A_983 = arith.extui %sign3A_982 : i1 to i32
      %sign3A_984 = arith.subi %sign3A_980, %sign3A_983 : i32
      %ne3A_985 = arith.cmpi ne, %sign3A_977, %sign3A_984 : i32
      %rem3A_986 = arith.remsi %add3A_950, %jit3A_969 : i32
      %ne3A_987 = arith.constant 0 : i32
      %ne3A_988 = arith.cmpi ne, %rem3A_986, %ne3A_987 : i32
      %and3A_989 = arith.andi %ne3A_985, %ne3A_988 : i1
      %sub3A_990 = arith.constant 1 : i32
      %sub3A_991 = arith.subi %div3A_970, %sub3A_990 : i32
      %select_n3A_992 = arith.select %and3A_989, %sub3A_991, %div3A_970 : i32
      %jit3A_993 = arith.constant 64 : i32
      %eq3A_994 = arith.constant 0 : i32
      %eq3A_995 = arith.cmpi eq, %jit3A_993, %eq3A_994 : i32
      %jit3A_996 = arith.constant 1 : i32
      %select_n3A_997 = arith.select %eq3A_995, %jit3A_996, %jit3A_993 : i32
      %rem3A_998 = arith.remsi %add3A_950, %select_n3A_997 : i32
      %ne3A_999 = arith.constant 0 : i32
      %ne3A_1000 = arith.cmpi ne, %rem3A_998, %ne3A_999 : i32
      %lt3A_1001 = arith.constant 0 : i32
      %lt3A_1002 = arith.cmpi slt, %rem3A_998, %lt3A_1001 : i32
      %lt3A_1003 = arith.constant 0 : i32
      %lt3A_1004 = arith.cmpi slt, %select_n3A_997, %lt3A_1003 : i32
      %ne3A_1005 = arith.xori %lt3A_1002, %lt3A_1004 : i1
      %and3A_1006 = arith.andi %ne3A_1005, %ne3A_1000 : i1
      %add3A_1007 = arith.addi %rem3A_998, %select_n3A_997 : i32
      %select_n3A_1008 = arith.select %and3A_1006, %add3A_1007, %rem3A_998 : i32
      %dma_start3A_1009 = arith.constant 0 : i32
      %dma_start3A_1010 = tpu.memref_slice %arg6[%select_n3A_992, %select_n3A_1008, %dma_start3A_1009] : memref<2x64x192xf32, #tpu.memory_space<vmem>> -> memref<1x1x192xf32, #tpu.memory_space<vmem>>
      %dma_start3A_1011 = tpu.memref_squeeze %dma_start3A_1010 : memref<1x1x192xf32, #tpu.memory_space<vmem>> -> memref<192xf32, #tpu.memory_space<vmem>>
      %dma_start3A_1012 = arith.constant 0 : i32
      %dma_start3A_1013 = tpu.memref_slice %arg2[%squeeze3A_952, %select_n3A_968, %dma_start3A_1012] : memref<1024x64x192xf32, #tpu.memory_space<hbm>> -> memref<1x1x192xf32, #tpu.memory_space<hbm>>
      %dma_start3A_1014 = tpu.memref_squeeze %dma_start3A_1013 : memref<1x1x192xf32, #tpu.memory_space<hbm>> -> memref<192xf32, #tpu.memory_space<hbm>>
      %dma_start3A_1015 = arith.constant 0 : i32
      %dma_start3A_1016 = tpu.memref_slice %arg6[%select_n3A_992, %select_n3A_1008, %dma_start3A_1015] : memref<2x64x192xf32, #tpu.memory_space<vmem>> -> memref<1x1x192xf32, #tpu.memory_space<vmem>>
      %dma_start3A_1017 = tpu.memref_squeeze %dma_start3A_1016 : memref<1x1x192xf32, #tpu.memory_space<vmem>> -> memref<192xf32, #tpu.memory_space<vmem>>
      %dma_start3A_1018 = arith.constant 0 : i32
      %dma_start3A_1019 = tpu.memref_slice %arg2[%squeeze3A_952, %select_n3A_968, %dma_start3A_1018] : memref<1024x64x192xf32, #tpu.memory_space<hbm>> -> memref<1x1x192xf32, #tpu.memory_space<hbm>>
      %dma_start3A_1020 = tpu.memref_squeeze %dma_start3A_1019 : memref<1x1x192xf32, #tpu.memory_space<hbm>> -> memref<192xf32, #tpu.memory_space<hbm>>
      tpu.enqueue_dma source(%dma_start3A_1020 : memref<192xf32, #tpu.memory_space<hbm>>) target(%dma_start3A_1017 : memref<192xf32, #tpu.memory_space<vmem>>) target_semaphore(%arg7 : memref<!tpu.dma_semaphore, #tpu.memory_space<semaphore_mem>>)
      %mul3A_1021 = arith.constant 16 : i32
      %mul3A_1022 = arith.muli %scan3A_65, %mul3A_1021 : i32
      %add3A_1023 = arith.constant 13 : i32
      %add3A_1024 = arith.addi %mul3A_1022, %add3A_1023 : i32
      %slice3A_1025 = vector.extract_strided_slice %get3A_71 {offsets = [13], sizes = [1], strides = [1]} : vector<16xi32> to vector<1xi32>
      %squeeze3A_1026 = vector.extract %slice3A_1025[0] : i32 from vector<1xi32>
      %jit3A_1027 = arith.constant 64 : i32
      %eq3A_1028 = arith.constant 0 : i32
      %eq3A_1029 = arith.cmpi eq, %jit3A_1027, %eq3A_1028 : i32
      %jit3A_1030 = arith.constant 1 : i32
      %select_n3A_1031 = arith.select %eq3A_1029, %jit3A_1030, %jit3A_1027 : i32
      %rem3A_1032 = arith.remsi %add3A_1024, %select_n3A_1031 : i32
      %ne3A_1033 = arith.constant 0 : i32
      %ne3A_1034 = arith.cmpi ne, %rem3A_1032, %ne3A_1033 : i32
      %lt3A_1035 = arith.constant 0 : i32
      %lt3A_1036 = arith.cmpi slt, %rem3A_1032, %lt3A_1035 : i32
      %lt3A_1037 = arith.constant 0 : i32
      %lt3A_1038 = arith.cmpi slt, %select_n3A_1031, %lt3A_1037 : i32
      %ne3A_1039 = arith.xori %lt3A_1036, %lt3A_1038 : i1
      %and3A_1040 = arith.andi %ne3A_1039, %ne3A_1034 : i1
      %add3A_1041 = arith.addi %rem3A_1032, %select_n3A_1031 : i32
      %select_n3A_1042 = arith.select %and3A_1040, %add3A_1041, %rem3A_1032 : i32
      %jit3A_1043 = arith.constant 64 : i32
      %div3A_1044 = arith.divsi %add3A_1024, %jit3A_1043 : i32
      %sign3A_1045 = arith.constant 0 : i32
      %sign3A_1046 = arith.cmpi sgt, %add3A_1024, %sign3A_1045 : i32
      %sign3A_1047 = arith.extui %sign3A_1046 : i1 to i32
      %sign3A_1048 = arith.constant 0 : i32
      %sign3A_1049 = arith.cmpi slt, %add3A_1024, %sign3A_1048 : i32
      %sign3A_1050 = arith.extui %sign3A_1049 : i1 to i32
      %sign3A_1051 = arith.subi %sign3A_1047, %sign3A_1050 : i32
      %sign3A_1052 = arith.constant 0 : i32
      %sign3A_1053 = arith.cmpi sgt, %jit3A_1043, %sign3A_1052 : i32
      %sign3A_1054 = arith.extui %sign3A_1053 : i1 to i32
      %sign3A_1055 = arith.constant 0 : i32
      %sign3A_1056 = arith.cmpi slt, %jit3A_1043, %sign3A_1055 : i32
      %sign3A_1057 = arith.extui %sign3A_1056 : i1 to i32
      %sign3A_1058 = arith.subi %sign3A_1054, %sign3A_1057 : i32
      %ne3A_1059 = arith.cmpi ne, %sign3A_1051, %sign3A_1058 : i32
      %rem3A_1060 = arith.remsi %add3A_1024, %jit3A_1043 : i32
      %ne3A_1061 = arith.constant 0 : i32
      %ne3A_1062 = arith.cmpi ne, %rem3A_1060, %ne3A_1061 : i32
      %and3A_1063 = arith.andi %ne3A_1059, %ne3A_1062 : i1
      %sub3A_1064 = arith.constant 1 : i32
      %sub3A_1065 = arith.subi %div3A_1044, %sub3A_1064 : i32
      %select_n3A_1066 = arith.select %and3A_1063, %sub3A_1065, %div3A_1044 : i32
      %jit3A_1067 = arith.constant 64 : i32
      %eq3A_1068 = arith.constant 0 : i32
      %eq3A_1069 = arith.cmpi eq, %jit3A_1067, %eq3A_1068 : i32
      %jit3A_1070 = arith.constant 1 : i32
      %select_n3A_1071 = arith.select %eq3A_1069, %jit3A_1070, %jit3A_1067 : i32
      %rem3A_1072 = arith.remsi %add3A_1024, %select_n3A_1071 : i32
      %ne3A_1073 = arith.constant 0 : i32
      %ne3A_1074 = arith.cmpi ne, %rem3A_1072, %ne3A_1073 : i32
      %lt3A_1075 = arith.constant 0 : i32
      %lt3A_1076 = arith.cmpi slt, %rem3A_1072, %lt3A_1075 : i32
      %lt3A_1077 = arith.constant 0 : i32
      %lt3A_1078 = arith.cmpi slt, %select_n3A_1071, %lt3A_1077 : i32
      %ne3A_1079 = arith.xori %lt3A_1076, %lt3A_1078 : i1
      %and3A_1080 = arith.andi %ne3A_1079, %ne3A_1074 : i1
      %add3A_1081 = arith.addi %rem3A_1072, %select_n3A_1071 : i32
      %select_n3A_1082 = arith.select %and3A_1080, %add3A_1081, %rem3A_1072 : i32
      %dma_start3A_1083 = arith.constant 0 : i32
      %dma_start3A_1084 = tpu.memref_slice %arg6[%select_n3A_1066, %select_n3A_1082, %dma_start3A_1083] : memref<2x64x192xf32, #tpu.memory_space<vmem>> -> memref<1x1x192xf32, #tpu.memory_space<vmem>>
      %dma_start3A_1085 = tpu.memref_squeeze %dma_start3A_1084 : memref<1x1x192xf32, #tpu.memory_space<vmem>> -> memref<192xf32, #tpu.memory_space<vmem>>
      %dma_start3A_1086 = arith.constant 0 : i32
      %dma_start3A_1087 = tpu.memref_slice %arg2[%squeeze3A_1026, %select_n3A_1042, %dma_start3A_1086] : memref<1024x64x192xf32, #tpu.memory_space<hbm>> -> memref<1x1x192xf32, #tpu.memory_space<hbm>>
      %dma_start3A_1088 = tpu.memref_squeeze %dma_start3A_1087 : memref<1x1x192xf32, #tpu.memory_space<hbm>> -> memref<192xf32, #tpu.memory_space<hbm>>
      %dma_start3A_1089 = arith.constant 0 : i32
      %dma_start3A_1090 = tpu.memref_slice %arg6[%select_n3A_1066, %select_n3A_1082, %dma_start3A_1089] : memref<2x64x192xf32, #tpu.memory_space<vmem>> -> memref<1x1x192xf32, #tpu.memory_space<vmem>>
      %dma_start3A_1091 = tpu.memref_squeeze %dma_start3A_1090 : memref<1x1x192xf32, #tpu.memory_space<vmem>> -> memref<192xf32, #tpu.memory_space<vmem>>
      %dma_start3A_1092 = arith.constant 0 : i32
      %dma_start3A_1093 = tpu.memref_slice %arg2[%squeeze3A_1026, %select_n3A_1042, %dma_start3A_1092] : memref<1024x64x192xf32, #tpu.memory_space<hbm>> -> memref<1x1x192xf32, #tpu.memory_space<hbm>>
      %dma_start3A_1094 = tpu.memref_squeeze %dma_start3A_1093 : memref<1x1x192xf32, #tpu.memory_space<hbm>> -> memref<192xf32, #tpu.memory_space<hbm>>
      tpu.enqueue_dma source(%dma_start3A_1094 : memref<192xf32, #tpu.memory_space<hbm>>) target(%dma_start3A_1091 : memref<192xf32, #tpu.memory_space<vmem>>) target_semaphore(%arg7 : memref<!tpu.dma_semaphore, #tpu.memory_space<semaphore_mem>>)
      %mul3A_1095 = arith.constant 16 : i32
      %mul3A_1096 = arith.muli %scan3A_65, %mul3A_1095 : i32
      %add3A_1097 = arith.constant 14 : i32
      %add3A_1098 = arith.addi %mul3A_1096, %add3A_1097 : i32
      %slice3A_1099 = vector.extract_strided_slice %get3A_71 {offsets = [14], sizes = [1], strides = [1]} : vector<16xi32> to vector<1xi32>
      %squeeze3A_1100 = vector.extract %slice3A_1099[0] : i32 from vector<1xi32>
      %jit3A_1101 = arith.constant 64 : i32
      %eq3A_1102 = arith.constant 0 : i32
      %eq3A_1103 = arith.cmpi eq, %jit3A_1101, %eq3A_1102 : i32
      %jit3A_1104 = arith.constant 1 : i32
      %select_n3A_1105 = arith.select %eq3A_1103, %jit3A_1104, %jit3A_1101 : i32
      %rem3A_1106 = arith.remsi %add3A_1098, %select_n3A_1105 : i32
      %ne3A_1107 = arith.constant 0 : i32
      %ne3A_1108 = arith.cmpi ne, %rem3A_1106, %ne3A_1107 : i32
      %lt3A_1109 = arith.constant 0 : i32
      %lt3A_1110 = arith.cmpi slt, %rem3A_1106, %lt3A_1109 : i32
      %lt3A_1111 = arith.constant 0 : i32
      %lt3A_1112 = arith.cmpi slt, %select_n3A_1105, %lt3A_1111 : i32
      %ne3A_1113 = arith.xori %lt3A_1110, %lt3A_1112 : i1
      %and3A_1114 = arith.andi %ne3A_1113, %ne3A_1108 : i1
      %add3A_1115 = arith.addi %rem3A_1106, %select_n3A_1105 : i32
      %select_n3A_1116 = arith.select %and3A_1114, %add3A_1115, %rem3A_1106 : i32
      %jit3A_1117 = arith.constant 64 : i32
      %div3A_1118 = arith.divsi %add3A_1098, %jit3A_1117 : i32
      %sign3A_1119 = arith.constant 0 : i32
      %sign3A_1120 = arith.cmpi sgt, %add3A_1098, %sign3A_1119 : i32
      %sign3A_1121 = arith.extui %sign3A_1120 : i1 to i32
      %sign3A_1122 = arith.constant 0 : i32
      %sign3A_1123 = arith.cmpi slt, %add3A_1098, %sign3A_1122 : i32
      %sign3A_1124 = arith.extui %sign3A_1123 : i1 to i32
      %sign3A_1125 = arith.subi %sign3A_1121, %sign3A_1124 : i32
      %sign3A_1126 = arith.constant 0 : i32
      %sign3A_1127 = arith.cmpi sgt, %jit3A_1117, %sign3A_1126 : i32
      %sign3A_1128 = arith.extui %sign3A_1127 : i1 to i32
      %sign3A_1129 = arith.constant 0 : i32
      %sign3A_1130 = arith.cmpi slt, %jit3A_1117, %sign3A_1129 : i32
      %sign3A_1131 = arith.extui %sign3A_1130 : i1 to i32
      %sign3A_1132 = arith.subi %sign3A_1128, %sign3A_1131 : i32
      %ne3A_1133 = arith.cmpi ne, %sign3A_1125, %sign3A_1132 : i32
      %rem3A_1134 = arith.remsi %add3A_1098, %jit3A_1117 : i32
      %ne3A_1135 = arith.constant 0 : i32
      %ne3A_1136 = arith.cmpi ne, %rem3A_1134, %ne3A_1135 : i32
      %and3A_1137 = arith.andi %ne3A_1133, %ne3A_1136 : i1
      %sub3A_1138 = arith.constant 1 : i32
      %sub3A_1139 = arith.subi %div3A_1118, %sub3A_1138 : i32
      %select_n3A_1140 = arith.select %and3A_1137, %sub3A_1139, %div3A_1118 : i32
      %jit3A_1141 = arith.constant 64 : i32
      %eq3A_1142 = arith.constant 0 : i32
      %eq3A_1143 = arith.cmpi eq, %jit3A_1141, %eq3A_1142 : i32
      %jit3A_1144 = arith.constant 1 : i32
      %select_n3A_1145 = arith.select %eq3A_1143, %jit3A_1144, %jit3A_1141 : i32
      %rem3A_1146 = arith.remsi %add3A_1098, %select_n3A_1145 : i32
      %ne3A_1147 = arith.constant 0 : i32
      %ne3A_1148 = arith.cmpi ne, %rem3A_1146, %ne3A_1147 : i32
      %lt3A_1149 = arith.constant 0 : i32
      %lt3A_1150 = arith.cmpi slt, %rem3A_1146, %lt3A_1149 : i32
      %lt3A_1151 = arith.constant 0 : i32
      %lt3A_1152 = arith.cmpi slt, %select_n3A_1145, %lt3A_1151 : i32
      %ne3A_1153 = arith.xori %lt3A_1150, %lt3A_1152 : i1
      %and3A_1154 = arith.andi %ne3A_1153, %ne3A_1148 : i1
      %add3A_1155 = arith.addi %rem3A_1146, %select_n3A_1145 : i32
      %select_n3A_1156 = arith.select %and3A_1154, %add3A_1155, %rem3A_1146 : i32
      %dma_start3A_1157 = arith.constant 0 : i32
      %dma_start3A_1158 = tpu.memref_slice %arg6[%select_n3A_1140, %select_n3A_1156, %dma_start3A_1157] : memref<2x64x192xf32, #tpu.memory_space<vmem>> -> memref<1x1x192xf32, #tpu.memory_space<vmem>>
      %dma_start3A_1159 = tpu.memref_squeeze %dma_start3A_1158 : memref<1x1x192xf32, #tpu.memory_space<vmem>> -> memref<192xf32, #tpu.memory_space<vmem>>
      %dma_start3A_1160 = arith.constant 0 : i32
      %dma_start3A_1161 = tpu.memref_slice %arg2[%squeeze3A_1100, %select_n3A_1116, %dma_start3A_1160] : memref<1024x64x192xf32, #tpu.memory_space<hbm>> -> memref<1x1x192xf32, #tpu.memory_space<hbm>>
      %dma_start3A_1162 = tpu.memref_squeeze %dma_start3A_1161 : memref<1x1x192xf32, #tpu.memory_space<hbm>> -> memref<192xf32, #tpu.memory_space<hbm>>
      %dma_start3A_1163 = arith.constant 0 : i32
      %dma_start3A_1164 = tpu.memref_slice %arg6[%select_n3A_1140, %select_n3A_1156, %dma_start3A_1163] : memref<2x64x192xf32, #tpu.memory_space<vmem>> -> memref<1x1x192xf32, #tpu.memory_space<vmem>>
      %dma_start3A_1165 = tpu.memref_squeeze %dma_start3A_1164 : memref<1x1x192xf32, #tpu.memory_space<vmem>> -> memref<192xf32, #tpu.memory_space<vmem>>
      %dma_start3A_1166 = arith.constant 0 : i32
      %dma_start3A_1167 = tpu.memref_slice %arg2[%squeeze3A_1100, %select_n3A_1116, %dma_start3A_1166] : memref<1024x64x192xf32, #tpu.memory_space<hbm>> -> memref<1x1x192xf32, #tpu.memory_space<hbm>>
      %dma_start3A_1168 = tpu.memref_squeeze %dma_start3A_1167 : memref<1x1x192xf32, #tpu.memory_space<hbm>> -> memref<192xf32, #tpu.memory_space<hbm>>
      tpu.enqueue_dma source(%dma_start3A_1168 : memref<192xf32, #tpu.memory_space<hbm>>) target(%dma_start3A_1165 : memref<192xf32, #tpu.memory_space<vmem>>) target_semaphore(%arg7 : memref<!tpu.dma_semaphore, #tpu.memory_space<semaphore_mem>>)
      %mul3A_1169 = arith.constant 16 : i32
      %mul3A_1170 = arith.muli %scan3A_65, %mul3A_1169 : i32
      %add3A_1171 = arith.constant 15 : i32
      %add3A_1172 = arith.addi %mul3A_1170, %add3A_1171 : i32
      %slice3A_1173 = vector.extract_strided_slice %get3A_71 {offsets = [15], sizes = [1], strides = [1]} : vector<16xi32> to vector<1xi32>
      %squeeze3A_1174 = vector.extract %slice3A_1173[0] : i32 from vector<1xi32>
      %jit3A_1175 = arith.constant 64 : i32
      %eq3A_1176 = arith.constant 0 : i32
      %eq3A_1177 = arith.cmpi eq, %jit3A_1175, %eq3A_1176 : i32
      %jit3A_1178 = arith.constant 1 : i32
      %select_n3A_1179 = arith.select %eq3A_1177, %jit3A_1178, %jit3A_1175 : i32
      %rem3A_1180 = arith.remsi %add3A_1172, %select_n3A_1179 : i32
      %ne3A_1181 = arith.constant 0 : i32
      %ne3A_1182 = arith.cmpi ne, %rem3A_1180, %ne3A_1181 : i32
      %lt3A_1183 = arith.constant 0 : i32
      %lt3A_1184 = arith.cmpi slt, %rem3A_1180, %lt3A_1183 : i32
      %lt3A_1185 = arith.constant 0 : i32
      %lt3A_1186 = arith.cmpi slt, %select_n3A_1179, %lt3A_1185 : i32
      %ne3A_1187 = arith.xori %lt3A_1184, %lt3A_1186 : i1
      %and3A_1188 = arith.andi %ne3A_1187, %ne3A_1182 : i1
      %add3A_1189 = arith.addi %rem3A_1180, %select_n3A_1179 : i32
      %select_n3A_1190 = arith.select %and3A_1188, %add3A_1189, %rem3A_1180 : i32
      %jit3A_1191 = arith.constant 64 : i32
      %div3A_1192 = arith.divsi %add3A_1172, %jit3A_1191 : i32
      %sign3A_1193 = arith.constant 0 : i32
      %sign3A_1194 = arith.cmpi sgt, %add3A_1172, %sign3A_1193 : i32
      %sign3A_1195 = arith.extui %sign3A_1194 : i1 to i32
      %sign3A_1196 = arith.constant 0 : i32
      %sign3A_1197 = arith.cmpi slt, %add3A_1172, %sign3A_1196 : i32
      %sign3A_1198 = arith.extui %sign3A_1197 : i1 to i32
      %sign3A_1199 = arith.subi %sign3A_1195, %sign3A_1198 : i32
      %sign3A_1200 = arith.constant 0 : i32
      %sign3A_1201 = arith.cmpi sgt, %jit3A_1191, %sign3A_1200 : i32
      %sign3A_1202 = arith.extui %sign3A_1201 : i1 to i32
      %sign3A_1203 = arith.constant 0 : i32
      %sign3A_1204 = arith.cmpi slt, %jit3A_1191, %sign3A_1203 : i32
      %sign3A_1205 = arith.extui %sign3A_1204 : i1 to i32
      %sign3A_1206 = arith.subi %sign3A_1202, %sign3A_1205 : i32
      %ne3A_1207 = arith.cmpi ne, %sign3A_1199, %sign3A_1206 : i32
      %rem3A_1208 = arith.remsi %add3A_1172, %jit3A_1191 : i32
      %ne3A_1209 = arith.constant 0 : i32
      %ne3A_1210 = arith.cmpi ne, %rem3A_1208, %ne3A_1209 : i32
      %and3A_1211 = arith.andi %ne3A_1207, %ne3A_1210 : i1
      %sub3A_1212 = arith.constant 1 : i32
      %sub3A_1213 = arith.subi %div3A_1192, %sub3A_1212 : i32
      %select_n3A_1214 = arith.select %and3A_1211, %sub3A_1213, %div3A_1192 : i32
      %jit3A_1215 = arith.constant 64 : i32
      %eq3A_1216 = arith.constant 0 : i32
      %eq3A_1217 = arith.cmpi eq, %jit3A_1215, %eq3A_1216 : i32
      %jit3A_1218 = arith.constant 1 : i32
      %select_n3A_1219 = arith.select %eq3A_1217, %jit3A_1218, %jit3A_1215 : i32
      %rem3A_1220 = arith.remsi %add3A_1172, %select_n3A_1219 : i32
      %ne3A_1221 = arith.constant 0 : i32
      %ne3A_1222 = arith.cmpi ne, %rem3A_1220, %ne3A_1221 : i32
      %lt3A_1223 = arith.constant 0 : i32
      %lt3A_1224 = arith.cmpi slt, %rem3A_1220, %lt3A_1223 : i32
      %lt3A_1225 = arith.constant 0 : i32
      %lt3A_1226 = arith.cmpi slt, %select_n3A_1219, %lt3A_1225 : i32
      %ne3A_1227 = arith.xori %lt3A_1224, %lt3A_1226 : i1
      %and3A_1228 = arith.andi %ne3A_1227, %ne3A_1222 : i1
      %add3A_1229 = arith.addi %rem3A_1220, %select_n3A_1219 : i32
      %select_n3A_1230 = arith.select %and3A_1228, %add3A_1229, %rem3A_1220 : i32
      %dma_start3A_1231 = arith.constant 0 : i32
      %dma_start3A_1232 = tpu.memref_slice %arg6[%select_n3A_1214, %select_n3A_1230, %dma_start3A_1231] : memref<2x64x192xf32, #tpu.memory_space<vmem>> -> memref<1x1x192xf32, #tpu.memory_space<vmem>>
      %dma_start3A_1233 = tpu.memref_squeeze %dma_start3A_1232 : memref<1x1x192xf32, #tpu.memory_space<vmem>> -> memref<192xf32, #tpu.memory_space<vmem>>
      %dma_start3A_1234 = arith.constant 0 : i32
      %dma_start3A_1235 = tpu.memref_slice %arg2[%squeeze3A_1174, %select_n3A_1190, %dma_start3A_1234] : memref<1024x64x192xf32, #tpu.memory_space<hbm>> -> memref<1x1x192xf32, #tpu.memory_space<hbm>>
      %dma_start3A_1236 = tpu.memref_squeeze %dma_start3A_1235 : memref<1x1x192xf32, #tpu.memory_space<hbm>> -> memref<192xf32, #tpu.memory_space<hbm>>
      %dma_start3A_1237 = arith.constant 0 : i32
      %dma_start3A_1238 = tpu.memref_slice %arg6[%select_n3A_1214, %select_n3A_1230, %dma_start3A_1237] : memref<2x64x192xf32, #tpu.memory_space<vmem>> -> memref<1x1x192xf32, #tpu.memory_space<vmem>>
      %dma_start3A_1239 = tpu.memref_squeeze %dma_start3A_1238 : memref<1x1x192xf32, #tpu.memory_space<vmem>> -> memref<192xf32, #tpu.memory_space<vmem>>
      %dma_start3A_1240 = arith.constant 0 : i32
      %dma_start3A_1241 = tpu.memref_slice %arg2[%squeeze3A_1174, %select_n3A_1190, %dma_start3A_1240] : memref<1024x64x192xf32, #tpu.memory_space<hbm>> -> memref<1x1x192xf32, #tpu.memory_space<hbm>>
      %dma_start3A_1242 = tpu.memref_squeeze %dma_start3A_1241 : memref<1x1x192xf32, #tpu.memory_space<hbm>> -> memref<192xf32, #tpu.memory_space<hbm>>
      tpu.enqueue_dma source(%dma_start3A_1242 : memref<192xf32, #tpu.memory_space<hbm>>) target(%dma_start3A_1239 : memref<192xf32, #tpu.memory_space<vmem>>) target_semaphore(%arg7 : memref<!tpu.dma_semaphore, #tpu.memory_space<semaphore_mem>>)
    }
    %scan3A_22 = arith.constant 8 : i32
    %add3A_23 = arith.constant 2 : i32
    %add3A_24 = arith.addi %mul3A_2, %add3A_23 : i32
    %dma_wait3A_25 = arith.constant 0 : i32
    %dma_wait3A_26 = arith.constant 0 : i32
    %dma_wait3A_27 = tpu.memref_slice %arg4[%add3A_24, %dma_wait3A_25, %dma_wait3A_26] : memref<256x64x192xf32, #tpu.memory_space<hbm>> -> memref<2x64x192xf32, #tpu.memory_space<hbm>>
    %dma_wait3A_28 = arith.constant 0 : i32
    %dma_wait3A_29 = arith.constant 0 : i32
    %dma_wait3A_30 = tpu.memref_slice %arg4[%add3A_24, %dma_wait3A_28, %dma_wait3A_29] : memref<256x64x192xf32, #tpu.memory_space<hbm>> -> memref<2x64x192xf32, #tpu.memory_space<hbm>>
    tpu.wait_dma2 semaphore(%arg7 : memref<!tpu.dma_semaphore, #tpu.memory_space<semaphore_mem>>) src(%dma_wait3A_30 : memref<2x64x192xf32, #tpu.memory_space<hbm>>) dst(%arg6 : memref<2x64x192xf32, #tpu.memory_space<vmem>>)
    %add3A_31 = arith.constant 2 : i32
    %add3A_32 = arith.addi %mul3A_2, %add3A_31 : i32
    "tpu.region"() ({
      %run_scoped3A = tpu.sem_alloc : memref<!tpu.dma_semaphore, #tpu.memory_space<semaphore_mem>>
      %dma_start3A = arith.constant 0 : i32
      %dma_start3A_65 = arith.constant 0 : i32
      %dma_start3A_66 = tpu.memref_slice %arg4[%add3A_32, %dma_start3A, %dma_start3A_65] : memref<256x64x192xf32, #tpu.memory_space<hbm>> -> memref<2x64x192xf32, #tpu.memory_space<hbm>>
      %dma_start3A_67 = arith.constant 0 : i32
      %dma_start3A_68 = arith.constant 0 : i32
      %dma_start3A_69 = tpu.memref_slice %arg4[%add3A_32, %dma_start3A_67, %dma_start3A_68] : memref<256x64x192xf32, #tpu.memory_space<hbm>> -> memref<2x64x192xf32, #tpu.memory_space<hbm>>
      tpu.enqueue_dma source(%arg6 : memref<2x64x192xf32, #tpu.memory_space<vmem>>) target(%dma_start3A_69 : memref<2x64x192xf32, #tpu.memory_space<hbm>>) target_semaphore(%run_scoped3A : memref<!tpu.dma_semaphore, #tpu.memory_space<semaphore_mem>>)
      %dma_wait3A_70 = arith.constant 0 : i32
      %dma_wait3A_71 = arith.constant 0 : i32
      %dma_wait3A_72 = tpu.memref_slice %arg4[%add3A_32, %dma_wait3A_70, %dma_wait3A_71] : memref<256x64x192xf32, #tpu.memory_space<hbm>> -> memref<2x64x192xf32, #tpu.memory_space<hbm>>
      %dma_wait3A_73 = arith.constant 0 : i32
      %dma_wait3A_74 = arith.constant 0 : i32
      %dma_wait3A_75 = tpu.memref_slice %arg4[%add3A_32, %dma_wait3A_73, %dma_wait3A_74] : memref<256x64x192xf32, #tpu.memory_space<hbm>> -> memref<2x64x192xf32, #tpu.memory_space<hbm>>
      tpu.wait_dma2 semaphore(%run_scoped3A : memref<!tpu.dma_semaphore, #tpu.memory_space<semaphore_mem>>) src(%arg6 : memref<2x64x192xf32, #tpu.memory_space<vmem>>) dst(%dma_wait3A_75 : memref<2x64x192xf32, #tpu.memory_space<hbm>>)
      tpu.yield
    }) : () -> ()
    %scan3A_33 = arith.constant 0 : i32
    %scan3A_34 = arith.constant 0 : i32
    %scan3A_35 = arith.constant 8 : i32
    %scan3A_36 = arith.addi %scan3A_34, %scan3A_35 : i32
    %scan3A_37 = arith.constant 1 : i32
    scf.for %scan3A_65 = %scan3A_34 to %scan3A_36 step %scan3A_37  : i32 {
      %mul3A_66 = arith.constant 16 : i32
      %mul3A_67 = arith.muli %scan3A_65, %mul3A_66 : i32
      %add3A_68 = arith.constant 256 : i32
      %add3A_69 = arith.addi %add3A_68, %mul3A_67 : i32
      %get3A = arith.index_cast %add3A_69 : i32 to index
      %get3A_70 = tpu.vector_load %arg5[%get3A] {strides = array<i32>} : memref<512xi32, #tpu.memory_space<vmem>>, vector<16xi32>,
      %get3A_71 = vector.shape_cast %get3A_70 : vector<16xi32> to vector<16xi32>
      %mul3A_72 = arith.constant 16 : i32
      %mul3A_73 = arith.muli %scan3A_65, %mul3A_72 : i32
      %add3A_74 = arith.constant 0 : i32
      %add3A_75 = arith.addi %mul3A_73, %add3A_74 : i32
      %slice3A = vector.extract_strided_slice %get3A_71 {offsets = [0], sizes = [1], strides = [1]} : vector<16xi32> to vector<1xi32>
      %squeeze3A = vector.extract %slice3A[0] : i32 from vector<1xi32>
      %jit3A = arith.constant 64 : i32
      %eq3A = arith.constant 0 : i32
      %eq3A_76 = arith.cmpi eq, %jit3A, %eq3A : i32
      %jit3A_77 = arith.constant 1 : i32
      %select_n3A = arith.select %eq3A_76, %jit3A_77, %jit3A : i32
      %rem3A = arith.remsi %add3A_75, %select_n3A : i32
      %ne3A = arith.constant 0 : i32
      %ne3A_78 = arith.cmpi ne, %rem3A, %ne3A : i32
      %lt3A = arith.constant 0 : i32
      %lt3A_79 = arith.cmpi slt, %rem3A, %lt3A : i32
      %lt3A_80 = arith.constant 0 : i32
      %lt3A_81 = arith.cmpi slt, %select_n3A, %lt3A_80 : i32
      %ne3A_82 = arith.xori %lt3A_79, %lt3A_81 : i1
      %and3A = arith.andi %ne3A_82, %ne3A_78 : i1
      %add3A_83 = arith.addi %rem3A, %select_n3A : i32
      %select_n3A_84 = arith.select %and3A, %add3A_83, %rem3A : i32
      %jit3A_85 = arith.constant 64 : i32
      %div3A = arith.divsi %add3A_75, %jit3A_85 : i32
      %sign3A = arith.constant 0 : i32
      %sign3A_86 = arith.cmpi sgt, %add3A_75, %sign3A : i32
      %sign3A_87 = arith.extui %sign3A_86 : i1 to i32
      %sign3A_88 = arith.constant 0 : i32
      %sign3A_89 = arith.cmpi slt, %add3A_75, %sign3A_88 : i32
      %sign3A_90 = arith.extui %sign3A_89 : i1 to i32
      %sign3A_91 = arith.subi %sign3A_87, %sign3A_90 : i32
      %sign3A_92 = arith.constant 0 : i32
      %sign3A_93 = arith.cmpi sgt, %jit3A_85, %sign3A_92 : i32
      %sign3A_94 = arith.extui %sign3A_93 : i1 to i32
      %sign3A_95 = arith.constant 0 : i32
      %sign3A_96 = arith.cmpi slt, %jit3A_85, %sign3A_95 : i32
      %sign3A_97 = arith.extui %sign3A_96 : i1 to i32
      %sign3A_98 = arith.subi %sign3A_94, %sign3A_97 : i32
      %ne3A_99 = arith.cmpi ne, %sign3A_91, %sign3A_98 : i32
      %rem3A_100 = arith.remsi %add3A_75, %jit3A_85 : i32
      %ne3A_101 = arith.constant 0 : i32
      %ne3A_102 = arith.cmpi ne, %rem3A_100, %ne3A_101 : i32
      %and3A_103 = arith.andi %ne3A_99, %ne3A_102 : i1
      %sub3A = arith.constant 1 : i32
      %sub3A_104 = arith.subi %div3A, %sub3A : i32
      %select_n3A_105 = arith.select %and3A_103, %sub3A_104, %div3A : i32
      %jit3A_106 = arith.constant 64 : i32
      %eq3A_107 = arith.constant 0 : i32
      %eq3A_108 = arith.cmpi eq, %jit3A_106, %eq3A_107 : i32
      %jit3A_109 = arith.constant 1 : i32
      %select_n3A_110 = arith.select %eq3A_108, %jit3A_109, %jit3A_106 : i32
      %rem3A_111 = arith.remsi %add3A_75, %select_n3A_110 : i32
      %ne3A_112 = arith.constant 0 : i32
      %ne3A_113 = arith.cmpi ne, %rem3A_111, %ne3A_112 : i32
      %lt3A_114 = arith.constant 0 : i32
      %lt3A_115 = arith.cmpi slt, %rem3A_111, %lt3A_114 : i32
      %lt3A_116 = arith.constant 0 : i32
      %lt3A_117 = arith.cmpi slt, %select_n3A_110, %lt3A_116 : i32
      %ne3A_118 = arith.xori %lt3A_115, %lt3A_117 : i1
      %and3A_119 = arith.andi %ne3A_118, %ne3A_113 : i1
      %add3A_120 = arith.addi %rem3A_111, %select_n3A_110 : i32
      %select_n3A_121 = arith.select %and3A_119, %add3A_120, %rem3A_111 : i32
      %dma_start3A = arith.constant 0 : i32
      %dma_start3A_122 = tpu.memref_slice %arg6[%select_n3A_105, %select_n3A_121, %dma_start3A] : memref<2x64x192xf32, #tpu.memory_space<vmem>> -> memref<1x1x192xf32, #tpu.memory_space<vmem>>
      %dma_start3A_123 = tpu.memref_squeeze %dma_start3A_122 : memref<1x1x192xf32, #tpu.memory_space<vmem>> -> memref<192xf32, #tpu.memory_space<vmem>>
      %dma_start3A_124 = arith.constant 0 : i32
      %dma_start3A_125 = tpu.memref_slice %arg2[%squeeze3A, %select_n3A_84, %dma_start3A_124] : memref<1024x64x192xf32, #tpu.memory_space<hbm>> -> memref<1x1x192xf32, #tpu.memory_space<hbm>>
      %dma_start3A_126 = tpu.memref_squeeze %dma_start3A_125 : memref<1x1x192xf32, #tpu.memory_space<hbm>> -> memref<192xf32, #tpu.memory_space<hbm>>
      %dma_start3A_127 = arith.constant 0 : i32
      %dma_start3A_128 = tpu.memref_slice %arg6[%select_n3A_105, %select_n3A_121, %dma_start3A_127] : memref<2x64x192xf32, #tpu.memory_space<vmem>> -> memref<1x1x192xf32, #tpu.memory_space<vmem>>
      %dma_start3A_129 = tpu.memref_squeeze %dma_start3A_128 : memref<1x1x192xf32, #tpu.memory_space<vmem>> -> memref<192xf32, #tpu.memory_space<vmem>>
      %dma_start3A_130 = arith.constant 0 : i32
      %dma_start3A_131 = tpu.memref_slice %arg2[%squeeze3A, %select_n3A_84, %dma_start3A_130] : memref<1024x64x192xf32, #tpu.memory_space<hbm>> -> memref<1x1x192xf32, #tpu.memory_space<hbm>>
      %dma_start3A_132 = tpu.memref_squeeze %dma_start3A_131 : memref<1x1x192xf32, #tpu.memory_space<hbm>> -> memref<192xf32, #tpu.memory_space<hbm>>
      tpu.enqueue_dma source(%dma_start3A_132 : memref<192xf32, #tpu.memory_space<hbm>>) target(%dma_start3A_129 : memref<192xf32, #tpu.memory_space<vmem>>) target_semaphore(%arg7 : memref<!tpu.dma_semaphore, #tpu.memory_space<semaphore_mem>>)
      %mul3A_133 = arith.constant 16 : i32
      %mul3A_134 = arith.muli %scan3A_65, %mul3A_133 : i32
      %add3A_135 = arith.constant 1 : i32
      %add3A_136 = arith.addi %mul3A_134, %add3A_135 : i32
      %slice3A_137 = vector.extract_strided_slice %get3A_71 {offsets = [1], sizes = [1], strides = [1]} : vector<16xi32> to vector<1xi32>
      %squeeze3A_138 = vector.extract %slice3A_137[0] : i32 from vector<1xi32>
      %jit3A_139 = arith.constant 64 : i32
      %eq3A_140 = arith.constant 0 : i32
      %eq3A_141 = arith.cmpi eq, %jit3A_139, %eq3A_140 : i32
      %jit3A_142 = arith.constant 1 : i32
      %select_n3A_143 = arith.select %eq3A_141, %jit3A_142, %jit3A_139 : i32
      %rem3A_144 = arith.remsi %add3A_136, %select_n3A_143 : i32
      %ne3A_145 = arith.constant 0 : i32
      %ne3A_146 = arith.cmpi ne, %rem3A_144, %ne3A_145 : i32
      %lt3A_147 = arith.constant 0 : i32
      %lt3A_148 = arith.cmpi slt, %rem3A_144, %lt3A_147 : i32
      %lt3A_149 = arith.constant 0 : i32
      %lt3A_150 = arith.cmpi slt, %select_n3A_143, %lt3A_149 : i32
      %ne3A_151 = arith.xori %lt3A_148, %lt3A_150 : i1
      %and3A_152 = arith.andi %ne3A_151, %ne3A_146 : i1
      %add3A_153 = arith.addi %rem3A_144, %select_n3A_143 : i32
      %select_n3A_154 = arith.select %and3A_152, %add3A_153, %rem3A_144 : i32
      %jit3A_155 = arith.constant 64 : i32
      %div3A_156 = arith.divsi %add3A_136, %jit3A_155 : i32
      %sign3A_157 = arith.constant 0 : i32
      %sign3A_158 = arith.cmpi sgt, %add3A_136, %sign3A_157 : i32
      %sign3A_159 = arith.extui %sign3A_158 : i1 to i32
      %sign3A_160 = arith.constant 0 : i32
      %sign3A_161 = arith.cmpi slt, %add3A_136, %sign3A_160 : i32
      %sign3A_162 = arith.extui %sign3A_161 : i1 to i32
      %sign3A_163 = arith.subi %sign3A_159, %sign3A_162 : i32
      %sign3A_164 = arith.constant 0 : i32
      %sign3A_165 = arith.cmpi sgt, %jit3A_155, %sign3A_164 : i32
      %sign3A_166 = arith.extui %sign3A_165 : i1 to i32
      %sign3A_167 = arith.constant 0 : i32
      %sign3A_168 = arith.cmpi slt, %jit3A_155, %sign3A_167 : i32
      %sign3A_169 = arith.extui %sign3A_168 : i1 to i32
      %sign3A_170 = arith.subi %sign3A_166, %sign3A_169 : i32
      %ne3A_171 = arith.cmpi ne, %sign3A_163, %sign3A_170 : i32
      %rem3A_172 = arith.remsi %add3A_136, %jit3A_155 : i32
      %ne3A_173 = arith.constant 0 : i32
      %ne3A_174 = arith.cmpi ne, %rem3A_172, %ne3A_173 : i32
      %and3A_175 = arith.andi %ne3A_171, %ne3A_174 : i1
      %sub3A_176 = arith.constant 1 : i32
      %sub3A_177 = arith.subi %div3A_156, %sub3A_176 : i32
      %select_n3A_178 = arith.select %and3A_175, %sub3A_177, %div3A_156 : i32
      %jit3A_179 = arith.constant 64 : i32
      %eq3A_180 = arith.constant 0 : i32
      %eq3A_181 = arith.cmpi eq, %jit3A_179, %eq3A_180 : i32
      %jit3A_182 = arith.constant 1 : i32
      %select_n3A_183 = arith.select %eq3A_181, %jit3A_182, %jit3A_179 : i32
      %rem3A_184 = arith.remsi %add3A_136, %select_n3A_183 : i32
      %ne3A_185 = arith.constant 0 : i32
      %ne3A_186 = arith.cmpi ne, %rem3A_184, %ne3A_185 : i32
      %lt3A_187 = arith.constant 0 : i32
      %lt3A_188 = arith.cmpi slt, %rem3A_184, %lt3A_187 : i32
      %lt3A_189 = arith.constant 0 : i32
      %lt3A_190 = arith.cmpi slt, %select_n3A_183, %lt3A_189 : i32
      %ne3A_191 = arith.xori %lt3A_188, %lt3A_190 : i1
      %and3A_192 = arith.andi %ne3A_191, %ne3A_186 : i1
      %add3A_193 = arith.addi %rem3A_184, %select_n3A_183 : i32
      %select_n3A_194 = arith.select %and3A_192, %add3A_193, %rem3A_184 : i32
      %dma_start3A_195 = arith.constant 0 : i32
      %dma_start3A_196 = tpu.memref_slice %arg6[%select_n3A_178, %select_n3A_194, %dma_start3A_195] : memref<2x64x192xf32, #tpu.memory_space<vmem>> -> memref<1x1x192xf32, #tpu.memory_space<vmem>>
      %dma_start3A_197 = tpu.memref_squeeze %dma_start3A_196 : memref<1x1x192xf32, #tpu.memory_space<vmem>> -> memref<192xf32, #tpu.memory_space<vmem>>
      %dma_start3A_198 = arith.constant 0 : i32
      %dma_start3A_199 = tpu.memref_slice %arg2[%squeeze3A_138, %select_n3A_154, %dma_start3A_198] : memref<1024x64x192xf32, #tpu.memory_space<hbm>> -> memref<1x1x192xf32, #tpu.memory_space<hbm>>
      %dma_start3A_200 = tpu.memref_squeeze %dma_start3A_199 : memref<1x1x192xf32, #tpu.memory_space<hbm>> -> memref<192xf32, #tpu.memory_space<hbm>>
      %dma_start3A_201 = arith.constant 0 : i32
      %dma_start3A_202 = tpu.memref_slice %arg6[%select_n3A_178, %select_n3A_194, %dma_start3A_201] : memref<2x64x192xf32, #tpu.memory_space<vmem>> -> memref<1x1x192xf32, #tpu.memory_space<vmem>>
      %dma_start3A_203 = tpu.memref_squeeze %dma_start3A_202 : memref<1x1x192xf32, #tpu.memory_space<vmem>> -> memref<192xf32, #tpu.memory_space<vmem>>
      %dma_start3A_204 = arith.constant 0 : i32
      %dma_start3A_205 = tpu.memref_slice %arg2[%squeeze3A_138, %select_n3A_154, %dma_start3A_204] : memref<1024x64x192xf32, #tpu.memory_space<hbm>> -> memref<1x1x192xf32, #tpu.memory_space<hbm>>
      %dma_start3A_206 = tpu.memref_squeeze %dma_start3A_205 : memref<1x1x192xf32, #tpu.memory_space<hbm>> -> memref<192xf32, #tpu.memory_space<hbm>>
      tpu.enqueue_dma source(%dma_start3A_206 : memref<192xf32, #tpu.memory_space<hbm>>) target(%dma_start3A_203 : memref<192xf32, #tpu.memory_space<vmem>>) target_semaphore(%arg7 : memref<!tpu.dma_semaphore, #tpu.memory_space<semaphore_mem>>)
      %mul3A_207 = arith.constant 16 : i32
      %mul3A_208 = arith.muli %scan3A_65, %mul3A_207 : i32
      %add3A_209 = arith.constant 2 : i32
      %add3A_210 = arith.addi %mul3A_208, %add3A_209 : i32
      %slice3A_211 = vector.extract_strided_slice %get3A_71 {offsets = [2], sizes = [1], strides = [1]} : vector<16xi32> to vector<1xi32>
      %squeeze3A_212 = vector.extract %slice3A_211[0] : i32 from vector<1xi32>
      %jit3A_213 = arith.constant 64 : i32
      %eq3A_214 = arith.constant 0 : i32
      %eq3A_215 = arith.cmpi eq, %jit3A_213, %eq3A_214 : i32
      %jit3A_216 = arith.constant 1 : i32
      %select_n3A_217 = arith.select %eq3A_215, %jit3A_216, %jit3A_213 : i32
      %rem3A_218 = arith.remsi %add3A_210, %select_n3A_217 : i32
      %ne3A_219 = arith.constant 0 : i32
      %ne3A_220 = arith.cmpi ne, %rem3A_218, %ne3A_219 : i32
      %lt3A_221 = arith.constant 0 : i32
      %lt3A_222 = arith.cmpi slt, %rem3A_218, %lt3A_221 : i32
      %lt3A_223 = arith.constant 0 : i32
      %lt3A_224 = arith.cmpi slt, %select_n3A_217, %lt3A_223 : i32
      %ne3A_225 = arith.xori %lt3A_222, %lt3A_224 : i1
      %and3A_226 = arith.andi %ne3A_225, %ne3A_220 : i1
      %add3A_227 = arith.addi %rem3A_218, %select_n3A_217 : i32
      %select_n3A_228 = arith.select %and3A_226, %add3A_227, %rem3A_218 : i32
      %jit3A_229 = arith.constant 64 : i32
      %div3A_230 = arith.divsi %add3A_210, %jit3A_229 : i32
      %sign3A_231 = arith.constant 0 : i32
      %sign3A_232 = arith.cmpi sgt, %add3A_210, %sign3A_231 : i32
      %sign3A_233 = arith.extui %sign3A_232 : i1 to i32
      %sign3A_234 = arith.constant 0 : i32
      %sign3A_235 = arith.cmpi slt, %add3A_210, %sign3A_234 : i32
      %sign3A_236 = arith.extui %sign3A_235 : i1 to i32
      %sign3A_237 = arith.subi %sign3A_233, %sign3A_236 : i32
      %sign3A_238 = arith.constant 0 : i32
      %sign3A_239 = arith.cmpi sgt, %jit3A_229, %sign3A_238 : i32
      %sign3A_240 = arith.extui %sign3A_239 : i1 to i32
      %sign3A_241 = arith.constant 0 : i32
      %sign3A_242 = arith.cmpi slt, %jit3A_229, %sign3A_241 : i32
      %sign3A_243 = arith.extui %sign3A_242 : i1 to i32
      %sign3A_244 = arith.subi %sign3A_240, %sign3A_243 : i32
      %ne3A_245 = arith.cmpi ne, %sign3A_237, %sign3A_244 : i32
      %rem3A_246 = arith.remsi %add3A_210, %jit3A_229 : i32
      %ne3A_247 = arith.constant 0 : i32
      %ne3A_248 = arith.cmpi ne, %rem3A_246, %ne3A_247 : i32
      %and3A_249 = arith.andi %ne3A_245, %ne3A_248 : i1
      %sub3A_250 = arith.constant 1 : i32
      %sub3A_251 = arith.subi %div3A_230, %sub3A_250 : i32
      %select_n3A_252 = arith.select %and3A_249, %sub3A_251, %div3A_230 : i32
      %jit3A_253 = arith.constant 64 : i32
      %eq3A_254 = arith.constant 0 : i32
      %eq3A_255 = arith.cmpi eq, %jit3A_253, %eq3A_254 : i32
      %jit3A_256 = arith.constant 1 : i32
      %select_n3A_257 = arith.select %eq3A_255, %jit3A_256, %jit3A_253 : i32
      %rem3A_258 = arith.remsi %add3A_210, %select_n3A_257 : i32
      %ne3A_259 = arith.constant 0 : i32
      %ne3A_260 = arith.cmpi ne, %rem3A_258, %ne3A_259 : i32
      %lt3A_261 = arith.constant 0 : i32
      %lt3A_262 = arith.cmpi slt, %rem3A_258, %lt3A_261 : i32
      %lt3A_263 = arith.constant 0 : i32
      %lt3A_264 = arith.cmpi slt, %select_n3A_257, %lt3A_263 : i32
      %ne3A_265 = arith.xori %lt3A_262, %lt3A_264 : i1
      %and3A_266 = arith.andi %ne3A_265, %ne3A_260 : i1
      %add3A_267 = arith.addi %rem3A_258, %select_n3A_257 : i32
      %select_n3A_268 = arith.select %and3A_266, %add3A_267, %rem3A_258 : i32
      %dma_start3A_269 = arith.constant 0 : i32
      %dma_start3A_270 = tpu.memref_slice %arg6[%select_n3A_252, %select_n3A_268, %dma_start3A_269] : memref<2x64x192xf32, #tpu.memory_space<vmem>> -> memref<1x1x192xf32, #tpu.memory_space<vmem>>
      %dma_start3A_271 = tpu.memref_squeeze %dma_start3A_270 : memref<1x1x192xf32, #tpu.memory_space<vmem>> -> memref<192xf32, #tpu.memory_space<vmem>>
      %dma_start3A_272 = arith.constant 0 : i32
      %dma_start3A_273 = tpu.memref_slice %arg2[%squeeze3A_212, %select_n3A_228, %dma_start3A_272] : memref<1024x64x192xf32, #tpu.memory_space<hbm>> -> memref<1x1x192xf32, #tpu.memory_space<hbm>>
      %dma_start3A_274 = tpu.memref_squeeze %dma_start3A_273 : memref<1x1x192xf32, #tpu.memory_space<hbm>> -> memref<192xf32, #tpu.memory_space<hbm>>
      %dma_start3A_275 = arith.constant 0 : i32
      %dma_start3A_276 = tpu.memref_slice %arg6[%select_n3A_252, %select_n3A_268, %dma_start3A_275] : memref<2x64x192xf32, #tpu.memory_space<vmem>> -> memref<1x1x192xf32, #tpu.memory_space<vmem>>
      %dma_start3A_277 = tpu.memref_squeeze %dma_start3A_276 : memref<1x1x192xf32, #tpu.memory_space<vmem>> -> memref<192xf32, #tpu.memory_space<vmem>>
      %dma_start3A_278 = arith.constant 0 : i32
      %dma_start3A_279 = tpu.memref_slice %arg2[%squeeze3A_212, %select_n3A_228, %dma_start3A_278] : memref<1024x64x192xf32, #tpu.memory_space<hbm>> -> memref<1x1x192xf32, #tpu.memory_space<hbm>>
      %dma_start3A_280 = tpu.memref_squeeze %dma_start3A_279 : memref<1x1x192xf32, #tpu.memory_space<hbm>> -> memref<192xf32, #tpu.memory_space<hbm>>
      tpu.enqueue_dma source(%dma_start3A_280 : memref<192xf32, #tpu.memory_space<hbm>>) target(%dma_start3A_277 : memref<192xf32, #tpu.memory_space<vmem>>) target_semaphore(%arg7 : memref<!tpu.dma_semaphore, #tpu.memory_space<semaphore_mem>>)
      %mul3A_281 = arith.constant 16 : i32
      %mul3A_282 = arith.muli %scan3A_65, %mul3A_281 : i32
      %add3A_283 = arith.constant 3 : i32
      %add3A_284 = arith.addi %mul3A_282, %add3A_283 : i32
      %slice3A_285 = vector.extract_strided_slice %get3A_71 {offsets = [3], sizes = [1], strides = [1]} : vector<16xi32> to vector<1xi32>
      %squeeze3A_286 = vector.extract %slice3A_285[0] : i32 from vector<1xi32>
      %jit3A_287 = arith.constant 64 : i32
      %eq3A_288 = arith.constant 0 : i32
      %eq3A_289 = arith.cmpi eq, %jit3A_287, %eq3A_288 : i32
      %jit3A_290 = arith.constant 1 : i32
      %select_n3A_291 = arith.select %eq3A_289, %jit3A_290, %jit3A_287 : i32
      %rem3A_292 = arith.remsi %add3A_284, %select_n3A_291 : i32
      %ne3A_293 = arith.constant 0 : i32
      %ne3A_294 = arith.cmpi ne, %rem3A_292, %ne3A_293 : i32
      %lt3A_295 = arith.constant 0 : i32
      %lt3A_296 = arith.cmpi slt, %rem3A_292, %lt3A_295 : i32
      %lt3A_297 = arith.constant 0 : i32
      %lt3A_298 = arith.cmpi slt, %select_n3A_291, %lt3A_297 : i32
      %ne3A_299 = arith.xori %lt3A_296, %lt3A_298 : i1
      %and3A_300 = arith.andi %ne3A_299, %ne3A_294 : i1
      %add3A_301 = arith.addi %rem3A_292, %select_n3A_291 : i32
      %select_n3A_302 = arith.select %and3A_300, %add3A_301, %rem3A_292 : i32
      %jit3A_303 = arith.constant 64 : i32
      %div3A_304 = arith.divsi %add3A_284, %jit3A_303 : i32
      %sign3A_305 = arith.constant 0 : i32
      %sign3A_306 = arith.cmpi sgt, %add3A_284, %sign3A_305 : i32
      %sign3A_307 = arith.extui %sign3A_306 : i1 to i32
      %sign3A_308 = arith.constant 0 : i32
      %sign3A_309 = arith.cmpi slt, %add3A_284, %sign3A_308 : i32
      %sign3A_310 = arith.extui %sign3A_309 : i1 to i32
      %sign3A_311 = arith.subi %sign3A_307, %sign3A_310 : i32
      %sign3A_312 = arith.constant 0 : i32
      %sign3A_313 = arith.cmpi sgt, %jit3A_303, %sign3A_312 : i32
      %sign3A_314 = arith.extui %sign3A_313 : i1 to i32
      %sign3A_315 = arith.constant 0 : i32
      %sign3A_316 = arith.cmpi slt, %jit3A_303, %sign3A_315 : i32
      %sign3A_317 = arith.extui %sign3A_316 : i1 to i32
      %sign3A_318 = arith.subi %sign3A_314, %sign3A_317 : i32
      %ne3A_319 = arith.cmpi ne, %sign3A_311, %sign3A_318 : i32
      %rem3A_320 = arith.remsi %add3A_284, %jit3A_303 : i32
      %ne3A_321 = arith.constant 0 : i32
      %ne3A_322 = arith.cmpi ne, %rem3A_320, %ne3A_321 : i32
      %and3A_323 = arith.andi %ne3A_319, %ne3A_322 : i1
      %sub3A_324 = arith.constant 1 : i32
      %sub3A_325 = arith.subi %div3A_304, %sub3A_324 : i32
      %select_n3A_326 = arith.select %and3A_323, %sub3A_325, %div3A_304 : i32
      %jit3A_327 = arith.constant 64 : i32
      %eq3A_328 = arith.constant 0 : i32
      %eq3A_329 = arith.cmpi eq, %jit3A_327, %eq3A_328 : i32
      %jit3A_330 = arith.constant 1 : i32
      %select_n3A_331 = arith.select %eq3A_329, %jit3A_330, %jit3A_327 : i32
      %rem3A_332 = arith.remsi %add3A_284, %select_n3A_331 : i32
      %ne3A_333 = arith.constant 0 : i32
      %ne3A_334 = arith.cmpi ne, %rem3A_332, %ne3A_333 : i32
      %lt3A_335 = arith.constant 0 : i32
      %lt3A_336 = arith.cmpi slt, %rem3A_332, %lt3A_335 : i32
      %lt3A_337 = arith.constant 0 : i32
      %lt3A_338 = arith.cmpi slt, %select_n3A_331, %lt3A_337 : i32
      %ne3A_339 = arith.xori %lt3A_336, %lt3A_338 : i1
      %and3A_340 = arith.andi %ne3A_339, %ne3A_334 : i1
      %add3A_341 = arith.addi %rem3A_332, %select_n3A_331 : i32
      %select_n3A_342 = arith.select %and3A_340, %add3A_341, %rem3A_332 : i32
      %dma_start3A_343 = arith.constant 0 : i32
      %dma_start3A_344 = tpu.memref_slice %arg6[%select_n3A_326, %select_n3A_342, %dma_start3A_343] : memref<2x64x192xf32, #tpu.memory_space<vmem>> -> memref<1x1x192xf32, #tpu.memory_space<vmem>>
      %dma_start3A_345 = tpu.memref_squeeze %dma_start3A_344 : memref<1x1x192xf32, #tpu.memory_space<vmem>> -> memref<192xf32, #tpu.memory_space<vmem>>
      %dma_start3A_346 = arith.constant 0 : i32
      %dma_start3A_347 = tpu.memref_slice %arg2[%squeeze3A_286, %select_n3A_302, %dma_start3A_346] : memref<1024x64x192xf32, #tpu.memory_space<hbm>> -> memref<1x1x192xf32, #tpu.memory_space<hbm>>
      %dma_start3A_348 = tpu.memref_squeeze %dma_start3A_347 : memref<1x1x192xf32, #tpu.memory_space<hbm>> -> memref<192xf32, #tpu.memory_space<hbm>>
      %dma_start3A_349 = arith.constant 0 : i32
      %dma_start3A_350 = tpu.memref_slice %arg6[%select_n3A_326, %select_n3A_342, %dma_start3A_349] : memref<2x64x192xf32, #tpu.memory_space<vmem>> -> memref<1x1x192xf32, #tpu.memory_space<vmem>>
      %dma_start3A_351 = tpu.memref_squeeze %dma_start3A_350 : memref<1x1x192xf32, #tpu.memory_space<vmem>> -> memref<192xf32, #tpu.memory_space<vmem>>
      %dma_start3A_352 = arith.constant 0 : i32
      %dma_start3A_353 = tpu.memref_slice %arg2[%squeeze3A_286, %select_n3A_302, %dma_start3A_352] : memref<1024x64x192xf32, #tpu.memory_space<hbm>> -> memref<1x1x192xf32, #tpu.memory_space<hbm>>
      %dma_start3A_354 = tpu.memref_squeeze %dma_start3A_353 : memref<1x1x192xf32, #tpu.memory_space<hbm>> -> memref<192xf32, #tpu.memory_space<hbm>>
      tpu.enqueue_dma source(%dma_start3A_354 : memref<192xf32, #tpu.memory_space<hbm>>) target(%dma_start3A_351 : memref<192xf32, #tpu.memory_space<vmem>>) target_semaphore(%arg7 : memref<!tpu.dma_semaphore, #tpu.memory_space<semaphore_mem>>)
      %mul3A_355 = arith.constant 16 : i32
      %mul3A_356 = arith.muli %scan3A_65, %mul3A_355 : i32
      %add3A_357 = arith.constant 4 : i32
      %add3A_358 = arith.addi %mul3A_356, %add3A_357 : i32
      %slice3A_359 = vector.extract_strided_slice %get3A_71 {offsets = [4], sizes = [1], strides = [1]} : vector<16xi32> to vector<1xi32>
      %squeeze3A_360 = vector.extract %slice3A_359[0] : i32 from vector<1xi32>
      %jit3A_361 = arith.constant 64 : i32
      %eq3A_362 = arith.constant 0 : i32
      %eq3A_363 = arith.cmpi eq, %jit3A_361, %eq3A_362 : i32
      %jit3A_364 = arith.constant 1 : i32
      %select_n3A_365 = arith.select %eq3A_363, %jit3A_364, %jit3A_361 : i32
      %rem3A_366 = arith.remsi %add3A_358, %select_n3A_365 : i32
      %ne3A_367 = arith.constant 0 : i32
      %ne3A_368 = arith.cmpi ne, %rem3A_366, %ne3A_367 : i32
      %lt3A_369 = arith.constant 0 : i32
      %lt3A_370 = arith.cmpi slt, %rem3A_366, %lt3A_369 : i32
      %lt3A_371 = arith.constant 0 : i32
      %lt3A_372 = arith.cmpi slt, %select_n3A_365, %lt3A_371 : i32
      %ne3A_373 = arith.xori %lt3A_370, %lt3A_372 : i1
      %and3A_374 = arith.andi %ne3A_373, %ne3A_368 : i1
      %add3A_375 = arith.addi %rem3A_366, %select_n3A_365 : i32
      %select_n3A_376 = arith.select %and3A_374, %add3A_375, %rem3A_366 : i32
      %jit3A_377 = arith.constant 64 : i32
      %div3A_378 = arith.divsi %add3A_358, %jit3A_377 : i32
      %sign3A_379 = arith.constant 0 : i32
      %sign3A_380 = arith.cmpi sgt, %add3A_358, %sign3A_379 : i32
      %sign3A_381 = arith.extui %sign3A_380 : i1 to i32
      %sign3A_382 = arith.constant 0 : i32
      %sign3A_383 = arith.cmpi slt, %add3A_358, %sign3A_382 : i32
      %sign3A_384 = arith.extui %sign3A_383 : i1 to i32
      %sign3A_385 = arith.subi %sign3A_381, %sign3A_384 : i32
      %sign3A_386 = arith.constant 0 : i32
      %sign3A_387 = arith.cmpi sgt, %jit3A_377, %sign3A_386 : i32
      %sign3A_388 = arith.extui %sign3A_387 : i1 to i32
      %sign3A_389 = arith.constant 0 : i32
      %sign3A_390 = arith.cmpi slt, %jit3A_377, %sign3A_389 : i32
      %sign3A_391 = arith.extui %sign3A_390 : i1 to i32
      %sign3A_392 = arith.subi %sign3A_388, %sign3A_391 : i32
      %ne3A_393 = arith.cmpi ne, %sign3A_385, %sign3A_392 : i32
      %rem3A_394 = arith.remsi %add3A_358, %jit3A_377 : i32
      %ne3A_395 = arith.constant 0 : i32
      %ne3A_396 = arith.cmpi ne, %rem3A_394, %ne3A_395 : i32
      %and3A_397 = arith.andi %ne3A_393, %ne3A_396 : i1
      %sub3A_398 = arith.constant 1 : i32
      %sub3A_399 = arith.subi %div3A_378, %sub3A_398 : i32
      %select_n3A_400 = arith.select %and3A_397, %sub3A_399, %div3A_378 : i32
      %jit3A_401 = arith.constant 64 : i32
      %eq3A_402 = arith.constant 0 : i32
      %eq3A_403 = arith.cmpi eq, %jit3A_401, %eq3A_402 : i32
      %jit3A_404 = arith.constant 1 : i32
      %select_n3A_405 = arith.select %eq3A_403, %jit3A_404, %jit3A_401 : i32
      %rem3A_406 = arith.remsi %add3A_358, %select_n3A_405 : i32
      %ne3A_407 = arith.constant 0 : i32
      %ne3A_408 = arith.cmpi ne, %rem3A_406, %ne3A_407 : i32
      %lt3A_409 = arith.constant 0 : i32
      %lt3A_410 = arith.cmpi slt, %rem3A_406, %lt3A_409 : i32
      %lt3A_411 = arith.constant 0 : i32
      %lt3A_412 = arith.cmpi slt, %select_n3A_405, %lt3A_411 : i32
      %ne3A_413 = arith.xori %lt3A_410, %lt3A_412 : i1
      %and3A_414 = arith.andi %ne3A_413, %ne3A_408 : i1
      %add3A_415 = arith.addi %rem3A_406, %select_n3A_405 : i32
      %select_n3A_416 = arith.select %and3A_414, %add3A_415, %rem3A_406 : i32
      %dma_start3A_417 = arith.constant 0 : i32
      %dma_start3A_418 = tpu.memref_slice %arg6[%select_n3A_400, %select_n3A_416, %dma_start3A_417] : memref<2x64x192xf32, #tpu.memory_space<vmem>> -> memref<1x1x192xf32, #tpu.memory_space<vmem>>
      %dma_start3A_419 = tpu.memref_squeeze %dma_start3A_418 : memref<1x1x192xf32, #tpu.memory_space<vmem>> -> memref<192xf32, #tpu.memory_space<vmem>>
      %dma_start3A_420 = arith.constant 0 : i32
      %dma_start3A_421 = tpu.memref_slice %arg2[%squeeze3A_360, %select_n3A_376, %dma_start3A_420] : memref<1024x64x192xf32, #tpu.memory_space<hbm>> -> memref<1x1x192xf32, #tpu.memory_space<hbm>>
      %dma_start3A_422 = tpu.memref_squeeze %dma_start3A_421 : memref<1x1x192xf32, #tpu.memory_space<hbm>> -> memref<192xf32, #tpu.memory_space<hbm>>
      %dma_start3A_423 = arith.constant 0 : i32
      %dma_start3A_424 = tpu.memref_slice %arg6[%select_n3A_400, %select_n3A_416, %dma_start3A_423] : memref<2x64x192xf32, #tpu.memory_space<vmem>> -> memref<1x1x192xf32, #tpu.memory_space<vmem>>
      %dma_start3A_425 = tpu.memref_squeeze %dma_start3A_424 : memref<1x1x192xf32, #tpu.memory_space<vmem>> -> memref<192xf32, #tpu.memory_space<vmem>>
      %dma_start3A_426 = arith.constant 0 : i32
      %dma_start3A_427 = tpu.memref_slice %arg2[%squeeze3A_360, %select_n3A_376, %dma_start3A_426] : memref<1024x64x192xf32, #tpu.memory_space<hbm>> -> memref<1x1x192xf32, #tpu.memory_space<hbm>>
      %dma_start3A_428 = tpu.memref_squeeze %dma_start3A_427 : memref<1x1x192xf32, #tpu.memory_space<hbm>> -> memref<192xf32, #tpu.memory_space<hbm>>
      tpu.enqueue_dma source(%dma_start3A_428 : memref<192xf32, #tpu.memory_space<hbm>>) target(%dma_start3A_425 : memref<192xf32, #tpu.memory_space<vmem>>) target_semaphore(%arg7 : memref<!tpu.dma_semaphore, #tpu.memory_space<semaphore_mem>>)
      %mul3A_429 = arith.constant 16 : i32
      %mul3A_430 = arith.muli %scan3A_65, %mul3A_429 : i32
      %add3A_431 = arith.constant 5 : i32
      %add3A_432 = arith.addi %mul3A_430, %add3A_431 : i32
      %slice3A_433 = vector.extract_strided_slice %get3A_71 {offsets = [5], sizes = [1], strides = [1]} : vector<16xi32> to vector<1xi32>
      %squeeze3A_434 = vector.extract %slice3A_433[0] : i32 from vector<1xi32>
      %jit3A_435 = arith.constant 64 : i32
      %eq3A_436 = arith.constant 0 : i32
      %eq3A_437 = arith.cmpi eq, %jit3A_435, %eq3A_436 : i32
      %jit3A_438 = arith.constant 1 : i32
      %select_n3A_439 = arith.select %eq3A_437, %jit3A_438, %jit3A_435 : i32
      %rem3A_440 = arith.remsi %add3A_432, %select_n3A_439 : i32
      %ne3A_441 = arith.constant 0 : i32
      %ne3A_442 = arith.cmpi ne, %rem3A_440, %ne3A_441 : i32
      %lt3A_443 = arith.constant 0 : i32
      %lt3A_444 = arith.cmpi slt, %rem3A_440, %lt3A_443 : i32
      %lt3A_445 = arith.constant 0 : i32
      %lt3A_446 = arith.cmpi slt, %select_n3A_439, %lt3A_445 : i32
      %ne3A_447 = arith.xori %lt3A_444, %lt3A_446 : i1
      %and3A_448 = arith.andi %ne3A_447, %ne3A_442 : i1
      %add3A_449 = arith.addi %rem3A_440, %select_n3A_439 : i32
      %select_n3A_450 = arith.select %and3A_448, %add3A_449, %rem3A_440 : i32
      %jit3A_451 = arith.constant 64 : i32
      %div3A_452 = arith.divsi %add3A_432, %jit3A_451 : i32
      %sign3A_453 = arith.constant 0 : i32
      %sign3A_454 = arith.cmpi sgt, %add3A_432, %sign3A_453 : i32
      %sign3A_455 = arith.extui %sign3A_454 : i1 to i32
      %sign3A_456 = arith.constant 0 : i32
      %sign3A_457 = arith.cmpi slt, %add3A_432, %sign3A_456 : i32
      %sign3A_458 = arith.extui %sign3A_457 : i1 to i32
      %sign3A_459 = arith.subi %sign3A_455, %sign3A_458 : i32
      %sign3A_460 = arith.constant 0 : i32
      %sign3A_461 = arith.cmpi sgt, %jit3A_451, %sign3A_460 : i32
      %sign3A_462 = arith.extui %sign3A_461 : i1 to i32
      %sign3A_463 = arith.constant 0 : i32
      %sign3A_464 = arith.cmpi slt, %jit3A_451, %sign3A_463 : i32
      %sign3A_465 = arith.extui %sign3A_464 : i1 to i32
      %sign3A_466 = arith.subi %sign3A_462, %sign3A_465 : i32
      %ne3A_467 = arith.cmpi ne, %sign3A_459, %sign3A_466 : i32
      %rem3A_468 = arith.remsi %add3A_432, %jit3A_451 : i32
      %ne3A_469 = arith.constant 0 : i32
      %ne3A_470 = arith.cmpi ne, %rem3A_468, %ne3A_469 : i32
      %and3A_471 = arith.andi %ne3A_467, %ne3A_470 : i1
      %sub3A_472 = arith.constant 1 : i32
      %sub3A_473 = arith.subi %div3A_452, %sub3A_472 : i32
      %select_n3A_474 = arith.select %and3A_471, %sub3A_473, %div3A_452 : i32
      %jit3A_475 = arith.constant 64 : i32
      %eq3A_476 = arith.constant 0 : i32
      %eq3A_477 = arith.cmpi eq, %jit3A_475, %eq3A_476 : i32
      %jit3A_478 = arith.constant 1 : i32
      %select_n3A_479 = arith.select %eq3A_477, %jit3A_478, %jit3A_475 : i32
      %rem3A_480 = arith.remsi %add3A_432, %select_n3A_479 : i32
      %ne3A_481 = arith.constant 0 : i32
      %ne3A_482 = arith.cmpi ne, %rem3A_480, %ne3A_481 : i32
      %lt3A_483 = arith.constant 0 : i32
      %lt3A_484 = arith.cmpi slt, %rem3A_480, %lt3A_483 : i32
      %lt3A_485 = arith.constant 0 : i32
      %lt3A_486 = arith.cmpi slt, %select_n3A_479, %lt3A_485 : i32
      %ne3A_487 = arith.xori %lt3A_484, %lt3A_486 : i1
      %and3A_488 = arith.andi %ne3A_487, %ne3A_482 : i1
      %add3A_489 = arith.addi %rem3A_480, %select_n3A_479 : i32
      %select_n3A_490 = arith.select %and3A_488, %add3A_489, %rem3A_480 : i32
      %dma_start3A_491 = arith.constant 0 : i32
      %dma_start3A_492 = tpu.memref_slice %arg6[%select_n3A_474, %select_n3A_490, %dma_start3A_491] : memref<2x64x192xf32, #tpu.memory_space<vmem>> -> memref<1x1x192xf32, #tpu.memory_space<vmem>>
      %dma_start3A_493 = tpu.memref_squeeze %dma_start3A_492 : memref<1x1x192xf32, #tpu.memory_space<vmem>> -> memref<192xf32, #tpu.memory_space<vmem>>
      %dma_start3A_494 = arith.constant 0 : i32
      %dma_start3A_495 = tpu.memref_slice %arg2[%squeeze3A_434, %select_n3A_450, %dma_start3A_494] : memref<1024x64x192xf32, #tpu.memory_space<hbm>> -> memref<1x1x192xf32, #tpu.memory_space<hbm>>
      %dma_start3A_496 = tpu.memref_squeeze %dma_start3A_495 : memref<1x1x192xf32, #tpu.memory_space<hbm>> -> memref<192xf32, #tpu.memory_space<hbm>>
      %dma_start3A_497 = arith.constant 0 : i32
      %dma_start3A_498 = tpu.memref_slice %arg6[%select_n3A_474, %select_n3A_490, %dma_start3A_497] : memref<2x64x192xf32, #tpu.memory_space<vmem>> -> memref<1x1x192xf32, #tpu.memory_space<vmem>>
      %dma_start3A_499 = tpu.memref_squeeze %dma_start3A_498 : memref<1x1x192xf32, #tpu.memory_space<vmem>> -> memref<192xf32, #tpu.memory_space<vmem>>
      %dma_start3A_500 = arith.constant 0 : i32
      %dma_start3A_501 = tpu.memref_slice %arg2[%squeeze3A_434, %select_n3A_450, %dma_start3A_500] : memref<1024x64x192xf32, #tpu.memory_space<hbm>> -> memref<1x1x192xf32, #tpu.memory_space<hbm>>
      %dma_start3A_502 = tpu.memref_squeeze %dma_start3A_501 : memref<1x1x192xf32, #tpu.memory_space<hbm>> -> memref<192xf32, #tpu.memory_space<hbm>>
      tpu.enqueue_dma source(%dma_start3A_502 : memref<192xf32, #tpu.memory_space<hbm>>) target(%dma_start3A_499 : memref<192xf32, #tpu.memory_space<vmem>>) target_semaphore(%arg7 : memref<!tpu.dma_semaphore, #tpu.memory_space<semaphore_mem>>)
      %mul3A_503 = arith.constant 16 : i32
      %mul3A_504 = arith.muli %scan3A_65, %mul3A_503 : i32
      %add3A_505 = arith.constant 6 : i32
      %add3A_506 = arith.addi %mul3A_504, %add3A_505 : i32
      %slice3A_507 = vector.extract_strided_slice %get3A_71 {offsets = [6], sizes = [1], strides = [1]} : vector<16xi32> to vector<1xi32>
      %squeeze3A_508 = vector.extract %slice3A_507[0] : i32 from vector<1xi32>
      %jit3A_509 = arith.constant 64 : i32
      %eq3A_510 = arith.constant 0 : i32
      %eq3A_511 = arith.cmpi eq, %jit3A_509, %eq3A_510 : i32
      %jit3A_512 = arith.constant 1 : i32
      %select_n3A_513 = arith.select %eq3A_511, %jit3A_512, %jit3A_509 : i32
      %rem3A_514 = arith.remsi %add3A_506, %select_n3A_513 : i32
      %ne3A_515 = arith.constant 0 : i32
      %ne3A_516 = arith.cmpi ne, %rem3A_514, %ne3A_515 : i32
      %lt3A_517 = arith.constant 0 : i32
      %lt3A_518 = arith.cmpi slt, %rem3A_514, %lt3A_517 : i32
      %lt3A_519 = arith.constant 0 : i32
      %lt3A_520 = arith.cmpi slt, %select_n3A_513, %lt3A_519 : i32
      %ne3A_521 = arith.xori %lt3A_518, %lt3A_520 : i1
      %and3A_522 = arith.andi %ne3A_521, %ne3A_516 : i1
      %add3A_523 = arith.addi %rem3A_514, %select_n3A_513 : i32
      %select_n3A_524 = arith.select %and3A_522, %add3A_523, %rem3A_514 : i32
      %jit3A_525 = arith.constant 64 : i32
      %div3A_526 = arith.divsi %add3A_506, %jit3A_525 : i32
      %sign3A_527 = arith.constant 0 : i32
      %sign3A_528 = arith.cmpi sgt, %add3A_506, %sign3A_527 : i32
      %sign3A_529 = arith.extui %sign3A_528 : i1 to i32
      %sign3A_530 = arith.constant 0 : i32
      %sign3A_531 = arith.cmpi slt, %add3A_506, %sign3A_530 : i32
      %sign3A_532 = arith.extui %sign3A_531 : i1 to i32
      %sign3A_533 = arith.subi %sign3A_529, %sign3A_532 : i32
      %sign3A_534 = arith.constant 0 : i32
      %sign3A_535 = arith.cmpi sgt, %jit3A_525, %sign3A_534 : i32
      %sign3A_536 = arith.extui %sign3A_535 : i1 to i32
      %sign3A_537 = arith.constant 0 : i32
      %sign3A_538 = arith.cmpi slt, %jit3A_525, %sign3A_537 : i32
      %sign3A_539 = arith.extui %sign3A_538 : i1 to i32
      %sign3A_540 = arith.subi %sign3A_536, %sign3A_539 : i32
      %ne3A_541 = arith.cmpi ne, %sign3A_533, %sign3A_540 : i32
      %rem3A_542 = arith.remsi %add3A_506, %jit3A_525 : i32
      %ne3A_543 = arith.constant 0 : i32
      %ne3A_544 = arith.cmpi ne, %rem3A_542, %ne3A_543 : i32
      %and3A_545 = arith.andi %ne3A_541, %ne3A_544 : i1
      %sub3A_546 = arith.constant 1 : i32
      %sub3A_547 = arith.subi %div3A_526, %sub3A_546 : i32
      %select_n3A_548 = arith.select %and3A_545, %sub3A_547, %div3A_526 : i32
      %jit3A_549 = arith.constant 64 : i32
      %eq3A_550 = arith.constant 0 : i32
      %eq3A_551 = arith.cmpi eq, %jit3A_549, %eq3A_550 : i32
      %jit3A_552 = arith.constant 1 : i32
      %select_n3A_553 = arith.select %eq3A_551, %jit3A_552, %jit3A_549 : i32
      %rem3A_554 = arith.remsi %add3A_506, %select_n3A_553 : i32
      %ne3A_555 = arith.constant 0 : i32
      %ne3A_556 = arith.cmpi ne, %rem3A_554, %ne3A_555 : i32
      %lt3A_557 = arith.constant 0 : i32
      %lt3A_558 = arith.cmpi slt, %rem3A_554, %lt3A_557 : i32
      %lt3A_559 = arith.constant 0 : i32
      %lt3A_560 = arith.cmpi slt, %select_n3A_553, %lt3A_559 : i32
      %ne3A_561 = arith.xori %lt3A_558, %lt3A_560 : i1
      %and3A_562 = arith.andi %ne3A_561, %ne3A_556 : i1
      %add3A_563 = arith.addi %rem3A_554, %select_n3A_553 : i32
      %select_n3A_564 = arith.select %and3A_562, %add3A_563, %rem3A_554 : i32
      %dma_start3A_565 = arith.constant 0 : i32
      %dma_start3A_566 = tpu.memref_slice %arg6[%select_n3A_548, %select_n3A_564, %dma_start3A_565] : memref<2x64x192xf32, #tpu.memory_space<vmem>> -> memref<1x1x192xf32, #tpu.memory_space<vmem>>
      %dma_start3A_567 = tpu.memref_squeeze %dma_start3A_566 : memref<1x1x192xf32, #tpu.memory_space<vmem>> -> memref<192xf32, #tpu.memory_space<vmem>>
      %dma_start3A_568 = arith.constant 0 : i32
      %dma_start3A_569 = tpu.memref_slice %arg2[%squeeze3A_508, %select_n3A_524, %dma_start3A_568] : memref<1024x64x192xf32, #tpu.memory_space<hbm>> -> memref<1x1x192xf32, #tpu.memory_space<hbm>>
      %dma_start3A_570 = tpu.memref_squeeze %dma_start3A_569 : memref<1x1x192xf32, #tpu.memory_space<hbm>> -> memref<192xf32, #tpu.memory_space<hbm>>
      %dma_start3A_571 = arith.constant 0 : i32
      %dma_start3A_572 = tpu.memref_slice %arg6[%select_n3A_548, %select_n3A_564, %dma_start3A_571] : memref<2x64x192xf32, #tpu.memory_space<vmem>> -> memref<1x1x192xf32, #tpu.memory_space<vmem>>
      %dma_start3A_573 = tpu.memref_squeeze %dma_start3A_572 : memref<1x1x192xf32, #tpu.memory_space<vmem>> -> memref<192xf32, #tpu.memory_space<vmem>>
      %dma_start3A_574 = arith.constant 0 : i32
      %dma_start3A_575 = tpu.memref_slice %arg2[%squeeze3A_508, %select_n3A_524, %dma_start3A_574] : memref<1024x64x192xf32, #tpu.memory_space<hbm>> -> memref<1x1x192xf32, #tpu.memory_space<hbm>>
      %dma_start3A_576 = tpu.memref_squeeze %dma_start3A_575 : memref<1x1x192xf32, #tpu.memory_space<hbm>> -> memref<192xf32, #tpu.memory_space<hbm>>
      tpu.enqueue_dma source(%dma_start3A_576 : memref<192xf32, #tpu.memory_space<hbm>>) target(%dma_start3A_573 : memref<192xf32, #tpu.memory_space<vmem>>) target_semaphore(%arg7 : memref<!tpu.dma_semaphore, #tpu.memory_space<semaphore_mem>>)
      %mul3A_577 = arith.constant 16 : i32
      %mul3A_578 = arith.muli %scan3A_65, %mul3A_577 : i32
      %add3A_579 = arith.constant 7 : i32
      %add3A_580 = arith.addi %mul3A_578, %add3A_579 : i32
      %slice3A_581 = vector.extract_strided_slice %get3A_71 {offsets = [7], sizes = [1], strides = [1]} : vector<16xi32> to vector<1xi32>
      %squeeze3A_582 = vector.extract %slice3A_581[0] : i32 from vector<1xi32>
      %jit3A_583 = arith.constant 64 : i32
      %eq3A_584 = arith.constant 0 : i32
      %eq3A_585 = arith.cmpi eq, %jit3A_583, %eq3A_584 : i32
      %jit3A_586 = arith.constant 1 : i32
      %select_n3A_587 = arith.select %eq3A_585, %jit3A_586, %jit3A_583 : i32
      %rem3A_588 = arith.remsi %add3A_580, %select_n3A_587 : i32
      %ne3A_589 = arith.constant 0 : i32
      %ne3A_590 = arith.cmpi ne, %rem3A_588, %ne3A_589 : i32
      %lt3A_591 = arith.constant 0 : i32
      %lt3A_592 = arith.cmpi slt, %rem3A_588, %lt3A_591 : i32
      %lt3A_593 = arith.constant 0 : i32
      %lt3A_594 = arith.cmpi slt, %select_n3A_587, %lt3A_593 : i32
      %ne3A_595 = arith.xori %lt3A_592, %lt3A_594 : i1
      %and3A_596 = arith.andi %ne3A_595, %ne3A_590 : i1
      %add3A_597 = arith.addi %rem3A_588, %select_n3A_587 : i32
      %select_n3A_598 = arith.select %and3A_596, %add3A_597, %rem3A_588 : i32
      %jit3A_599 = arith.constant 64 : i32
      %div3A_600 = arith.divsi %add3A_580, %jit3A_599 : i32
      %sign3A_601 = arith.constant 0 : i32
      %sign3A_602 = arith.cmpi sgt, %add3A_580, %sign3A_601 : i32
      %sign3A_603 = arith.extui %sign3A_602 : i1 to i32
      %sign3A_604 = arith.constant 0 : i32
      %sign3A_605 = arith.cmpi slt, %add3A_580, %sign3A_604 : i32
      %sign3A_606 = arith.extui %sign3A_605 : i1 to i32
      %sign3A_607 = arith.subi %sign3A_603, %sign3A_606 : i32
      %sign3A_608 = arith.constant 0 : i32
      %sign3A_609 = arith.cmpi sgt, %jit3A_599, %sign3A_608 : i32
      %sign3A_610 = arith.extui %sign3A_609 : i1 to i32
      %sign3A_611 = arith.constant 0 : i32
      %sign3A_612 = arith.cmpi slt, %jit3A_599, %sign3A_611 : i32
      %sign3A_613 = arith.extui %sign3A_612 : i1 to i32
      %sign3A_614 = arith.subi %sign3A_610, %sign3A_613 : i32
      %ne3A_615 = arith.cmpi ne, %sign3A_607, %sign3A_614 : i32
      %rem3A_616 = arith.remsi %add3A_580, %jit3A_599 : i32
      %ne3A_617 = arith.constant 0 : i32
      %ne3A_618 = arith.cmpi ne, %rem3A_616, %ne3A_617 : i32
      %and3A_619 = arith.andi %ne3A_615, %ne3A_618 : i1
      %sub3A_620 = arith.constant 1 : i32
      %sub3A_621 = arith.subi %div3A_600, %sub3A_620 : i32
      %select_n3A_622 = arith.select %and3A_619, %sub3A_621, %div3A_600 : i32
      %jit3A_623 = arith.constant 64 : i32
      %eq3A_624 = arith.constant 0 : i32
      %eq3A_625 = arith.cmpi eq, %jit3A_623, %eq3A_624 : i32
      %jit3A_626 = arith.constant 1 : i32
      %select_n3A_627 = arith.select %eq3A_625, %jit3A_626, %jit3A_623 : i32
      %rem3A_628 = arith.remsi %add3A_580, %select_n3A_627 : i32
      %ne3A_629 = arith.constant 0 : i32
      %ne3A_630 = arith.cmpi ne, %rem3A_628, %ne3A_629 : i32
      %lt3A_631 = arith.constant 0 : i32
      %lt3A_632 = arith.cmpi slt, %rem3A_628, %lt3A_631 : i32
      %lt3A_633 = arith.constant 0 : i32
      %lt3A_634 = arith.cmpi slt, %select_n3A_627, %lt3A_633 : i32
      %ne3A_635 = arith.xori %lt3A_632, %lt3A_634 : i1
      %and3A_636 = arith.andi %ne3A_635, %ne3A_630 : i1
      %add3A_637 = arith.addi %rem3A_628, %select_n3A_627 : i32
      %select_n3A_638 = arith.select %and3A_636, %add3A_637, %rem3A_628 : i32
      %dma_start3A_639 = arith.constant 0 : i32
      %dma_start3A_640 = tpu.memref_slice %arg6[%select_n3A_622, %select_n3A_638, %dma_start3A_639] : memref<2x64x192xf32, #tpu.memory_space<vmem>> -> memref<1x1x192xf32, #tpu.memory_space<vmem>>
      %dma_start3A_641 = tpu.memref_squeeze %dma_start3A_640 : memref<1x1x192xf32, #tpu.memory_space<vmem>> -> memref<192xf32, #tpu.memory_space<vmem>>
      %dma_start3A_642 = arith.constant 0 : i32
      %dma_start3A_643 = tpu.memref_slice %arg2[%squeeze3A_582, %select_n3A_598, %dma_start3A_642] : memref<1024x64x192xf32, #tpu.memory_space<hbm>> -> memref<1x1x192xf32, #tpu.memory_space<hbm>>
      %dma_start3A_644 = tpu.memref_squeeze %dma_start3A_643 : memref<1x1x192xf32, #tpu.memory_space<hbm>> -> memref<192xf32, #tpu.memory_space<hbm>>
      %dma_start3A_645 = arith.constant 0 : i32
      %dma_start3A_646 = tpu.memref_slice %arg6[%select_n3A_622, %select_n3A_638, %dma_start3A_645] : memref<2x64x192xf32, #tpu.memory_space<vmem>> -> memref<1x1x192xf32, #tpu.memory_space<vmem>>
      %dma_start3A_647 = tpu.memref_squeeze %dma_start3A_646 : memref<1x1x192xf32, #tpu.memory_space<vmem>> -> memref<192xf32, #tpu.memory_space<vmem>>
      %dma_start3A_648 = arith.constant 0 : i32
      %dma_start3A_649 = tpu.memref_slice %arg2[%squeeze3A_582, %select_n3A_598, %dma_start3A_648] : memref<1024x64x192xf32, #tpu.memory_space<hbm>> -> memref<1x1x192xf32, #tpu.memory_space<hbm>>
      %dma_start3A_650 = tpu.memref_squeeze %dma_start3A_649 : memref<1x1x192xf32, #tpu.memory_space<hbm>> -> memref<192xf32, #tpu.memory_space<hbm>>
      tpu.enqueue_dma source(%dma_start3A_650 : memref<192xf32, #tpu.memory_space<hbm>>) target(%dma_start3A_647 : memref<192xf32, #tpu.memory_space<vmem>>) target_semaphore(%arg7 : memref<!tpu.dma_semaphore, #tpu.memory_space<semaphore_mem>>)
      %mul3A_651 = arith.constant 16 : i32
      %mul3A_652 = arith.muli %scan3A_65, %mul3A_651 : i32
      %add3A_653 = arith.constant 8 : i32
      %add3A_654 = arith.addi %mul3A_652, %add3A_653 : i32
      %slice3A_655 = vector.extract_strided_slice %get3A_71 {offsets = [8], sizes = [1], strides = [1]} : vector<16xi32> to vector<1xi32>
      %squeeze3A_656 = vector.extract %slice3A_655[0] : i32 from vector<1xi32>
      %jit3A_657 = arith.constant 64 : i32
      %eq3A_658 = arith.constant 0 : i32
      %eq3A_659 = arith.cmpi eq, %jit3A_657, %eq3A_658 : i32
      %jit3A_660 = arith.constant 1 : i32
      %select_n3A_661 = arith.select %eq3A_659, %jit3A_660, %jit3A_657 : i32
      %rem3A_662 = arith.remsi %add3A_654, %select_n3A_661 : i32
      %ne3A_663 = arith.constant 0 : i32
      %ne3A_664 = arith.cmpi ne, %rem3A_662, %ne3A_663 : i32
      %lt3A_665 = arith.constant 0 : i32
      %lt3A_666 = arith.cmpi slt, %rem3A_662, %lt3A_665 : i32
      %lt3A_667 = arith.constant 0 : i32
      %lt3A_668 = arith.cmpi slt, %select_n3A_661, %lt3A_667 : i32
      %ne3A_669 = arith.xori %lt3A_666, %lt3A_668 : i1
      %and3A_670 = arith.andi %ne3A_669, %ne3A_664 : i1
      %add3A_671 = arith.addi %rem3A_662, %select_n3A_661 : i32
      %select_n3A_672 = arith.select %and3A_670, %add3A_671, %rem3A_662 : i32
      %jit3A_673 = arith.constant 64 : i32
      %div3A_674 = arith.divsi %add3A_654, %jit3A_673 : i32
      %sign3A_675 = arith.constant 0 : i32
      %sign3A_676 = arith.cmpi sgt, %add3A_654, %sign3A_675 : i32
      %sign3A_677 = arith.extui %sign3A_676 : i1 to i32
      %sign3A_678 = arith.constant 0 : i32
      %sign3A_679 = arith.cmpi slt, %add3A_654, %sign3A_678 : i32
      %sign3A_680 = arith.extui %sign3A_679 : i1 to i32
      %sign3A_681 = arith.subi %sign3A_677, %sign3A_680 : i32
      %sign3A_682 = arith.constant 0 : i32
      %sign3A_683 = arith.cmpi sgt, %jit3A_673, %sign3A_682 : i32
      %sign3A_684 = arith.extui %sign3A_683 : i1 to i32
      %sign3A_685 = arith.constant 0 : i32
      %sign3A_686 = arith.cmpi slt, %jit3A_673, %sign3A_685 : i32
      %sign3A_687 = arith.extui %sign3A_686 : i1 to i32
      %sign3A_688 = arith.subi %sign3A_684, %sign3A_687 : i32
      %ne3A_689 = arith.cmpi ne, %sign3A_681, %sign3A_688 : i32
      %rem3A_690 = arith.remsi %add3A_654, %jit3A_673 : i32
      %ne3A_691 = arith.constant 0 : i32
      %ne3A_692 = arith.cmpi ne, %rem3A_690, %ne3A_691 : i32
      %and3A_693 = arith.andi %ne3A_689, %ne3A_692 : i1
      %sub3A_694 = arith.constant 1 : i32
      %sub3A_695 = arith.subi %div3A_674, %sub3A_694 : i32
      %select_n3A_696 = arith.select %and3A_693, %sub3A_695, %div3A_674 : i32
      %jit3A_697 = arith.constant 64 : i32
      %eq3A_698 = arith.constant 0 : i32
      %eq3A_699 = arith.cmpi eq, %jit3A_697, %eq3A_698 : i32
      %jit3A_700 = arith.constant 1 : i32
      %select_n3A_701 = arith.select %eq3A_699, %jit3A_700, %jit3A_697 : i32
      %rem3A_702 = arith.remsi %add3A_654, %select_n3A_701 : i32
      %ne3A_703 = arith.constant 0 : i32
      %ne3A_704 = arith.cmpi ne, %rem3A_702, %ne3A_703 : i32
      %lt3A_705 = arith.constant 0 : i32
      %lt3A_706 = arith.cmpi slt, %rem3A_702, %lt3A_705 : i32
      %lt3A_707 = arith.constant 0 : i32
      %lt3A_708 = arith.cmpi slt, %select_n3A_701, %lt3A_707 : i32
      %ne3A_709 = arith.xori %lt3A_706, %lt3A_708 : i1
      %and3A_710 = arith.andi %ne3A_709, %ne3A_704 : i1
      %add3A_711 = arith.addi %rem3A_702, %select_n3A_701 : i32
      %select_n3A_712 = arith.select %and3A_710, %add3A_711, %rem3A_702 : i32
      %dma_start3A_713 = arith.constant 0 : i32
      %dma_start3A_714 = tpu.memref_slice %arg6[%select_n3A_696, %select_n3A_712, %dma_start3A_713] : memref<2x64x192xf32, #tpu.memory_space<vmem>> -> memref<1x1x192xf32, #tpu.memory_space<vmem>>
      %dma_start3A_715 = tpu.memref_squeeze %dma_start3A_714 : memref<1x1x192xf32, #tpu.memory_space<vmem>> -> memref<192xf32, #tpu.memory_space<vmem>>
      %dma_start3A_716 = arith.constant 0 : i32
      %dma_start3A_717 = tpu.memref_slice %arg2[%squeeze3A_656, %select_n3A_672, %dma_start3A_716] : memref<1024x64x192xf32, #tpu.memory_space<hbm>> -> memref<1x1x192xf32, #tpu.memory_space<hbm>>
      %dma_start3A_718 = tpu.memref_squeeze %dma_start3A_717 : memref<1x1x192xf32, #tpu.memory_space<hbm>> -> memref<192xf32, #tpu.memory_space<hbm>>
      %dma_start3A_719 = arith.constant 0 : i32
      %dma_start3A_720 = tpu.memref_slice %arg6[%select_n3A_696, %select_n3A_712, %dma_start3A_719] : memref<2x64x192xf32, #tpu.memory_space<vmem>> -> memref<1x1x192xf32, #tpu.memory_space<vmem>>
      %dma_start3A_721 = tpu.memref_squeeze %dma_start3A_720 : memref<1x1x192xf32, #tpu.memory_space<vmem>> -> memref<192xf32, #tpu.memory_space<vmem>>
      %dma_start3A_722 = arith.constant 0 : i32
      %dma_start3A_723 = tpu.memref_slice %arg2[%squeeze3A_656, %select_n3A_672, %dma_start3A_722] : memref<1024x64x192xf32, #tpu.memory_space<hbm>> -> memref<1x1x192xf32, #tpu.memory_space<hbm>>
      %dma_start3A_724 = tpu.memref_squeeze %dma_start3A_723 : memref<1x1x192xf32, #tpu.memory_space<hbm>> -> memref<192xf32, #tpu.memory_space<hbm>>
      tpu.enqueue_dma source(%dma_start3A_724 : memref<192xf32, #tpu.memory_space<hbm>>) target(%dma_start3A_721 : memref<192xf32, #tpu.memory_space<vmem>>) target_semaphore(%arg7 : memref<!tpu.dma_semaphore, #tpu.memory_space<semaphore_mem>>)
      %mul3A_725 = arith.constant 16 : i32
      %mul3A_726 = arith.muli %scan3A_65, %mul3A_725 : i32
      %add3A_727 = arith.constant 9 : i32
      %add3A_728 = arith.addi %mul3A_726, %add3A_727 : i32
      %slice3A_729 = vector.extract_strided_slice %get3A_71 {offsets = [9], sizes = [1], strides = [1]} : vector<16xi32> to vector<1xi32>
      %squeeze3A_730 = vector.extract %slice3A_729[0] : i32 from vector<1xi32>
      %jit3A_731 = arith.constant 64 : i32
      %eq3A_732 = arith.constant 0 : i32
      %eq3A_733 = arith.cmpi eq, %jit3A_731, %eq3A_732 : i32
      %jit3A_734 = arith.constant 1 : i32
      %select_n3A_735 = arith.select %eq3A_733, %jit3A_734, %jit3A_731 : i32
      %rem3A_736 = arith.remsi %add3A_728, %select_n3A_735 : i32
      %ne3A_737 = arith.constant 0 : i32
      %ne3A_738 = arith.cmpi ne, %rem3A_736, %ne3A_737 : i32
      %lt3A_739 = arith.constant 0 : i32
      %lt3A_740 = arith.cmpi slt, %rem3A_736, %lt3A_739 : i32
      %lt3A_741 = arith.constant 0 : i32
      %lt3A_742 = arith.cmpi slt, %select_n3A_735, %lt3A_741 : i32
      %ne3A_743 = arith.xori %lt3A_740, %lt3A_742 : i1
      %and3A_744 = arith.andi %ne3A_743, %ne3A_738 : i1
      %add3A_745 = arith.addi %rem3A_736, %select_n3A_735 : i32
      %select_n3A_746 = arith.select %and3A_744, %add3A_745, %rem3A_736 : i32
      %jit3A_747 = arith.constant 64 : i32
      %div3A_748 = arith.divsi %add3A_728, %jit3A_747 : i32
      %sign3A_749 = arith.constant 0 : i32
      %sign3A_750 = arith.cmpi sgt, %add3A_728, %sign3A_749 : i32
      %sign3A_751 = arith.extui %sign3A_750 : i1 to i32
      %sign3A_752 = arith.constant 0 : i32
      %sign3A_753 = arith.cmpi slt, %add3A_728, %sign3A_752 : i32
      %sign3A_754 = arith.extui %sign3A_753 : i1 to i32
      %sign3A_755 = arith.subi %sign3A_751, %sign3A_754 : i32
      %sign3A_756 = arith.constant 0 : i32
      %sign3A_757 = arith.cmpi sgt, %jit3A_747, %sign3A_756 : i32
      %sign3A_758 = arith.extui %sign3A_757 : i1 to i32
      %sign3A_759 = arith.constant 0 : i32
      %sign3A_760 = arith.cmpi slt, %jit3A_747, %sign3A_759 : i32
      %sign3A_761 = arith.extui %sign3A_760 : i1 to i32
      %sign3A_762 = arith.subi %sign3A_758, %sign3A_761 : i32
      %ne3A_763 = arith.cmpi ne, %sign3A_755, %sign3A_762 : i32
      %rem3A_764 = arith.remsi %add3A_728, %jit3A_747 : i32
      %ne3A_765 = arith.constant 0 : i32
      %ne3A_766 = arith.cmpi ne, %rem3A_764, %ne3A_765 : i32
      %and3A_767 = arith.andi %ne3A_763, %ne3A_766 : i1
      %sub3A_768 = arith.constant 1 : i32
      %sub3A_769 = arith.subi %div3A_748, %sub3A_768 : i32
      %select_n3A_770 = arith.select %and3A_767, %sub3A_769, %div3A_748 : i32
      %jit3A_771 = arith.constant 64 : i32
      %eq3A_772 = arith.constant 0 : i32
      %eq3A_773 = arith.cmpi eq, %jit3A_771, %eq3A_772 : i32
      %jit3A_774 = arith.constant 1 : i32
      %select_n3A_775 = arith.select %eq3A_773, %jit3A_774, %jit3A_771 : i32
      %rem3A_776 = arith.remsi %add3A_728, %select_n3A_775 : i32
      %ne3A_777 = arith.constant 0 : i32
      %ne3A_778 = arith.cmpi ne, %rem3A_776, %ne3A_777 : i32
      %lt3A_779 = arith.constant 0 : i32
      %lt3A_780 = arith.cmpi slt, %rem3A_776, %lt3A_779 : i32
      %lt3A_781 = arith.constant 0 : i32
      %lt3A_782 = arith.cmpi slt, %select_n3A_775, %lt3A_781 : i32
      %ne3A_783 = arith.xori %lt3A_780, %lt3A_782 : i1
      %and3A_784 = arith.andi %ne3A_783, %ne3A_778 : i1
      %add3A_785 = arith.addi %rem3A_776, %select_n3A_775 : i32
      %select_n3A_786 = arith.select %and3A_784, %add3A_785, %rem3A_776 : i32
      %dma_start3A_787 = arith.constant 0 : i32
      %dma_start3A_788 = tpu.memref_slice %arg6[%select_n3A_770, %select_n3A_786, %dma_start3A_787] : memref<2x64x192xf32, #tpu.memory_space<vmem>> -> memref<1x1x192xf32, #tpu.memory_space<vmem>>
      %dma_start3A_789 = tpu.memref_squeeze %dma_start3A_788 : memref<1x1x192xf32, #tpu.memory_space<vmem>> -> memref<192xf32, #tpu.memory_space<vmem>>
      %dma_start3A_790 = arith.constant 0 : i32
      %dma_start3A_791 = tpu.memref_slice %arg2[%squeeze3A_730, %select_n3A_746, %dma_start3A_790] : memref<1024x64x192xf32, #tpu.memory_space<hbm>> -> memref<1x1x192xf32, #tpu.memory_space<hbm>>
      %dma_start3A_792 = tpu.memref_squeeze %dma_start3A_791 : memref<1x1x192xf32, #tpu.memory_space<hbm>> -> memref<192xf32, #tpu.memory_space<hbm>>
      %dma_start3A_793 = arith.constant 0 : i32
      %dma_start3A_794 = tpu.memref_slice %arg6[%select_n3A_770, %select_n3A_786, %dma_start3A_793] : memref<2x64x192xf32, #tpu.memory_space<vmem>> -> memref<1x1x192xf32, #tpu.memory_space<vmem>>
      %dma_start3A_795 = tpu.memref_squeeze %dma_start3A_794 : memref<1x1x192xf32, #tpu.memory_space<vmem>> -> memref<192xf32, #tpu.memory_space<vmem>>
      %dma_start3A_796 = arith.constant 0 : i32
      %dma_start3A_797 = tpu.memref_slice %arg2[%squeeze3A_730, %select_n3A_746, %dma_start3A_796] : memref<1024x64x192xf32, #tpu.memory_space<hbm>> -> memref<1x1x192xf32, #tpu.memory_space<hbm>>
      %dma_start3A_798 = tpu.memref_squeeze %dma_start3A_797 : memref<1x1x192xf32, #tpu.memory_space<hbm>> -> memref<192xf32, #tpu.memory_space<hbm>>
      tpu.enqueue_dma source(%dma_start3A_798 : memref<192xf32, #tpu.memory_space<hbm>>) target(%dma_start3A_795 : memref<192xf32, #tpu.memory_space<vmem>>) target_semaphore(%arg7 : memref<!tpu.dma_semaphore, #tpu.memory_space<semaphore_mem>>)
      %mul3A_799 = arith.constant 16 : i32
      %mul3A_800 = arith.muli %scan3A_65, %mul3A_799 : i32
      %add3A_801 = arith.constant 10 : i32
      %add3A_802 = arith.addi %mul3A_800, %add3A_801 : i32
      %slice3A_803 = vector.extract_strided_slice %get3A_71 {offsets = [10], sizes = [1], strides = [1]} : vector<16xi32> to vector<1xi32>
      %squeeze3A_804 = vector.extract %slice3A_803[0] : i32 from vector<1xi32>
      %jit3A_805 = arith.constant 64 : i32
      %eq3A_806 = arith.constant 0 : i32
      %eq3A_807 = arith.cmpi eq, %jit3A_805, %eq3A_806 : i32
      %jit3A_808 = arith.constant 1 : i32
      %select_n3A_809 = arith.select %eq3A_807, %jit3A_808, %jit3A_805 : i32
      %rem3A_810 = arith.remsi %add3A_802, %select_n3A_809 : i32
      %ne3A_811 = arith.constant 0 : i32
      %ne3A_812 = arith.cmpi ne, %rem3A_810, %ne3A_811 : i32
      %lt3A_813 = arith.constant 0 : i32
      %lt3A_814 = arith.cmpi slt, %rem3A_810, %lt3A_813 : i32
      %lt3A_815 = arith.constant 0 : i32
      %lt3A_816 = arith.cmpi slt, %select_n3A_809, %lt3A_815 : i32
      %ne3A_817 = arith.xori %lt3A_814, %lt3A_816 : i1
      %and3A_818 = arith.andi %ne3A_817, %ne3A_812 : i1
      %add3A_819 = arith.addi %rem3A_810, %select_n3A_809 : i32
      %select_n3A_820 = arith.select %and3A_818, %add3A_819, %rem3A_810 : i32
      %jit3A_821 = arith.constant 64 : i32
      %div3A_822 = arith.divsi %add3A_802, %jit3A_821 : i32
      %sign3A_823 = arith.constant 0 : i32
      %sign3A_824 = arith.cmpi sgt, %add3A_802, %sign3A_823 : i32
      %sign3A_825 = arith.extui %sign3A_824 : i1 to i32
      %sign3A_826 = arith.constant 0 : i32
      %sign3A_827 = arith.cmpi slt, %add3A_802, %sign3A_826 : i32
      %sign3A_828 = arith.extui %sign3A_827 : i1 to i32
      %sign3A_829 = arith.subi %sign3A_825, %sign3A_828 : i32
      %sign3A_830 = arith.constant 0 : i32
      %sign3A_831 = arith.cmpi sgt, %jit3A_821, %sign3A_830 : i32
      %sign3A_832 = arith.extui %sign3A_831 : i1 to i32
      %sign3A_833 = arith.constant 0 : i32
      %sign3A_834 = arith.cmpi slt, %jit3A_821, %sign3A_833 : i32
      %sign3A_835 = arith.extui %sign3A_834 : i1 to i32
      %sign3A_836 = arith.subi %sign3A_832, %sign3A_835 : i32
      %ne3A_837 = arith.cmpi ne, %sign3A_829, %sign3A_836 : i32
      %rem3A_838 = arith.remsi %add3A_802, %jit3A_821 : i32
      %ne3A_839 = arith.constant 0 : i32
      %ne3A_840 = arith.cmpi ne, %rem3A_838, %ne3A_839 : i32
      %and3A_841 = arith.andi %ne3A_837, %ne3A_840 : i1
      %sub3A_842 = arith.constant 1 : i32
      %sub3A_843 = arith.subi %div3A_822, %sub3A_842 : i32
      %select_n3A_844 = arith.select %and3A_841, %sub3A_843, %div3A_822 : i32
      %jit3A_845 = arith.constant 64 : i32
      %eq3A_846 = arith.constant 0 : i32
      %eq3A_847 = arith.cmpi eq, %jit3A_845, %eq3A_846 : i32
      %jit3A_848 = arith.constant 1 : i32
      %select_n3A_849 = arith.select %eq3A_847, %jit3A_848, %jit3A_845 : i32
      %rem3A_850 = arith.remsi %add3A_802, %select_n3A_849 : i32
      %ne3A_851 = arith.constant 0 : i32
      %ne3A_852 = arith.cmpi ne, %rem3A_850, %ne3A_851 : i32
      %lt3A_853 = arith.constant 0 : i32
      %lt3A_854 = arith.cmpi slt, %rem3A_850, %lt3A_853 : i32
      %lt3A_855 = arith.constant 0 : i32
      %lt3A_856 = arith.cmpi slt, %select_n3A_849, %lt3A_855 : i32
      %ne3A_857 = arith.xori %lt3A_854, %lt3A_856 : i1
      %and3A_858 = arith.andi %ne3A_857, %ne3A_852 : i1
      %add3A_859 = arith.addi %rem3A_850, %select_n3A_849 : i32
      %select_n3A_860 = arith.select %and3A_858, %add3A_859, %rem3A_850 : i32
      %dma_start3A_861 = arith.constant 0 : i32
      %dma_start3A_862 = tpu.memref_slice %arg6[%select_n3A_844, %select_n3A_860, %dma_start3A_861] : memref<2x64x192xf32, #tpu.memory_space<vmem>> -> memref<1x1x192xf32, #tpu.memory_space<vmem>>
      %dma_start3A_863 = tpu.memref_squeeze %dma_start3A_862 : memref<1x1x192xf32, #tpu.memory_space<vmem>> -> memref<192xf32, #tpu.memory_space<vmem>>
      %dma_start3A_864 = arith.constant 0 : i32
      %dma_start3A_865 = tpu.memref_slice %arg2[%squeeze3A_804, %select_n3A_820, %dma_start3A_864] : memref<1024x64x192xf32, #tpu.memory_space<hbm>> -> memref<1x1x192xf32, #tpu.memory_space<hbm>>
      %dma_start3A_866 = tpu.memref_squeeze %dma_start3A_865 : memref<1x1x192xf32, #tpu.memory_space<hbm>> -> memref<192xf32, #tpu.memory_space<hbm>>
      %dma_start3A_867 = arith.constant 0 : i32
      %dma_start3A_868 = tpu.memref_slice %arg6[%select_n3A_844, %select_n3A_860, %dma_start3A_867] : memref<2x64x192xf32, #tpu.memory_space<vmem>> -> memref<1x1x192xf32, #tpu.memory_space<vmem>>
      %dma_start3A_869 = tpu.memref_squeeze %dma_start3A_868 : memref<1x1x192xf32, #tpu.memory_space<vmem>> -> memref<192xf32, #tpu.memory_space<vmem>>
      %dma_start3A_870 = arith.constant 0 : i32
      %dma_start3A_871 = tpu.memref_slice %arg2[%squeeze3A_804, %select_n3A_820, %dma_start3A_870] : memref<1024x64x192xf32, #tpu.memory_space<hbm>> -> memref<1x1x192xf32, #tpu.memory_space<hbm>>
      %dma_start3A_872 = tpu.memref_squeeze %dma_start3A_871 : memref<1x1x192xf32, #tpu.memory_space<hbm>> -> memref<192xf32, #tpu.memory_space<hbm>>
      tpu.enqueue_dma source(%dma_start3A_872 : memref<192xf32, #tpu.memory_space<hbm>>) target(%dma_start3A_869 : memref<192xf32, #tpu.memory_space<vmem>>) target_semaphore(%arg7 : memref<!tpu.dma_semaphore, #tpu.memory_space<semaphore_mem>>)
      %mul3A_873 = arith.constant 16 : i32
      %mul3A_874 = arith.muli %scan3A_65, %mul3A_873 : i32
      %add3A_875 = arith.constant 11 : i32
      %add3A_876 = arith.addi %mul3A_874, %add3A_875 : i32
      %slice3A_877 = vector.extract_strided_slice %get3A_71 {offsets = [11], sizes = [1], strides = [1]} : vector<16xi32> to vector<1xi32>
      %squeeze3A_878 = vector.extract %slice3A_877[0] : i32 from vector<1xi32>
      %jit3A_879 = arith.constant 64 : i32
      %eq3A_880 = arith.constant 0 : i32
      %eq3A_881 = arith.cmpi eq, %jit3A_879, %eq3A_880 : i32
      %jit3A_882 = arith.constant 1 : i32
      %select_n3A_883 = arith.select %eq3A_881, %jit3A_882, %jit3A_879 : i32
      %rem3A_884 = arith.remsi %add3A_876, %select_n3A_883 : i32
      %ne3A_885 = arith.constant 0 : i32
      %ne3A_886 = arith.cmpi ne, %rem3A_884, %ne3A_885 : i32
      %lt3A_887 = arith.constant 0 : i32
      %lt3A_888 = arith.cmpi slt, %rem3A_884, %lt3A_887 : i32
      %lt3A_889 = arith.constant 0 : i32
      %lt3A_890 = arith.cmpi slt, %select_n3A_883, %lt3A_889 : i32
      %ne3A_891 = arith.xori %lt3A_888, %lt3A_890 : i1
      %and3A_892 = arith.andi %ne3A_891, %ne3A_886 : i1
      %add3A_893 = arith.addi %rem3A_884, %select_n3A_883 : i32
      %select_n3A_894 = arith.select %and3A_892, %add3A_893, %rem3A_884 : i32
      %jit3A_895 = arith.constant 64 : i32
      %div3A_896 = arith.divsi %add3A_876, %jit3A_895 : i32
      %sign3A_897 = arith.constant 0 : i32
      %sign3A_898 = arith.cmpi sgt, %add3A_876, %sign3A_897 : i32
      %sign3A_899 = arith.extui %sign3A_898 : i1 to i32
      %sign3A_900 = arith.constant 0 : i32
      %sign3A_901 = arith.cmpi slt, %add3A_876, %sign3A_900 : i32
      %sign3A_902 = arith.extui %sign3A_901 : i1 to i32
      %sign3A_903 = arith.subi %sign3A_899, %sign3A_902 : i32
      %sign3A_904 = arith.constant 0 : i32
      %sign3A_905 = arith.cmpi sgt, %jit3A_895, %sign3A_904 : i32
      %sign3A_906 = arith.extui %sign3A_905 : i1 to i32
      %sign3A_907 = arith.constant 0 : i32
      %sign3A_908 = arith.cmpi slt, %jit3A_895, %sign3A_907 : i32
      %sign3A_909 = arith.extui %sign3A_908 : i1 to i32
      %sign3A_910 = arith.subi %sign3A_906, %sign3A_909 : i32
      %ne3A_911 = arith.cmpi ne, %sign3A_903, %sign3A_910 : i32
      %rem3A_912 = arith.remsi %add3A_876, %jit3A_895 : i32
      %ne3A_913 = arith.constant 0 : i32
      %ne3A_914 = arith.cmpi ne, %rem3A_912, %ne3A_913 : i32
      %and3A_915 = arith.andi %ne3A_911, %ne3A_914 : i1
      %sub3A_916 = arith.constant 1 : i32
      %sub3A_917 = arith.subi %div3A_896, %sub3A_916 : i32
      %select_n3A_918 = arith.select %and3A_915, %sub3A_917, %div3A_896 : i32
      %jit3A_919 = arith.constant 64 : i32
      %eq3A_920 = arith.constant 0 : i32
      %eq3A_921 = arith.cmpi eq, %jit3A_919, %eq3A_920 : i32
      %jit3A_922 = arith.constant 1 : i32
      %select_n3A_923 = arith.select %eq3A_921, %jit3A_922, %jit3A_919 : i32
      %rem3A_924 = arith.remsi %add3A_876, %select_n3A_923 : i32
      %ne3A_925 = arith.constant 0 : i32
      %ne3A_926 = arith.cmpi ne, %rem3A_924, %ne3A_925 : i32
      %lt3A_927 = arith.constant 0 : i32
      %lt3A_928 = arith.cmpi slt, %rem3A_924, %lt3A_927 : i32
      %lt3A_929 = arith.constant 0 : i32
      %lt3A_930 = arith.cmpi slt, %select_n3A_923, %lt3A_929 : i32
      %ne3A_931 = arith.xori %lt3A_928, %lt3A_930 : i1
      %and3A_932 = arith.andi %ne3A_931, %ne3A_926 : i1
      %add3A_933 = arith.addi %rem3A_924, %select_n3A_923 : i32
      %select_n3A_934 = arith.select %and3A_932, %add3A_933, %rem3A_924 : i32
      %dma_start3A_935 = arith.constant 0 : i32
      %dma_start3A_936 = tpu.memref_slice %arg6[%select_n3A_918, %select_n3A_934, %dma_start3A_935] : memref<2x64x192xf32, #tpu.memory_space<vmem>> -> memref<1x1x192xf32, #tpu.memory_space<vmem>>
      %dma_start3A_937 = tpu.memref_squeeze %dma_start3A_936 : memref<1x1x192xf32, #tpu.memory_space<vmem>> -> memref<192xf32, #tpu.memory_space<vmem>>
      %dma_start3A_938 = arith.constant 0 : i32
      %dma_start3A_939 = tpu.memref_slice %arg2[%squeeze3A_878, %select_n3A_894, %dma_start3A_938] : memref<1024x64x192xf32, #tpu.memory_space<hbm>> -> memref<1x1x192xf32, #tpu.memory_space<hbm>>
      %dma_start3A_940 = tpu.memref_squeeze %dma_start3A_939 : memref<1x1x192xf32, #tpu.memory_space<hbm>> -> memref<192xf32, #tpu.memory_space<hbm>>
      %dma_start3A_941 = arith.constant 0 : i32
      %dma_start3A_942 = tpu.memref_slice %arg6[%select_n3A_918, %select_n3A_934, %dma_start3A_941] : memref<2x64x192xf32, #tpu.memory_space<vmem>> -> memref<1x1x192xf32, #tpu.memory_space<vmem>>
      %dma_start3A_943 = tpu.memref_squeeze %dma_start3A_942 : memref<1x1x192xf32, #tpu.memory_space<vmem>> -> memref<192xf32, #tpu.memory_space<vmem>>
      %dma_start3A_944 = arith.constant 0 : i32
      %dma_start3A_945 = tpu.memref_slice %arg2[%squeeze3A_878, %select_n3A_894, %dma_start3A_944] : memref<1024x64x192xf32, #tpu.memory_space<hbm>> -> memref<1x1x192xf32, #tpu.memory_space<hbm>>
      %dma_start3A_946 = tpu.memref_squeeze %dma_start3A_945 : memref<1x1x192xf32, #tpu.memory_space<hbm>> -> memref<192xf32, #tpu.memory_space<hbm>>
      tpu.enqueue_dma source(%dma_start3A_946 : memref<192xf32, #tpu.memory_space<hbm>>) target(%dma_start3A_943 : memref<192xf32, #tpu.memory_space<vmem>>) target_semaphore(%arg7 : memref<!tpu.dma_semaphore, #tpu.memory_space<semaphore_mem>>)
      %mul3A_947 = arith.constant 16 : i32
      %mul3A_948 = arith.muli %scan3A_65, %mul3A_947 : i32
      %add3A_949 = arith.constant 12 : i32
      %add3A_950 = arith.addi %mul3A_948, %add3A_949 : i32
      %slice3A_951 = vector.extract_strided_slice %get3A_71 {offsets = [12], sizes = [1], strides = [1]} : vector<16xi32> to vector<1xi32>
      %squeeze3A_952 = vector.extract %slice3A_951[0] : i32 from vector<1xi32>
      %jit3A_953 = arith.constant 64 : i32
      %eq3A_954 = arith.constant 0 : i32
      %eq3A_955 = arith.cmpi eq, %jit3A_953, %eq3A_954 : i32
      %jit3A_956 = arith.constant 1 : i32
      %select_n3A_957 = arith.select %eq3A_955, %jit3A_956, %jit3A_953 : i32
      %rem3A_958 = arith.remsi %add3A_950, %select_n3A_957 : i32
      %ne3A_959 = arith.constant 0 : i32
      %ne3A_960 = arith.cmpi ne, %rem3A_958, %ne3A_959 : i32
      %lt3A_961 = arith.constant 0 : i32
      %lt3A_962 = arith.cmpi slt, %rem3A_958, %lt3A_961 : i32
      %lt3A_963 = arith.constant 0 : i32
      %lt3A_964 = arith.cmpi slt, %select_n3A_957, %lt3A_963 : i32
      %ne3A_965 = arith.xori %lt3A_962, %lt3A_964 : i1
      %and3A_966 = arith.andi %ne3A_965, %ne3A_960 : i1
      %add3A_967 = arith.addi %rem3A_958, %select_n3A_957 : i32
      %select_n3A_968 = arith.select %and3A_966, %add3A_967, %rem3A_958 : i32
      %jit3A_969 = arith.constant 64 : i32
      %div3A_970 = arith.divsi %add3A_950, %jit3A_969 : i32
      %sign3A_971 = arith.constant 0 : i32
      %sign3A_972 = arith.cmpi sgt, %add3A_950, %sign3A_971 : i32
      %sign3A_973 = arith.extui %sign3A_972 : i1 to i32
      %sign3A_974 = arith.constant 0 : i32
      %sign3A_975 = arith.cmpi slt, %add3A_950, %sign3A_974 : i32
      %sign3A_976 = arith.extui %sign3A_975 : i1 to i32
      %sign3A_977 = arith.subi %sign3A_973, %sign3A_976 : i32
      %sign3A_978 = arith.constant 0 : i32
      %sign3A_979 = arith.cmpi sgt, %jit3A_969, %sign3A_978 : i32
      %sign3A_980 = arith.extui %sign3A_979 : i1 to i32
      %sign3A_981 = arith.constant 0 : i32
      %sign3A_982 = arith.cmpi slt, %jit3A_969, %sign3A_981 : i32
      %sign3A_983 = arith.extui %sign3A_982 : i1 to i32
      %sign3A_984 = arith.subi %sign3A_980, %sign3A_983 : i32
      %ne3A_985 = arith.cmpi ne, %sign3A_977, %sign3A_984 : i32
      %rem3A_986 = arith.remsi %add3A_950, %jit3A_969 : i32
      %ne3A_987 = arith.constant 0 : i32
      %ne3A_988 = arith.cmpi ne, %rem3A_986, %ne3A_987 : i32
      %and3A_989 = arith.andi %ne3A_985, %ne3A_988 : i1
      %sub3A_990 = arith.constant 1 : i32
      %sub3A_991 = arith.subi %div3A_970, %sub3A_990 : i32
      %select_n3A_992 = arith.select %and3A_989, %sub3A_991, %div3A_970 : i32
      %jit3A_993 = arith.constant 64 : i32
      %eq3A_994 = arith.constant 0 : i32
      %eq3A_995 = arith.cmpi eq, %jit3A_993, %eq3A_994 : i32
      %jit3A_996 = arith.constant 1 : i32
      %select_n3A_997 = arith.select %eq3A_995, %jit3A_996, %jit3A_993 : i32
      %rem3A_998 = arith.remsi %add3A_950, %select_n3A_997 : i32
      %ne3A_999 = arith.constant 0 : i32
      %ne3A_1000 = arith.cmpi ne, %rem3A_998, %ne3A_999 : i32
      %lt3A_1001 = arith.constant 0 : i32
      %lt3A_1002 = arith.cmpi slt, %rem3A_998, %lt3A_1001 : i32
      %lt3A_1003 = arith.constant 0 : i32
      %lt3A_1004 = arith.cmpi slt, %select_n3A_997, %lt3A_1003 : i32
      %ne3A_1005 = arith.xori %lt3A_1002, %lt3A_1004 : i1
      %and3A_1006 = arith.andi %ne3A_1005, %ne3A_1000 : i1
      %add3A_1007 = arith.addi %rem3A_998, %select_n3A_997 : i32
      %select_n3A_1008 = arith.select %and3A_1006, %add3A_1007, %rem3A_998 : i32
      %dma_start3A_1009 = arith.constant 0 : i32
      %dma_start3A_1010 = tpu.memref_slice %arg6[%select_n3A_992, %select_n3A_1008, %dma_start3A_1009] : memref<2x64x192xf32, #tpu.memory_space<vmem>> -> memref<1x1x192xf32, #tpu.memory_space<vmem>>
      %dma_start3A_1011 = tpu.memref_squeeze %dma_start3A_1010 : memref<1x1x192xf32, #tpu.memory_space<vmem>> -> memref<192xf32, #tpu.memory_space<vmem>>
      %dma_start3A_1012 = arith.constant 0 : i32
      %dma_start3A_1013 = tpu.memref_slice %arg2[%squeeze3A_952, %select_n3A_968, %dma_start3A_1012] : memref<1024x64x192xf32, #tpu.memory_space<hbm>> -> memref<1x1x192xf32, #tpu.memory_space<hbm>>
      %dma_start3A_1014 = tpu.memref_squeeze %dma_start3A_1013 : memref<1x1x192xf32, #tpu.memory_space<hbm>> -> memref<192xf32, #tpu.memory_space<hbm>>
      %dma_start3A_1015 = arith.constant 0 : i32
      %dma_start3A_1016 = tpu.memref_slice %arg6[%select_n3A_992, %select_n3A_1008, %dma_start3A_1015] : memref<2x64x192xf32, #tpu.memory_space<vmem>> -> memref<1x1x192xf32, #tpu.memory_space<vmem>>
      %dma_start3A_1017 = tpu.memref_squeeze %dma_start3A_1016 : memref<1x1x192xf32, #tpu.memory_space<vmem>> -> memref<192xf32, #tpu.memory_space<vmem>>
      %dma_start3A_1018 = arith.constant 0 : i32
      %dma_start3A_1019 = tpu.memref_slice %arg2[%squeeze3A_952, %select_n3A_968, %dma_start3A_1018] : memref<1024x64x192xf32, #tpu.memory_space<hbm>> -> memref<1x1x192xf32, #tpu.memory_space<hbm>>
      %dma_start3A_1020 = tpu.memref_squeeze %dma_start3A_1019 : memref<1x1x192xf32, #tpu.memory_space<hbm>> -> memref<192xf32, #tpu.memory_space<hbm>>
      tpu.enqueue_dma source(%dma_start3A_1020 : memref<192xf32, #tpu.memory_space<hbm>>) target(%dma_start3A_1017 : memref<192xf32, #tpu.memory_space<vmem>>) target_semaphore(%arg7 : memref<!tpu.dma_semaphore, #tpu.memory_space<semaphore_mem>>)
      %mul3A_1021 = arith.constant 16 : i32
      %mul3A_1022 = arith.muli %scan3A_65, %mul3A_1021 : i32
      %add3A_1023 = arith.constant 13 : i32
      %add3A_1024 = arith.addi %mul3A_1022, %add3A_1023 : i32
      %slice3A_1025 = vector.extract_strided_slice %get3A_71 {offsets = [13], sizes = [1], strides = [1]} : vector<16xi32> to vector<1xi32>
      %squeeze3A_1026 = vector.extract %slice3A_1025[0] : i32 from vector<1xi32>
      %jit3A_1027 = arith.constant 64 : i32
      %eq3A_1028 = arith.constant 0 : i32
      %eq3A_1029 = arith.cmpi eq, %jit3A_1027, %eq3A_1028 : i32
      %jit3A_1030 = arith.constant 1 : i32
      %select_n3A_1031 = arith.select %eq3A_1029, %jit3A_1030, %jit3A_1027 : i32
      %rem3A_1032 = arith.remsi %add3A_1024, %select_n3A_1031 : i32
      %ne3A_1033 = arith.constant 0 : i32
      %ne3A_1034 = arith.cmpi ne, %rem3A_1032, %ne3A_1033 : i32
      %lt3A_1035 = arith.constant 0 : i32
      %lt3A_1036 = arith.cmpi slt, %rem3A_1032, %lt3A_1035 : i32
      %lt3A_1037 = arith.constant 0 : i32
      %lt3A_1038 = arith.cmpi slt, %select_n3A_1031, %lt3A_1037 : i32
      %ne3A_1039 = arith.xori %lt3A_1036, %lt3A_1038 : i1
      %and3A_1040 = arith.andi %ne3A_1039, %ne3A_1034 : i1
      %add3A_1041 = arith.addi %rem3A_1032, %select_n3A_1031 : i32
      %select_n3A_1042 = arith.select %and3A_1040, %add3A_1041, %rem3A_1032 : i32
      %jit3A_1043 = arith.constant 64 : i32
      %div3A_1044 = arith.divsi %add3A_1024, %jit3A_1043 : i32
      %sign3A_1045 = arith.constant 0 : i32
      %sign3A_1046 = arith.cmpi sgt, %add3A_1024, %sign3A_1045 : i32
      %sign3A_1047 = arith.extui %sign3A_1046 : i1 to i32
      %sign3A_1048 = arith.constant 0 : i32
      %sign3A_1049 = arith.cmpi slt, %add3A_1024, %sign3A_1048 : i32
      %sign3A_1050 = arith.extui %sign3A_1049 : i1 to i32
      %sign3A_1051 = arith.subi %sign3A_1047, %sign3A_1050 : i32
      %sign3A_1052 = arith.constant 0 : i32
      %sign3A_1053 = arith.cmpi sgt, %jit3A_1043, %sign3A_1052 : i32
      %sign3A_1054 = arith.extui %sign3A_1053 : i1 to i32
      %sign3A_1055 = arith.constant 0 : i32
      %sign3A_1056 = arith.cmpi slt, %jit3A_1043, %sign3A_1055 : i32
      %sign3A_1057 = arith.extui %sign3A_1056 : i1 to i32
      %sign3A_1058 = arith.subi %sign3A_1054, %sign3A_1057 : i32
      %ne3A_1059 = arith.cmpi ne, %sign3A_1051, %sign3A_1058 : i32
      %rem3A_1060 = arith.remsi %add3A_1024, %jit3A_1043 : i32
      %ne3A_1061 = arith.constant 0 : i32
      %ne3A_1062 = arith.cmpi ne, %rem3A_1060, %ne3A_1061 : i32
      %and3A_1063 = arith.andi %ne3A_1059, %ne3A_1062 : i1
      %sub3A_1064 = arith.constant 1 : i32
      %sub3A_1065 = arith.subi %div3A_1044, %sub3A_1064 : i32
      %select_n3A_1066 = arith.select %and3A_1063, %sub3A_1065, %div3A_1044 : i32
      %jit3A_1067 = arith.constant 64 : i32
      %eq3A_1068 = arith.constant 0 : i32
      %eq3A_1069 = arith.cmpi eq, %jit3A_1067, %eq3A_1068 : i32
      %jit3A_1070 = arith.constant 1 : i32
      %select_n3A_1071 = arith.select %eq3A_1069, %jit3A_1070, %jit3A_1067 : i32
      %rem3A_1072 = arith.remsi %add3A_1024, %select_n3A_1071 : i32
      %ne3A_1073 = arith.constant 0 : i32
      %ne3A_1074 = arith.cmpi ne, %rem3A_1072, %ne3A_1073 : i32
      %lt3A_1075 = arith.constant 0 : i32
      %lt3A_1076 = arith.cmpi slt, %rem3A_1072, %lt3A_1075 : i32
      %lt3A_1077 = arith.constant 0 : i32
      %lt3A_1078 = arith.cmpi slt, %select_n3A_1071, %lt3A_1077 : i32
      %ne3A_1079 = arith.xori %lt3A_1076, %lt3A_1078 : i1
      %and3A_1080 = arith.andi %ne3A_1079, %ne3A_1074 : i1
      %add3A_1081 = arith.addi %rem3A_1072, %select_n3A_1071 : i32
      %select_n3A_1082 = arith.select %and3A_1080, %add3A_1081, %rem3A_1072 : i32
      %dma_start3A_1083 = arith.constant 0 : i32
      %dma_start3A_1084 = tpu.memref_slice %arg6[%select_n3A_1066, %select_n3A_1082, %dma_start3A_1083] : memref<2x64x192xf32, #tpu.memory_space<vmem>> -> memref<1x1x192xf32, #tpu.memory_space<vmem>>
      %dma_start3A_1085 = tpu.memref_squeeze %dma_start3A_1084 : memref<1x1x192xf32, #tpu.memory_space<vmem>> -> memref<192xf32, #tpu.memory_space<vmem>>
      %dma_start3A_1086 = arith.constant 0 : i32
      %dma_start3A_1087 = tpu.memref_slice %arg2[%squeeze3A_1026, %select_n3A_1042, %dma_start3A_1086] : memref<1024x64x192xf32, #tpu.memory_space<hbm>> -> memref<1x1x192xf32, #tpu.memory_space<hbm>>
      %dma_start3A_1088 = tpu.memref_squeeze %dma_start3A_1087 : memref<1x1x192xf32, #tpu.memory_space<hbm>> -> memref<192xf32, #tpu.memory_space<hbm>>
      %dma_start3A_1089 = arith.constant 0 : i32
      %dma_start3A_1090 = tpu.memref_slice %arg6[%select_n3A_1066, %select_n3A_1082, %dma_start3A_1089] : memref<2x64x192xf32, #tpu.memory_space<vmem>> -> memref<1x1x192xf32, #tpu.memory_space<vmem>>
      %dma_start3A_1091 = tpu.memref_squeeze %dma_start3A_1090 : memref<1x1x192xf32, #tpu.memory_space<vmem>> -> memref<192xf32, #tpu.memory_space<vmem>>
      %dma_start3A_1092 = arith.constant 0 : i32
      %dma_start3A_1093 = tpu.memref_slice %arg2[%squeeze3A_1026, %select_n3A_1042, %dma_start3A_1092] : memref<1024x64x192xf32, #tpu.memory_space<hbm>> -> memref<1x1x192xf32, #tpu.memory_space<hbm>>
      %dma_start3A_1094 = tpu.memref_squeeze %dma_start3A_1093 : memref<1x1x192xf32, #tpu.memory_space<hbm>> -> memref<192xf32, #tpu.memory_space<hbm>>
      tpu.enqueue_dma source(%dma_start3A_1094 : memref<192xf32, #tpu.memory_space<hbm>>) target(%dma_start3A_1091 : memref<192xf32, #tpu.memory_space<vmem>>) target_semaphore(%arg7 : memref<!tpu.dma_semaphore, #tpu.memory_space<semaphore_mem>>)
      %mul3A_1095 = arith.constant 16 : i32
      %mul3A_1096 = arith.muli %scan3A_65, %mul3A_1095 : i32
      %add3A_1097 = arith.constant 14 : i32
      %add3A_1098 = arith.addi %mul3A_1096, %add3A_1097 : i32
      %slice3A_1099 = vector.extract_strided_slice %get3A_71 {offsets = [14], sizes = [1], strides = [1]} : vector<16xi32> to vector<1xi32>
      %squeeze3A_1100 = vector.extract %slice3A_1099[0] : i32 from vector<1xi32>
      %jit3A_1101 = arith.constant 64 : i32
      %eq3A_1102 = arith.constant 0 : i32
      %eq3A_1103 = arith.cmpi eq, %jit3A_1101, %eq3A_1102 : i32
      %jit3A_1104 = arith.constant 1 : i32
      %select_n3A_1105 = arith.select %eq3A_1103, %jit3A_1104, %jit3A_1101 : i32
      %rem3A_1106 = arith.remsi %add3A_1098, %select_n3A_1105 : i32
      %ne3A_1107 = arith.constant 0 : i32
      %ne3A_1108 = arith.cmpi ne, %rem3A_1106, %ne3A_1107 : i32
      %lt3A_1109 = arith.constant 0 : i32
      %lt3A_1110 = arith.cmpi slt, %rem3A_1106, %lt3A_1109 : i32
      %lt3A_1111 = arith.constant 0 : i32
      %lt3A_1112 = arith.cmpi slt, %select_n3A_1105, %lt3A_1111 : i32
      %ne3A_1113 = arith.xori %lt3A_1110, %lt3A_1112 : i1
      %and3A_1114 = arith.andi %ne3A_1113, %ne3A_1108 : i1
      %add3A_1115 = arith.addi %rem3A_1106, %select_n3A_1105 : i32
      %select_n3A_1116 = arith.select %and3A_1114, %add3A_1115, %rem3A_1106 : i32
      %jit3A_1117 = arith.constant 64 : i32
      %div3A_1118 = arith.divsi %add3A_1098, %jit3A_1117 : i32
      %sign3A_1119 = arith.constant 0 : i32
      %sign3A_1120 = arith.cmpi sgt, %add3A_1098, %sign3A_1119 : i32
      %sign3A_1121 = arith.extui %sign3A_1120 : i1 to i32
      %sign3A_1122 = arith.constant 0 : i32
      %sign3A_1123 = arith.cmpi slt, %add3A_1098, %sign3A_1122 : i32
      %sign3A_1124 = arith.extui %sign3A_1123 : i1 to i32
      %sign3A_1125 = arith.subi %sign3A_1121, %sign3A_1124 : i32
      %sign3A_1126 = arith.constant 0 : i32
      %sign3A_1127 = arith.cmpi sgt, %jit3A_1117, %sign3A_1126 : i32
      %sign3A_1128 = arith.extui %sign3A_1127 : i1 to i32
      %sign3A_1129 = arith.constant 0 : i32
      %sign3A_1130 = arith.cmpi slt, %jit3A_1117, %sign3A_1129 : i32
      %sign3A_1131 = arith.extui %sign3A_1130 : i1 to i32
      %sign3A_1132 = arith.subi %sign3A_1128, %sign3A_1131 : i32
      %ne3A_1133 = arith.cmpi ne, %sign3A_1125, %sign3A_1132 : i32
      %rem3A_1134 = arith.remsi %add3A_1098, %jit3A_1117 : i32
      %ne3A_1135 = arith.constant 0 : i32
      %ne3A_1136 = arith.cmpi ne, %rem3A_1134, %ne3A_1135 : i32
      %and3A_1137 = arith.andi %ne3A_1133, %ne3A_1136 : i1
      %sub3A_1138 = arith.constant 1 : i32
      %sub3A_1139 = arith.subi %div3A_1118, %sub3A_1138 : i32
      %select_n3A_1140 = arith.select %and3A_1137, %sub3A_1139, %div3A_1118 : i32
      %jit3A_1141 = arith.constant 64 : i32
      %eq3A_1142 = arith.constant 0 : i32
      %eq3A_1143 = arith.cmpi eq, %jit3A_1141, %eq3A_1142 : i32
      %jit3A_1144 = arith.constant 1 : i32
      %select_n3A_1145 = arith.select %eq3A_1143, %jit3A_1144, %jit3A_1141 : i32
      %rem3A_1146 = arith.remsi %add3A_1098, %select_n3A_1145 : i32
      %ne3A_1147 = arith.constant 0 : i32
      %ne3A_1148 = arith.cmpi ne, %rem3A_1146, %ne3A_1147 : i32
      %lt3A_1149 = arith.constant 0 : i32
      %lt3A_1150 = arith.cmpi slt, %rem3A_1146, %lt3A_1149 : i32
      %lt3A_1151 = arith.constant 0 : i32
      %lt3A_1152 = arith.cmpi slt, %select_n3A_1145, %lt3A_1151 : i32
      %ne3A_1153 = arith.xori %lt3A_1150, %lt3A_1152 : i1
      %and3A_1154 = arith.andi %ne3A_1153, %ne3A_1148 : i1
      %add3A_1155 = arith.addi %rem3A_1146, %select_n3A_1145 : i32
      %select_n3A_1156 = arith.select %and3A_1154, %add3A_1155, %rem3A_1146 : i32
      %dma_start3A_1157 = arith.constant 0 : i32
      %dma_start3A_1158 = tpu.memref_slice %arg6[%select_n3A_1140, %select_n3A_1156, %dma_start3A_1157] : memref<2x64x192xf32, #tpu.memory_space<vmem>> -> memref<1x1x192xf32, #tpu.memory_space<vmem>>
      %dma_start3A_1159 = tpu.memref_squeeze %dma_start3A_1158 : memref<1x1x192xf32, #tpu.memory_space<vmem>> -> memref<192xf32, #tpu.memory_space<vmem>>
      %dma_start3A_1160 = arith.constant 0 : i32
      %dma_start3A_1161 = tpu.memref_slice %arg2[%squeeze3A_1100, %select_n3A_1116, %dma_start3A_1160] : memref<1024x64x192xf32, #tpu.memory_space<hbm>> -> memref<1x1x192xf32, #tpu.memory_space<hbm>>
      %dma_start3A_1162 = tpu.memref_squeeze %dma_start3A_1161 : memref<1x1x192xf32, #tpu.memory_space<hbm>> -> memref<192xf32, #tpu.memory_space<hbm>>
      %dma_start3A_1163 = arith.constant 0 : i32
      %dma_start3A_1164 = tpu.memref_slice %arg6[%select_n3A_1140, %select_n3A_1156, %dma_start3A_1163] : memref<2x64x192xf32, #tpu.memory_space<vmem>> -> memref<1x1x192xf32, #tpu.memory_space<vmem>>
      %dma_start3A_1165 = tpu.memref_squeeze %dma_start3A_1164 : memref<1x1x192xf32, #tpu.memory_space<vmem>> -> memref<192xf32, #tpu.memory_space<vmem>>
      %dma_start3A_1166 = arith.constant 0 : i32
      %dma_start3A_1167 = tpu.memref_slice %arg2[%squeeze3A_1100, %select_n3A_1116, %dma_start3A_1166] : memref<1024x64x192xf32, #tpu.memory_space<hbm>> -> memref<1x1x192xf32, #tpu.memory_space<hbm>>
      %dma_start3A_1168 = tpu.memref_squeeze %dma_start3A_1167 : memref<1x1x192xf32, #tpu.memory_space<hbm>> -> memref<192xf32, #tpu.memory_space<hbm>>
      tpu.enqueue_dma source(%dma_start3A_1168 : memref<192xf32, #tpu.memory_space<hbm>>) target(%dma_start3A_1165 : memref<192xf32, #tpu.memory_space<vmem>>) target_semaphore(%arg7 : memref<!tpu.dma_semaphore, #tpu.memory_space<semaphore_mem>>)
      %mul3A_1169 = arith.constant 16 : i32
      %mul3A_1170 = arith.muli %scan3A_65, %mul3A_1169 : i32
      %add3A_1171 = arith.constant 15 : i32
      %add3A_1172 = arith.addi %mul3A_1170, %add3A_1171 : i32
      %slice3A_1173 = vector.extract_strided_slice %get3A_71 {offsets = [15], sizes = [1], strides = [1]} : vector<16xi32> to vector<1xi32>
      %squeeze3A_1174 = vector.extract %slice3A_1173[0] : i32 from vector<1xi32>
      %jit3A_1175 = arith.constant 64 : i32
      %eq3A_1176 = arith.constant 0 : i32
      %eq3A_1177 = arith.cmpi eq, %jit3A_1175, %eq3A_1176 : i32
      %jit3A_1178 = arith.constant 1 : i32
      %select_n3A_1179 = arith.select %eq3A_1177, %jit3A_1178, %jit3A_1175 : i32
      %rem3A_1180 = arith.remsi %add3A_1172, %select_n3A_1179 : i32
      %ne3A_1181 = arith.constant 0 : i32
      %ne3A_1182 = arith.cmpi ne, %rem3A_1180, %ne3A_1181 : i32
      %lt3A_1183 = arith.constant 0 : i32
      %lt3A_1184 = arith.cmpi slt, %rem3A_1180, %lt3A_1183 : i32
      %lt3A_1185 = arith.constant 0 : i32
      %lt3A_1186 = arith.cmpi slt, %select_n3A_1179, %lt3A_1185 : i32
      %ne3A_1187 = arith.xori %lt3A_1184, %lt3A_1186 : i1
      %and3A_1188 = arith.andi %ne3A_1187, %ne3A_1182 : i1
      %add3A_1189 = arith.addi %rem3A_1180, %select_n3A_1179 : i32
      %select_n3A_1190 = arith.select %and3A_1188, %add3A_1189, %rem3A_1180 : i32
      %jit3A_1191 = arith.constant 64 : i32
      %div3A_1192 = arith.divsi %add3A_1172, %jit3A_1191 : i32
      %sign3A_1193 = arith.constant 0 : i32
      %sign3A_1194 = arith.cmpi sgt, %add3A_1172, %sign3A_1193 : i32
      %sign3A_1195 = arith.extui %sign3A_1194 : i1 to i32
      %sign3A_1196 = arith.constant 0 : i32
      %sign3A_1197 = arith.cmpi slt, %add3A_1172, %sign3A_1196 : i32
      %sign3A_1198 = arith.extui %sign3A_1197 : i1 to i32
      %sign3A_1199 = arith.subi %sign3A_1195, %sign3A_1198 : i32
      %sign3A_1200 = arith.constant 0 : i32
      %sign3A_1201 = arith.cmpi sgt, %jit3A_1191, %sign3A_1200 : i32
      %sign3A_1202 = arith.extui %sign3A_1201 : i1 to i32
      %sign3A_1203 = arith.constant 0 : i32
      %sign3A_1204 = arith.cmpi slt, %jit3A_1191, %sign3A_1203 : i32
      %sign3A_1205 = arith.extui %sign3A_1204 : i1 to i32
      %sign3A_1206 = arith.subi %sign3A_1202, %sign3A_1205 : i32
      %ne3A_1207 = arith.cmpi ne, %sign3A_1199, %sign3A_1206 : i32
      %rem3A_1208 = arith.remsi %add3A_1172, %jit3A_1191 : i32
      %ne3A_1209 = arith.constant 0 : i32
      %ne3A_1210 = arith.cmpi ne, %rem3A_1208, %ne3A_1209 : i32
      %and3A_1211 = arith.andi %ne3A_1207, %ne3A_1210 : i1
      %sub3A_1212 = arith.constant 1 : i32
      %sub3A_1213 = arith.subi %div3A_1192, %sub3A_1212 : i32
      %select_n3A_1214 = arith.select %and3A_1211, %sub3A_1213, %div3A_1192 : i32
      %jit3A_1215 = arith.constant 64 : i32
      %eq3A_1216 = arith.constant 0 : i32
      %eq3A_1217 = arith.cmpi eq, %jit3A_1215, %eq3A_1216 : i32
      %jit3A_1218 = arith.constant 1 : i32
      %select_n3A_1219 = arith.select %eq3A_1217, %jit3A_1218, %jit3A_1215 : i32
      %rem3A_1220 = arith.remsi %add3A_1172, %select_n3A_1219 : i32
      %ne3A_1221 = arith.constant 0 : i32
      %ne3A_1222 = arith.cmpi ne, %rem3A_1220, %ne3A_1221 : i32
      %lt3A_1223 = arith.constant 0 : i32
      %lt3A_1224 = arith.cmpi slt, %rem3A_1220, %lt3A_1223 : i32
      %lt3A_1225 = arith.constant 0 : i32
      %lt3A_1226 = arith.cmpi slt, %select_n3A_1219, %lt3A_1225 : i32
      %ne3A_1227 = arith.xori %lt3A_1224, %lt3A_1226 : i1
      %and3A_1228 = arith.andi %ne3A_1227, %ne3A_1222 : i1
      %add3A_1229 = arith.addi %rem3A_1220, %select_n3A_1219 : i32
      %select_n3A_1230 = arith.select %and3A_1228, %add3A_1229, %rem3A_1220 : i32
      %dma_start3A_1231 = arith.constant 0 : i32
      %dma_start3A_1232 = tpu.memref_slice %arg6[%select_n3A_1214, %select_n3A_1230, %dma_start3A_1231] : memref<2x64x192xf32, #tpu.memory_space<vmem>> -> memref<1x1x192xf32, #tpu.memory_space<vmem>>
      %dma_start3A_1233 = tpu.memref_squeeze %dma_start3A_1232 : memref<1x1x192xf32, #tpu.memory_space<vmem>> -> memref<192xf32, #tpu.memory_space<vmem>>
      %dma_start3A_1234 = arith.constant 0 : i32
      %dma_start3A_1235 = tpu.memref_slice %arg2[%squeeze3A_1174, %select_n3A_1190, %dma_start3A_1234] : memref<1024x64x192xf32, #tpu.memory_space<hbm>> -> memref<1x1x192xf32, #tpu.memory_space<hbm>>
      %dma_start3A_1236 = tpu.memref_squeeze %dma_start3A_1235 : memref<1x1x192xf32, #tpu.memory_space<hbm>> -> memref<192xf32, #tpu.memory_space<hbm>>
      %dma_start3A_1237 = arith.constant 0 : i32
      %dma_start3A_1238 = tpu.memref_slice %arg6[%select_n3A_1214, %select_n3A_1230, %dma_start3A_1237] : memref<2x64x192xf32, #tpu.memory_space<vmem>> -> memref<1x1x192xf32, #tpu.memory_space<vmem>>
      %dma_start3A_1239 = tpu.memref_squeeze %dma_start3A_1238 : memref<1x1x192xf32, #tpu.memory_space<vmem>> -> memref<192xf32, #tpu.memory_space<vmem>>
      %dma_start3A_1240 = arith.constant 0 : i32
      %dma_start3A_1241 = tpu.memref_slice %arg2[%squeeze3A_1174, %select_n3A_1190, %dma_start3A_1240] : memref<1024x64x192xf32, #tpu.memory_space<hbm>> -> memref<1x1x192xf32, #tpu.memory_space<hbm>>
      %dma_start3A_1242 = tpu.memref_squeeze %dma_start3A_1241 : memref<1x1x192xf32, #tpu.memory_space<hbm>> -> memref<192xf32, #tpu.memory_space<hbm>>
      tpu.enqueue_dma source(%dma_start3A_1242 : memref<192xf32, #tpu.memory_space<hbm>>) target(%dma_start3A_1239 : memref<192xf32, #tpu.memory_space<vmem>>) target_semaphore(%arg7 : memref<!tpu.dma_semaphore, #tpu.memory_space<semaphore_mem>>)
    }
    %scan3A_38 = arith.constant 8 : i32
    %add3A_39 = arith.constant 4 : i32
    %add3A_40 = arith.addi %mul3A_2, %add3A_39 : i32
    %dma_wait3A_41 = arith.constant 0 : i32
    %dma_wait3A_42 = arith.constant 0 : i32
    %dma_wait3A_43 = tpu.memref_slice %arg4[%add3A_40, %dma_wait3A_41, %dma_wait3A_42] : memref<256x64x192xf32, #tpu.memory_space<hbm>> -> memref<2x64x192xf32, #tpu.memory_space<hbm>>
    %dma_wait3A_44 = arith.constant 0 : i32
    %dma_wait3A_45 = arith.constant 0 : i32
    %dma_wait3A_46 = tpu.memref_slice %arg4[%add3A_40, %dma_wait3A_44, %dma_wait3A_45] : memref<256x64x192xf32, #tpu.memory_space<hbm>> -> memref<2x64x192xf32, #tpu.memory_space<hbm>>
    tpu.wait_dma2 semaphore(%arg7 : memref<!tpu.dma_semaphore, #tpu.memory_space<semaphore_mem>>) src(%dma_wait3A_46 : memref<2x64x192xf32, #tpu.memory_space<hbm>>) dst(%arg6 : memref<2x64x192xf32, #tpu.memory_space<vmem>>)
    %add3A_47 = arith.constant 4 : i32
    %add3A_48 = arith.addi %mul3A_2, %add3A_47 : i32
    "tpu.region"() ({
      %run_scoped3A = tpu.sem_alloc : memref<!tpu.dma_semaphore, #tpu.memory_space<semaphore_mem>>
      %dma_start3A = arith.constant 0 : i32
      %dma_start3A_65 = arith.constant 0 : i32
      %dma_start3A_66 = tpu.memref_slice %arg4[%add3A_48, %dma_start3A, %dma_start3A_65] : memref<256x64x192xf32, #tpu.memory_space<hbm>> -> memref<2x64x192xf32, #tpu.memory_space<hbm>>
      %dma_start3A_67 = arith.constant 0 : i32
      %dma_start3A_68 = arith.constant 0 : i32
      %dma_start3A_69 = tpu.memref_slice %arg4[%add3A_48, %dma_start3A_67, %dma_start3A_68] : memref<256x64x192xf32, #tpu.memory_space<hbm>> -> memref<2x64x192xf32, #tpu.memory_space<hbm>>
      tpu.enqueue_dma source(%arg6 : memref<2x64x192xf32, #tpu.memory_space<vmem>>) target(%dma_start3A_69 : memref<2x64x192xf32, #tpu.memory_space<hbm>>) target_semaphore(%run_scoped3A : memref<!tpu.dma_semaphore, #tpu.memory_space<semaphore_mem>>)
      %dma_wait3A_70 = arith.constant 0 : i32
      %dma_wait3A_71 = arith.constant 0 : i32
      %dma_wait3A_72 = tpu.memref_slice %arg4[%add3A_48, %dma_wait3A_70, %dma_wait3A_71] : memref<256x64x192xf32, #tpu.memory_space<hbm>> -> memref<2x64x192xf32, #tpu.memory_space<hbm>>
      %dma_wait3A_73 = arith.constant 0 : i32
      %dma_wait3A_74 = arith.constant 0 : i32
      %dma_wait3A_75 = tpu.memref_slice %arg4[%add3A_48, %dma_wait3A_73, %dma_wait3A_74] : memref<256x64x192xf32, #tpu.memory_space<hbm>> -> memref<2x64x192xf32, #tpu.memory_space<hbm>>
      tpu.wait_dma2 semaphore(%run_scoped3A : memref<!tpu.dma_semaphore, #tpu.memory_space<semaphore_mem>>) src(%arg6 : memref<2x64x192xf32, #tpu.memory_space<vmem>>) dst(%dma_wait3A_75 : memref<2x64x192xf32, #tpu.memory_space<hbm>>)
      tpu.yield
    }) : () -> ()
    %scan3A_49 = arith.constant 0 : i32
    %scan3A_50 = arith.constant 0 : i32
    %scan3A_51 = arith.constant 8 : i32
    %scan3A_52 = arith.addi %scan3A_50, %scan3A_51 : i32
    %scan3A_53 = arith.constant 1 : i32
    scf.for %scan3A_65 = %scan3A_50 to %scan3A_52 step %scan3A_53  : i32 {
      %mul3A_66 = arith.constant 16 : i32
      %mul3A_67 = arith.muli %scan3A_65, %mul3A_66 : i32
      %add3A_68 = arith.constant 384 : i32
      %add3A_69 = arith.addi %add3A_68, %mul3A_67 : i32
      %get3A = arith.index_cast %add3A_69 : i32 to index
      %get3A_70 = tpu.vector_load %arg5[%get3A] {strides = array<i32>} : memref<512xi32, #tpu.memory_space<vmem>>, vector<16xi32>,
      %get3A_71 = vector.shape_cast %get3A_70 : vector<16xi32> to vector<16xi32>
      %mul3A_72 = arith.constant 16 : i32
      %mul3A_73 = arith.muli %scan3A_65, %mul3A_72 : i32
      %add3A_74 = arith.constant 0 : i32
      %add3A_75 = arith.addi %mul3A_73, %add3A_74 : i32
      %slice3A = vector.extract_strided_slice %get3A_71 {offsets = [0], sizes = [1], strides = [1]} : vector<16xi32> to vector<1xi32>
      %squeeze3A = vector.extract %slice3A[0] : i32 from vector<1xi32>
      %jit3A = arith.constant 64 : i32
      %eq3A = arith.constant 0 : i32
      %eq3A_76 = arith.cmpi eq, %jit3A, %eq3A : i32
      %jit3A_77 = arith.constant 1 : i32
      %select_n3A = arith.select %eq3A_76, %jit3A_77, %jit3A : i32
      %rem3A = arith.remsi %add3A_75, %select_n3A : i32
      %ne3A = arith.constant 0 : i32
      %ne3A_78 = arith.cmpi ne, %rem3A, %ne3A : i32
      %lt3A = arith.constant 0 : i32
      %lt3A_79 = arith.cmpi slt, %rem3A, %lt3A : i32
      %lt3A_80 = arith.constant 0 : i32
      %lt3A_81 = arith.cmpi slt, %select_n3A, %lt3A_80 : i32
      %ne3A_82 = arith.xori %lt3A_79, %lt3A_81 : i1
      %and3A = arith.andi %ne3A_82, %ne3A_78 : i1
      %add3A_83 = arith.addi %rem3A, %select_n3A : i32
      %select_n3A_84 = arith.select %and3A, %add3A_83, %rem3A : i32
      %jit3A_85 = arith.constant 64 : i32
      %div3A = arith.divsi %add3A_75, %jit3A_85 : i32
      %sign3A = arith.constant 0 : i32
      %sign3A_86 = arith.cmpi sgt, %add3A_75, %sign3A : i32
      %sign3A_87 = arith.extui %sign3A_86 : i1 to i32
      %sign3A_88 = arith.constant 0 : i32
      %sign3A_89 = arith.cmpi slt, %add3A_75, %sign3A_88 : i32
      %sign3A_90 = arith.extui %sign3A_89 : i1 to i32
      %sign3A_91 = arith.subi %sign3A_87, %sign3A_90 : i32
      %sign3A_92 = arith.constant 0 : i32
      %sign3A_93 = arith.cmpi sgt, %jit3A_85, %sign3A_92 : i32
      %sign3A_94 = arith.extui %sign3A_93 : i1 to i32
      %sign3A_95 = arith.constant 0 : i32
      %sign3A_96 = arith.cmpi slt, %jit3A_85, %sign3A_95 : i32
      %sign3A_97 = arith.extui %sign3A_96 : i1 to i32
      %sign3A_98 = arith.subi %sign3A_94, %sign3A_97 : i32
      %ne3A_99 = arith.cmpi ne, %sign3A_91, %sign3A_98 : i32
      %rem3A_100 = arith.remsi %add3A_75, %jit3A_85 : i32
      %ne3A_101 = arith.constant 0 : i32
      %ne3A_102 = arith.cmpi ne, %rem3A_100, %ne3A_101 : i32
      %and3A_103 = arith.andi %ne3A_99, %ne3A_102 : i1
      %sub3A = arith.constant 1 : i32
      %sub3A_104 = arith.subi %div3A, %sub3A : i32
      %select_n3A_105 = arith.select %and3A_103, %sub3A_104, %div3A : i32
      %jit3A_106 = arith.constant 64 : i32
      %eq3A_107 = arith.constant 0 : i32
      %eq3A_108 = arith.cmpi eq, %jit3A_106, %eq3A_107 : i32
      %jit3A_109 = arith.constant 1 : i32
      %select_n3A_110 = arith.select %eq3A_108, %jit3A_109, %jit3A_106 : i32
      %rem3A_111 = arith.remsi %add3A_75, %select_n3A_110 : i32
      %ne3A_112 = arith.constant 0 : i32
      %ne3A_113 = arith.cmpi ne, %rem3A_111, %ne3A_112 : i32
      %lt3A_114 = arith.constant 0 : i32
      %lt3A_115 = arith.cmpi slt, %rem3A_111, %lt3A_114 : i32
      %lt3A_116 = arith.constant 0 : i32
      %lt3A_117 = arith.cmpi slt, %select_n3A_110, %lt3A_116 : i32
      %ne3A_118 = arith.xori %lt3A_115, %lt3A_117 : i1
      %and3A_119 = arith.andi %ne3A_118, %ne3A_113 : i1
      %add3A_120 = arith.addi %rem3A_111, %select_n3A_110 : i32
      %select_n3A_121 = arith.select %and3A_119, %add3A_120, %rem3A_111 : i32
      %dma_start3A = arith.constant 0 : i32
      %dma_start3A_122 = tpu.memref_slice %arg6[%select_n3A_105, %select_n3A_121, %dma_start3A] : memref<2x64x192xf32, #tpu.memory_space<vmem>> -> memref<1x1x192xf32, #tpu.memory_space<vmem>>
      %dma_start3A_123 = tpu.memref_squeeze %dma_start3A_122 : memref<1x1x192xf32, #tpu.memory_space<vmem>> -> memref<192xf32, #tpu.memory_space<vmem>>
      %dma_start3A_124 = arith.constant 0 : i32
      %dma_start3A_125 = tpu.memref_slice %arg2[%squeeze3A, %select_n3A_84, %dma_start3A_124] : memref<1024x64x192xf32, #tpu.memory_space<hbm>> -> memref<1x1x192xf32, #tpu.memory_space<hbm>>
      %dma_start3A_126 = tpu.memref_squeeze %dma_start3A_125 : memref<1x1x192xf32, #tpu.memory_space<hbm>> -> memref<192xf32, #tpu.memory_space<hbm>>
      %dma_start3A_127 = arith.constant 0 : i32
      %dma_start3A_128 = tpu.memref_slice %arg6[%select_n3A_105, %select_n3A_121, %dma_start3A_127] : memref<2x64x192xf32, #tpu.memory_space<vmem>> -> memref<1x1x192xf32, #tpu.memory_space<vmem>>
      %dma_start3A_129 = tpu.memref_squeeze %dma_start3A_128 : memref<1x1x192xf32, #tpu.memory_space<vmem>> -> memref<192xf32, #tpu.memory_space<vmem>>
      %dma_start3A_130 = arith.constant 0 : i32
      %dma_start3A_131 = tpu.memref_slice %arg2[%squeeze3A, %select_n3A_84, %dma_start3A_130] : memref<1024x64x192xf32, #tpu.memory_space<hbm>> -> memref<1x1x192xf32, #tpu.memory_space<hbm>>
      %dma_start3A_132 = tpu.memref_squeeze %dma_start3A_131 : memref<1x1x192xf32, #tpu.memory_space<hbm>> -> memref<192xf32, #tpu.memory_space<hbm>>
      tpu.enqueue_dma source(%dma_start3A_132 : memref<192xf32, #tpu.memory_space<hbm>>) target(%dma_start3A_129 : memref<192xf32, #tpu.memory_space<vmem>>) target_semaphore(%arg7 : memref<!tpu.dma_semaphore, #tpu.memory_space<semaphore_mem>>)
      %mul3A_133 = arith.constant 16 : i32
      %mul3A_134 = arith.muli %scan3A_65, %mul3A_133 : i32
      %add3A_135 = arith.constant 1 : i32
      %add3A_136 = arith.addi %mul3A_134, %add3A_135 : i32
      %slice3A_137 = vector.extract_strided_slice %get3A_71 {offsets = [1], sizes = [1], strides = [1]} : vector<16xi32> to vector<1xi32>
      %squeeze3A_138 = vector.extract %slice3A_137[0] : i32 from vector<1xi32>
      %jit3A_139 = arith.constant 64 : i32
      %eq3A_140 = arith.constant 0 : i32
      %eq3A_141 = arith.cmpi eq, %jit3A_139, %eq3A_140 : i32
      %jit3A_142 = arith.constant 1 : i32
      %select_n3A_143 = arith.select %eq3A_141, %jit3A_142, %jit3A_139 : i32
      %rem3A_144 = arith.remsi %add3A_136, %select_n3A_143 : i32
      %ne3A_145 = arith.constant 0 : i32
      %ne3A_146 = arith.cmpi ne, %rem3A_144, %ne3A_145 : i32
      %lt3A_147 = arith.constant 0 : i32
      %lt3A_148 = arith.cmpi slt, %rem3A_144, %lt3A_147 : i32
      %lt3A_149 = arith.constant 0 : i32
      %lt3A_150 = arith.cmpi slt, %select_n3A_143, %lt3A_149 : i32
      %ne3A_151 = arith.xori %lt3A_148, %lt3A_150 : i1
      %and3A_152 = arith.andi %ne3A_151, %ne3A_146 : i1
      %add3A_153 = arith.addi %rem3A_144, %select_n3A_143 : i32
      %select_n3A_154 = arith.select %and3A_152, %add3A_153, %rem3A_144 : i32
      %jit3A_155 = arith.constant 64 : i32
      %div3A_156 = arith.divsi %add3A_136, %jit3A_155 : i32
      %sign3A_157 = arith.constant 0 : i32
      %sign3A_158 = arith.cmpi sgt, %add3A_136, %sign3A_157 : i32
      %sign3A_159 = arith.extui %sign3A_158 : i1 to i32
      %sign3A_160 = arith.constant 0 : i32
      %sign3A_161 = arith.cmpi slt, %add3A_136, %sign3A_160 : i32
      %sign3A_162 = arith.extui %sign3A_161 : i1 to i32
      %sign3A_163 = arith.subi %sign3A_159, %sign3A_162 : i32
      %sign3A_164 = arith.constant 0 : i32
      %sign3A_165 = arith.cmpi sgt, %jit3A_155, %sign3A_164 : i32
      %sign3A_166 = arith.extui %sign3A_165 : i1 to i32
      %sign3A_167 = arith.constant 0 : i32
      %sign3A_168 = arith.cmpi slt, %jit3A_155, %sign3A_167 : i32
      %sign3A_169 = arith.extui %sign3A_168 : i1 to i32
      %sign3A_170 = arith.subi %sign3A_166, %sign3A_169 : i32
      %ne3A_171 = arith.cmpi ne, %sign3A_163, %sign3A_170 : i32
      %rem3A_172 = arith.remsi %add3A_136, %jit3A_155 : i32
      %ne3A_173 = arith.constant 0 : i32
      %ne3A_174 = arith.cmpi ne, %rem3A_172, %ne3A_173 : i32
      %and3A_175 = arith.andi %ne3A_171, %ne3A_174 : i1
      %sub3A_176 = arith.constant 1 : i32
      %sub3A_177 = arith.subi %div3A_156, %sub3A_176 : i32
      %select_n3A_178 = arith.select %and3A_175, %sub3A_177, %div3A_156 : i32
      %jit3A_179 = arith.constant 64 : i32
      %eq3A_180 = arith.constant 0 : i32
      %eq3A_181 = arith.cmpi eq, %jit3A_179, %eq3A_180 : i32
      %jit3A_182 = arith.constant 1 : i32
      %select_n3A_183 = arith.select %eq3A_181, %jit3A_182, %jit3A_179 : i32
      %rem3A_184 = arith.remsi %add3A_136, %select_n3A_183 : i32
      %ne3A_185 = arith.constant 0 : i32
      %ne3A_186 = arith.cmpi ne, %rem3A_184, %ne3A_185 : i32
      %lt3A_187 = arith.constant 0 : i32
      %lt3A_188 = arith.cmpi slt, %rem3A_184, %lt3A_187 : i32
      %lt3A_189 = arith.constant 0 : i32
      %lt3A_190 = arith.cmpi slt, %select_n3A_183, %lt3A_189 : i32
      %ne3A_191 = arith.xori %lt3A_188, %lt3A_190 : i1
      %and3A_192 = arith.andi %ne3A_191, %ne3A_186 : i1
      %add3A_193 = arith.addi %rem3A_184, %select_n3A_183 : i32
      %select_n3A_194 = arith.select %and3A_192, %add3A_193, %rem3A_184 : i32
      %dma_start3A_195 = arith.constant 0 : i32
      %dma_start3A_196 = tpu.memref_slice %arg6[%select_n3A_178, %select_n3A_194, %dma_start3A_195] : memref<2x64x192xf32, #tpu.memory_space<vmem>> -> memref<1x1x192xf32, #tpu.memory_space<vmem>>
      %dma_start3A_197 = tpu.memref_squeeze %dma_start3A_196 : memref<1x1x192xf32, #tpu.memory_space<vmem>> -> memref<192xf32, #tpu.memory_space<vmem>>
      %dma_start3A_198 = arith.constant 0 : i32
      %dma_start3A_199 = tpu.memref_slice %arg2[%squeeze3A_138, %select_n3A_154, %dma_start3A_198] : memref<1024x64x192xf32, #tpu.memory_space<hbm>> -> memref<1x1x192xf32, #tpu.memory_space<hbm>>
      %dma_start3A_200 = tpu.memref_squeeze %dma_start3A_199 : memref<1x1x192xf32, #tpu.memory_space<hbm>> -> memref<192xf32, #tpu.memory_space<hbm>>
      %dma_start3A_201 = arith.constant 0 : i32
      %dma_start3A_202 = tpu.memref_slice %arg6[%select_n3A_178, %select_n3A_194, %dma_start3A_201] : memref<2x64x192xf32, #tpu.memory_space<vmem>> -> memref<1x1x192xf32, #tpu.memory_space<vmem>>
      %dma_start3A_203 = tpu.memref_squeeze %dma_start3A_202 : memref<1x1x192xf32, #tpu.memory_space<vmem>> -> memref<192xf32, #tpu.memory_space<vmem>>
      %dma_start3A_204 = arith.constant 0 : i32
      %dma_start3A_205 = tpu.memref_slice %arg2[%squeeze3A_138, %select_n3A_154, %dma_start3A_204] : memref<1024x64x192xf32, #tpu.memory_space<hbm>> -> memref<1x1x192xf32, #tpu.memory_space<hbm>>
      %dma_start3A_206 = tpu.memref_squeeze %dma_start3A_205 : memref<1x1x192xf32, #tpu.memory_space<hbm>> -> memref<192xf32, #tpu.memory_space<hbm>>
      tpu.enqueue_dma source(%dma_start3A_206 : memref<192xf32, #tpu.memory_space<hbm>>) target(%dma_start3A_203 : memref<192xf32, #tpu.memory_space<vmem>>) target_semaphore(%arg7 : memref<!tpu.dma_semaphore, #tpu.memory_space<semaphore_mem>>)
      %mul3A_207 = arith.constant 16 : i32
      %mul3A_208 = arith.muli %scan3A_65, %mul3A_207 : i32
      %add3A_209 = arith.constant 2 : i32
      %add3A_210 = arith.addi %mul3A_208, %add3A_209 : i32
      %slice3A_211 = vector.extract_strided_slice %get3A_71 {offsets = [2], sizes = [1], strides = [1]} : vector<16xi32> to vector<1xi32>
      %squeeze3A_212 = vector.extract %slice3A_211[0] : i32 from vector<1xi32>
      %jit3A_213 = arith.constant 64 : i32
      %eq3A_214 = arith.constant 0 : i32
      %eq3A_215 = arith.cmpi eq, %jit3A_213, %eq3A_214 : i32
      %jit3A_216 = arith.constant 1 : i32
      %select_n3A_217 = arith.select %eq3A_215, %jit3A_216, %jit3A_213 : i32
      %rem3A_218 = arith.remsi %add3A_210, %select_n3A_217 : i32
      %ne3A_219 = arith.constant 0 : i32
      %ne3A_220 = arith.cmpi ne, %rem3A_218, %ne3A_219 : i32
      %lt3A_221 = arith.constant 0 : i32
      %lt3A_222 = arith.cmpi slt, %rem3A_218, %lt3A_221 : i32
      %lt3A_223 = arith.constant 0 : i32
      %lt3A_224 = arith.cmpi slt, %select_n3A_217, %lt3A_223 : i32
      %ne3A_225 = arith.xori %lt3A_222, %lt3A_224 : i1
      %and3A_226 = arith.andi %ne3A_225, %ne3A_220 : i1
      %add3A_227 = arith.addi %rem3A_218, %select_n3A_217 : i32
      %select_n3A_228 = arith.select %and3A_226, %add3A_227, %rem3A_218 : i32
      %jit3A_229 = arith.constant 64 : i32
      %div3A_230 = arith.divsi %add3A_210, %jit3A_229 : i32
      %sign3A_231 = arith.constant 0 : i32
      %sign3A_232 = arith.cmpi sgt, %add3A_210, %sign3A_231 : i32
      %sign3A_233 = arith.extui %sign3A_232 : i1 to i32
      %sign3A_234 = arith.constant 0 : i32
      %sign3A_235 = arith.cmpi slt, %add3A_210, %sign3A_234 : i32
      %sign3A_236 = arith.extui %sign3A_235 : i1 to i32
      %sign3A_237 = arith.subi %sign3A_233, %sign3A_236 : i32
      %sign3A_238 = arith.constant 0 : i32
      %sign3A_239 = arith.cmpi sgt, %jit3A_229, %sign3A_238 : i32
      %sign3A_240 = arith.extui %sign3A_239 : i1 to i32
      %sign3A_241 = arith.constant 0 : i32
      %sign3A_242 = arith.cmpi slt, %jit3A_229, %sign3A_241 : i32
      %sign3A_243 = arith.extui %sign3A_242 : i1 to i32
      %sign3A_244 = arith.subi %sign3A_240, %sign3A_243 : i32
      %ne3A_245 = arith.cmpi ne, %sign3A_237, %sign3A_244 : i32
      %rem3A_246 = arith.remsi %add3A_210, %jit3A_229 : i32
      %ne3A_247 = arith.constant 0 : i32
      %ne3A_248 = arith.cmpi ne, %rem3A_246, %ne3A_247 : i32
      %and3A_249 = arith.andi %ne3A_245, %ne3A_248 : i1
      %sub3A_250 = arith.constant 1 : i32
      %sub3A_251 = arith.subi %div3A_230, %sub3A_250 : i32
      %select_n3A_252 = arith.select %and3A_249, %sub3A_251, %div3A_230 : i32
      %jit3A_253 = arith.constant 64 : i32
      %eq3A_254 = arith.constant 0 : i32
      %eq3A_255 = arith.cmpi eq, %jit3A_253, %eq3A_254 : i32
      %jit3A_256 = arith.constant 1 : i32
      %select_n3A_257 = arith.select %eq3A_255, %jit3A_256, %jit3A_253 : i32
      %rem3A_258 = arith.remsi %add3A_210, %select_n3A_257 : i32
      %ne3A_259 = arith.constant 0 : i32
      %ne3A_260 = arith.cmpi ne, %rem3A_258, %ne3A_259 : i32
      %lt3A_261 = arith.constant 0 : i32
      %lt3A_262 = arith.cmpi slt, %rem3A_258, %lt3A_261 : i32
      %lt3A_263 = arith.constant 0 : i32
      %lt3A_264 = arith.cmpi slt, %select_n3A_257, %lt3A_263 : i32
      %ne3A_265 = arith.xori %lt3A_262, %lt3A_264 : i1
      %and3A_266 = arith.andi %ne3A_265, %ne3A_260 : i1
      %add3A_267 = arith.addi %rem3A_258, %select_n3A_257 : i32
      %select_n3A_268 = arith.select %and3A_266, %add3A_267, %rem3A_258 : i32
      %dma_start3A_269 = arith.constant 0 : i32
      %dma_start3A_270 = tpu.memref_slice %arg6[%select_n3A_252, %select_n3A_268, %dma_start3A_269] : memref<2x64x192xf32, #tpu.memory_space<vmem>> -> memref<1x1x192xf32, #tpu.memory_space<vmem>>
      %dma_start3A_271 = tpu.memref_squeeze %dma_start3A_270 : memref<1x1x192xf32, #tpu.memory_space<vmem>> -> memref<192xf32, #tpu.memory_space<vmem>>
      %dma_start3A_272 = arith.constant 0 : i32
      %dma_start3A_273 = tpu.memref_slice %arg2[%squeeze3A_212, %select_n3A_228, %dma_start3A_272] : memref<1024x64x192xf32, #tpu.memory_space<hbm>> -> memref<1x1x192xf32, #tpu.memory_space<hbm>>
      %dma_start3A_274 = tpu.memref_squeeze %dma_start3A_273 : memref<1x1x192xf32, #tpu.memory_space<hbm>> -> memref<192xf32, #tpu.memory_space<hbm>>
      %dma_start3A_275 = arith.constant 0 : i32
      %dma_start3A_276 = tpu.memref_slice %arg6[%select_n3A_252, %select_n3A_268, %dma_start3A_275] : memref<2x64x192xf32, #tpu.memory_space<vmem>> -> memref<1x1x192xf32, #tpu.memory_space<vmem>>
      %dma_start3A_277 = tpu.memref_squeeze %dma_start3A_276 : memref<1x1x192xf32, #tpu.memory_space<vmem>> -> memref<192xf32, #tpu.memory_space<vmem>>
      %dma_start3A_278 = arith.constant 0 : i32
      %dma_start3A_279 = tpu.memref_slice %arg2[%squeeze3A_212, %select_n3A_228, %dma_start3A_278] : memref<1024x64x192xf32, #tpu.memory_space<hbm>> -> memref<1x1x192xf32, #tpu.memory_space<hbm>>
      %dma_start3A_280 = tpu.memref_squeeze %dma_start3A_279 : memref<1x1x192xf32, #tpu.memory_space<hbm>> -> memref<192xf32, #tpu.memory_space<hbm>>
      tpu.enqueue_dma source(%dma_start3A_280 : memref<192xf32, #tpu.memory_space<hbm>>) target(%dma_start3A_277 : memref<192xf32, #tpu.memory_space<vmem>>) target_semaphore(%arg7 : memref<!tpu.dma_semaphore, #tpu.memory_space<semaphore_mem>>)
      %mul3A_281 = arith.constant 16 : i32
      %mul3A_282 = arith.muli %scan3A_65, %mul3A_281 : i32
      %add3A_283 = arith.constant 3 : i32
      %add3A_284 = arith.addi %mul3A_282, %add3A_283 : i32
      %slice3A_285 = vector.extract_strided_slice %get3A_71 {offsets = [3], sizes = [1], strides = [1]} : vector<16xi32> to vector<1xi32>
      %squeeze3A_286 = vector.extract %slice3A_285[0] : i32 from vector<1xi32>
      %jit3A_287 = arith.constant 64 : i32
      %eq3A_288 = arith.constant 0 : i32
      %eq3A_289 = arith.cmpi eq, %jit3A_287, %eq3A_288 : i32
      %jit3A_290 = arith.constant 1 : i32
      %select_n3A_291 = arith.select %eq3A_289, %jit3A_290, %jit3A_287 : i32
      %rem3A_292 = arith.remsi %add3A_284, %select_n3A_291 : i32
      %ne3A_293 = arith.constant 0 : i32
      %ne3A_294 = arith.cmpi ne, %rem3A_292, %ne3A_293 : i32
      %lt3A_295 = arith.constant 0 : i32
      %lt3A_296 = arith.cmpi slt, %rem3A_292, %lt3A_295 : i32
      %lt3A_297 = arith.constant 0 : i32
      %lt3A_298 = arith.cmpi slt, %select_n3A_291, %lt3A_297 : i32
      %ne3A_299 = arith.xori %lt3A_296, %lt3A_298 : i1
      %and3A_300 = arith.andi %ne3A_299, %ne3A_294 : i1
      %add3A_301 = arith.addi %rem3A_292, %select_n3A_291 : i32
      %select_n3A_302 = arith.select %and3A_300, %add3A_301, %rem3A_292 : i32
      %jit3A_303 = arith.constant 64 : i32
      %div3A_304 = arith.divsi %add3A_284, %jit3A_303 : i32
      %sign3A_305 = arith.constant 0 : i32
      %sign3A_306 = arith.cmpi sgt, %add3A_284, %sign3A_305 : i32
      %sign3A_307 = arith.extui %sign3A_306 : i1 to i32
      %sign3A_308 = arith.constant 0 : i32
      %sign3A_309 = arith.cmpi slt, %add3A_284, %sign3A_308 : i32
      %sign3A_310 = arith.extui %sign3A_309 : i1 to i32
      %sign3A_311 = arith.subi %sign3A_307, %sign3A_310 : i32
      %sign3A_312 = arith.constant 0 : i32
      %sign3A_313 = arith.cmpi sgt, %jit3A_303, %sign3A_312 : i32
      %sign3A_314 = arith.extui %sign3A_313 : i1 to i32
      %sign3A_315 = arith.constant 0 : i32
      %sign3A_316 = arith.cmpi slt, %jit3A_303, %sign3A_315 : i32
      %sign3A_317 = arith.extui %sign3A_316 : i1 to i32
      %sign3A_318 = arith.subi %sign3A_314, %sign3A_317 : i32
      %ne3A_319 = arith.cmpi ne, %sign3A_311, %sign3A_318 : i32
      %rem3A_320 = arith.remsi %add3A_284, %jit3A_303 : i32
      %ne3A_321 = arith.constant 0 : i32
      %ne3A_322 = arith.cmpi ne, %rem3A_320, %ne3A_321 : i32
      %and3A_323 = arith.andi %ne3A_319, %ne3A_322 : i1
      %sub3A_324 = arith.constant 1 : i32
      %sub3A_325 = arith.subi %div3A_304, %sub3A_324 : i32
      %select_n3A_326 = arith.select %and3A_323, %sub3A_325, %div3A_304 : i32
      %jit3A_327 = arith.constant 64 : i32
      %eq3A_328 = arith.constant 0 : i32
      %eq3A_329 = arith.cmpi eq, %jit3A_327, %eq3A_328 : i32
      %jit3A_330 = arith.constant 1 : i32
      %select_n3A_331 = arith.select %eq3A_329, %jit3A_330, %jit3A_327 : i32
      %rem3A_332 = arith.remsi %add3A_284, %select_n3A_331 : i32
      %ne3A_333 = arith.constant 0 : i32
      %ne3A_334 = arith.cmpi ne, %rem3A_332, %ne3A_333 : i32
      %lt3A_335 = arith.constant 0 : i32
      %lt3A_336 = arith.cmpi slt, %rem3A_332, %lt3A_335 : i32
      %lt3A_337 = arith.constant 0 : i32
      %lt3A_338 = arith.cmpi slt, %select_n3A_331, %lt3A_337 : i32
      %ne3A_339 = arith.xori %lt3A_336, %lt3A_338 : i1
      %and3A_340 = arith.andi %ne3A_339, %ne3A_334 : i1
      %add3A_341 = arith.addi %rem3A_332, %select_n3A_331 : i32
      %select_n3A_342 = arith.select %and3A_340, %add3A_341, %rem3A_332 : i32
      %dma_start3A_343 = arith.constant 0 : i32
      %dma_start3A_344 = tpu.memref_slice %arg6[%select_n3A_326, %select_n3A_342, %dma_start3A_343] : memref<2x64x192xf32, #tpu.memory_space<vmem>> -> memref<1x1x192xf32, #tpu.memory_space<vmem>>
      %dma_start3A_345 = tpu.memref_squeeze %dma_start3A_344 : memref<1x1x192xf32, #tpu.memory_space<vmem>> -> memref<192xf32, #tpu.memory_space<vmem>>
      %dma_start3A_346 = arith.constant 0 : i32
      %dma_start3A_347 = tpu.memref_slice %arg2[%squeeze3A_286, %select_n3A_302, %dma_start3A_346] : memref<1024x64x192xf32, #tpu.memory_space<hbm>> -> memref<1x1x192xf32, #tpu.memory_space<hbm>>
      %dma_start3A_348 = tpu.memref_squeeze %dma_start3A_347 : memref<1x1x192xf32, #tpu.memory_space<hbm>> -> memref<192xf32, #tpu.memory_space<hbm>>
      %dma_start3A_349 = arith.constant 0 : i32
      %dma_start3A_350 = tpu.memref_slice %arg6[%select_n3A_326, %select_n3A_342, %dma_start3A_349] : memref<2x64x192xf32, #tpu.memory_space<vmem>> -> memref<1x1x192xf32, #tpu.memory_space<vmem>>
      %dma_start3A_351 = tpu.memref_squeeze %dma_start3A_350 : memref<1x1x192xf32, #tpu.memory_space<vmem>> -> memref<192xf32, #tpu.memory_space<vmem>>
      %dma_start3A_352 = arith.constant 0 : i32
      %dma_start3A_353 = tpu.memref_slice %arg2[%squeeze3A_286, %select_n3A_302, %dma_start3A_352] : memref<1024x64x192xf32, #tpu.memory_space<hbm>> -> memref<1x1x192xf32, #tpu.memory_space<hbm>>
      %dma_start3A_354 = tpu.memref_squeeze %dma_start3A_353 : memref<1x1x192xf32, #tpu.memory_space<hbm>> -> memref<192xf32, #tpu.memory_space<hbm>>
      tpu.enqueue_dma source(%dma_start3A_354 : memref<192xf32, #tpu.memory_space<hbm>>) target(%dma_start3A_351 : memref<192xf32, #tpu.memory_space<vmem>>) target_semaphore(%arg7 : memref<!tpu.dma_semaphore, #tpu.memory_space<semaphore_mem>>)
      %mul3A_355 = arith.constant 16 : i32
      %mul3A_356 = arith.muli %scan3A_65, %mul3A_355 : i32
      %add3A_357 = arith.constant 4 : i32
      %add3A_358 = arith.addi %mul3A_356, %add3A_357 : i32
      %slice3A_359 = vector.extract_strided_slice %get3A_71 {offsets = [4], sizes = [1], strides = [1]} : vector<16xi32> to vector<1xi32>
      %squeeze3A_360 = vector.extract %slice3A_359[0] : i32 from vector<1xi32>
      %jit3A_361 = arith.constant 64 : i32
      %eq3A_362 = arith.constant 0 : i32
      %eq3A_363 = arith.cmpi eq, %jit3A_361, %eq3A_362 : i32
      %jit3A_364 = arith.constant 1 : i32
      %select_n3A_365 = arith.select %eq3A_363, %jit3A_364, %jit3A_361 : i32
      %rem3A_366 = arith.remsi %add3A_358, %select_n3A_365 : i32
      %ne3A_367 = arith.constant 0 : i32
      %ne3A_368 = arith.cmpi ne, %rem3A_366, %ne3A_367 : i32
      %lt3A_369 = arith.constant 0 : i32
      %lt3A_370 = arith.cmpi slt, %rem3A_366, %lt3A_369 : i32
      %lt3A_371 = arith.constant 0 : i32
      %lt3A_372 = arith.cmpi slt, %select_n3A_365, %lt3A_371 : i32
      %ne3A_373 = arith.xori %lt3A_370, %lt3A_372 : i1
      %and3A_374 = arith.andi %ne3A_373, %ne3A_368 : i1
      %add3A_375 = arith.addi %rem3A_366, %select_n3A_365 : i32
      %select_n3A_376 = arith.select %and3A_374, %add3A_375, %rem3A_366 : i32
      %jit3A_377 = arith.constant 64 : i32
      %div3A_378 = arith.divsi %add3A_358, %jit3A_377 : i32
      %sign3A_379 = arith.constant 0 : i32
      %sign3A_380 = arith.cmpi sgt, %add3A_358, %sign3A_379 : i32
      %sign3A_381 = arith.extui %sign3A_380 : i1 to i32
      %sign3A_382 = arith.constant 0 : i32
      %sign3A_383 = arith.cmpi slt, %add3A_358, %sign3A_382 : i32
      %sign3A_384 = arith.extui %sign3A_383 : i1 to i32
      %sign3A_385 = arith.subi %sign3A_381, %sign3A_384 : i32
      %sign3A_386 = arith.constant 0 : i32
      %sign3A_387 = arith.cmpi sgt, %jit3A_377, %sign3A_386 : i32
      %sign3A_388 = arith.extui %sign3A_387 : i1 to i32
      %sign3A_389 = arith.constant 0 : i32
      %sign3A_390 = arith.cmpi slt, %jit3A_377, %sign3A_389 : i32
      %sign3A_391 = arith.extui %sign3A_390 : i1 to i32
      %sign3A_392 = arith.subi %sign3A_388, %sign3A_391 : i32
      %ne3A_393 = arith.cmpi ne, %sign3A_385, %sign3A_392 : i32
      %rem3A_394 = arith.remsi %add3A_358, %jit3A_377 : i32
      %ne3A_395 = arith.constant 0 : i32
      %ne3A_396 = arith.cmpi ne, %rem3A_394, %ne3A_395 : i32
      %and3A_397 = arith.andi %ne3A_393, %ne3A_396 : i1
      %sub3A_398 = arith.constant 1 : i32
      %sub3A_399 = arith.subi %div3A_378, %sub3A_398 : i32
      %select_n3A_400 = arith.select %and3A_397, %sub3A_399, %div3A_378 : i32
      %jit3A_401 = arith.constant 64 : i32
      %eq3A_402 = arith.constant 0 : i32
      %eq3A_403 = arith.cmpi eq, %jit3A_401, %eq3A_402 : i32
      %jit3A_404 = arith.constant 1 : i32
      %select_n3A_405 = arith.select %eq3A_403, %jit3A_404, %jit3A_401 : i32
      %rem3A_406 = arith.remsi %add3A_358, %select_n3A_405 : i32
      %ne3A_407 = arith.constant 0 : i32
      %ne3A_408 = arith.cmpi ne, %rem3A_406, %ne3A_407 : i32
      %lt3A_409 = arith.constant 0 : i32
      %lt3A_410 = arith.cmpi slt, %rem3A_406, %lt3A_409 : i32
      %lt3A_411 = arith.constant 0 : i32
      %lt3A_412 = arith.cmpi slt, %select_n3A_405, %lt3A_411 : i32
      %ne3A_413 = arith.xori %lt3A_410, %lt3A_412 : i1
      %and3A_414 = arith.andi %ne3A_413, %ne3A_408 : i1
      %add3A_415 = arith.addi %rem3A_406, %select_n3A_405 : i32
      %select_n3A_416 = arith.select %and3A_414, %add3A_415, %rem3A_406 : i32
      %dma_start3A_417 = arith.constant 0 : i32
      %dma_start3A_418 = tpu.memref_slice %arg6[%select_n3A_400, %select_n3A_416, %dma_start3A_417] : memref<2x64x192xf32, #tpu.memory_space<vmem>> -> memref<1x1x192xf32, #tpu.memory_space<vmem>>
      %dma_start3A_419 = tpu.memref_squeeze %dma_start3A_418 : memref<1x1x192xf32, #tpu.memory_space<vmem>> -> memref<192xf32, #tpu.memory_space<vmem>>
      %dma_start3A_420 = arith.constant 0 : i32
      %dma_start3A_421 = tpu.memref_slice %arg2[%squeeze3A_360, %select_n3A_376, %dma_start3A_420] : memref<1024x64x192xf32, #tpu.memory_space<hbm>> -> memref<1x1x192xf32, #tpu.memory_space<hbm>>
      %dma_start3A_422 = tpu.memref_squeeze %dma_start3A_421 : memref<1x1x192xf32, #tpu.memory_space<hbm>> -> memref<192xf32, #tpu.memory_space<hbm>>
      %dma_start3A_423 = arith.constant 0 : i32
      %dma_start3A_424 = tpu.memref_slice %arg6[%select_n3A_400, %select_n3A_416, %dma_start3A_423] : memref<2x64x192xf32, #tpu.memory_space<vmem>> -> memref<1x1x192xf32, #tpu.memory_space<vmem>>
      %dma_start3A_425 = tpu.memref_squeeze %dma_start3A_424 : memref<1x1x192xf32, #tpu.memory_space<vmem>> -> memref<192xf32, #tpu.memory_space<vmem>>
      %dma_start3A_426 = arith.constant 0 : i32
      %dma_start3A_427 = tpu.memref_slice %arg2[%squeeze3A_360, %select_n3A_376, %dma_start3A_426] : memref<1024x64x192xf32, #tpu.memory_space<hbm>> -> memref<1x1x192xf32, #tpu.memory_space<hbm>>
      %dma_start3A_428 = tpu.memref_squeeze %dma_start3A_427 : memref<1x1x192xf32, #tpu.memory_space<hbm>> -> memref<192xf32, #tpu.memory_space<hbm>>
      tpu.enqueue_dma source(%dma_start3A_428 : memref<192xf32, #tpu.memory_space<hbm>>) target(%dma_start3A_425 : memref<192xf32, #tpu.memory_space<vmem>>) target_semaphore(%arg7 : memref<!tpu.dma_semaphore, #tpu.memory_space<semaphore_mem>>)
      %mul3A_429 = arith.constant 16 : i32
      %mul3A_430 = arith.muli %scan3A_65, %mul3A_429 : i32
      %add3A_431 = arith.constant 5 : i32
      %add3A_432 = arith.addi %mul3A_430, %add3A_431 : i32
      %slice3A_433 = vector.extract_strided_slice %get3A_71 {offsets = [5], sizes = [1], strides = [1]} : vector<16xi32> to vector<1xi32>
      %squeeze3A_434 = vector.extract %slice3A_433[0] : i32 from vector<1xi32>
      %jit3A_435 = arith.constant 64 : i32
      %eq3A_436 = arith.constant 0 : i32
      %eq3A_437 = arith.cmpi eq, %jit3A_435, %eq3A_436 : i32
      %jit3A_438 = arith.constant 1 : i32
      %select_n3A_439 = arith.select %eq3A_437, %jit3A_438, %jit3A_435 : i32
      %rem3A_440 = arith.remsi %add3A_432, %select_n3A_439 : i32
      %ne3A_441 = arith.constant 0 : i32
      %ne3A_442 = arith.cmpi ne, %rem3A_440, %ne3A_441 : i32
      %lt3A_443 = arith.constant 0 : i32
      %lt3A_444 = arith.cmpi slt, %rem3A_440, %lt3A_443 : i32
      %lt3A_445 = arith.constant 0 : i32
      %lt3A_446 = arith.cmpi slt, %select_n3A_439, %lt3A_445 : i32
      %ne3A_447 = arith.xori %lt3A_444, %lt3A_446 : i1
      %and3A_448 = arith.andi %ne3A_447, %ne3A_442 : i1
      %add3A_449 = arith.addi %rem3A_440, %select_n3A_439 : i32
      %select_n3A_450 = arith.select %and3A_448, %add3A_449, %rem3A_440 : i32
      %jit3A_451 = arith.constant 64 : i32
      %div3A_452 = arith.divsi %add3A_432, %jit3A_451 : i32
      %sign3A_453 = arith.constant 0 : i32
      %sign3A_454 = arith.cmpi sgt, %add3A_432, %sign3A_453 : i32
      %sign3A_455 = arith.extui %sign3A_454 : i1 to i32
      %sign3A_456 = arith.constant 0 : i32
      %sign3A_457 = arith.cmpi slt, %add3A_432, %sign3A_456 : i32
      %sign3A_458 = arith.extui %sign3A_457 : i1 to i32
      %sign3A_459 = arith.subi %sign3A_455, %sign3A_458 : i32
      %sign3A_460 = arith.constant 0 : i32
      %sign3A_461 = arith.cmpi sgt, %jit3A_451, %sign3A_460 : i32
      %sign3A_462 = arith.extui %sign3A_461 : i1 to i32
      %sign3A_463 = arith.constant 0 : i32
      %sign3A_464 = arith.cmpi slt, %jit3A_451, %sign3A_463 : i32
      %sign3A_465 = arith.extui %sign3A_464 : i1 to i32
      %sign3A_466 = arith.subi %sign3A_462, %sign3A_465 : i32
      %ne3A_467 = arith.cmpi ne, %sign3A_459, %sign3A_466 : i32
      %rem3A_468 = arith.remsi %add3A_432, %jit3A_451 : i32
      %ne3A_469 = arith.constant 0 : i32
      %ne3A_470 = arith.cmpi ne, %rem3A_468, %ne3A_469 : i32
      %and3A_471 = arith.andi %ne3A_467, %ne3A_470 : i1
      %sub3A_472 = arith.constant 1 : i32
      %sub3A_473 = arith.subi %div3A_452, %sub3A_472 : i32
      %select_n3A_474 = arith.select %and3A_471, %sub3A_473, %div3A_452 : i32
      %jit3A_475 = arith.constant 64 : i32
      %eq3A_476 = arith.constant 0 : i32
      %eq3A_477 = arith.cmpi eq, %jit3A_475, %eq3A_476 : i32
      %jit3A_478 = arith.constant 1 : i32
      %select_n3A_479 = arith.select %eq3A_477, %jit3A_478, %jit3A_475 : i32
      %rem3A_480 = arith.remsi %add3A_432, %select_n3A_479 : i32
      %ne3A_481 = arith.constant 0 : i32
      %ne3A_482 = arith.cmpi ne, %rem3A_480, %ne3A_481 : i32
      %lt3A_483 = arith.constant 0 : i32
      %lt3A_484 = arith.cmpi slt, %rem3A_480, %lt3A_483 : i32
      %lt3A_485 = arith.constant 0 : i32
      %lt3A_486 = arith.cmpi slt, %select_n3A_479, %lt3A_485 : i32
      %ne3A_487 = arith.xori %lt3A_484, %lt3A_486 : i1
      %and3A_488 = arith.andi %ne3A_487, %ne3A_482 : i1
      %add3A_489 = arith.addi %rem3A_480, %select_n3A_479 : i32
      %select_n3A_490 = arith.select %and3A_488, %add3A_489, %rem3A_480 : i32
      %dma_start3A_491 = arith.constant 0 : i32
      %dma_start3A_492 = tpu.memref_slice %arg6[%select_n3A_474, %select_n3A_490, %dma_start3A_491] : memref<2x64x192xf32, #tpu.memory_space<vmem>> -> memref<1x1x192xf32, #tpu.memory_space<vmem>>
      %dma_start3A_493 = tpu.memref_squeeze %dma_start3A_492 : memref<1x1x192xf32, #tpu.memory_space<vmem>> -> memref<192xf32, #tpu.memory_space<vmem>>
      %dma_start3A_494 = arith.constant 0 : i32
      %dma_start3A_495 = tpu.memref_slice %arg2[%squeeze3A_434, %select_n3A_450, %dma_start3A_494] : memref<1024x64x192xf32, #tpu.memory_space<hbm>> -> memref<1x1x192xf32, #tpu.memory_space<hbm>>
      %dma_start3A_496 = tpu.memref_squeeze %dma_start3A_495 : memref<1x1x192xf32, #tpu.memory_space<hbm>> -> memref<192xf32, #tpu.memory_space<hbm>>
      %dma_start3A_497 = arith.constant 0 : i32
      %dma_start3A_498 = tpu.memref_slice %arg6[%select_n3A_474, %select_n3A_490, %dma_start3A_497] : memref<2x64x192xf32, #tpu.memory_space<vmem>> -> memref<1x1x192xf32, #tpu.memory_space<vmem>>
      %dma_start3A_499 = tpu.memref_squeeze %dma_start3A_498 : memref<1x1x192xf32, #tpu.memory_space<vmem>> -> memref<192xf32, #tpu.memory_space<vmem>>
      %dma_start3A_500 = arith.constant 0 : i32
      %dma_start3A_501 = tpu.memref_slice %arg2[%squeeze3A_434, %select_n3A_450, %dma_start3A_500] : memref<1024x64x192xf32, #tpu.memory_space<hbm>> -> memref<1x1x192xf32, #tpu.memory_space<hbm>>
      %dma_start3A_502 = tpu.memref_squeeze %dma_start3A_501 : memref<1x1x192xf32, #tpu.memory_space<hbm>> -> memref<192xf32, #tpu.memory_space<hbm>>
      tpu.enqueue_dma source(%dma_start3A_502 : memref<192xf32, #tpu.memory_space<hbm>>) target(%dma_start3A_499 : memref<192xf32, #tpu.memory_space<vmem>>) target_semaphore(%arg7 : memref<!tpu.dma_semaphore, #tpu.memory_space<semaphore_mem>>)
      %mul3A_503 = arith.constant 16 : i32
      %mul3A_504 = arith.muli %scan3A_65, %mul3A_503 : i32
      %add3A_505 = arith.constant 6 : i32
      %add3A_506 = arith.addi %mul3A_504, %add3A_505 : i32
      %slice3A_507 = vector.extract_strided_slice %get3A_71 {offsets = [6], sizes = [1], strides = [1]} : vector<16xi32> to vector<1xi32>
      %squeeze3A_508 = vector.extract %slice3A_507[0] : i32 from vector<1xi32>
      %jit3A_509 = arith.constant 64 : i32
      %eq3A_510 = arith.constant 0 : i32
      %eq3A_511 = arith.cmpi eq, %jit3A_509, %eq3A_510 : i32
      %jit3A_512 = arith.constant 1 : i32
      %select_n3A_513 = arith.select %eq3A_511, %jit3A_512, %jit3A_509 : i32
      %rem3A_514 = arith.remsi %add3A_506, %select_n3A_513 : i32
      %ne3A_515 = arith.constant 0 : i32
      %ne3A_516 = arith.cmpi ne, %rem3A_514, %ne3A_515 : i32
      %lt3A_517 = arith.constant 0 : i32
      %lt3A_518 = arith.cmpi slt, %rem3A_514, %lt3A_517 : i32
      %lt3A_519 = arith.constant 0 : i32
      %lt3A_520 = arith.cmpi slt, %select_n3A_513, %lt3A_519 : i32
      %ne3A_521 = arith.xori %lt3A_518, %lt3A_520 : i1
      %and3A_522 = arith.andi %ne3A_521, %ne3A_516 : i1
      %add3A_523 = arith.addi %rem3A_514, %select_n3A_513 : i32
      %select_n3A_524 = arith.select %and3A_522, %add3A_523, %rem3A_514 : i32
      %jit3A_525 = arith.constant 64 : i32
      %div3A_526 = arith.divsi %add3A_506, %jit3A_525 : i32
      %sign3A_527 = arith.constant 0 : i32
      %sign3A_528 = arith.cmpi sgt, %add3A_506, %sign3A_527 : i32
      %sign3A_529 = arith.extui %sign3A_528 : i1 to i32
      %sign3A_530 = arith.constant 0 : i32
      %sign3A_531 = arith.cmpi slt, %add3A_506, %sign3A_530 : i32
      %sign3A_532 = arith.extui %sign3A_531 : i1 to i32
      %sign3A_533 = arith.subi %sign3A_529, %sign3A_532 : i32
      %sign3A_534 = arith.constant 0 : i32
      %sign3A_535 = arith.cmpi sgt, %jit3A_525, %sign3A_534 : i32
      %sign3A_536 = arith.extui %sign3A_535 : i1 to i32
      %sign3A_537 = arith.constant 0 : i32
      %sign3A_538 = arith.cmpi slt, %jit3A_525, %sign3A_537 : i32
      %sign3A_539 = arith.extui %sign3A_538 : i1 to i32
      %sign3A_540 = arith.subi %sign3A_536, %sign3A_539 : i32
      %ne3A_541 = arith.cmpi ne, %sign3A_533, %sign3A_540 : i32
      %rem3A_542 = arith.remsi %add3A_506, %jit3A_525 : i32
      %ne3A_543 = arith.constant 0 : i32
      %ne3A_544 = arith.cmpi ne, %rem3A_542, %ne3A_543 : i32
      %and3A_545 = arith.andi %ne3A_541, %ne3A_544 : i1
      %sub3A_546 = arith.constant 1 : i32
      %sub3A_547 = arith.subi %div3A_526, %sub3A_546 : i32
      %select_n3A_548 = arith.select %and3A_545, %sub3A_547, %div3A_526 : i32
      %jit3A_549 = arith.constant 64 : i32
      %eq3A_550 = arith.constant 0 : i32
      %eq3A_551 = arith.cmpi eq, %jit3A_549, %eq3A_550 : i32
      %jit3A_552 = arith.constant 1 : i32
      %select_n3A_553 = arith.select %eq3A_551, %jit3A_552, %jit3A_549 : i32
      %rem3A_554 = arith.remsi %add3A_506, %select_n3A_553 : i32
      %ne3A_555 = arith.constant 0 : i32
      %ne3A_556 = arith.cmpi ne, %rem3A_554, %ne3A_555 : i32
      %lt3A_557 = arith.constant 0 : i32
      %lt3A_558 = arith.cmpi slt, %rem3A_554, %lt3A_557 : i32
      %lt3A_559 = arith.constant 0 : i32
      %lt3A_560 = arith.cmpi slt, %select_n3A_553, %lt3A_559 : i32
      %ne3A_561 = arith.xori %lt3A_558, %lt3A_560 : i1
      %and3A_562 = arith.andi %ne3A_561, %ne3A_556 : i1
      %add3A_563 = arith.addi %rem3A_554, %select_n3A_553 : i32
      %select_n3A_564 = arith.select %and3A_562, %add3A_563, %rem3A_554 : i32
      %dma_start3A_565 = arith.constant 0 : i32
      %dma_start3A_566 = tpu.memref_slice %arg6[%select_n3A_548, %select_n3A_564, %dma_start3A_565] : memref<2x64x192xf32, #tpu.memory_space<vmem>> -> memref<1x1x192xf32, #tpu.memory_space<vmem>>
      %dma_start3A_567 = tpu.memref_squeeze %dma_start3A_566 : memref<1x1x192xf32, #tpu.memory_space<vmem>> -> memref<192xf32, #tpu.memory_space<vmem>>
      %dma_start3A_568 = arith.constant 0 : i32
      %dma_start3A_569 = tpu.memref_slice %arg2[%squeeze3A_508, %select_n3A_524, %dma_start3A_568] : memref<1024x64x192xf32, #tpu.memory_space<hbm>> -> memref<1x1x192xf32, #tpu.memory_space<hbm>>
      %dma_start3A_570 = tpu.memref_squeeze %dma_start3A_569 : memref<1x1x192xf32, #tpu.memory_space<hbm>> -> memref<192xf32, #tpu.memory_space<hbm>>
      %dma_start3A_571 = arith.constant 0 : i32
      %dma_start3A_572 = tpu.memref_slice %arg6[%select_n3A_548, %select_n3A_564, %dma_start3A_571] : memref<2x64x192xf32, #tpu.memory_space<vmem>> -> memref<1x1x192xf32, #tpu.memory_space<vmem>>
      %dma_start3A_573 = tpu.memref_squeeze %dma_start3A_572 : memref<1x1x192xf32, #tpu.memory_space<vmem>> -> memref<192xf32, #tpu.memory_space<vmem>>
      %dma_start3A_574 = arith.constant 0 : i32
      %dma_start3A_575 = tpu.memref_slice %arg2[%squeeze3A_508, %select_n3A_524, %dma_start3A_574] : memref<1024x64x192xf32, #tpu.memory_space<hbm>> -> memref<1x1x192xf32, #tpu.memory_space<hbm>>
      %dma_start3A_576 = tpu.memref_squeeze %dma_start3A_575 : memref<1x1x192xf32, #tpu.memory_space<hbm>> -> memref<192xf32, #tpu.memory_space<hbm>>
      tpu.enqueue_dma source(%dma_start3A_576 : memref<192xf32, #tpu.memory_space<hbm>>) target(%dma_start3A_573 : memref<192xf32, #tpu.memory_space<vmem>>) target_semaphore(%arg7 : memref<!tpu.dma_semaphore, #tpu.memory_space<semaphore_mem>>)
      %mul3A_577 = arith.constant 16 : i32
      %mul3A_578 = arith.muli %scan3A_65, %mul3A_577 : i32
      %add3A_579 = arith.constant 7 : i32
      %add3A_580 = arith.addi %mul3A_578, %add3A_579 : i32
      %slice3A_581 = vector.extract_strided_slice %get3A_71 {offsets = [7], sizes = [1], strides = [1]} : vector<16xi32> to vector<1xi32>
      %squeeze3A_582 = vector.extract %slice3A_581[0] : i32 from vector<1xi32>
      %jit3A_583 = arith.constant 64 : i32
      %eq3A_584 = arith.constant 0 : i32
      %eq3A_585 = arith.cmpi eq, %jit3A_583, %eq3A_584 : i32
      %jit3A_586 = arith.constant 1 : i32
      %select_n3A_587 = arith.select %eq3A_585, %jit3A_586, %jit3A_583 : i32
      %rem3A_588 = arith.remsi %add3A_580, %select_n3A_587 : i32
      %ne3A_589 = arith.constant 0 : i32
      %ne3A_590 = arith.cmpi ne, %rem3A_588, %ne3A_589 : i32
      %lt3A_591 = arith.constant 0 : i32
      %lt3A_592 = arith.cmpi slt, %rem3A_588, %lt3A_591 : i32
      %lt3A_593 = arith.constant 0 : i32
      %lt3A_594 = arith.cmpi slt, %select_n3A_587, %lt3A_593 : i32
      %ne3A_595 = arith.xori %lt3A_592, %lt3A_594 : i1
      %and3A_596 = arith.andi %ne3A_595, %ne3A_590 : i1
      %add3A_597 = arith.addi %rem3A_588, %select_n3A_587 : i32
      %select_n3A_598 = arith.select %and3A_596, %add3A_597, %rem3A_588 : i32
      %jit3A_599 = arith.constant 64 : i32
      %div3A_600 = arith.divsi %add3A_580, %jit3A_599 : i32
      %sign3A_601 = arith.constant 0 : i32
      %sign3A_602 = arith.cmpi sgt, %add3A_580, %sign3A_601 : i32
      %sign3A_603 = arith.extui %sign3A_602 : i1 to i32
      %sign3A_604 = arith.constant 0 : i32
      %sign3A_605 = arith.cmpi slt, %add3A_580, %sign3A_604 : i32
      %sign3A_606 = arith.extui %sign3A_605 : i1 to i32
      %sign3A_607 = arith.subi %sign3A_603, %sign3A_606 : i32
      %sign3A_608 = arith.constant 0 : i32
      %sign3A_609 = arith.cmpi sgt, %jit3A_599, %sign3A_608 : i32
      %sign3A_610 = arith.extui %sign3A_609 : i1 to i32
      %sign3A_611 = arith.constant 0 : i32
      %sign3A_612 = arith.cmpi slt, %jit3A_599, %sign3A_611 : i32
      %sign3A_613 = arith.extui %sign3A_612 : i1 to i32
      %sign3A_614 = arith.subi %sign3A_610, %sign3A_613 : i32
      %ne3A_615 = arith.cmpi ne, %sign3A_607, %sign3A_614 : i32
      %rem3A_616 = arith.remsi %add3A_580, %jit3A_599 : i32
      %ne3A_617 = arith.constant 0 : i32
      %ne3A_618 = arith.cmpi ne, %rem3A_616, %ne3A_617 : i32
      %and3A_619 = arith.andi %ne3A_615, %ne3A_618 : i1
      %sub3A_620 = arith.constant 1 : i32
      %sub3A_621 = arith.subi %div3A_600, %sub3A_620 : i32
      %select_n3A_622 = arith.select %and3A_619, %sub3A_621, %div3A_600 : i32
      %jit3A_623 = arith.constant 64 : i32
      %eq3A_624 = arith.constant 0 : i32
      %eq3A_625 = arith.cmpi eq, %jit3A_623, %eq3A_624 : i32
      %jit3A_626 = arith.constant 1 : i32
      %select_n3A_627 = arith.select %eq3A_625, %jit3A_626, %jit3A_623 : i32
      %rem3A_628 = arith.remsi %add3A_580, %select_n3A_627 : i32
      %ne3A_629 = arith.constant 0 : i32
      %ne3A_630 = arith.cmpi ne, %rem3A_628, %ne3A_629 : i32
      %lt3A_631 = arith.constant 0 : i32
      %lt3A_632 = arith.cmpi slt, %rem3A_628, %lt3A_631 : i32
      %lt3A_633 = arith.constant 0 : i32
      %lt3A_634 = arith.cmpi slt, %select_n3A_627, %lt3A_633 : i32
      %ne3A_635 = arith.xori %lt3A_632, %lt3A_634 : i1
      %and3A_636 = arith.andi %ne3A_635, %ne3A_630 : i1
      %add3A_637 = arith.addi %rem3A_628, %select_n3A_627 : i32
      %select_n3A_638 = arith.select %and3A_636, %add3A_637, %rem3A_628 : i32
      %dma_start3A_639 = arith.constant 0 : i32
      %dma_start3A_640 = tpu.memref_slice %arg6[%select_n3A_622, %select_n3A_638, %dma_start3A_639] : memref<2x64x192xf32, #tpu.memory_space<vmem>> -> memref<1x1x192xf32, #tpu.memory_space<vmem>>
      %dma_start3A_641 = tpu.memref_squeeze %dma_start3A_640 : memref<1x1x192xf32, #tpu.memory_space<vmem>> -> memref<192xf32, #tpu.memory_space<vmem>>
      %dma_start3A_642 = arith.constant 0 : i32
      %dma_start3A_643 = tpu.memref_slice %arg2[%squeeze3A_582, %select_n3A_598, %dma_start3A_642] : memref<1024x64x192xf32, #tpu.memory_space<hbm>> -> memref<1x1x192xf32, #tpu.memory_space<hbm>>
      %dma_start3A_644 = tpu.memref_squeeze %dma_start3A_643 : memref<1x1x192xf32, #tpu.memory_space<hbm>> -> memref<192xf32, #tpu.memory_space<hbm>>
      %dma_start3A_645 = arith.constant 0 : i32
      %dma_start3A_646 = tpu.memref_slice %arg6[%select_n3A_622, %select_n3A_638, %dma_start3A_645] : memref<2x64x192xf32, #tpu.memory_space<vmem>> -> memref<1x1x192xf32, #tpu.memory_space<vmem>>
      %dma_start3A_647 = tpu.memref_squeeze %dma_start3A_646 : memref<1x1x192xf32, #tpu.memory_space<vmem>> -> memref<192xf32, #tpu.memory_space<vmem>>
      %dma_start3A_648 = arith.constant 0 : i32
      %dma_start3A_649 = tpu.memref_slice %arg2[%squeeze3A_582, %select_n3A_598, %dma_start3A_648] : memref<1024x64x192xf32, #tpu.memory_space<hbm>> -> memref<1x1x192xf32, #tpu.memory_space<hbm>>
      %dma_start3A_650 = tpu.memref_squeeze %dma_start3A_649 : memref<1x1x192xf32, #tpu.memory_space<hbm>> -> memref<192xf32, #tpu.memory_space<hbm>>
      tpu.enqueue_dma source(%dma_start3A_650 : memref<192xf32, #tpu.memory_space<hbm>>) target(%dma_start3A_647 : memref<192xf32, #tpu.memory_space<vmem>>) target_semaphore(%arg7 : memref<!tpu.dma_semaphore, #tpu.memory_space<semaphore_mem>>)
      %mul3A_651 = arith.constant 16 : i32
      %mul3A_652 = arith.muli %scan3A_65, %mul3A_651 : i32
      %add3A_653 = arith.constant 8 : i32
      %add3A_654 = arith.addi %mul3A_652, %add3A_653 : i32
      %slice3A_655 = vector.extract_strided_slice %get3A_71 {offsets = [8], sizes = [1], strides = [1]} : vector<16xi32> to vector<1xi32>
      %squeeze3A_656 = vector.extract %slice3A_655[0] : i32 from vector<1xi32>
      %jit3A_657 = arith.constant 64 : i32
      %eq3A_658 = arith.constant 0 : i32
      %eq3A_659 = arith.cmpi eq, %jit3A_657, %eq3A_658 : i32
      %jit3A_660 = arith.constant 1 : i32
      %select_n3A_661 = arith.select %eq3A_659, %jit3A_660, %jit3A_657 : i32
      %rem3A_662 = arith.remsi %add3A_654, %select_n3A_661 : i32
      %ne3A_663 = arith.constant 0 : i32
      %ne3A_664 = arith.cmpi ne, %rem3A_662, %ne3A_663 : i32
      %lt3A_665 = arith.constant 0 : i32
      %lt3A_666 = arith.cmpi slt, %rem3A_662, %lt3A_665 : i32
      %lt3A_667 = arith.constant 0 : i32
      %lt3A_668 = arith.cmpi slt, %select_n3A_661, %lt3A_667 : i32
      %ne3A_669 = arith.xori %lt3A_666, %lt3A_668 : i1
      %and3A_670 = arith.andi %ne3A_669, %ne3A_664 : i1
      %add3A_671 = arith.addi %rem3A_662, %select_n3A_661 : i32
      %select_n3A_672 = arith.select %and3A_670, %add3A_671, %rem3A_662 : i32
      %jit3A_673 = arith.constant 64 : i32
      %div3A_674 = arith.divsi %add3A_654, %jit3A_673 : i32
      %sign3A_675 = arith.constant 0 : i32
      %sign3A_676 = arith.cmpi sgt, %add3A_654, %sign3A_675 : i32
      %sign3A_677 = arith.extui %sign3A_676 : i1 to i32
      %sign3A_678 = arith.constant 0 : i32
      %sign3A_679 = arith.cmpi slt, %add3A_654, %sign3A_678 : i32
      %sign3A_680 = arith.extui %sign3A_679 : i1 to i32
      %sign3A_681 = arith.subi %sign3A_677, %sign3A_680 : i32
      %sign3A_682 = arith.constant 0 : i32
      %sign3A_683 = arith.cmpi sgt, %jit3A_673, %sign3A_682 : i32
      %sign3A_684 = arith.extui %sign3A_683 : i1 to i32
      %sign3A_685 = arith.constant 0 : i32
      %sign3A_686 = arith.cmpi slt, %jit3A_673, %sign3A_685 : i32
      %sign3A_687 = arith.extui %sign3A_686 : i1 to i32
      %sign3A_688 = arith.subi %sign3A_684, %sign3A_687 : i32
      %ne3A_689 = arith.cmpi ne, %sign3A_681, %sign3A_688 : i32
      %rem3A_690 = arith.remsi %add3A_654, %jit3A_673 : i32
      %ne3A_691 = arith.constant 0 : i32
      %ne3A_692 = arith.cmpi ne, %rem3A_690, %ne3A_691 : i32
      %and3A_693 = arith.andi %ne3A_689, %ne3A_692 : i1
      %sub3A_694 = arith.constant 1 : i32
      %sub3A_695 = arith.subi %div3A_674, %sub3A_694 : i32
      %select_n3A_696 = arith.select %and3A_693, %sub3A_695, %div3A_674 : i32
      %jit3A_697 = arith.constant 64 : i32
      %eq3A_698 = arith.constant 0 : i32
      %eq3A_699 = arith.cmpi eq, %jit3A_697, %eq3A_698 : i32
      %jit3A_700 = arith.constant 1 : i32
      %select_n3A_701 = arith.select %eq3A_699, %jit3A_700, %jit3A_697 : i32
      %rem3A_702 = arith.remsi %add3A_654, %select_n3A_701 : i32
      %ne3A_703 = arith.constant 0 : i32
      %ne3A_704 = arith.cmpi ne, %rem3A_702, %ne3A_703 : i32
      %lt3A_705 = arith.constant 0 : i32
      %lt3A_706 = arith.cmpi slt, %rem3A_702, %lt3A_705 : i32
      %lt3A_707 = arith.constant 0 : i32
      %lt3A_708 = arith.cmpi slt, %select_n3A_701, %lt3A_707 : i32
      %ne3A_709 = arith.xori %lt3A_706, %lt3A_708 : i1
      %and3A_710 = arith.andi %ne3A_709, %ne3A_704 : i1
      %add3A_711 = arith.addi %rem3A_702, %select_n3A_701 : i32
      %select_n3A_712 = arith.select %and3A_710, %add3A_711, %rem3A_702 : i32
      %dma_start3A_713 = arith.constant 0 : i32
      %dma_start3A_714 = tpu.memref_slice %arg6[%select_n3A_696, %select_n3A_712, %dma_start3A_713] : memref<2x64x192xf32, #tpu.memory_space<vmem>> -> memref<1x1x192xf32, #tpu.memory_space<vmem>>
      %dma_start3A_715 = tpu.memref_squeeze %dma_start3A_714 : memref<1x1x192xf32, #tpu.memory_space<vmem>> -> memref<192xf32, #tpu.memory_space<vmem>>
      %dma_start3A_716 = arith.constant 0 : i32
      %dma_start3A_717 = tpu.memref_slice %arg2[%squeeze3A_656, %select_n3A_672, %dma_start3A_716] : memref<1024x64x192xf32, #tpu.memory_space<hbm>> -> memref<1x1x192xf32, #tpu.memory_space<hbm>>
      %dma_start3A_718 = tpu.memref_squeeze %dma_start3A_717 : memref<1x1x192xf32, #tpu.memory_space<hbm>> -> memref<192xf32, #tpu.memory_space<hbm>>
      %dma_start3A_719 = arith.constant 0 : i32
      %dma_start3A_720 = tpu.memref_slice %arg6[%select_n3A_696, %select_n3A_712, %dma_start3A_719] : memref<2x64x192xf32, #tpu.memory_space<vmem>> -> memref<1x1x192xf32, #tpu.memory_space<vmem>>
      %dma_start3A_721 = tpu.memref_squeeze %dma_start3A_720 : memref<1x1x192xf32, #tpu.memory_space<vmem>> -> memref<192xf32, #tpu.memory_space<vmem>>
      %dma_start3A_722 = arith.constant 0 : i32
      %dma_start3A_723 = tpu.memref_slice %arg2[%squeeze3A_656, %select_n3A_672, %dma_start3A_722] : memref<1024x64x192xf32, #tpu.memory_space<hbm>> -> memref<1x1x192xf32, #tpu.memory_space<hbm>>
      %dma_start3A_724 = tpu.memref_squeeze %dma_start3A_723 : memref<1x1x192xf32, #tpu.memory_space<hbm>> -> memref<192xf32, #tpu.memory_space<hbm>>
      tpu.enqueue_dma source(%dma_start3A_724 : memref<192xf32, #tpu.memory_space<hbm>>) target(%dma_start3A_721 : memref<192xf32, #tpu.memory_space<vmem>>) target_semaphore(%arg7 : memref<!tpu.dma_semaphore, #tpu.memory_space<semaphore_mem>>)
      %mul3A_725 = arith.constant 16 : i32
      %mul3A_726 = arith.muli %scan3A_65, %mul3A_725 : i32
      %add3A_727 = arith.constant 9 : i32
      %add3A_728 = arith.addi %mul3A_726, %add3A_727 : i32
      %slice3A_729 = vector.extract_strided_slice %get3A_71 {offsets = [9], sizes = [1], strides = [1]} : vector<16xi32> to vector<1xi32>
      %squeeze3A_730 = vector.extract %slice3A_729[0] : i32 from vector<1xi32>
      %jit3A_731 = arith.constant 64 : i32
      %eq3A_732 = arith.constant 0 : i32
      %eq3A_733 = arith.cmpi eq, %jit3A_731, %eq3A_732 : i32
      %jit3A_734 = arith.constant 1 : i32
      %select_n3A_735 = arith.select %eq3A_733, %jit3A_734, %jit3A_731 : i32
      %rem3A_736 = arith.remsi %add3A_728, %select_n3A_735 : i32
      %ne3A_737 = arith.constant 0 : i32
      %ne3A_738 = arith.cmpi ne, %rem3A_736, %ne3A_737 : i32
      %lt3A_739 = arith.constant 0 : i32
      %lt3A_740 = arith.cmpi slt, %rem3A_736, %lt3A_739 : i32
      %lt3A_741 = arith.constant 0 : i32
      %lt3A_742 = arith.cmpi slt, %select_n3A_735, %lt3A_741 : i32
      %ne3A_743 = arith.xori %lt3A_740, %lt3A_742 : i1
      %and3A_744 = arith.andi %ne3A_743, %ne3A_738 : i1
      %add3A_745 = arith.addi %rem3A_736, %select_n3A_735 : i32
      %select_n3A_746 = arith.select %and3A_744, %add3A_745, %rem3A_736 : i32
      %jit3A_747 = arith.constant 64 : i32
      %div3A_748 = arith.divsi %add3A_728, %jit3A_747 : i32
      %sign3A_749 = arith.constant 0 : i32
      %sign3A_750 = arith.cmpi sgt, %add3A_728, %sign3A_749 : i32
      %sign3A_751 = arith.extui %sign3A_750 : i1 to i32
      %sign3A_752 = arith.constant 0 : i32
      %sign3A_753 = arith.cmpi slt, %add3A_728, %sign3A_752 : i32
      %sign3A_754 = arith.extui %sign3A_753 : i1 to i32
      %sign3A_755 = arith.subi %sign3A_751, %sign3A_754 : i32
      %sign3A_756 = arith.constant 0 : i32
      %sign3A_757 = arith.cmpi sgt, %jit3A_747, %sign3A_756 : i32
      %sign3A_758 = arith.extui %sign3A_757 : i1 to i32
      %sign3A_759 = arith.constant 0 : i32
      %sign3A_760 = arith.cmpi slt, %jit3A_747, %sign3A_759 : i32
      %sign3A_761 = arith.extui %sign3A_760 : i1 to i32
      %sign3A_762 = arith.subi %sign3A_758, %sign3A_761 : i32
      %ne3A_763 = arith.cmpi ne, %sign3A_755, %sign3A_762 : i32
      %rem3A_764 = arith.remsi %add3A_728, %jit3A_747 : i32
      %ne3A_765 = arith.constant 0 : i32
      %ne3A_766 = arith.cmpi ne, %rem3A_764, %ne3A_765 : i32
      %and3A_767 = arith.andi %ne3A_763, %ne3A_766 : i1
      %sub3A_768 = arith.constant 1 : i32
      %sub3A_769 = arith.subi %div3A_748, %sub3A_768 : i32
      %select_n3A_770 = arith.select %and3A_767, %sub3A_769, %div3A_748 : i32
      %jit3A_771 = arith.constant 64 : i32
      %eq3A_772 = arith.constant 0 : i32
      %eq3A_773 = arith.cmpi eq, %jit3A_771, %eq3A_772 : i32
      %jit3A_774 = arith.constant 1 : i32
      %select_n3A_775 = arith.select %eq3A_773, %jit3A_774, %jit3A_771 : i32
      %rem3A_776 = arith.remsi %add3A_728, %select_n3A_775 : i32
      %ne3A_777 = arith.constant 0 : i32
      %ne3A_778 = arith.cmpi ne, %rem3A_776, %ne3A_777 : i32
      %lt3A_779 = arith.constant 0 : i32
      %lt3A_780 = arith.cmpi slt, %rem3A_776, %lt3A_779 : i32
      %lt3A_781 = arith.constant 0 : i32
      %lt3A_782 = arith.cmpi slt, %select_n3A_775, %lt3A_781 : i32
      %ne3A_783 = arith.xori %lt3A_780, %lt3A_782 : i1
      %and3A_784 = arith.andi %ne3A_783, %ne3A_778 : i1
      %add3A_785 = arith.addi %rem3A_776, %select_n3A_775 : i32
      %select_n3A_786 = arith.select %and3A_784, %add3A_785, %rem3A_776 : i32
      %dma_start3A_787 = arith.constant 0 : i32
      %dma_start3A_788 = tpu.memref_slice %arg6[%select_n3A_770, %select_n3A_786, %dma_start3A_787] : memref<2x64x192xf32, #tpu.memory_space<vmem>> -> memref<1x1x192xf32, #tpu.memory_space<vmem>>
      %dma_start3A_789 = tpu.memref_squeeze %dma_start3A_788 : memref<1x1x192xf32, #tpu.memory_space<vmem>> -> memref<192xf32, #tpu.memory_space<vmem>>
      %dma_start3A_790 = arith.constant 0 : i32
      %dma_start3A_791 = tpu.memref_slice %arg2[%squeeze3A_730, %select_n3A_746, %dma_start3A_790] : memref<1024x64x192xf32, #tpu.memory_space<hbm>> -> memref<1x1x192xf32, #tpu.memory_space<hbm>>
      %dma_start3A_792 = tpu.memref_squeeze %dma_start3A_791 : memref<1x1x192xf32, #tpu.memory_space<hbm>> -> memref<192xf32, #tpu.memory_space<hbm>>
      %dma_start3A_793 = arith.constant 0 : i32
      %dma_start3A_794 = tpu.memref_slice %arg6[%select_n3A_770, %select_n3A_786, %dma_start3A_793] : memref<2x64x192xf32, #tpu.memory_space<vmem>> -> memref<1x1x192xf32, #tpu.memory_space<vmem>>
      %dma_start3A_795 = tpu.memref_squeeze %dma_start3A_794 : memref<1x1x192xf32, #tpu.memory_space<vmem>> -> memref<192xf32, #tpu.memory_space<vmem>>
      %dma_start3A_796 = arith.constant 0 : i32
      %dma_start3A_797 = tpu.memref_slice %arg2[%squeeze3A_730, %select_n3A_746, %dma_start3A_796] : memref<1024x64x192xf32, #tpu.memory_space<hbm>> -> memref<1x1x192xf32, #tpu.memory_space<hbm>>
      %dma_start3A_798 = tpu.memref_squeeze %dma_start3A_797 : memref<1x1x192xf32, #tpu.memory_space<hbm>> -> memref<192xf32, #tpu.memory_space<hbm>>
      tpu.enqueue_dma source(%dma_start3A_798 : memref<192xf32, #tpu.memory_space<hbm>>) target(%dma_start3A_795 : memref<192xf32, #tpu.memory_space<vmem>>) target_semaphore(%arg7 : memref<!tpu.dma_semaphore, #tpu.memory_space<semaphore_mem>>)
      %mul3A_799 = arith.constant 16 : i32
      %mul3A_800 = arith.muli %scan3A_65, %mul3A_799 : i32
      %add3A_801 = arith.constant 10 : i32
      %add3A_802 = arith.addi %mul3A_800, %add3A_801 : i32
      %slice3A_803 = vector.extract_strided_slice %get3A_71 {offsets = [10], sizes = [1], strides = [1]} : vector<16xi32> to vector<1xi32>
      %squeeze3A_804 = vector.extract %slice3A_803[0] : i32 from vector<1xi32>
      %jit3A_805 = arith.constant 64 : i32
      %eq3A_806 = arith.constant 0 : i32
      %eq3A_807 = arith.cmpi eq, %jit3A_805, %eq3A_806 : i32
      %jit3A_808 = arith.constant 1 : i32
      %select_n3A_809 = arith.select %eq3A_807, %jit3A_808, %jit3A_805 : i32
      %rem3A_810 = arith.remsi %add3A_802, %select_n3A_809 : i32
      %ne3A_811 = arith.constant 0 : i32
      %ne3A_812 = arith.cmpi ne, %rem3A_810, %ne3A_811 : i32
      %lt3A_813 = arith.constant 0 : i32
      %lt3A_814 = arith.cmpi slt, %rem3A_810, %lt3A_813 : i32
      %lt3A_815 = arith.constant 0 : i32
      %lt3A_816 = arith.cmpi slt, %select_n3A_809, %lt3A_815 : i32
      %ne3A_817 = arith.xori %lt3A_814, %lt3A_816 : i1
      %and3A_818 = arith.andi %ne3A_817, %ne3A_812 : i1
      %add3A_819 = arith.addi %rem3A_810, %select_n3A_809 : i32
      %select_n3A_820 = arith.select %and3A_818, %add3A_819, %rem3A_810 : i32
      %jit3A_821 = arith.constant 64 : i32
      %div3A_822 = arith.divsi %add3A_802, %jit3A_821 : i32
      %sign3A_823 = arith.constant 0 : i32
      %sign3A_824 = arith.cmpi sgt, %add3A_802, %sign3A_823 : i32
      %sign3A_825 = arith.extui %sign3A_824 : i1 to i32
      %sign3A_826 = arith.constant 0 : i32
      %sign3A_827 = arith.cmpi slt, %add3A_802, %sign3A_826 : i32
      %sign3A_828 = arith.extui %sign3A_827 : i1 to i32
      %sign3A_829 = arith.subi %sign3A_825, %sign3A_828 : i32
      %sign3A_830 = arith.constant 0 : i32
      %sign3A_831 = arith.cmpi sgt, %jit3A_821, %sign3A_830 : i32
      %sign3A_832 = arith.extui %sign3A_831 : i1 to i32
      %sign3A_833 = arith.constant 0 : i32
      %sign3A_834 = arith.cmpi slt, %jit3A_821, %sign3A_833 : i32
      %sign3A_835 = arith.extui %sign3A_834 : i1 to i32
      %sign3A_836 = arith.subi %sign3A_832, %sign3A_835 : i32
      %ne3A_837 = arith.cmpi ne, %sign3A_829, %sign3A_836 : i32
      %rem3A_838 = arith.remsi %add3A_802, %jit3A_821 : i32
      %ne3A_839 = arith.constant 0 : i32
      %ne3A_840 = arith.cmpi ne, %rem3A_838, %ne3A_839 : i32
      %and3A_841 = arith.andi %ne3A_837, %ne3A_840 : i1
      %sub3A_842 = arith.constant 1 : i32
      %sub3A_843 = arith.subi %div3A_822, %sub3A_842 : i32
      %select_n3A_844 = arith.select %and3A_841, %sub3A_843, %div3A_822 : i32
      %jit3A_845 = arith.constant 64 : i32
      %eq3A_846 = arith.constant 0 : i32
      %eq3A_847 = arith.cmpi eq, %jit3A_845, %eq3A_846 : i32
      %jit3A_848 = arith.constant 1 : i32
      %select_n3A_849 = arith.select %eq3A_847, %jit3A_848, %jit3A_845 : i32
      %rem3A_850 = arith.remsi %add3A_802, %select_n3A_849 : i32
      %ne3A_851 = arith.constant 0 : i32
      %ne3A_852 = arith.cmpi ne, %rem3A_850, %ne3A_851 : i32
      %lt3A_853 = arith.constant 0 : i32
      %lt3A_854 = arith.cmpi slt, %rem3A_850, %lt3A_853 : i32
      %lt3A_855 = arith.constant 0 : i32
      %lt3A_856 = arith.cmpi slt, %select_n3A_849, %lt3A_855 : i32
      %ne3A_857 = arith.xori %lt3A_854, %lt3A_856 : i1
      %and3A_858 = arith.andi %ne3A_857, %ne3A_852 : i1
      %add3A_859 = arith.addi %rem3A_850, %select_n3A_849 : i32
      %select_n3A_860 = arith.select %and3A_858, %add3A_859, %rem3A_850 : i32
      %dma_start3A_861 = arith.constant 0 : i32
      %dma_start3A_862 = tpu.memref_slice %arg6[%select_n3A_844, %select_n3A_860, %dma_start3A_861] : memref<2x64x192xf32, #tpu.memory_space<vmem>> -> memref<1x1x192xf32, #tpu.memory_space<vmem>>
      %dma_start3A_863 = tpu.memref_squeeze %dma_start3A_862 : memref<1x1x192xf32, #tpu.memory_space<vmem>> -> memref<192xf32, #tpu.memory_space<vmem>>
      %dma_start3A_864 = arith.constant 0 : i32
      %dma_start3A_865 = tpu.memref_slice %arg2[%squeeze3A_804, %select_n3A_820, %dma_start3A_864] : memref<1024x64x192xf32, #tpu.memory_space<hbm>> -> memref<1x1x192xf32, #tpu.memory_space<hbm>>
      %dma_start3A_866 = tpu.memref_squeeze %dma_start3A_865 : memref<1x1x192xf32, #tpu.memory_space<hbm>> -> memref<192xf32, #tpu.memory_space<hbm>>
      %dma_start3A_867 = arith.constant 0 : i32
      %dma_start3A_868 = tpu.memref_slice %arg6[%select_n3A_844, %select_n3A_860, %dma_start3A_867] : memref<2x64x192xf32, #tpu.memory_space<vmem>> -> memref<1x1x192xf32, #tpu.memory_space<vmem>>
      %dma_start3A_869 = tpu.memref_squeeze %dma_start3A_868 : memref<1x1x192xf32, #tpu.memory_space<vmem>> -> memref<192xf32, #tpu.memory_space<vmem>>
      %dma_start3A_870 = arith.constant 0 : i32
      %dma_start3A_871 = tpu.memref_slice %arg2[%squeeze3A_804, %select_n3A_820, %dma_start3A_870] : memref<1024x64x192xf32, #tpu.memory_space<hbm>> -> memref<1x1x192xf32, #tpu.memory_space<hbm>>
      %dma_start3A_872 = tpu.memref_squeeze %dma_start3A_871 : memref<1x1x192xf32, #tpu.memory_space<hbm>> -> memref<192xf32, #tpu.memory_space<hbm>>
      tpu.enqueue_dma source(%dma_start3A_872 : memref<192xf32, #tpu.memory_space<hbm>>) target(%dma_start3A_869 : memref<192xf32, #tpu.memory_space<vmem>>) target_semaphore(%arg7 : memref<!tpu.dma_semaphore, #tpu.memory_space<semaphore_mem>>)
      %mul3A_873 = arith.constant 16 : i32
      %mul3A_874 = arith.muli %scan3A_65, %mul3A_873 : i32
      %add3A_875 = arith.constant 11 : i32
      %add3A_876 = arith.addi %mul3A_874, %add3A_875 : i32
      %slice3A_877 = vector.extract_strided_slice %get3A_71 {offsets = [11], sizes = [1], strides = [1]} : vector<16xi32> to vector<1xi32>
      %squeeze3A_878 = vector.extract %slice3A_877[0] : i32 from vector<1xi32>
      %jit3A_879 = arith.constant 64 : i32
      %eq3A_880 = arith.constant 0 : i32
      %eq3A_881 = arith.cmpi eq, %jit3A_879, %eq3A_880 : i32
      %jit3A_882 = arith.constant 1 : i32
      %select_n3A_883 = arith.select %eq3A_881, %jit3A_882, %jit3A_879 : i32
      %rem3A_884 = arith.remsi %add3A_876, %select_n3A_883 : i32
      %ne3A_885 = arith.constant 0 : i32
      %ne3A_886 = arith.cmpi ne, %rem3A_884, %ne3A_885 : i32
      %lt3A_887 = arith.constant 0 : i32
      %lt3A_888 = arith.cmpi slt, %rem3A_884, %lt3A_887 : i32
      %lt3A_889 = arith.constant 0 : i32
      %lt3A_890 = arith.cmpi slt, %select_n3A_883, %lt3A_889 : i32
      %ne3A_891 = arith.xori %lt3A_888, %lt3A_890 : i1
      %and3A_892 = arith.andi %ne3A_891, %ne3A_886 : i1
      %add3A_893 = arith.addi %rem3A_884, %select_n3A_883 : i32
      %select_n3A_894 = arith.select %and3A_892, %add3A_893, %rem3A_884 : i32
      %jit3A_895 = arith.constant 64 : i32
      %div3A_896 = arith.divsi %add3A_876, %jit3A_895 : i32
      %sign3A_897 = arith.constant 0 : i32
      %sign3A_898 = arith.cmpi sgt, %add3A_876, %sign3A_897 : i32
      %sign3A_899 = arith.extui %sign3A_898 : i1 to i32
      %sign3A_900 = arith.constant 0 : i32
      %sign3A_901 = arith.cmpi slt, %add3A_876, %sign3A_900 : i32
      %sign3A_902 = arith.extui %sign3A_901 : i1 to i32
      %sign3A_903 = arith.subi %sign3A_899, %sign3A_902 : i32
      %sign3A_904 = arith.constant 0 : i32
      %sign3A_905 = arith.cmpi sgt, %jit3A_895, %sign3A_904 : i32
      %sign3A_906 = arith.extui %sign3A_905 : i1 to i32
      %sign3A_907 = arith.constant 0 : i32
      %sign3A_908 = arith.cmpi slt, %jit3A_895, %sign3A_907 : i32
      %sign3A_909 = arith.extui %sign3A_908 : i1 to i32
      %sign3A_910 = arith.subi %sign3A_906, %sign3A_909 : i32
      %ne3A_911 = arith.cmpi ne, %sign3A_903, %sign3A_910 : i32
      %rem3A_912 = arith.remsi %add3A_876, %jit3A_895 : i32
      %ne3A_913 = arith.constant 0 : i32
      %ne3A_914 = arith.cmpi ne, %rem3A_912, %ne3A_913 : i32
      %and3A_915 = arith.andi %ne3A_911, %ne3A_914 : i1
      %sub3A_916 = arith.constant 1 : i32
      %sub3A_917 = arith.subi %div3A_896, %sub3A_916 : i32
      %select_n3A_918 = arith.select %and3A_915, %sub3A_917, %div3A_896 : i32
      %jit3A_919 = arith.constant 64 : i32
      %eq3A_920 = arith.constant 0 : i32
      %eq3A_921 = arith.cmpi eq, %jit3A_919, %eq3A_920 : i32
      %jit3A_922 = arith.constant 1 : i32
      %select_n3A_923 = arith.select %eq3A_921, %jit3A_922, %jit3A_919 : i32
      %rem3A_924 = arith.remsi %add3A_876, %select_n3A_923 : i32
      %ne3A_925 = arith.constant 0 : i32
      %ne3A_926 = arith.cmpi ne, %rem3A_924, %ne3A_925 : i32
      %lt3A_927 = arith.constant 0 : i32
      %lt3A_928 = arith.cmpi slt, %rem3A_924, %lt3A_927 : i32
      %lt3A_929 = arith.constant 0 : i32
      %lt3A_930 = arith.cmpi slt, %select_n3A_923, %lt3A_929 : i32
      %ne3A_931 = arith.xori %lt3A_928, %lt3A_930 : i1
      %and3A_932 = arith.andi %ne3A_931, %ne3A_926 : i1
      %add3A_933 = arith.addi %rem3A_924, %select_n3A_923 : i32
      %select_n3A_934 = arith.select %and3A_932, %add3A_933, %rem3A_924 : i32
      %dma_start3A_935 = arith.constant 0 : i32
      %dma_start3A_936 = tpu.memref_slice %arg6[%select_n3A_918, %select_n3A_934, %dma_start3A_935] : memref<2x64x192xf32, #tpu.memory_space<vmem>> -> memref<1x1x192xf32, #tpu.memory_space<vmem>>
      %dma_start3A_937 = tpu.memref_squeeze %dma_start3A_936 : memref<1x1x192xf32, #tpu.memory_space<vmem>> -> memref<192xf32, #tpu.memory_space<vmem>>
      %dma_start3A_938 = arith.constant 0 : i32
      %dma_start3A_939 = tpu.memref_slice %arg2[%squeeze3A_878, %select_n3A_894, %dma_start3A_938] : memref<1024x64x192xf32, #tpu.memory_space<hbm>> -> memref<1x1x192xf32, #tpu.memory_space<hbm>>
      %dma_start3A_940 = tpu.memref_squeeze %dma_start3A_939 : memref<1x1x192xf32, #tpu.memory_space<hbm>> -> memref<192xf32, #tpu.memory_space<hbm>>
      %dma_start3A_941 = arith.constant 0 : i32
      %dma_start3A_942 = tpu.memref_slice %arg6[%select_n3A_918, %select_n3A_934, %dma_start3A_941] : memref<2x64x192xf32, #tpu.memory_space<vmem>> -> memref<1x1x192xf32, #tpu.memory_space<vmem>>
      %dma_start3A_943 = tpu.memref_squeeze %dma_start3A_942 : memref<1x1x192xf32, #tpu.memory_space<vmem>> -> memref<192xf32, #tpu.memory_space<vmem>>
      %dma_start3A_944 = arith.constant 0 : i32
      %dma_start3A_945 = tpu.memref_slice %arg2[%squeeze3A_878, %select_n3A_894, %dma_start3A_944] : memref<1024x64x192xf32, #tpu.memory_space<hbm>> -> memref<1x1x192xf32, #tpu.memory_space<hbm>>
      %dma_start3A_946 = tpu.memref_squeeze %dma_start3A_945 : memref<1x1x192xf32, #tpu.memory_space<hbm>> -> memref<192xf32, #tpu.memory_space<hbm>>
      tpu.enqueue_dma source(%dma_start3A_946 : memref<192xf32, #tpu.memory_space<hbm>>) target(%dma_start3A_943 : memref<192xf32, #tpu.memory_space<vmem>>) target_semaphore(%arg7 : memref<!tpu.dma_semaphore, #tpu.memory_space<semaphore_mem>>)
      %mul3A_947 = arith.constant 16 : i32
      %mul3A_948 = arith.muli %scan3A_65, %mul3A_947 : i32
      %add3A_949 = arith.constant 12 : i32
      %add3A_950 = arith.addi %mul3A_948, %add3A_949 : i32
      %slice3A_951 = vector.extract_strided_slice %get3A_71 {offsets = [12], sizes = [1], strides = [1]} : vector<16xi32> to vector<1xi32>
      %squeeze3A_952 = vector.extract %slice3A_951[0] : i32 from vector<1xi32>
      %jit3A_953 = arith.constant 64 : i32
      %eq3A_954 = arith.constant 0 : i32
      %eq3A_955 = arith.cmpi eq, %jit3A_953, %eq3A_954 : i32
      %jit3A_956 = arith.constant 1 : i32
      %select_n3A_957 = arith.select %eq3A_955, %jit3A_956, %jit3A_953 : i32
      %rem3A_958 = arith.remsi %add3A_950, %select_n3A_957 : i32
      %ne3A_959 = arith.constant 0 : i32
      %ne3A_960 = arith.cmpi ne, %rem3A_958, %ne3A_959 : i32
      %lt3A_961 = arith.constant 0 : i32
      %lt3A_962 = arith.cmpi slt, %rem3A_958, %lt3A_961 : i32
      %lt3A_963 = arith.constant 0 : i32
      %lt3A_964 = arith.cmpi slt, %select_n3A_957, %lt3A_963 : i32
      %ne3A_965 = arith.xori %lt3A_962, %lt3A_964 : i1
      %and3A_966 = arith.andi %ne3A_965, %ne3A_960 : i1
      %add3A_967 = arith.addi %rem3A_958, %select_n3A_957 : i32
      %select_n3A_968 = arith.select %and3A_966, %add3A_967, %rem3A_958 : i32
      %jit3A_969 = arith.constant 64 : i32
      %div3A_970 = arith.divsi %add3A_950, %jit3A_969 : i32
      %sign3A_971 = arith.constant 0 : i32
      %sign3A_972 = arith.cmpi sgt, %add3A_950, %sign3A_971 : i32
      %sign3A_973 = arith.extui %sign3A_972 : i1 to i32
      %sign3A_974 = arith.constant 0 : i32
      %sign3A_975 = arith.cmpi slt, %add3A_950, %sign3A_974 : i32
      %sign3A_976 = arith.extui %sign3A_975 : i1 to i32
      %sign3A_977 = arith.subi %sign3A_973, %sign3A_976 : i32
      %sign3A_978 = arith.constant 0 : i32
      %sign3A_979 = arith.cmpi sgt, %jit3A_969, %sign3A_978 : i32
      %sign3A_980 = arith.extui %sign3A_979 : i1 to i32
      %sign3A_981 = arith.constant 0 : i32
      %sign3A_982 = arith.cmpi slt, %jit3A_969, %sign3A_981 : i32
      %sign3A_983 = arith.extui %sign3A_982 : i1 to i32
      %sign3A_984 = arith.subi %sign3A_980, %sign3A_983 : i32
      %ne3A_985 = arith.cmpi ne, %sign3A_977, %sign3A_984 : i32
      %rem3A_986 = arith.remsi %add3A_950, %jit3A_969 : i32
      %ne3A_987 = arith.constant 0 : i32
      %ne3A_988 = arith.cmpi ne, %rem3A_986, %ne3A_987 : i32
      %and3A_989 = arith.andi %ne3A_985, %ne3A_988 : i1
      %sub3A_990 = arith.constant 1 : i32
      %sub3A_991 = arith.subi %div3A_970, %sub3A_990 : i32
      %select_n3A_992 = arith.select %and3A_989, %sub3A_991, %div3A_970 : i32
      %jit3A_993 = arith.constant 64 : i32
      %eq3A_994 = arith.constant 0 : i32
      %eq3A_995 = arith.cmpi eq, %jit3A_993, %eq3A_994 : i32
      %jit3A_996 = arith.constant 1 : i32
      %select_n3A_997 = arith.select %eq3A_995, %jit3A_996, %jit3A_993 : i32
      %rem3A_998 = arith.remsi %add3A_950, %select_n3A_997 : i32
      %ne3A_999 = arith.constant 0 : i32
      %ne3A_1000 = arith.cmpi ne, %rem3A_998, %ne3A_999 : i32
      %lt3A_1001 = arith.constant 0 : i32
      %lt3A_1002 = arith.cmpi slt, %rem3A_998, %lt3A_1001 : i32
      %lt3A_1003 = arith.constant 0 : i32
      %lt3A_1004 = arith.cmpi slt, %select_n3A_997, %lt3A_1003 : i32
      %ne3A_1005 = arith.xori %lt3A_1002, %lt3A_1004 : i1
      %and3A_1006 = arith.andi %ne3A_1005, %ne3A_1000 : i1
      %add3A_1007 = arith.addi %rem3A_998, %select_n3A_997 : i32
      %select_n3A_1008 = arith.select %and3A_1006, %add3A_1007, %rem3A_998 : i32
      %dma_start3A_1009 = arith.constant 0 : i32
      %dma_start3A_1010 = tpu.memref_slice %arg6[%select_n3A_992, %select_n3A_1008, %dma_start3A_1009] : memref<2x64x192xf32, #tpu.memory_space<vmem>> -> memref<1x1x192xf32, #tpu.memory_space<vmem>>
      %dma_start3A_1011 = tpu.memref_squeeze %dma_start3A_1010 : memref<1x1x192xf32, #tpu.memory_space<vmem>> -> memref<192xf32, #tpu.memory_space<vmem>>
      %dma_start3A_1012 = arith.constant 0 : i32
      %dma_start3A_1013 = tpu.memref_slice %arg2[%squeeze3A_952, %select_n3A_968, %dma_start3A_1012] : memref<1024x64x192xf32, #tpu.memory_space<hbm>> -> memref<1x1x192xf32, #tpu.memory_space<hbm>>
      %dma_start3A_1014 = tpu.memref_squeeze %dma_start3A_1013 : memref<1x1x192xf32, #tpu.memory_space<hbm>> -> memref<192xf32, #tpu.memory_space<hbm>>
      %dma_start3A_1015 = arith.constant 0 : i32
      %dma_start3A_1016 = tpu.memref_slice %arg6[%select_n3A_992, %select_n3A_1008, %dma_start3A_1015] : memref<2x64x192xf32, #tpu.memory_space<vmem>> -> memref<1x1x192xf32, #tpu.memory_space<vmem>>
      %dma_start3A_1017 = tpu.memref_squeeze %dma_start3A_1016 : memref<1x1x192xf32, #tpu.memory_space<vmem>> -> memref<192xf32, #tpu.memory_space<vmem>>
      %dma_start3A_1018 = arith.constant 0 : i32
      %dma_start3A_1019 = tpu.memref_slice %arg2[%squeeze3A_952, %select_n3A_968, %dma_start3A_1018] : memref<1024x64x192xf32, #tpu.memory_space<hbm>> -> memref<1x1x192xf32, #tpu.memory_space<hbm>>
      %dma_start3A_1020 = tpu.memref_squeeze %dma_start3A_1019 : memref<1x1x192xf32, #tpu.memory_space<hbm>> -> memref<192xf32, #tpu.memory_space<hbm>>
      tpu.enqueue_dma source(%dma_start3A_1020 : memref<192xf32, #tpu.memory_space<hbm>>) target(%dma_start3A_1017 : memref<192xf32, #tpu.memory_space<vmem>>) target_semaphore(%arg7 : memref<!tpu.dma_semaphore, #tpu.memory_space<semaphore_mem>>)
      %mul3A_1021 = arith.constant 16 : i32
      %mul3A_1022 = arith.muli %scan3A_65, %mul3A_1021 : i32
      %add3A_1023 = arith.constant 13 : i32
      %add3A_1024 = arith.addi %mul3A_1022, %add3A_1023 : i32
      %slice3A_1025 = vector.extract_strided_slice %get3A_71 {offsets = [13], sizes = [1], strides = [1]} : vector<16xi32> to vector<1xi32>
      %squeeze3A_1026 = vector.extract %slice3A_1025[0] : i32 from vector<1xi32>
      %jit3A_1027 = arith.constant 64 : i32
      %eq3A_1028 = arith.constant 0 : i32
      %eq3A_1029 = arith.cmpi eq, %jit3A_1027, %eq3A_1028 : i32
      %jit3A_1030 = arith.constant 1 : i32
      %select_n3A_1031 = arith.select %eq3A_1029, %jit3A_1030, %jit3A_1027 : i32
      %rem3A_1032 = arith.remsi %add3A_1024, %select_n3A_1031 : i32
      %ne3A_1033 = arith.constant 0 : i32
      %ne3A_1034 = arith.cmpi ne, %rem3A_1032, %ne3A_1033 : i32
      %lt3A_1035 = arith.constant 0 : i32
      %lt3A_1036 = arith.cmpi slt, %rem3A_1032, %lt3A_1035 : i32
      %lt3A_1037 = arith.constant 0 : i32
      %lt3A_1038 = arith.cmpi slt, %select_n3A_1031, %lt3A_1037 : i32
      %ne3A_1039 = arith.xori %lt3A_1036, %lt3A_1038 : i1
      %and3A_1040 = arith.andi %ne3A_1039, %ne3A_1034 : i1
      %add3A_1041 = arith.addi %rem3A_1032, %select_n3A_1031 : i32
      %select_n3A_1042 = arith.select %and3A_1040, %add3A_1041, %rem3A_1032 : i32
      %jit3A_1043 = arith.constant 64 : i32
      %div3A_1044 = arith.divsi %add3A_1024, %jit3A_1043 : i32
      %sign3A_1045 = arith.constant 0 : i32
      %sign3A_1046 = arith.cmpi sgt, %add3A_1024, %sign3A_1045 : i32
      %sign3A_1047 = arith.extui %sign3A_1046 : i1 to i32
      %sign3A_1048 = arith.constant 0 : i32
      %sign3A_1049 = arith.cmpi slt, %add3A_1024, %sign3A_1048 : i32
      %sign3A_1050 = arith.extui %sign3A_1049 : i1 to i32
      %sign3A_1051 = arith.subi %sign3A_1047, %sign3A_1050 : i32
      %sign3A_1052 = arith.constant 0 : i32
      %sign3A_1053 = arith.cmpi sgt, %jit3A_1043, %sign3A_1052 : i32
      %sign3A_1054 = arith.extui %sign3A_1053 : i1 to i32
      %sign3A_1055 = arith.constant 0 : i32
      %sign3A_1056 = arith.cmpi slt, %jit3A_1043, %sign3A_1055 : i32
      %sign3A_1057 = arith.extui %sign3A_1056 : i1 to i32
      %sign3A_1058 = arith.subi %sign3A_1054, %sign3A_1057 : i32
      %ne3A_1059 = arith.cmpi ne, %sign3A_1051, %sign3A_1058 : i32
      %rem3A_1060 = arith.remsi %add3A_1024, %jit3A_1043 : i32
      %ne3A_1061 = arith.constant 0 : i32
      %ne3A_1062 = arith.cmpi ne, %rem3A_1060, %ne3A_1061 : i32
      %and3A_1063 = arith.andi %ne3A_1059, %ne3A_1062 : i1
      %sub3A_1064 = arith.constant 1 : i32
      %sub3A_1065 = arith.subi %div3A_1044, %sub3A_1064 : i32
      %select_n3A_1066 = arith.select %and3A_1063, %sub3A_1065, %div3A_1044 : i32
      %jit3A_1067 = arith.constant 64 : i32
      %eq3A_1068 = arith.constant 0 : i32
      %eq3A_1069 = arith.cmpi eq, %jit3A_1067, %eq3A_1068 : i32
      %jit3A_1070 = arith.constant 1 : i32
      %select_n3A_1071 = arith.select %eq3A_1069, %jit3A_1070, %jit3A_1067 : i32
      %rem3A_1072 = arith.remsi %add3A_1024, %select_n3A_1071 : i32
      %ne3A_1073 = arith.constant 0 : i32
      %ne3A_1074 = arith.cmpi ne, %rem3A_1072, %ne3A_1073 : i32
      %lt3A_1075 = arith.constant 0 : i32
      %lt3A_1076 = arith.cmpi slt, %rem3A_1072, %lt3A_1075 : i32
      %lt3A_1077 = arith.constant 0 : i32
      %lt3A_1078 = arith.cmpi slt, %select_n3A_1071, %lt3A_1077 : i32
      %ne3A_1079 = arith.xori %lt3A_1076, %lt3A_1078 : i1
      %and3A_1080 = arith.andi %ne3A_1079, %ne3A_1074 : i1
      %add3A_1081 = arith.addi %rem3A_1072, %select_n3A_1071 : i32
      %select_n3A_1082 = arith.select %and3A_1080, %add3A_1081, %rem3A_1072 : i32
      %dma_start3A_1083 = arith.constant 0 : i32
      %dma_start3A_1084 = tpu.memref_slice %arg6[%select_n3A_1066, %select_n3A_1082, %dma_start3A_1083] : memref<2x64x192xf32, #tpu.memory_space<vmem>> -> memref<1x1x192xf32, #tpu.memory_space<vmem>>
      %dma_start3A_1085 = tpu.memref_squeeze %dma_start3A_1084 : memref<1x1x192xf32, #tpu.memory_space<vmem>> -> memref<192xf32, #tpu.memory_space<vmem>>
      %dma_start3A_1086 = arith.constant 0 : i32
      %dma_start3A_1087 = tpu.memref_slice %arg2[%squeeze3A_1026, %select_n3A_1042, %dma_start3A_1086] : memref<1024x64x192xf32, #tpu.memory_space<hbm>> -> memref<1x1x192xf32, #tpu.memory_space<hbm>>
      %dma_start3A_1088 = tpu.memref_squeeze %dma_start3A_1087 : memref<1x1x192xf32, #tpu.memory_space<hbm>> -> memref<192xf32, #tpu.memory_space<hbm>>
      %dma_start3A_1089 = arith.constant 0 : i32
      %dma_start3A_1090 = tpu.memref_slice %arg6[%select_n3A_1066, %select_n3A_1082, %dma_start3A_1089] : memref<2x64x192xf32, #tpu.memory_space<vmem>> -> memref<1x1x192xf32, #tpu.memory_space<vmem>>
      %dma_start3A_1091 = tpu.memref_squeeze %dma_start3A_1090 : memref<1x1x192xf32, #tpu.memory_space<vmem>> -> memref<192xf32, #tpu.memory_space<vmem>>
      %dma_start3A_1092 = arith.constant 0 : i32
      %dma_start3A_1093 = tpu.memref_slice %arg2[%squeeze3A_1026, %select_n3A_1042, %dma_start3A_1092] : memref<1024x64x192xf32, #tpu.memory_space<hbm>> -> memref<1x1x192xf32, #tpu.memory_space<hbm>>
      %dma_start3A_1094 = tpu.memref_squeeze %dma_start3A_1093 : memref<1x1x192xf32, #tpu.memory_space<hbm>> -> memref<192xf32, #tpu.memory_space<hbm>>
      tpu.enqueue_dma source(%dma_start3A_1094 : memref<192xf32, #tpu.memory_space<hbm>>) target(%dma_start3A_1091 : memref<192xf32, #tpu.memory_space<vmem>>) target_semaphore(%arg7 : memref<!tpu.dma_semaphore, #tpu.memory_space<semaphore_mem>>)
      %mul3A_1095 = arith.constant 16 : i32
      %mul3A_1096 = arith.muli %scan3A_65, %mul3A_1095 : i32
      %add3A_1097 = arith.constant 14 : i32
      %add3A_1098 = arith.addi %mul3A_1096, %add3A_1097 : i32
      %slice3A_1099 = vector.extract_strided_slice %get3A_71 {offsets = [14], sizes = [1], strides = [1]} : vector<16xi32> to vector<1xi32>
      %squeeze3A_1100 = vector.extract %slice3A_1099[0] : i32 from vector<1xi32>
      %jit3A_1101 = arith.constant 64 : i32
      %eq3A_1102 = arith.constant 0 : i32
      %eq3A_1103 = arith.cmpi eq, %jit3A_1101, %eq3A_1102 : i32
      %jit3A_1104 = arith.constant 1 : i32
      %select_n3A_1105 = arith.select %eq3A_1103, %jit3A_1104, %jit3A_1101 : i32
      %rem3A_1106 = arith.remsi %add3A_1098, %select_n3A_1105 : i32
      %ne3A_1107 = arith.constant 0 : i32
      %ne3A_1108 = arith.cmpi ne, %rem3A_1106, %ne3A_1107 : i32
      %lt3A_1109 = arith.constant 0 : i32
      %lt3A_1110 = arith.cmpi slt, %rem3A_1106, %lt3A_1109 : i32
      %lt3A_1111 = arith.constant 0 : i32
      %lt3A_1112 = arith.cmpi slt, %select_n3A_1105, %lt3A_1111 : i32
      %ne3A_1113 = arith.xori %lt3A_1110, %lt3A_1112 : i1
      %and3A_1114 = arith.andi %ne3A_1113, %ne3A_1108 : i1
      %add3A_1115 = arith.addi %rem3A_1106, %select_n3A_1105 : i32
      %select_n3A_1116 = arith.select %and3A_1114, %add3A_1115, %rem3A_1106 : i32
      %jit3A_1117 = arith.constant 64 : i32
      %div3A_1118 = arith.divsi %add3A_1098, %jit3A_1117 : i32
      %sign3A_1119 = arith.constant 0 : i32
      %sign3A_1120 = arith.cmpi sgt, %add3A_1098, %sign3A_1119 : i32
      %sign3A_1121 = arith.extui %sign3A_1120 : i1 to i32
      %sign3A_1122 = arith.constant 0 : i32
      %sign3A_1123 = arith.cmpi slt, %add3A_1098, %sign3A_1122 : i32
      %sign3A_1124 = arith.extui %sign3A_1123 : i1 to i32
      %sign3A_1125 = arith.subi %sign3A_1121, %sign3A_1124 : i32
      %sign3A_1126 = arith.constant 0 : i32
      %sign3A_1127 = arith.cmpi sgt, %jit3A_1117, %sign3A_1126 : i32
      %sign3A_1128 = arith.extui %sign3A_1127 : i1 to i32
      %sign3A_1129 = arith.constant 0 : i32
      %sign3A_1130 = arith.cmpi slt, %jit3A_1117, %sign3A_1129 : i32
      %sign3A_1131 = arith.extui %sign3A_1130 : i1 to i32
      %sign3A_1132 = arith.subi %sign3A_1128, %sign3A_1131 : i32
      %ne3A_1133 = arith.cmpi ne, %sign3A_1125, %sign3A_1132 : i32
      %rem3A_1134 = arith.remsi %add3A_1098, %jit3A_1117 : i32
      %ne3A_1135 = arith.constant 0 : i32
      %ne3A_1136 = arith.cmpi ne, %rem3A_1134, %ne3A_1135 : i32
      %and3A_1137 = arith.andi %ne3A_1133, %ne3A_1136 : i1
      %sub3A_1138 = arith.constant 1 : i32
      %sub3A_1139 = arith.subi %div3A_1118, %sub3A_1138 : i32
      %select_n3A_1140 = arith.select %and3A_1137, %sub3A_1139, %div3A_1118 : i32
      %jit3A_1141 = arith.constant 64 : i32
      %eq3A_1142 = arith.constant 0 : i32
      %eq3A_1143 = arith.cmpi eq, %jit3A_1141, %eq3A_1142 : i32
      %jit3A_1144 = arith.constant 1 : i32
      %select_n3A_1145 = arith.select %eq3A_1143, %jit3A_1144, %jit3A_1141 : i32
      %rem3A_1146 = arith.remsi %add3A_1098, %select_n3A_1145 : i32
      %ne3A_1147 = arith.constant 0 : i32
      %ne3A_1148 = arith.cmpi ne, %rem3A_1146, %ne3A_1147 : i32
      %lt3A_1149 = arith.constant 0 : i32
      %lt3A_1150 = arith.cmpi slt, %rem3A_1146, %lt3A_1149 : i32
      %lt3A_1151 = arith.constant 0 : i32
      %lt3A_1152 = arith.cmpi slt, %select_n3A_1145, %lt3A_1151 : i32
      %ne3A_1153 = arith.xori %lt3A_1150, %lt3A_1152 : i1
      %and3A_1154 = arith.andi %ne3A_1153, %ne3A_1148 : i1
      %add3A_1155 = arith.addi %rem3A_1146, %select_n3A_1145 : i32
      %select_n3A_1156 = arith.select %and3A_1154, %add3A_1155, %rem3A_1146 : i32
      %dma_start3A_1157 = arith.constant 0 : i32
      %dma_start3A_1158 = tpu.memref_slice %arg6[%select_n3A_1140, %select_n3A_1156, %dma_start3A_1157] : memref<2x64x192xf32, #tpu.memory_space<vmem>> -> memref<1x1x192xf32, #tpu.memory_space<vmem>>
      %dma_start3A_1159 = tpu.memref_squeeze %dma_start3A_1158 : memref<1x1x192xf32, #tpu.memory_space<vmem>> -> memref<192xf32, #tpu.memory_space<vmem>>
      %dma_start3A_1160 = arith.constant 0 : i32
      %dma_start3A_1161 = tpu.memref_slice %arg2[%squeeze3A_1100, %select_n3A_1116, %dma_start3A_1160] : memref<1024x64x192xf32, #tpu.memory_space<hbm>> -> memref<1x1x192xf32, #tpu.memory_space<hbm>>
      %dma_start3A_1162 = tpu.memref_squeeze %dma_start3A_1161 : memref<1x1x192xf32, #tpu.memory_space<hbm>> -> memref<192xf32, #tpu.memory_space<hbm>>
      %dma_start3A_1163 = arith.constant 0 : i32
      %dma_start3A_1164 = tpu.memref_slice %arg6[%select_n3A_1140, %select_n3A_1156, %dma_start3A_1163] : memref<2x64x192xf32, #tpu.memory_space<vmem>> -> memref<1x1x192xf32, #tpu.memory_space<vmem>>
      %dma_start3A_1165 = tpu.memref_squeeze %dma_start3A_1164 : memref<1x1x192xf32, #tpu.memory_space<vmem>> -> memref<192xf32, #tpu.memory_space<vmem>>
      %dma_start3A_1166 = arith.constant 0 : i32
      %dma_start3A_1167 = tpu.memref_slice %arg2[%squeeze3A_1100, %select_n3A_1116, %dma_start3A_1166] : memref<1024x64x192xf32, #tpu.memory_space<hbm>> -> memref<1x1x192xf32, #tpu.memory_space<hbm>>
      %dma_start3A_1168 = tpu.memref_squeeze %dma_start3A_1167 : memref<1x1x192xf32, #tpu.memory_space<hbm>> -> memref<192xf32, #tpu.memory_space<hbm>>
      tpu.enqueue_dma source(%dma_start3A_1168 : memref<192xf32, #tpu.memory_space<hbm>>) target(%dma_start3A_1165 : memref<192xf32, #tpu.memory_space<vmem>>) target_semaphore(%arg7 : memref<!tpu.dma_semaphore, #tpu.memory_space<semaphore_mem>>)
      %mul3A_1169 = arith.constant 16 : i32
      %mul3A_1170 = arith.muli %scan3A_65, %mul3A_1169 : i32
      %add3A_1171 = arith.constant 15 : i32
      %add3A_1172 = arith.addi %mul3A_1170, %add3A_1171 : i32
      %slice3A_1173 = vector.extract_strided_slice %get3A_71 {offsets = [15], sizes = [1], strides = [1]} : vector<16xi32> to vector<1xi32>
      %squeeze3A_1174 = vector.extract %slice3A_1173[0] : i32 from vector<1xi32>
      %jit3A_1175 = arith.constant 64 : i32
      %eq3A_1176 = arith.constant 0 : i32
      %eq3A_1177 = arith.cmpi eq, %jit3A_1175, %eq3A_1176 : i32
      %jit3A_1178 = arith.constant 1 : i32
      %select_n3A_1179 = arith.select %eq3A_1177, %jit3A_1178, %jit3A_1175 : i32
      %rem3A_1180 = arith.remsi %add3A_1172, %select_n3A_1179 : i32
      %ne3A_1181 = arith.constant 0 : i32
      %ne3A_1182 = arith.cmpi ne, %rem3A_1180, %ne3A_1181 : i32
      %lt3A_1183 = arith.constant 0 : i32
      %lt3A_1184 = arith.cmpi slt, %rem3A_1180, %lt3A_1183 : i32
      %lt3A_1185 = arith.constant 0 : i32
      %lt3A_1186 = arith.cmpi slt, %select_n3A_1179, %lt3A_1185 : i32
      %ne3A_1187 = arith.xori %lt3A_1184, %lt3A_1186 : i1
      %and3A_1188 = arith.andi %ne3A_1187, %ne3A_1182 : i1
      %add3A_1189 = arith.addi %rem3A_1180, %select_n3A_1179 : i32
      %select_n3A_1190 = arith.select %and3A_1188, %add3A_1189, %rem3A_1180 : i32
      %jit3A_1191 = arith.constant 64 : i32
      %div3A_1192 = arith.divsi %add3A_1172, %jit3A_1191 : i32
      %sign3A_1193 = arith.constant 0 : i32
      %sign3A_1194 = arith.cmpi sgt, %add3A_1172, %sign3A_1193 : i32
      %sign3A_1195 = arith.extui %sign3A_1194 : i1 to i32
      %sign3A_1196 = arith.constant 0 : i32
      %sign3A_1197 = arith.cmpi slt, %add3A_1172, %sign3A_1196 : i32
      %sign3A_1198 = arith.extui %sign3A_1197 : i1 to i32
      %sign3A_1199 = arith.subi %sign3A_1195, %sign3A_1198 : i32
      %sign3A_1200 = arith.constant 0 : i32
      %sign3A_1201 = arith.cmpi sgt, %jit3A_1191, %sign3A_1200 : i32
      %sign3A_1202 = arith.extui %sign3A_1201 : i1 to i32
      %sign3A_1203 = arith.constant 0 : i32
      %sign3A_1204 = arith.cmpi slt, %jit3A_1191, %sign3A_1203 : i32
      %sign3A_1205 = arith.extui %sign3A_1204 : i1 to i32
      %sign3A_1206 = arith.subi %sign3A_1202, %sign3A_1205 : i32
      %ne3A_1207 = arith.cmpi ne, %sign3A_1199, %sign3A_1206 : i32
      %rem3A_1208 = arith.remsi %add3A_1172, %jit3A_1191 : i32
      %ne3A_1209 = arith.constant 0 : i32
      %ne3A_1210 = arith.cmpi ne, %rem3A_1208, %ne3A_1209 : i32
      %and3A_1211 = arith.andi %ne3A_1207, %ne3A_1210 : i1
      %sub3A_1212 = arith.constant 1 : i32
      %sub3A_1213 = arith.subi %div3A_1192, %sub3A_1212 : i32
      %select_n3A_1214 = arith.select %and3A_1211, %sub3A_1213, %div3A_1192 : i32
      %jit3A_1215 = arith.constant 64 : i32
      %eq3A_1216 = arith.constant 0 : i32
      %eq3A_1217 = arith.cmpi eq, %jit3A_1215, %eq3A_1216 : i32
      %jit3A_1218 = arith.constant 1 : i32
      %select_n3A_1219 = arith.select %eq3A_1217, %jit3A_1218, %jit3A_1215 : i32
      %rem3A_1220 = arith.remsi %add3A_1172, %select_n3A_1219 : i32
      %ne3A_1221 = arith.constant 0 : i32
      %ne3A_1222 = arith.cmpi ne, %rem3A_1220, %ne3A_1221 : i32
      %lt3A_1223 = arith.constant 0 : i32
      %lt3A_1224 = arith.cmpi slt, %rem3A_1220, %lt3A_1223 : i32
      %lt3A_1225 = arith.constant 0 : i32
      %lt3A_1226 = arith.cmpi slt, %select_n3A_1219, %lt3A_1225 : i32
      %ne3A_1227 = arith.xori %lt3A_1224, %lt3A_1226 : i1
      %and3A_1228 = arith.andi %ne3A_1227, %ne3A_1222 : i1
      %add3A_1229 = arith.addi %rem3A_1220, %select_n3A_1219 : i32
      %select_n3A_1230 = arith.select %and3A_1228, %add3A_1229, %rem3A_1220 : i32
      %dma_start3A_1231 = arith.constant 0 : i32
      %dma_start3A_1232 = tpu.memref_slice %arg6[%select_n3A_1214, %select_n3A_1230, %dma_start3A_1231] : memref<2x64x192xf32, #tpu.memory_space<vmem>> -> memref<1x1x192xf32, #tpu.memory_space<vmem>>
      %dma_start3A_1233 = tpu.memref_squeeze %dma_start3A_1232 : memref<1x1x192xf32, #tpu.memory_space<vmem>> -> memref<192xf32, #tpu.memory_space<vmem>>
      %dma_start3A_1234 = arith.constant 0 : i32
      %dma_start3A_1235 = tpu.memref_slice %arg2[%squeeze3A_1174, %select_n3A_1190, %dma_start3A_1234] : memref<1024x64x192xf32, #tpu.memory_space<hbm>> -> memref<1x1x192xf32, #tpu.memory_space<hbm>>
      %dma_start3A_1236 = tpu.memref_squeeze %dma_start3A_1235 : memref<1x1x192xf32, #tpu.memory_space<hbm>> -> memref<192xf32, #tpu.memory_space<hbm>>
      %dma_start3A_1237 = arith.constant 0 : i32
      %dma_start3A_1238 = tpu.memref_slice %arg6[%select_n3A_1214, %select_n3A_1230, %dma_start3A_1237] : memref<2x64x192xf32, #tpu.memory_space<vmem>> -> memref<1x1x192xf32, #tpu.memory_space<vmem>>
      %dma_start3A_1239 = tpu.memref_squeeze %dma_start3A_1238 : memref<1x1x192xf32, #tpu.memory_space<vmem>> -> memref<192xf32, #tpu.memory_space<vmem>>
      %dma_start3A_1240 = arith.constant 0 : i32
      %dma_start3A_1241 = tpu.memref_slice %arg2[%squeeze3A_1174, %select_n3A_1190, %dma_start3A_1240] : memref<1024x64x192xf32, #tpu.memory_space<hbm>> -> memref<1x1x192xf32, #tpu.memory_space<hbm>>
      %dma_start3A_1242 = tpu.memref_squeeze %dma_start3A_1241 : memref<1x1x192xf32, #tpu.memory_space<hbm>> -> memref<192xf32, #tpu.memory_space<hbm>>
      tpu.enqueue_dma source(%dma_start3A_1242 : memref<192xf32, #tpu.memory_space<hbm>>) target(%dma_start3A_1239 : memref<192xf32, #tpu.memory_space<vmem>>) target_semaphore(%arg7 : memref<!tpu.dma_semaphore, #tpu.memory_space<semaphore_mem>>)
    }
    %scan3A_54 = arith.constant 8 : i32
    %add3A_55 = arith.constant 6 : i32
    %add3A_56 = arith.addi %mul3A_2, %add3A_55 : i32
    %dma_wait3A_57 = arith.constant 0 : i32
    %dma_wait3A_58 = arith.constant 0 : i32
    %dma_wait3A_59 = tpu.memref_slice %arg4[%add3A_56, %dma_wait3A_57, %dma_wait3A_58] : memref<256x64x192xf32, #tpu.memory_space<hbm>> -> memref<2x64x192xf32, #tpu.memory_space<hbm>>
    %dma_wait3A_60 = arith.constant 0 : i32
    %dma_wait3A_61 = arith.constant 0 : i32
    %dma_wait3A_62 = tpu.memref_slice %arg4[%add3A_56, %dma_wait3A_60, %dma_wait3A_61] : memref<256x64x192xf32, #tpu.memory_space<hbm>> -> memref<2x64x192xf32, #tpu.memory_space<hbm>>
    tpu.wait_dma2 semaphore(%arg7 : memref<!tpu.dma_semaphore, #tpu.memory_space<semaphore_mem>>) src(%dma_wait3A_62 : memref<2x64x192xf32, #tpu.memory_space<hbm>>) dst(%arg6 : memref<2x64x192xf32, #tpu.memory_space<vmem>>)
    %add3A_63 = arith.constant 6 : i32
    %add3A_64 = arith.addi %mul3A_2, %add3A_63 : i32
    "tpu.region"() ({
      %run_scoped3A = tpu.sem_alloc : memref<!tpu.dma_semaphore, #tpu.memory_space<semaphore_mem>>
      %dma_start3A = arith.constant 0 : i32
      %dma_start3A_65 = arith.constant 0 : i32
      %dma_start3A_66 = tpu.memref_slice %arg4[%add3A_64, %dma_start3A, %dma_start3A_65] : memref<256x64x192xf32, #tpu.memory_space<hbm>> -> memref<2x64x192xf32, #tpu.memory_space<hbm>>
      %dma_start3A_67 = arith.constant 0 : i32
      %dma_start3A_68 = arith.constant 0 : i32
      %dma_start3A_69 = tpu.memref_slice %arg4[%add3A_64, %dma_start3A_67, %dma_start3A_68] : memref<256x64x192xf32, #tpu.memory_space<hbm>> -> memref<2x64x192xf32, #tpu.memory_space<hbm>>
      tpu.enqueue_dma source(%arg6 : memref<2x64x192xf32, #tpu.memory_space<vmem>>) target(%dma_start3A_69 : memref<2x64x192xf32, #tpu.memory_space<hbm>>) target_semaphore(%run_scoped3A : memref<!tpu.dma_semaphore, #tpu.memory_space<semaphore_mem>>)
      %dma_wait3A_70 = arith.constant 0 : i32
      %dma_wait3A_71 = arith.constant 0 : i32
      %dma_wait3A_72 = tpu.memref_slice %arg4[%add3A_64, %dma_wait3A_70, %dma_wait3A_71] : memref<256x64x192xf32, #tpu.memory_space<hbm>> -> memref<2x64x192xf32, #tpu.memory_space<hbm>>
      %dma_wait3A_73 = arith.constant 0 : i32
      %dma_wait3A_74 = arith.constant 0 : i32
      %dma_wait3A_75 = tpu.memref_slice %arg4[%add3A_64, %dma_wait3A_73, %dma_wait3A_74] : memref<256x64x192xf32, #tpu.memory_space<hbm>> -> memref<2x64x192xf32, #tpu.memory_space<hbm>>
      tpu.wait_dma2 semaphore(%run_scoped3A : memref<!tpu.dma_semaphore, #tpu.memory_space<semaphore_mem>>) src(%arg6 : memref<2x64x192xf32, #tpu.memory_space<vmem>>) dst(%dma_wait3A_75 : memref<2x64x192xf32, #tpu.memory_space<hbm>>)
      tpu.yield
    }) : () -> ()
    return
  }
}

</mosaic_0001>

<sc_bundles>
// kernel: kernel.3.cloned.1.call-start
scs
__scs_entry_jumppad:
0x0: {  	(pc) =	sbr.rel $0x88, $3  }
0x1: {  	(tag) =	ssettag $0x0;
	lr =	simm.s32 $0x1  }
0x2: {  	[smem:$0x3FA0] =	sst lr;
	_ =	strace $0xD0000000  }
0x3: {  	_ = 	snop  }
0x4: {  	_ = 	snop  }
0x5: {  	_ = 	snop  }
0x6: {  	_ = 	snop  }
0x7: {  	_ = 	snop  }
__scs_overlays_trampoline_lowered:
0x8: {  	[smem:$0x3FAF] =	sst s0  }
0x9: {  	[smem:$0x3FB0] =	sst s1  }
0xa: {  	[smem:$0x3FB1] =	sst s2  }
0xb: {  	[smem:$0x3FB2] =	sst s3  }
0xc: {  	[smem:$0x3FB3] =	sst s4  }
0xd: {  	[smem:$0x3FB4] =	sst s5  }
0xe: {  	[smem:$0x3FB5] =	sst s6  }
0xf: {  	[smem:$0x3FB6] =	sst s7  }
0x10: {  	[smem:$0x3FB7] =	sst s8  }
0x11: {  	[smem:$0x3FB8] =	sst s9;
	s0 =	simm.s32 @!p0 $0x0  }
0x12: {  	s1 =	sld [smem:$0x3F9E];
	s0 =	simm.s32 @p0 $0x1  }
0x13: {  	[smem:$0x3FB9] =	sst s0;
	s0 =	simm.s32 @!p1 $0x0  }
0x14: {  	s2 =	sld [smem:$0x3F9D];
	s0 =	simm.s32 @p1 $0x1  }
0x15: {  	[smem:$0x3FBA] =	sst s0;
	s0 =	simm.s32 @!p2 $0x0  }
0x16: {  	s3 =	sld [smem:$0x3FDB];
	s0 =	simm.s32 @p2 $0x1  }
0x17: {  	s4 =	simm.s32 $0x1BF5;
	[smem:$0x3FBC] =	sst s0  }
0x18: {  	s0 =	sld [smem:$0x3F9F];
	_ =	swait.ge [sflag:s4], $0x0  }
0x19: {  	s7 =	sld [smem:$0x3FA0]  }
0x1a: {  	s8 =	sadd.s32 $0xFFFFE003, lr  }
0x1b: {  	s9 =	sadd.s32 $0xFFFFFEF7, lr;
	s5 =	simm.s32 $0xFFFFFFFF;
	p2 =	slt.u32 s8, $0xFFFFF086  }
0x1c: {  	p1 =	slt.u32 s9, $0xF7A;
	s5 =	simm.s32 @!p2 $0x0  }
0x1d: {  	s5 =	simm.s32 @p1 $0x1;
	p0 =	seq.s32 s7, s2  }
0x1e: {  	s7 =	smul.u32 @!p0 $0xF7A, s2;
	p2 =	seq.s32 @!p0 s5, $0x0  }
0x1f: {  	s9 =	smul.u32 $0xF7A, s1;
	s8 =	simm.s32 @!p0 $0x1BF5;
	p2 =	por !p2, p0  }
0x20: {  	[sflag:s8] =	ssyncset.s32 @!p0 $0xFFFFF086;
	s6 =	sadd.s32 @!p0 s3, s7;
	s7 =	simm.s32 @!p0 $0x108  }
0x21: {  	s3 =	sadd.s32 s3, s9;
	s6 =	sadd.s32 @!p0 $0x88, s6;
	s7 =	simm.s32 @p2 $0x1082  }
0x22: {  	[simem:s7], [sflag:s8] =	dma.local @!p0 [hbm:s6], $0xF7A  }
0x23: {  	s9 =	sor.u32 $0xD0000000, s2;
	s6 =	simm.s32 $0x108;
	_ =	swait.ge @!p0 [sflag:s8], $0x0  }
0x24: {  	s3 =	sadd.s32 $0x88, s3;
	s6 =	simm.s32 @!p1 $0x1082;
	[sflag:s4] =	ssyncset.s32 $0xFFFFF086  }
0x25: {  	[simem:s6], [sflag:s4] =	dma.local [hbm:s3], $0xF7A  }
0x26: {  	[smem:$0x3FA0] =	sst s1;
	(tag) =	ssettag s2;
	_ =	strace s9  }
0x27: {  	s1 =	sld [smem:$0x3FB0]  }
0x28: {  	s2 =	sld [smem:$0x3FB1]  }
0x29: {  	s4 =	sld [smem:$0x3FB3]  }
0x2a: {  	p0 =	seq.s32 s5, $0x0;
	s5 =	sld [smem:$0x3FB4]  }
0x2b: {  	s6 =	sld [smem:$0x3FB5]  }
0x2c: {  	s7 =	sld [smem:$0x3FB6]  }
0x2d: {  	s3 =	simm.s32 $0x108;
	s8 =	sld [smem:$0x3FB7]  }
0x2e: {  	s3 =	simm.s32 @!p0 $0x1082;
	s9 =	sld [smem:$0x3FB8]  }
0x2f: {  	lr =	sadd.s32 s0, s3;
	s0 =	sld [smem:$0x3FAF]  }
0x30: {  	s3 =	sld [smem:$0x3FB2]  }
0x31: {  	[smem:$0x3FBB] =	sst s10  }
0x32: {  	s10 =	sld [smem:$0x3FB9];
	_ =	sdelay $0x3  }
0x33: {  	p0 =	seq.s32 s10, $0x1;
	s10 =	sld [smem:$0x3FBB];
	_ =	sdelay $0x3  }
0x34: {  	[smem:$0x3FBB] =	sst s10  }
0x35: {  	s10 =	sld [smem:$0x3FBA];
	_ =	sdelay $0x3  }
0x36: {  	p1 =	seq.s32 s10, $0x1;
	s10 =	sld [smem:$0x3FBB];
	_ =	sdelay $0x3  }
0x37: {  	[smem:$0x3FBB] =	sst s10  }
0x38: {  	s10 =	sld [smem:$0x3FBC]  }
0x39: {  	_ = 	snop;
	(pc) =	sbr.ind lr, $3  }
0x3a: {  	_ = 	snop  }
0x3b: {  	_ = 	snop  }
0x3c: {  	p2 =	seq.s32 s10, $0x1;
	s10 =	sld [smem:$0x3FBB]  }
0x3d: {  	_ =	shalt  }
0x3e: {  	_ =	shalt  }
0x3f: {  	_ =	shalt  }
0x40: {  	_ =	shalt  }
0x41: {  	_ =	shalt  }
0x42: {  	_ =	shalt  }
0x43: {  	_ =	shalt  }
0x44: {  	_ =	shalt  }
0x45: {  	_ =	shalt  }
0x46: {  	_ =	shalt  }
0x47: {  	_ =	shalt  }
0x48: {  	_ =	shalt  }
0x49: {  	_ =	shalt  }
0x4a: {  	_ =	shalt  }
0x4b: {  	_ =	shalt  }
0x4c: {  	_ =	shalt  }
0x4d: {  	_ =	shalt  }
0x4e: {  	_ =	shalt  }
0x4f: {  	_ =	shalt  }
0x50: {  	_ =	shalt  }
0x51: {  	_ =	shalt  }
0x52: {  	_ =	shalt  }
0x53: {  	_ =	shalt  }
0x54: {  	_ =	shalt  }
0x55: {  	_ =	shalt  }
0x56: {  	_ =	shalt  }
0x57: {  	_ =	shalt  }
0x58: {  	_ =	shalt  }
0x59: {  	_ =	shalt  }
0x5a: {  	_ =	shalt  }
0x5b: {  	_ =	shalt  }
0x5c: {  	_ =	shalt  }
0x5d: {  	_ =	shalt  }
0x5e: {  	_ =	shalt  }
0x5f: {  	_ =	shalt  }
0x60: {  	_ =	shalt  }
0x61: {  	_ =	shalt  }
0x62: {  	_ =	shalt  }
0x63: {  	_ =	shalt  }
0x64: {  	_ =	shalt  }
0x65: {  	_ =	shalt  }
0x66: {  	_ =	shalt  }
0x67: {  	_ =	shalt  }
0x68: {  	_ =	shalt  }
0x69: {  	_ =	shalt  }
0x6a: {  	_ =	shalt  }
0x6b: {  	_ =	shalt  }
0x6c: {  	_ =	shalt  }
0x6d: {  	_ =	shalt  }
0x6e: {  	_ =	shalt  }
0x6f: {  	_ =	shalt  }
0x70: {  	_ =	shalt  }
0x71: {  	_ =	shalt  }
0x72: {  	_ =	shalt  }
0x73: {  	_ =	shalt  }
0x74: {  	_ =	shalt  }
0x75: {  	_ =	shalt  }
0x76: {  	_ =	shalt  }
0x77: {  	_ =	shalt  }
0x78: {  	_ =	shalt  }
0x79: {  	_ =	shalt  }
0x7a: {  	_ =	shalt  }
0x7b: {  	_ =	shalt  }
0x7c: {  	_ =	shalt  }
0x7d: {  	_ =	shalt  }
0x7e: {  	_ =	shalt  }
0x7f: {  	_ =	shalt  }
0x80: {  	_ =	shalt  }
0x81: {  	_ =	shalt  }
0x82: {  	_ =	shalt  }
0x83: {  	_ =	shalt  }
0x84: {  	_ =	shalt  }
0x85: {  	_ =	shalt  }
0x86: {  	_ =	shalt  }
0x87: {  	_ =	shalt  }
.Lfunc_end0:
.L_simem_size_0:
called_computation_lowered:
.L_overlay_start_0:
0x88: {  	s2 =	sld [smem:$0x3FD9]  }
0x89: {  	s3 =	sld [smem:$0x3FFE];
	_ =	sdelay $0x1  }
0x8a: {  	s1 =	srdreg.scid  }
0x8b: {  	s0 =	sand.u32 $0x1, s1  }
0x8c: {  	s14 =	sshll.u32 s0, $0xA;
	s2 =	sadd.s32 s3, s2  }
0x8d: {  	s2 =	sadd.s32 s2, s14  }
0x8e: {  	[smem:$0x3FC7] =	sst s2  }
0x8f: {  	_ = 	snop  }
0x90: {  	s2 =	sld [smem:$0x3FD0];
	_ =	sdelay $0x2  }
0x91: {  	s15 =	simm.s32 $0xA;
	s4 =	simm.s32 $0x10  }
0x92: {  	[smem:s4], [sflag:s15] =	dma.local [hbm:s2], $0x1  }
0x93: {  	_ =	swait.eq [sflag:s15], $0x1  }
0x94: {  	[sflag:s15] =	ssyncset.done $0x0  }
0x95: {  	s16 =	sld [smem:$0x10];
	[sflag:s15] =	ssyncadd.s32 $0xFFFFFFFF  }
0x96: {  	s17 =	sld [smem:$0x12];
	(tm) =	ssettm $0x1  }
0x97: {  	s18 =	sld [smem:$0x3FFB];
	_ =	sdelay $0x3  }
0x98: {  	_ =	strace s18  }
0x99: {  	s4 =	sld [smem:$0x3FFC];
	_ =	sdelay $0x3  }
0x9a: {  	_ =	strace s4  }
0x9b: {  	s4 =	sld [smem:$0x3FFD];
	_ =	sdelay $0x3  }
0x9c: {  	_ =	strace s4  }
0x9d: {  	_ =	strace $0x8FFFFFFF  }
0x9e: {  	s19 =	sld [smem:$0x3FDB];
	_ =	sdelay $0x1  }
0x9f: {  	s5 =	simm.s32 $_scs_section_size  }
0xa0: {  	s6 =	simm.s32 $_size__tile_overlayer_lowered;
	s7 =	simm.s32 $_tile_overlayer_lowered  }
0xa1: {  	s22 =	simm.s32 $0x1BFF;
	s21 =	sshll.u32 s7, $0x1;
	s4 =	sadd.s32 s5, s19  }
0xa2: {  	s8 =	simm.s32 $0x0;
	s20 =	sshll.u32 s6, $0x1;
	s6 =	sadd.s32 s21, s4  }
0xa3: {  	[timem:s8], [sflag:s22] =	dma.local [hbm:s6], s20  }
0xa4: {  	_ =	swait.ge [sflag:s22], s20  }
0xa5: {  	s5 =	ssub.s32 $0x0, s20;
	[sflag:s22] =	ssyncset.done $0x0  }
0xa6: {  	[sflag:s22] =	ssyncadd.s32 s5;
	_ =	sdelay $0x1  }
0xa7: {  	s23 =	simm.s32 $0x1B8B  }
0xa8: {  	_ =	swait.ge [sflag:s23], $0x1  }
0xa9: {  	[sflag:s23] =	ssyncset.done $0x0  }
0xaa: {  	s25 =	simm.s32 $0x1B8E;
	s24 =	sld [smem:$0x3FFE];
	[sflag:s23] =	ssyncadd.s32 $0xFFFFFFFF  }
0xab: {  	s26 =	simm.s32 $execute0_lowered;
	[smem:$0x3FD2] =	sst s25  }
0xac: {  	s6 =	sshll.u32 s26, $0x1;
	_ =	strace $0x80000046;
	[dreg:$0x1] =	wrdreg $0xFFFFFFFF  }
0xad: {  	s28 =	simm.s32 $_size_execute0_lowered;
	s4 =	sadd.s32 s4, s6;
	[dreg:$0x0] =	wrdreg $0x0  }
0xae: {  	s6 =	sshll.u32 s28, $0x1;
	[dreg:$0x2] =	wrdreg s4  }
0xaf: {  	[dreg:$0x3] =	wrdreg s6  }
0xb0: {  	[dreg:$0x4] =	wrdreg $0xC0  }
0xb1: {  	_ =	task [dreg:s8], $0x5FFFF  }
0xb2: {  	[dreg:$0x1] =	wrdreg $0xFFFFFFFF  }
0xb3: {  	[dreg:$0x0] =	wrdreg $0x60  }
0xb4: {  	[dreg:$0x2] =	wrdreg s24  }
0xb5: {  	[dreg:$0x3] =	wrdreg s17  }
0xb6: {  	[dreg:$0x4] =	wrdreg s16  }
0xb7: {  	[dreg:$0x5] =	wrdreg $0x9  }
0xb8: {  	_ =	task.clear_ibuf [dreg:s8], $0x6FFFF;
	_ =	strace $0x90000046  }
0xb9: {  	s29 =	simm.s32 $0x9;
	_ =	strace $0x80000048  }
0xba: {  	_ =	swait.ge [sflag:s29], $0x1  }
0xbb: {  	[sflag:s29] =	ssyncadd.s32 $0xFFFFFFFF  }
0xbc: {  	_ =	strace $0x90000048  }
0xbd: {  	_ =	sfence  }
0xbe: {  	s30 =	sld [smem:$0x0];
	_ =	sdelay $0x2  }
0xbf: {  	s31 =	sshll.u32 s1, $0xD;
	s1 =	sshrl.u32 s1, $0x2  }
0xc0: {  	s3 =	sand.u32 $0x4000, s31;
	s1 =	sadd.s32 s1, s30  }
0xc1: {  	s0 =	sor.u32 s3, s0;
	s1 =	sshll.u32 s1, $0x11  }
0xc2: {  	s0 =	sor.u32 s1, s0  }
0xc3: {  	s0 =	sadd.s32 $0x8F2B, s0  }
0xc4: {  	[sflag:s0] =	ssyncadd.remote.s32 $0x1  }
0xc5: {  	_ =	sfence.sel $0xFFFF  }
0xc6: {  	[dreg:$0x0] =	wrdreg $0xFFFFFFFF;
	(pc) =	sbr.abs _section_cstart, $3  }
0xc7: {  	[dreg:$0x1] =	wrdreg $0xFFFFFFFF  }
0xc8: {  	_ =	task.clear_ibuf [dreg:s8], $0x2FFFF;
	_ =	strace $0x9FFFFFFF  }
0xc9: {  	(tm) =	ssettm $0x7FFFFFFF  }
tec
execute0_lowered:
.L_overlay_start_1:
0x0: {  	(tag) =	ssettag $0x1  }
0x1: {  	s0 =	rddreg [dreg:$0x0]  }
0x2: {  	s2 =	srdreg.scid;
	s5 =	stileid.u32  }
0x3: {  	s1 =	rddreg [dreg:$0x1];
	s3 =	sand.u32 $0x1, s2;
	s5 =	sshll.u32 s5, $0x1  }
0x4: {  	s4 =	rddreg [dreg:$0x2];
	s23 =	simm.s32 $0x0;
	s5 =	sor.u32 s3, s5  }
0x5: {  	[smem:$0x7FF] =	sst s23;
	s6 =	ssub.s32 $0x2, s3;
	s7 =	smul.u32 $0x18000, s5  }
0x6: {  	_ =	strace $0x80000047;
	s9 =	smul.u32 $0x3000, s5;
	s5 =	sshll.u32 s5, $0x6  }
0x7: {  	s3 =	sadd.s32 $0x200A00, s0;
	s24 =	sshrl.u32 s6, $0x1;
	s1 =	sadd.s32 s1, s5  }
0x8: {  	s25 =	ssub.s32 s6, s24;
	s28 =	sadd.s32 s4, s9;
	[dreg:$0x1b] =	wrdreg s1  }
0x9: {  	s26 =	sshrl.u32 s7, $0x3;
	s0 =	smax.u32 s25, $0x1;
	[dreg:$0x1a] =	wrdreg s28  }
0xa: {  	s4 =	sadd.s32 s4, s26;
	s29 =	sadd.s32 $0xC00, s28;
	[dreg:$0x1f] =	wrdreg s0  }
0xb: {  	[dreg:$0x1c] =	wrdreg s29;
	s30 =	sadd.s32 $0x1800, s4  }
0xc: {  	s31 =	sadd.s32 $0x2400, s4;
	[dreg:$0x1d] =	wrdreg s30  }
0xd: {  	s2 =	simm.s32 $0x2;
	s1 =	simm.s32 $0x0;
	[dreg:$0x1e] =	wrdreg s31  }
.LBB2_1:
0xe: {  	[smem:$0x7FD] =	sst s1  }
0xf: {  	s30 =	simm.s32 $0x0;
	s0 =	rddreg [dreg:$0x1b]  }
0x10: {  	[tilespmem:s30], [sflag:$0x2] =	stream.linear.gather [hbm4b:s0+s30], $0x200, $0x38;
	[tilespmem:$0x6200] =	vst v63  }
0x11: {  	_ =	swait.ge [sflag:s2], $0x200  }
0x12: {  	[sflag:s2] =	ssyncset.done $0x0  }
0x13: {  	[sflag:s2] =	ssyncadd.s32 $0xFFFFFE00  }
0x14: {  	v0 =	vld [tilespmem:s30+$0x0];
	_ =	sdelay $0x4  }
0x15: {  	v0 =	vmul.u32 $0x3000, v0;
	_ =	sdelay $0x1  }
0x16: {  	s31 =	simm.s32 $0x0;
	(v2sf) =	vpush v0, $0x8  }
0x17: {  	s14 =	simm.s32 $0x1;
	s1 =	sand.u32 $0x30, s30;
	s0 =	smul.u32 $0xC000, s31;
	(v2sf) =	vpush v0, $0x7  }
0x18: {  	s15 =	simm.s32 $0x0;
	s16 =	simm.s32 $0x0;
	s17 =	smul.u32 $0xC0, s1;
	(v2sf) =	vpush v0, $0x2  }
.LBB2_2:
0x19: {  	(v2sf) =	vpush v0, $0x0;
	s1 =	smov.u32 s14  }
0x1a: {  	s0 =	sshra.s32 s0, $0x2;
	[dreg:$0x4] =	wrdreg s1;
	(v2sf) =	vpush v0, $0x3  }
0x1b: {  	s4 =	sor.u32 $0xC0, s17;
	s10 =	sor.u32 $0x180, s17;
	s12 =	sor.u32 $0x300, s17;
	(v2sf) =	vpush v0, $0xA  }
0x1c: {  	s9 =	sadd.s32 $0x600, s17;
	s2 =	sor.u32 $0x240, s17;
	s13 =	sor.u32 $0x3C0, s17;
	(v2sf) =	vpush v0, $0x1  }
0x1d: {  	s18 =	sadd.s32 $0x780, s17;
	s7 =	sadd.s32 $0x6C0, s17;
	s20 =	sadd.s32 $0xA80, s17;
	(v2sf) =	vpush v0, $0x4  }
0x1e: {  	s11 =	sadd.s32 $0x480, s17;
	s30 =	sadd.s32 $0x900, s17;
	s19 =	sor.u32 $0x200, s0  }
0x1f: {  	s8 =	sadd.s32 $0x9C0, s17;
	s5 =	sadd.s32 s4, s19;
	s31 =	sadd.s32 s10, s19  }
0x20: {  	s0 =	sadd.s32 s12, s19;
	s23 =	sadd.s32 s9, s19;
	s6 =	sadd.s32 s2, s19;
	(v2sf) =	vpush v0, $0x5  }
0x21: {  	s29 =	sadd.s32 s13, s19;
	s1 =	sadd.s32 s17, s19;
	[dreg:$0x18] =	wrdreg s0  }
0x22: {  	s24 =	sadd.s32 s18, s19;
	s21 =	sadd.s32 s30, s19;
	[dreg:$0x8] =	wrdreg s23  }
0x23: {  	s28 =	sadd.s32 s7, s19;
	[dreg:$0x9] =	wrdreg s24;
	s0 =	sadd.s32 $0x840, s17;
	(v2sf) =	vpush v0, $0x6  }
0x24: {  	s23 =	sadd.s32 $0xB40, s17;
	[dreg:$0xa] =	wrdreg s21;
	s25 =	sadd.s32 s0, s19  }
0x25: {  	s24 =	sadd.s32 $0x540, s17;
	[dreg:$0x14] =	wrdreg s25;
	s25 =	spop (v2sf)  }
0x26: {  	s21 =	sadd.s32 s24, s19;
	s9 =	sadd.s32 s9, s25;
	s26 =	spop (v2sf)  }
0x27: {  	(v2sf) =	vpush v0, $0x9;
	s24 =	sadd.s32 s24, s26;
	s9 =	sshrl.u32 s9, $0x3;
	s22 =	spop (v2sf)  }
0x28: {  	s25 =	sadd.s32 s10, s22;
	s10 =	sshrl.u32 s24, $0x3;
	s26 =	spop (v2sf)  }
0x29: {  	s22 =	sadd.s32 s17, s26;
	s24 =	sshrl.u32 s25, $0x3;
	s26 =	spop (v2sf)  }
0x2a: {  	s17 =	sshrl.u32 s22, $0x3;
	s2 =	sadd.s32 s2, s26;
	s22 =	spop (v2sf)  }
0x2b: {  	s17 =	sadd.s32 s3, s17;
	s2 =	sshrl.u32 s2, $0x3;
	s26 =	spop (v2sf)  }
0x2c: {  	(v2sf) =	vpush v0, $0xB;
	s18 =	sadd.s32 s18, s22;
	s4 =	sadd.s32 s4, s26;
	s22 =	spop (v2sf)  }
0x2d: {  	s4 =	sshrl.u32 s4, $0x3;
	s12 =	sadd.s32 s12, s22;
	s22 =	simm.s32 $0x0  }
0x2e: {  	(v2sf) =	vpush v0, $0xC;
	[tilespmem:s1], [sflag:$0x1] =	stream.linear.gather [hbm4b:s17+s22], $0xC0, $0x38;
	[tilespmem:$0x6200] =	vst v63  }
0x2f: {  	s26 =	spop (v2sf);
	s17 =	sadd.s32 s3, s4;
	s4 =	sshrl.u32 s12, $0x3  }
0x30: {  	s25 =	sadd.s32 s13, s26;
	s26 =	sadd.s32 s3, s24;
	s12 =	sshrl.u32 s18, $0x3  }
0x31: {  	[tilespmem:s5], [sflag:$0x1] =	stream.linear.gather [hbm4b:s17+s22], $0xC0, $0x38;
	[tilespmem:$0x6200] =	vst v63  }
0x32: {  	(v2sf) =	vpush v0, $0xD;
	s13 =	sadd.s32 s3, s2;
	s18 =	spop (v2sf);
	s24 =	sadd.s32 s3, s4  }
0x33: {  	[tilespmem:s31], [sflag:$0x1] =	stream.linear.gather [hbm4b:s26+s22], $0xC0, $0x38;
	[tilespmem:$0x6200] =	vst v63  }
0x34: {  	s5 =	sshrl.u32 s25, $0x3;
	s17 =	sadd.s32 s11, s19;
	s25 =	sadd.s32 s11, s18  }
0x35: {  	[tilespmem:s6], [sflag:$0x1] =	stream.linear.gather [hbm4b:s13+s22], $0xC0, $0x38;
	[tilespmem:$0x6200] =	vst v63  }
0x36: {  	(v2sf) =	vpush v0, $0xE;
	s5 =	sadd.s32 s3, s5;
	s31 =	rddreg [dreg:$0x18];
	s26 =	spop (v2sf)  }
0x37: {  	[tilespmem:s31], [sflag:$0x1] =	stream.linear.gather [hbm4b:s24+s22], $0xC0, $0x38;
	[tilespmem:$0x6200] =	vst v63  }
0x38: {  	s4 =	sshrl.u32 s25, $0x3;
	s25 =	rddreg [dreg:$0x8];
	(v2sf) =	vpush v0, $0xF;
	s6 =	sadd.s32 s7, s26  }
0x39: {  	s7 =	sadd.s32 s3, s4;
	s24 =	sadd.s32 s3, s9;
	s11 =	sshrl.u32 s6, $0x3  }
0x3a: {  	[tilespmem:s29], [sflag:$0x1] =	stream.linear.gather [hbm4b:s5+s22], $0xC0, $0x38;
	[tilespmem:$0x6200] =	vst v63  }
0x3b: {  	s26 =	sadd.s32 s3, s11;
	s11 =	rddreg [dreg:$0x14];
	s13 =	spop (v2sf)  }
0x3c: {  	[tilespmem:s17], [sflag:$0x1] =	stream.linear.gather [hbm4b:s7+s22], $0xC0, $0x38;
	[tilespmem:$0x6200] =	vst v63  }
0x3d: {  	s17 =	sadd.s32 s3, s10;
	s0 =	sadd.s32 s0, s13;
	s18 =	spop (v2sf)  }
0x3e: {  	[tilespmem:s21], [sflag:$0x1] =	stream.linear.gather [hbm4b:s17+s22], $0xC0, $0x38;
	[tilespmem:$0x6200] =	vst v63  }
0x3f: {  	s7 =	rddreg [dreg:$0x9];
	s0 =	sshrl.u32 s0, $0x3;
	s2 =	sadd.s32 s30, s18  }
0x40: {  	[tilespmem:s25], [sflag:$0x1] =	stream.linear.gather [hbm4b:s24+s22], $0xC0, $0x38;
	[tilespmem:$0x6200] =	vst v63  }
0x41: {  	s29 =	spop (v2sf);
	s30 =	sadd.s32 s3, s12;
	s0 =	sadd.s32 s3, s0  }
0x42: {  	[tilespmem:s28], [sflag:$0x1] =	stream.linear.gather [hbm4b:s26+s22], $0xC0, $0x38;
	[tilespmem:$0x6200] =	vst v63  }
0x43: {  	s18 =	rddreg [dreg:$0xa];
	s21 =	sadd.s32 s8, s19;
	s4 =	sadd.s32 s8, s29  }
0x44: {  	[tilespmem:s7], [sflag:$0x1] =	stream.linear.gather [hbm4b:s30+s22], $0xC0, $0x38;
	[tilespmem:$0x6200] =	vst v63  }
0x45: {  	s2 =	sshrl.u32 s2, $0x3;
	s31 =	spop (v2sf);
	s9 =	sshrl.u32 s4, $0x3  }
0x46: {  	[tilespmem:s11], [sflag:$0x1] =	stream.linear.gather [hbm4b:s0+s22], $0xC0, $0x38;
	[tilespmem:$0x6200] =	vst v63  }
0x47: {  	s10 =	sadd.s32 s20, s31;
	s12 =	sadd.s32 s3, s2;
	s17 =	spop (v2sf)  }
0x48: {  	[tilespmem:s18], [sflag:$0x1] =	stream.linear.gather [hbm4b:s12+s22], $0xC0, $0x38;
	[tilespmem:$0x6200] =	vst v63  }
0x49: {  	s13 =	sshrl.u32 s10, $0x3;
	s1 =	sadd.s32 s3, s9;
	s4 =	sadd.s32 s23, s17  }
0x4a: {  	[tilespmem:s21], [sflag:$0x1] =	stream.linear.gather [hbm4b:s1+s22], $0xC0, $0x38;
	[tilespmem:$0x6200] =	vst v63  }
0x4b: {  	s24 =	sadd.s32 s20, s19;
	s25 =	sadd.s32 s3, s13;
	s26 =	sshrl.u32 s4, $0x3  }
0x4c: {  	[tilespmem:s24], [sflag:$0x1] =	stream.linear.gather [hbm4b:s25+s22], $0xC0, $0x38;
	[tilespmem:$0x6200] =	vst v63  }
0x4d: {  	s16 =	sadd.s32 $0x10, s16;
	s28 =	sadd.s32 s23, s19;
	s29 =	sadd.s32 s3, s26  }
0x4e: {  	[tilespmem:s28], [sflag:$0x1] =	stream.linear.gather [hbm4b:s29+s22], $0xC0, $0x38;
	[tilespmem:$0x6200] =	vst v63  }
0x4f: {  	v0 =	vld [tilespmem:s16+$0x0];
	_ =	sdelay $0x3  }
0x50: {  	p0 =	sne.s32 s14, $0x7  }
.Ltmp0:
0x51: {  	v0 =	vmul.u32 $0x3000, v0;
	(pc) =	sbr.rel @p0 .LBB2_2-.Ltmp0, $4  }
0x52: {  	s30 =	rddreg [dreg:$0x4]  }
0x53: {  	s15 =	sadd.s32 $0x10, s15;
	s0 =	sshrl.u32 s30, $0x2;
	(v2sf) =	vpush v0, $0x8  }
0x54: {  	s31 =	sand.u32 $0x30, s15;
	s0 =	smul.u32 $0xC000, s0;
	(v2sf) =	vpush v0, $0x7  }
0x55: {  	s14 =	sadd.s32 $0x1, s14;
	s17 =	smul.u32 $0xC0, s31;
	(v2sf) =	vpush v0, $0x2  }
0x56: {  	(v2sf) =	vpush v0, $0x0  }
0x57: {  	(v2sf) =	vpush v0, $0x3  }
0x58: {  	(v2sf) =	vpush v0, $0xA  }
0x59: {  	(v2sf) =	vpush v0, $0x1;
	_ =	sdelay $0x8  }
0x5a: {  	s1 =	spop (v2sf)  }
0x5b: {  	s2 =	spop (v2sf)  }
0x5c: {  	s4 =	spop (v2sf);
	(v2sf) =	vpush v0, $0x4  }
0x5d: {  	s0 =	sshra.s32 s0, $0x2;
	s8 =	simm.s32 $0x0;
	s5 =	spop (v2sf)  }
0x5e: {  	s14 =	sor.u32 $0x200, s0;
	s5 =	sadd.s32 s17, s5;
	s6 =	spop (v2sf)  }
0x5f: {  	s20 =	sor.u32 $0xC0, s17;
	(v2sf) =	vpush v0, $0x5;
	s5 =	sshrl.u32 s5, $0x3;
	s19 =	spop (v2sf)  }
0x60: {  	s7 =	sadd.s32 s17, s14;
	s5 =	sadd.s32 s3, s5;
	s21 =	spop (v2sf)  }
0x61: {  	[tilespmem:s7], [sflag:$0x1] =	stream.linear.gather [hbm4b:s5+s8], $0xC0, $0x38;
	[tilespmem:$0x6200] =	vst v63  }
0x62: {  	s22 =	sor.u32 $0x180, s17;
	s7 =	sadd.s32 s20, s21  }
0x63: {  	s23 =	sor.u32 $0x240, s17;
	s4 =	sadd.s32 s22, s4;
	(v2sf) =	vpush v0, $0x6;
	s7 =	sshrl.u32 s7, $0x3  }
0x64: {  	s4 =	sshrl.u32 s4, $0x3;
	s5 =	sadd.s32 s20, s14;
	s7 =	sadd.s32 s3, s7  }
0x65: {  	[tilespmem:s5], [sflag:$0x1] =	stream.linear.gather [hbm4b:s7+s8], $0xC0, $0x38;
	[tilespmem:$0x6200] =	vst v63  }
0x66: {  	s4 =	sadd.s32 s3, s4;
	s24 =	sadd.s32 s23, s6;
	s5 =	sadd.s32 s22, s14  }
0x67: {  	[tilespmem:s5], [sflag:$0x1] =	stream.linear.gather [hbm4b:s4+s8], $0xC0, $0x38;
	[tilespmem:$0x6200] =	vst v63  }
0x68: {  	s5 =	sshrl.u32 s24, $0x3  }
0x69: {  	s4 =	sadd.s32 s23, s14;
	s5 =	sadd.s32 s3, s5  }
0x6a: {  	[tilespmem:s4], [sflag:$0x1] =	stream.linear.gather [hbm4b:s5+s8], $0xC0, $0x38;
	[tilespmem:$0x6200] =	vst v63  }
0x6b: {  	s25 =	sor.u32 $0x300, s17;
	s26 =	spop (v2sf)  }
0x6c: {  	s5 =	sadd.s32 s25, s26  }
0x6d: {  	s28 =	sor.u32 $0x3C0, s17;
	s5 =	sshrl.u32 s5, $0x3  }
0x6e: {  	s4 =	sadd.s32 s25, s14;
	s29 =	spop (v2sf);
	s5 =	sadd.s32 s3, s5  }
0x6f: {  	[tilespmem:s4], [sflag:$0x1] =	stream.linear.gather [hbm4b:s5+s8], $0xC0, $0x38;
	[tilespmem:$0x6200] =	vst v63  }
0x70: {  	(v2sf) =	vpush v0, $0x9;
	s5 =	sadd.s32 s28, s29  }
0x71: {  	s30 =	sadd.s32 $0x480, s17;
	s5 =	sshrl.u32 s5, $0x3  }
0x72: {  	s31 =	spop (v2sf);
	s4 =	sadd.s32 s28, s14;
	s5 =	sadd.s32 s3, s5  }
0x73: {  	[tilespmem:s4], [sflag:$0x1] =	stream.linear.gather [hbm4b:s5+s8], $0xC0, $0x38;
	[tilespmem:$0x6200] =	vst v63  }
0x74: {  	s5 =	sadd.s32 s30, s31  }
0x75: {  	(v2sf) =	vpush v0, $0xB;
	s5 =	sshrl.u32 s5, $0x3  }
0x76: {  	s4 =	sadd.s32 s30, s14;
	s5 =	sadd.s32 s3, s5  }
0x77: {  	[tilespmem:s4], [sflag:$0x1] =	stream.linear.gather [hbm4b:s5+s8], $0xC0, $0x38;
	[tilespmem:$0x6200] =	vst v63  }
0x78: {  	s5 =	sadd.s32 $0x540, s17  }
0x79: {  	s6 =	sadd.s32 $0x600, s17;
	(v2sf) =	vpush v0, $0xC;
	s2 =	sadd.s32 s5, s2  }
0x7a: {  	s1 =	sadd.s32 s6, s1;
	s2 =	sshrl.u32 s2, $0x3  }
0x7b: {  	s1 =	sshrl.u32 s1, $0x3;
	s4 =	sadd.s32 s5, s14;
	s2 =	sadd.s32 s3, s2  }
0x7c: {  	[tilespmem:s4], [sflag:$0x1] =	stream.linear.gather [hbm4b:s2+s8], $0xC0, $0x38;
	[tilespmem:$0x6200] =	vst v63  }
0x7d: {  	s1 =	sadd.s32 s3, s1;
	(v2sf) =	vpush v0, $0xD;
	s2 =	sadd.s32 s6, s14  }
0x7e: {  	[tilespmem:s2], [sflag:$0x1] =	stream.linear.gather [hbm4b:s1+s8], $0xC0, $0x38;
	[tilespmem:$0x6200] =	vst v63  }
0x7f: {  	s7 =	sadd.s32 $0x6C0, s17;
	s9 =	spop (v2sf)  }
0x80: {  	s10 =	sadd.s32 $0x780, s17;
	s2 =	sadd.s32 s7, s9  }
0x81: {  	s11 =	sadd.s32 $0x840, s17;
	s0 =	sadd.s32 s10, s19;
	s2 =	sshrl.u32 s2, $0x3  }
0x82: {  	s0 =	sshrl.u32 s0, $0x3;
	s1 =	sadd.s32 s7, s14;
	s2 =	sadd.s32 s3, s2  }
0x83: {  	(v2sf) =	vpush v0, $0xE;
	[tilespmem:s1], [sflag:$0x1] =	stream.linear.gather [hbm4b:s2+s8], $0xC0, $0x38;
	[tilespmem:$0x6200] =	vst v63  }
0x84: {  	s0 =	sadd.s32 s3, s0;
	s12 =	spop (v2sf);
	(v2sf) =	vpush v0, $0xF;
	s1 =	sadd.s32 s10, s14  }
0x85: {  	[tilespmem:s1], [sflag:$0x1] =	stream.linear.gather [hbm4b:s0+s8], $0xC0, $0x38;
	[tilespmem:$0x6200] =	vst v63  }
0x86: {  	s1 =	sadd.s32 s11, s12  }
0x87: {  	s13 =	sadd.s32 $0x900, s17;
	s1 =	sshrl.u32 s1, $0x3  }
0x88: {  	s15 =	spop (v2sf);
	s0 =	sadd.s32 s11, s14;
	s1 =	sadd.s32 s3, s1  }
0x89: {  	[tilespmem:s0], [sflag:$0x1] =	stream.linear.gather [hbm4b:s1+s8], $0xC0, $0x38;
	[tilespmem:$0x6200] =	vst v63  }
0x8a: {  	s1 =	sadd.s32 s13, s15  }
0x8b: {  	s16 =	sadd.s32 $0x9C0, s17;
	s1 =	sshrl.u32 s1, $0x3  }
0x8c: {  	s18 =	spop (v2sf);
	s0 =	sadd.s32 s13, s14;
	s1 =	sadd.s32 s3, s1  }
0x8d: {  	[tilespmem:s0], [sflag:$0x1] =	stream.linear.gather [hbm4b:s1+s8], $0xC0, $0x38;
	[tilespmem:$0x6200] =	vst v63  }
0x8e: {  	s1 =	sadd.s32 s16, s18  }
0x8f: {  	s1 =	sshrl.u32 s1, $0x3  }
0x90: {  	s0 =	sadd.s32 s16, s14;
	s1 =	sadd.s32 s3, s1  }
0x91: {  	[tilespmem:s0], [sflag:$0x1] =	stream.linear.gather [hbm4b:s1+s8], $0xC0, $0x38;
	[tilespmem:$0x6200] =	vst v63  }
0x92: {  	s19 =	sadd.s32 $0xA80, s17;
	s20 =	spop (v2sf)  }
0x93: {  	s21 =	sadd.s32 $0xB40, s17;
	s1 =	sadd.s32 s19, s20;
	s22 =	spop (v2sf)  }
0x94: {  	s1 =	sshrl.u32 s1, $0x3;
	s4 =	sadd.s32 s21, s22  }
0x95: {  	s0 =	sadd.s32 s19, s14;
	s1 =	sadd.s32 s3, s1;
	s4 =	sshrl.u32 s4, $0x3  }
0x96: {  	[tilespmem:s0], [sflag:$0x1] =	stream.linear.gather [hbm4b:s1+s8], $0xC0, $0x38;
	[tilespmem:$0x6200] =	vst v63  }
0x97: {  	s23 =	sadd.s32 s21, s14;
	s25 =	simm.s32 $0x1;
	s24 =	sadd.s32 s3, s4  }
0x98: {  	[tilespmem:s23], [sflag:$0x1] =	stream.linear.gather [hbm4b:s24+s8], $0xC0, $0x38;
	[tilespmem:$0x6200] =	vst v63  }
0x99: {  	_ =	swait.ge [sflag:s25], $0x6000  }
0x9a: {  	s28 =	simm.s32 $0x200;
	s29 =	simm.s32 $0x2;
	[sflag:s25] =	ssyncset.done $0x0  }
0x9b: {  	s14 =	simm.s32 $0x0;
	s26 =	rddreg [dreg:$0x1a];
	[sflag:s25] =	ssyncadd.s32 $0xFFFFA000  }
0x9c: {  	[hbm4b:s26+s14] =	stream.linear.scatter [tilespmem:s28], [sflag:$0x2], $0x6000, $0x38;
	[tilespmem:$0x6200] =	vst v63  }
0x9d: {  	_ =	swait.ge [sflag:s29], $0x6000  }
0x9e: {  	[sflag:s29] =	ssyncset.done $0x0  }
0x9f: {  	s15 =	simm.s32 $0x80;
	[sflag:s29] =	ssyncadd.s32 $0xFFFFA000  }
0xa0: {  	v0 =	vld [tilespmem:s15+$0x0];
	_ =	sdelay $0x4  }
0xa1: {  	v0 =	vmul.u32 $0x3000, v0;
	_ =	sdelay $0x1  }
0xa2: {  	s31 =	sand.u32 $0x30, s14;
	(v2sf) =	vpush v0, $0x8  }
0xa3: {  	s30 =	simm.s32 $0x0;
	s17 =	smul.u32 $0xC0, s31;
	(v2sf) =	vpush v0, $0x7  }
0xa4: {  	s16 =	simm.s32 $0x1;
	s0 =	smul.u32 $0xC000, s30;
	(v2sf) =	vpush v0, $0x2  }
.LBB2_4:
0xa5: {  	(v2sf) =	vpush v0, $0x0;
	s1 =	smov.u32 s16  }
0xa6: {  	s0 =	sshra.s32 s0, $0x2;
	[dreg:$0x5] =	wrdreg s1;
	(v2sf) =	vpush v0, $0x3  }
0xa7: {  	s4 =	sor.u32 $0xC0, s17;
	s13 =	sor.u32 $0x180, s17;
	s12 =	sor.u32 $0x300, s17;
	(v2sf) =	vpush v0, $0xA  }
0xa8: {  	s9 =	sadd.s32 $0x600, s17;
	s28 =	sor.u32 $0x240, s17;
	s10 =	sor.u32 $0x3C0, s17;
	(v2sf) =	vpush v0, $0x1  }
0xa9: {  	s29 =	sadd.s32 $0x780, s17;
	s7 =	sadd.s32 $0x6C0, s17;
	s2 =	sadd.s32 $0xA80, s17  }
0xaa: {  	s18 =	sadd.s32 $0xB40, s17;
	s11 =	sadd.s32 $0x480, s17;
	s30 =	sadd.s32 $0x900, s17;
	(v2sf) =	vpush v0, $0x4  }
0xab: {  	s8 =	sadd.s32 $0x9C0, s17;
	s31 =	sadd.s32 $0x540, s17;
	s19 =	sor.u32 $0x200, s0  }
0xac: {  	s5 =	sadd.s32 s4, s19;
	s24 =	sadd.s32 s13, s19;
	s0 =	sadd.s32 s12, s19  }
0xad: {  	s21 =	sadd.s32 s9, s19;
	s6 =	sadd.s32 s28, s19;
	[dreg:$0x19] =	wrdreg s0;
	(v2sf) =	vpush v0, $0x5  }
0xae: {  	s25 =	sadd.s32 s10, s19;
	s22 =	sadd.s32 s29, s19;
	[dreg:$0xb] =	wrdreg s21  }
0xaf: {  	s20 =	sadd.s32 s30, s19;
	[dreg:$0xc] =	wrdreg s22;
	s0 =	sadd.s32 $0x840, s17;
	(v2sf) =	vpush v0, $0x6  }
0xb0: {  	s1 =	sadd.s32 s17, s19;
	[dreg:$0xd] =	wrdreg s20;
	s23 =	sadd.s32 s0, s19  }
0xb1: {  	s26 =	sadd.s32 s7, s19;
	[dreg:$0x15] =	wrdreg s23;
	s23 =	spop (v2sf)  }
0xb2: {  	s21 =	sadd.s32 s31, s19;
	s9 =	sadd.s32 s9, s23;
	s20 =	spop (v2sf)  }
0xb3: {  	s23 =	sadd.s32 s31, s20;
	s9 =	sshrl.u32 s9, $0x3;
	s22 =	spop (v2sf)  }
0xb4: {  	(v2sf) =	vpush v0, $0x9;
	s31 =	sadd.s32 s13, s22;
	s13 =	sshrl.u32 s23, $0x3;
	s20 =	spop (v2sf)  }
0xb5: {  	s22 =	sadd.s32 s17, s20;
	s23 =	sshrl.u32 s31, $0x3;
	s20 =	spop (v2sf)  }
0xb6: {  	s17 =	sshrl.u32 s22, $0x3;
	s28 =	sadd.s32 s28, s20;
	s31 =	spop (v2sf)  }
0xb7: {  	s23 =	sadd.s32 s3, s23;
	s17 =	sadd.s32 s3, s17;
	s22 =	spop (v2sf)  }
0xb8: {  	(v2sf) =	vpush v0, $0xB;
	s28 =	sshrl.u32 s28, $0x3;
	s20 =	sadd.s32 s29, s31;
	s4 =	sadd.s32 s4, s22  }
0xb9: {  	s22 =	spop (v2sf);
	s29 =	sadd.s32 s3, s28;
	s28 =	rddreg [dreg:$0x19]  }
0xba: {  	(v2sf) =	vpush v0, $0xC;
	s4 =	sshrl.u32 s4, $0x3;
	s12 =	sadd.s32 s12, s22;
	s22 =	simm.s32 $0x0  }
0xbb: {  	[tilespmem:s1], [sflag:$0x1] =	stream.linear.gather [hbm4b:s17+s22], $0xC0, $0x38;
	[tilespmem:$0x6200] =	vst v63  }
0xbc: {  	s31 =	spop (v2sf);
	s4 =	sadd.s32 s3, s4;
	s17 =	sshrl.u32 s12, $0x3  }
0xbd: {  	[tilespmem:s5], [sflag:$0x1] =	stream.linear.gather [hbm4b:s4+s22], $0xC0, $0x38;
	[tilespmem:$0x6200] =	vst v63  }
0xbe: {  	(v2sf) =	vpush v0, $0xD;
	s10 =	sadd.s32 s10, s31;
	s12 =	sadd.s32 s11, s19;
	s31 =	spop (v2sf)  }
0xbf: {  	[tilespmem:s24], [sflag:$0x1] =	stream.linear.gather [hbm4b:s23+s22], $0xC0, $0x38;
	[tilespmem:$0x6200] =	vst v63  }
0xc0: {  	(v2sf) =	vpush v0, $0xE;
	s5 =	sshrl.u32 s10, $0x3;
	s10 =	sshrl.u32 s20, $0x3;
	s23 =	sadd.s32 s11, s31  }
0xc1: {  	s20 =	sadd.s32 s3, s17;
	s17 =	sadd.s32 s3, s13;
	s4 =	sshrl.u32 s23, $0x3  }
0xc2: {  	[tilespmem:s6], [sflag:$0x1] =	stream.linear.gather [hbm4b:s29+s22], $0xC0, $0x38;
	[tilespmem:$0x6200] =	vst v63  }
0xc3: {  	s23 =	sadd.s32 s3, s9;
	s9 =	rddreg [dreg:$0xc];
	s24 =	spop (v2sf)  }
0xc4: {  	(v2sf) =	vpush v0, $0xF;
	[tilespmem:s28], [sflag:$0x1] =	stream.linear.gather [hbm4b:s20+s22], $0xC0, $0x38;
	[tilespmem:$0x6200] =	vst v63  }
0xc5: {  	s29 =	sadd.s32 s3, s5;
	s6 =	sadd.s32 s3, s4;
	s31 =	sadd.s32 s7, s24  }
0xc6: {  	[tilespmem:s25], [sflag:$0x1] =	stream.linear.gather [hbm4b:s29+s22], $0xC0, $0x38;
	[tilespmem:$0x6200] =	vst v63  }
0xc7: {  	s24 =	rddreg [dreg:$0xb];
	s7 =	sshrl.u32 s31, $0x3;
	s11 =	spop (v2sf)  }
0xc8: {  	[tilespmem:s12], [sflag:$0x1] =	stream.linear.gather [hbm4b:s6+s22], $0xC0, $0x38;
	[tilespmem:$0x6200] =	vst v63  }
0xc9: {  	s25 =	sadd.s32 s3, s7;
	s0 =	sadd.s32 s0, s11;
	s20 =	spop (v2sf)  }
0xca: {  	[tilespmem:s21], [sflag:$0x1] =	stream.linear.gather [hbm4b:s17+s22], $0xC0, $0x38;
	[tilespmem:$0x6200] =	vst v63  }
0xcb: {  	s12 =	rddreg [dreg:$0x15];
	s0 =	sshrl.u32 s0, $0x3;
	s5 =	sadd.s32 s30, s20  }
0xcc: {  	[tilespmem:s24], [sflag:$0x1] =	stream.linear.gather [hbm4b:s23+s22], $0xC0, $0x38;
	[tilespmem:$0x6200] =	vst v63  }
0xcd: {  	s29 =	spop (v2sf);
	s30 =	sadd.s32 s3, s10;
	s0 =	sadd.s32 s3, s0  }
0xce: {  	[tilespmem:s26], [sflag:$0x1] =	stream.linear.gather [hbm4b:s25+s22], $0xC0, $0x38;
	[tilespmem:$0x6200] =	vst v63  }
0xcf: {  	s28 =	sshrl.u32 s5, $0x3;
	s5 =	sadd.s32 s8, s29;
	s31 =	spop (v2sf)  }
0xd0: {  	[tilespmem:s9], [sflag:$0x1] =	stream.linear.gather [hbm4b:s30+s22], $0xC0, $0x38;
	[tilespmem:$0x6200] =	vst v63  }
0xd1: {  	s21 =	rddreg [dreg:$0xd];
	s10 =	sshrl.u32 s5, $0x3;
	s11 =	sadd.s32 s2, s31  }
0xd2: {  	[tilespmem:s12], [sflag:$0x1] =	stream.linear.gather [hbm4b:s0+s22], $0xC0, $0x38;
	[tilespmem:$0x6200] =	vst v63  }
0xd3: {  	s13 =	sadd.s32 s3, s28;
	s23 =	sadd.s32 s8, s19;
	s20 =	spop (v2sf)  }
0xd4: {  	[tilespmem:s21], [sflag:$0x1] =	stream.linear.gather [hbm4b:s13+s22], $0xC0, $0x38;
	[tilespmem:$0x6200] =	vst v63  }
0xd5: {  	s17 =	sshrl.u32 s11, $0x3;
	s1 =	sadd.s32 s3, s10;
	s5 =	sadd.s32 s18, s20  }
0xd6: {  	[tilespmem:s23], [sflag:$0x1] =	stream.linear.gather [hbm4b:s1+s22], $0xC0, $0x38;
	[tilespmem:$0x6200] =	vst v63  }
0xd7: {  	s24 =	sadd.s32 s2, s19;
	s25 =	sadd.s32 s3, s17;
	s26 =	sshrl.u32 s5, $0x3  }
0xd8: {  	[tilespmem:s24], [sflag:$0x1] =	stream.linear.gather [hbm4b:s25+s22], $0xC0, $0x38;
	[tilespmem:$0x6200] =	vst v63  }
0xd9: {  	s15 =	sadd.s32 $0x10, s15;
	s28 =	sadd.s32 s18, s19;
	s29 =	sadd.s32 s3, s26  }
0xda: {  	[tilespmem:s28], [sflag:$0x1] =	stream.linear.gather [hbm4b:s29+s22], $0xC0, $0x38;
	[tilespmem:$0x6200] =	vst v63  }
0xdb: {  	v0 =	vld [tilespmem:s15+$0x0];
	_ =	sdelay $0x3  }
0xdc: {  	p0 =	sne.s32 s16, $0x7  }
.Ltmp1:
0xdd: {  	v0 =	vmul.u32 $0x3000, v0;
	(pc) =	sbr.rel @p0 .LBB2_4-.Ltmp1, $4  }
0xde: {  	s14 =	sadd.s32 $0x10, s14  }
0xdf: {  	s31 =	sand.u32 $0x30, s14;
	s30 =	rddreg [dreg:$0x5];
	(v2sf) =	vpush v0, $0x8  }
0xe0: {  	s17 =	smul.u32 $0xC0, s31;
	s0 =	sshrl.u32 s30, $0x2;
	(v2sf) =	vpush v0, $0x7  }
0xe1: {  	s16 =	sadd.s32 $0x1, s16;
	s0 =	smul.u32 $0xC000, s0;
	(v2sf) =	vpush v0, $0x2  }
0xe2: {  	(v2sf) =	vpush v0, $0x0  }
0xe3: {  	(v2sf) =	vpush v0, $0x3  }
0xe4: {  	(v2sf) =	vpush v0, $0xA  }
0xe5: {  	(v2sf) =	vpush v0, $0x1;
	_ =	sdelay $0x8  }
0xe6: {  	s1 =	spop (v2sf)  }
0xe7: {  	s2 =	spop (v2sf)  }
0xe8: {  	(v2sf) =	vpush v0, $0x4;
	s4 =	spop (v2sf)  }
0xe9: {  	s8 =	simm.s32 $0x0;
	s18 =	sor.u32 $0xC0, s17;
	s5 =	spop (v2sf)  }
0xea: {  	s0 =	sshra.s32 s0, $0x2;
	s5 =	sadd.s32 s17, s5;
	s6 =	spop (v2sf)  }
0xeb: {  	s14 =	sor.u32 $0x200, s0;
	(v2sf) =	vpush v0, $0x5;
	s5 =	sshrl.u32 s5, $0x3;
	s16 =	spop (v2sf)  }
0xec: {  	s7 =	sadd.s32 s17, s14;
	s5 =	sadd.s32 s3, s5;
	s19 =	spop (v2sf)  }
0xed: {  	[tilespmem:s7], [sflag:$0x1] =	stream.linear.gather [hbm4b:s5+s8], $0xC0, $0x38;
	[tilespmem:$0x6200] =	vst v63  }
0xee: {  	s20 =	sor.u32 $0x180, s17;
	s7 =	sadd.s32 s18, s19  }
0xef: {  	s21 =	sor.u32 $0x240, s17;
	s4 =	sadd.s32 s20, s4;
	(v2sf) =	vpush v0, $0x6;
	s7 =	sshrl.u32 s7, $0x3  }
0xf0: {  	s4 =	sshrl.u32 s4, $0x3;
	s5 =	sadd.s32 s18, s14;
	s7 =	sadd.s32 s3, s7  }
0xf1: {  	[tilespmem:s5], [sflag:$0x1] =	stream.linear.gather [hbm4b:s7+s8], $0xC0, $0x38;
	[tilespmem:$0x6200] =	vst v63  }
0xf2: {  	s4 =	sadd.s32 s3, s4;
	s22 =	sadd.s32 s21, s6;
	s5 =	sadd.s32 s20, s14  }
0xf3: {  	[tilespmem:s5], [sflag:$0x1] =	stream.linear.gather [hbm4b:s4+s8], $0xC0, $0x38;
	[tilespmem:$0x6200] =	vst v63  }
0xf4: {  	s5 =	sshrl.u32 s22, $0x3  }
0xf5: {  	s4 =	sadd.s32 s21, s14;
	s5 =	sadd.s32 s3, s5  }
0xf6: {  	[tilespmem:s4], [sflag:$0x1] =	stream.linear.gather [hbm4b:s5+s8], $0xC0, $0x38;
	[tilespmem:$0x6200] =	vst v63  }
0xf7: {  	s23 =	sor.u32 $0x300, s17;
	s24 =	spop (v2sf)  }
0xf8: {  	s5 =	sadd.s32 s23, s24  }
0xf9: {  	s25 =	sor.u32 $0x3C0, s17;
	s5 =	sshrl.u32 s5, $0x3  }
0xfa: {  	s4 =	sadd.s32 s23, s14;
	s26 =	spop (v2sf);
	s5 =	sadd.s32 s3, s5  }
0xfb: {  	(v2sf) =	vpush v0, $0x9;
	[tilespmem:s4], [sflag:$0x1] =	stream.linear.gather [hbm4b:s5+s8], $0xC0, $0x38;
	[tilespmem:$0x6200] =	vst v63  }
0xfc: {  	s5 =	sadd.s32 s25, s26  }
0xfd: {  	s28 =	sadd.s32 $0x480, s17;
	s5 =	sshrl.u32 s5, $0x3  }
0xfe: {  	s29 =	spop (v2sf);
	s4 =	sadd.s32 s25, s14;
	s5 =	sadd.s32 s3, s5  }
0xff: {  	[tilespmem:s4], [sflag:$0x1] =	stream.linear.gather [hbm4b:s5+s8], $0xC0, $0x38;
	[tilespmem:$0x6200] =	vst v63  }
0x100: {  	(v2sf) =	vpush v0, $0xB;
	s5 =	sadd.s32 s28, s29  }
0x101: {  	s30 =	sadd.s32 $0x540, s17;
	s5 =	sshrl.u32 s5, $0x3  }
0x102: {  	s2 =	sadd.s32 s30, s2;
	s4 =	sadd.s32 s28, s14;
	s5 =	sadd.s32 s3, s5  }
0x103: {  	[tilespmem:s4], [sflag:$0x1] =	stream.linear.gather [hbm4b:s5+s8], $0xC0, $0x38;
	[tilespmem:$0x6200] =	vst v63  }
0x104: {  	s2 =	sshrl.u32 s2, $0x3;
	(v2sf) =	vpush v0, $0xC;
	s5 =	sadd.s32 $0x600, s17  }
0x105: {  	s2 =	sadd.s32 s3, s2;
	s4 =	sadd.s32 s30, s14;
	s1 =	sadd.s32 s5, s1  }
0x106: {  	[tilespmem:s4], [sflag:$0x1] =	stream.linear.gather [hbm4b:s2+s8], $0xC0, $0x38;
	[tilespmem:$0x6200] =	vst v63  }
0x107: {  	s1 =	sshrl.u32 s1, $0x3  }
0x108: {  	(v2sf) =	vpush v0, $0xD;
	s2 =	sadd.s32 s5, s14;
	s1 =	sadd.s32 s3, s1  }
0x109: {  	[tilespmem:s2], [sflag:$0x1] =	stream.linear.gather [hbm4b:s1+s8], $0xC0, $0x38;
	[tilespmem:$0x6200] =	vst v63  }
0x10a: {  	s6 =	sadd.s32 $0x6C0, s17;
	s7 =	spop (v2sf)  }
0x10b: {  	s9 =	sadd.s32 $0x780, s17;
	s2 =	sadd.s32 s6, s7  }
0x10c: {  	s10 =	sadd.s32 $0x840, s17;
	s0 =	sadd.s32 s9, s16;
	s2 =	sshrl.u32 s2, $0x3  }
0x10d: {  	s0 =	sshrl.u32 s0, $0x3;
	s1 =	sadd.s32 s6, s14;
	s2 =	sadd.s32 s3, s2  }
0x10e: {  	(v2sf) =	vpush v0, $0xE;
	[tilespmem:s1], [sflag:$0x1] =	stream.linear.gather [hbm4b:s2+s8], $0xC0, $0x38;
	[tilespmem:$0x6200] =	vst v63  }
0x10f: {  	s0 =	sadd.s32 s3, s0;
	s11 =	spop (v2sf);
	(v2sf) =	vpush v0, $0xF;
	s1 =	sadd.s32 s9, s14  }
0x110: {  	[tilespmem:s1], [sflag:$0x1] =	stream.linear.gather [hbm4b:s0+s8], $0xC0, $0x38;
	[tilespmem:$0x6200] =	vst v63  }
0x111: {  	s1 =	sadd.s32 s10, s11  }
0x112: {  	s12 =	sadd.s32 $0x900, s17;
	s1 =	sshrl.u32 s1, $0x3  }
0x113: {  	s13 =	spop (v2sf);
	s0 =	sadd.s32 s10, s14;
	s1 =	sadd.s32 s3, s1  }
0x114: {  	[tilespmem:s0], [sflag:$0x1] =	stream.linear.gather [hbm4b:s1+s8], $0xC0, $0x38;
	[tilespmem:$0x6200] =	vst v63  }
0x115: {  	s1 =	sadd.s32 s12, s13  }
0x116: {  	s15 =	sadd.s32 $0x9C0, s17;
	s1 =	sshrl.u32 s1, $0x3  }
0x117: {  	s16 =	spop (v2sf);
	s0 =	sadd.s32 s12, s14;
	s1 =	sadd.s32 s3, s1  }
0x118: {  	[tilespmem:s0], [sflag:$0x1] =	stream.linear.gather [hbm4b:s1+s8], $0xC0, $0x38;
	[tilespmem:$0x6200] =	vst v63  }
0x119: {  	s1 =	sadd.s32 s15, s16  }
0x11a: {  	s1 =	sshrl.u32 s1, $0x3  }
0x11b: {  	s0 =	sadd.s32 s15, s14;
	s1 =	sadd.s32 s3, s1  }
0x11c: {  	[tilespmem:s0], [sflag:$0x1] =	stream.linear.gather [hbm4b:s1+s8], $0xC0, $0x38;
	[tilespmem:$0x6200] =	vst v63  }
0x11d: {  	s18 =	sadd.s32 $0xA80, s17;
	s19 =	spop (v2sf)  }
0x11e: {  	s20 =	sadd.s32 $0xB40, s17;
	s1 =	sadd.s32 s18, s19;
	s21 =	spop (v2sf)  }
0x11f: {  	s1 =	sshrl.u32 s1, $0x3;
	s4 =	sadd.s32 s20, s21  }
0x120: {  	s0 =	sadd.s32 s18, s14;
	s1 =	sadd.s32 s3, s1;
	s4 =	sshrl.u32 s4, $0x3  }
0x121: {  	[tilespmem:s0], [sflag:$0x1] =	stream.linear.gather [hbm4b:s1+s8], $0xC0, $0x38;
	[tilespmem:$0x6200] =	vst v63  }
0x122: {  	s22 =	sadd.s32 s20, s14;
	s24 =	simm.s32 $0x1;
	s23 =	sadd.s32 s3, s4  }
0x123: {  	[tilespmem:s22], [sflag:$0x1] =	stream.linear.gather [hbm4b:s23+s8], $0xC0, $0x38;
	[tilespmem:$0x6200] =	vst v63  }
0x124: {  	_ =	swait.ge [sflag:s24], $0x6000  }
0x125: {  	s31 =	simm.s32 $0x0;
	s26 =	simm.s32 $0x200;
	[sflag:s24] =	ssyncset.done $0x0  }
0x126: {  	s28 =	simm.s32 $0x2;
	s25 =	rddreg [dreg:$0x1c];
	[sflag:s24] =	ssyncadd.s32 $0xFFFFA000  }
0x127: {  	[hbm4b:s25+s31] =	stream.linear.scatter [tilespmem:s26], [sflag:$0x2], $0x6000, $0x38;
	[tilespmem:$0x6200] =	vst v63  }
0x128: {  	_ =	swait.ge [sflag:s28], $0x6000  }
0x129: {  	[sflag:s28] =	ssyncset.done $0x0  }
0x12a: {  	s15 =	simm.s32 $0x100;
	[sflag:s28] =	ssyncadd.s32 $0xFFFFA000  }
0x12b: {  	v0 =	vld [tilespmem:s15+$0x0];
	_ =	sdelay $0x4  }
0x12c: {  	v0 =	vmul.u32 $0x3000, v0;
	_ =	sdelay $0x1  }
0x12d: {  	s30 =	sand.u32 $0x30, s31;
	(v2sf) =	vpush v0, $0x8  }
0x12e: {  	s29 =	simm.s32 $0x0;
	s17 =	smul.u32 $0xC0, s30;
	(v2sf) =	vpush v0, $0x7  }
0x12f: {  	s16 =	simm.s32 $0x1;
	s0 =	smul.u32 $0xC000, s29;
	(v2sf) =	vpush v0, $0x2  }
.LBB2_6:
0x130: {  	(v2sf) =	vpush v0, $0x0  }
0x131: {  	s1 =	smov.u32 s16;
	(v2sf) =	vpush v0, $0x3  }
0x132: {  	s0 =	sshra.s32 s0, $0x2;
	[dreg:$0x6] =	wrdreg s1;
	s4 =	sor.u32 $0xC0, s17  }
0x133: {  	s13 =	sor.u32 $0x180, s17;
	s12 =	sor.u32 $0x300, s17;
	s9 =	sadd.s32 $0x600, s17;
	(v2sf) =	vpush v0, $0xA  }
0x134: {  	s21 =	sor.u32 $0x240, s17;
	s10 =	sor.u32 $0x3C0, s17;
	s8 =	sadd.s32 $0x780, s17;
	(v2sf) =	vpush v0, $0x1  }
0x135: {  	s7 =	sadd.s32 $0x6C0, s17;
	s20 =	sadd.s32 $0xA80, s17;
	s11 =	sadd.s32 $0x480, s17;
	(v2sf) =	vpush v0, $0x4  }
0x136: {  	s30 =	sadd.s32 $0x900, s17;
	s5 =	sadd.s32 $0x9C0, s17;
	s19 =	sor.u32 $0x200, s0  }
0x137: {  	s22 =	sadd.s32 $0x540, s17;
	s1 =	sadd.s32 $0x840, s17;
	s23 =	sadd.s32 s4, s19  }
0x138: {  	s25 =	sadd.s32 s13, s19;
	s26 =	sadd.s32 s12, s19;
	s0 =	sadd.s32 s9, s19;
	(v2sf) =	vpush v0, $0x5  }
0x139: {  	s18 =	sadd.s32 s21, s19;
	s29 =	sadd.s32 s10, s19;
	s2 =	sadd.s32 s17, s19  }
0x13a: {  	s24 =	sadd.s32 s8, s19;
	s28 =	sadd.s32 s30, s19;
	[dreg:$0xe] =	wrdreg s0;
	(v2sf) =	vpush v0, $0x6  }
0x13b: {  	s6 =	sadd.s32 s1, s19;
	[dreg:$0xf] =	wrdreg s24;
	s24 =	sadd.s32 $0xB40, s17  }
0x13c: {  	[dreg:$0x10] =	wrdreg s28;
	s28 =	sadd.s32 s7, s19;
	s14 =	spop (v2sf)  }
0x13d: {  	[dreg:$0x16] =	wrdreg s6;
	s0 =	sadd.s32 s9, s14;
	s14 =	spop (v2sf)  }
0x13e: {  	s6 =	sadd.s32 s22, s19;
	(v2sf) =	vpush v0, $0x9;
	s22 =	sadd.s32 s22, s14;
	s14 =	spop (v2sf)  }
0x13f: {  	s9 =	sshrl.u32 s0, $0x3;
	s0 =	sadd.s32 s13, s14;
	s14 =	spop (v2sf)  }
0x140: {  	s13 =	sshrl.u32 s22, $0x3;
	s22 =	sadd.s32 s17, s14;
	s14 =	spop (v2sf)  }
0x141: {  	s0 =	sshrl.u32 s0, $0x3;
	s17 =	sshrl.u32 s22, $0x3;
	s21 =	sadd.s32 s21, s14  }
0x142: {  	s22 =	spop (v2sf);
	s0 =	sadd.s32 s3, s0;
	s17 =	sadd.s32 s3, s17  }
0x143: {  	(v2sf) =	vpush v0, $0xB;
	s21 =	sshrl.u32 s21, $0x3;
	s14 =	spop (v2sf);
	s8 =	sadd.s32 s8, s22  }
0x144: {  	s4 =	sadd.s32 s4, s14;
	s22 =	spop (v2sf);
	s8 =	sshrl.u32 s8, $0x3  }
0x145: {  	(v2sf) =	vpush v0, $0xC;
	s4 =	sshrl.u32 s4, $0x3;
	s12 =	sadd.s32 s12, s22;
	s22 =	simm.s32 $0x0  }
0x146: {  	[tilespmem:s2], [sflag:$0x1] =	stream.linear.gather [hbm4b:s17+s22], $0xC0, $0x38;
	[tilespmem:$0x6200] =	vst v63  }
0x147: {  	s14 =	spop (v2sf);
	s4 =	sadd.s32 s3, s4;
	s17 =	sshrl.u32 s12, $0x3  }
0x148: {  	[tilespmem:s23], [sflag:$0x1] =	stream.linear.gather [hbm4b:s4+s22], $0xC0, $0x38;
	[tilespmem:$0x6200] =	vst v63  }
0x149: {  	(v2sf) =	vpush v0, $0xD;
	s10 =	sadd.s32 s10, s14;
	s12 =	sadd.s32 s3, s21;
	s14 =	spop (v2sf)  }
0x14a: {  	[tilespmem:s25], [sflag:$0x1] =	stream.linear.gather [hbm4b:s0+s22], $0xC0, $0x38;
	[tilespmem:$0x6200] =	vst v63  }
0x14b: {  	(v2sf) =	vpush v0, $0xE;
	s17 =	sadd.s32 s3, s17;
	s23 =	sshrl.u32 s10, $0x3;
	s10 =	sadd.s32 s11, s19  }
0x14c: {  	[tilespmem:s18], [sflag:$0x1] =	stream.linear.gather [hbm4b:s12+s22], $0xC0, $0x38;
	[tilespmem:$0x6200] =	vst v63  }
0x14d: {  	s23 =	sadd.s32 s3, s23;
	s18 =	sadd.s32 s11, s14;
	s21 =	spop (v2sf)  }
0x14e: {  	[tilespmem:s26], [sflag:$0x1] =	stream.linear.gather [hbm4b:s17+s22], $0xC0, $0x38;
	[tilespmem:$0x6200] =	vst v63  }
0x14f: {  	s14 =	sadd.s32 s3, s13;
	(v2sf) =	vpush v0, $0xF;
	s25 =	sshrl.u32 s18, $0x3;
	s26 =	sadd.s32 s7, s21  }
0x150: {  	s18 =	sadd.s32 s3, s9;
	s7 =	sadd.s32 s3, s25;
	s11 =	sshrl.u32 s26, $0x3  }
0x151: {  	[tilespmem:s29], [sflag:$0x1] =	stream.linear.gather [hbm4b:s23+s22], $0xC0, $0x38;
	[tilespmem:$0x6200] =	vst v63  }
0x152: {  	s21 =	rddreg [dreg:$0xe];
	s23 =	sadd.s32 s3, s11;
	s12 =	spop (v2sf)  }
0x153: {  	[tilespmem:s10], [sflag:$0x1] =	stream.linear.gather [hbm4b:s7+s22], $0xC0, $0x38;
	[tilespmem:$0x6200] =	vst v63  }
0x154: {  	s11 =	rddreg [dreg:$0x16];
	s1 =	sadd.s32 s1, s12;
	s17 =	spop (v2sf)  }
0x155: {  	[tilespmem:s6], [sflag:$0x1] =	stream.linear.gather [hbm4b:s14+s22], $0xC0, $0x38;
	[tilespmem:$0x6200] =	vst v63  }
0x156: {  	s1 =	sshrl.u32 s1, $0x3;
	s4 =	sadd.s32 s30, s17;
	s30 =	rddreg [dreg:$0xf]  }
0x157: {  	[tilespmem:s21], [sflag:$0x1] =	stream.linear.gather [hbm4b:s18+s22], $0xC0, $0x38;
	[tilespmem:$0x6200] =	vst v63  }
0x158: {  	s26 =	spop (v2sf);
	s17 =	rddreg [dreg:$0x10];
	s25 =	sshrl.u32 s4, $0x3  }
0x159: {  	[tilespmem:s28], [sflag:$0x1] =	stream.linear.gather [hbm4b:s23+s22], $0xC0, $0x38;
	[tilespmem:$0x6200] =	vst v63  }
0x15a: {  	s4 =	sadd.s32 s5, s26;
	s29 =	spop (v2sf);
	s28 =	sadd.s32 s3, s8  }
0x15b: {  	[tilespmem:s30], [sflag:$0x1] =	stream.linear.gather [hbm4b:s28+s22], $0xC0, $0x38;
	[tilespmem:$0x6200] =	vst v63  }
0x15c: {  	s9 =	sshrl.u32 s4, $0x3;
	s10 =	sadd.s32 s20, s29;
	s8 =	sadd.s32 s3, s1  }
0x15d: {  	[tilespmem:s11], [sflag:$0x1] =	stream.linear.gather [hbm4b:s8+s22], $0xC0, $0x38;
	[tilespmem:$0x6200] =	vst v63  }
0x15e: {  	s12 =	sadd.s32 s3, s25;
	s18 =	sadd.s32 s5, s19;
	s14 =	spop (v2sf)  }
0x15f: {  	[tilespmem:s17], [sflag:$0x1] =	stream.linear.gather [hbm4b:s12+s22], $0xC0, $0x38;
	[tilespmem:$0x6200] =	vst v63  }
0x160: {  	s13 =	sshrl.u32 s10, $0x3;
	s1 =	sadd.s32 s3, s9;
	s4 =	sadd.s32 s24, s14  }
0x161: {  	[tilespmem:s18], [sflag:$0x1] =	stream.linear.gather [hbm4b:s1+s22], $0xC0, $0x38;
	[tilespmem:$0x6200] =	vst v63  }
0x162: {  	s21 =	sadd.s32 s20, s19;
	s23 =	sadd.s32 s3, s13;
	s25 =	sshrl.u32 s4, $0x3  }
0x163: {  	[tilespmem:s21], [sflag:$0x1] =	stream.linear.gather [hbm4b:s23+s22], $0xC0, $0x38;
	[tilespmem:$0x6200] =	vst v63  }
0x164: {  	s15 =	sadd.s32 $0x10, s15;
	s26 =	sadd.s32 s24, s19;
	s28 =	sadd.s32 s3, s25  }
0x165: {  	[tilespmem:s26], [sflag:$0x1] =	stream.linear.gather [hbm4b:s28+s22], $0xC0, $0x38;
	[tilespmem:$0x6200] =	vst v63  }
0x166: {  	v0 =	vld [tilespmem:s15+$0x0];
	_ =	sdelay $0x3  }
0x167: {  	p0 =	sne.s32 s16, $0x7  }
.Ltmp2:
0x168: {  	v0 =	vmul.u32 $0x3000, v0;
	(pc) =	sbr.rel @p0 .LBB2_6-.Ltmp2, $4  }
0x169: {  	s29 =	rddreg [dreg:$0x6]  }
0x16a: {  	s31 =	sadd.s32 $0x10, s31;
	s0 =	sshrl.u32 s29, $0x2;
	(v2sf) =	vpush v0, $0x8  }
0x16b: {  	s0 =	smul.u32 $0xC000, s0;
	s30 =	sand.u32 $0x30, s31;
	(v2sf) =	vpush v0, $0x7  }
0x16c: {  	s16 =	sadd.s32 $0x1, s16;
	s17 =	smul.u32 $0xC0, s30;
	(v2sf) =	vpush v0, $0x2  }
0x16d: {  	(v2sf) =	vpush v0, $0x0  }
0x16e: {  	(v2sf) =	vpush v0, $0x3  }
0x16f: {  	(v2sf) =	vpush v0, $0xA  }
0x170: {  	(v2sf) =	vpush v0, $0x1;
	_ =	sdelay $0x8  }
0x171: {  	s1 =	spop (v2sf)  }
0x172: {  	s2 =	spop (v2sf)  }
0x173: {  	(v2sf) =	vpush v0, $0x4;
	s4 =	spop (v2sf)  }
0x174: {  	s0 =	sshra.s32 s0, $0x2;
	s8 =	simm.s32 $0x0;
	s5 =	spop (v2sf)  }
0x175: {  	s14 =	sor.u32 $0x200, s0;
	s5 =	sadd.s32 s17, s5;
	s6 =	spop (v2sf)  }
0x176: {  	s20 =	sor.u32 $0xC0, s17;
	(v2sf) =	vpush v0, $0x5;
	s5 =	sshrl.u32 s5, $0x3;
	s19 =	spop (v2sf)  }
0x177: {  	s7 =	sadd.s32 s17, s14;
	s5 =	sadd.s32 s3, s5;
	s21 =	spop (v2sf)  }
0x178: {  	[tilespmem:s7], [sflag:$0x1] =	stream.linear.gather [hbm4b:s5+s8], $0xC0, $0x38;
	[tilespmem:$0x6200] =	vst v63  }
0x179: {  	s22 =	sor.u32 $0x180, s17;
	s7 =	sadd.s32 s20, s21  }
0x17a: {  	s23 =	sor.u32 $0x240, s17;
	s4 =	sadd.s32 s22, s4;
	(v2sf) =	vpush v0, $0x6;
	s7 =	sshrl.u32 s7, $0x3  }
0x17b: {  	s4 =	sshrl.u32 s4, $0x3;
	s5 =	sadd.s32 s20, s14;
	s7 =	sadd.s32 s3, s7  }
0x17c: {  	[tilespmem:s5], [sflag:$0x1] =	stream.linear.gather [hbm4b:s7+s8], $0xC0, $0x38;
	[tilespmem:$0x6200] =	vst v63  }
0x17d: {  	s4 =	sadd.s32 s3, s4;
	s24 =	sadd.s32 s23, s6;
	s5 =	sadd.s32 s22, s14  }
0x17e: {  	[tilespmem:s5], [sflag:$0x1] =	stream.linear.gather [hbm4b:s4+s8], $0xC0, $0x38;
	[tilespmem:$0x6200] =	vst v63  }
0x17f: {  	s5 =	sshrl.u32 s24, $0x3  }
0x180: {  	s4 =	sadd.s32 s23, s14;
	s5 =	sadd.s32 s3, s5  }
0x181: {  	[tilespmem:s4], [sflag:$0x1] =	stream.linear.gather [hbm4b:s5+s8], $0xC0, $0x38;
	[tilespmem:$0x6200] =	vst v63  }
0x182: {  	s25 =	sor.u32 $0x300, s17;
	s26 =	spop (v2sf)  }
0x183: {  	s5 =	sadd.s32 s25, s26  }
0x184: {  	s28 =	sor.u32 $0x3C0, s17;
	s5 =	sshrl.u32 s5, $0x3  }
0x185: {  	s4 =	sadd.s32 s25, s14;
	s29 =	spop (v2sf);
	s5 =	sadd.s32 s3, s5  }
0x186: {  	[tilespmem:s4], [sflag:$0x1] =	stream.linear.gather [hbm4b:s5+s8], $0xC0, $0x38;
	[tilespmem:$0x6200] =	vst v63  }
0x187: {  	(v2sf) =	vpush v0, $0x9;
	s5 =	sadd.s32 s28, s29  }
0x188: {  	s30 =	sadd.s32 $0x480, s17;
	s5 =	sshrl.u32 s5, $0x3  }
0x189: {  	s31 =	spop (v2sf);
	s4 =	sadd.s32 s28, s14;
	s5 =	sadd.s32 s3, s5  }
0x18a: {  	[tilespmem:s4], [sflag:$0x1] =	stream.linear.gather [hbm4b:s5+s8], $0xC0, $0x38;
	[tilespmem:$0x6200] =	vst v63  }
0x18b: {  	s5 =	sadd.s32 s30, s31  }
0x18c: {  	(v2sf) =	vpush v0, $0xB;
	s5 =	sshrl.u32 s5, $0x3  }
0x18d: {  	s4 =	sadd.s32 s30, s14;
	s5 =	sadd.s32 s3, s5  }
0x18e: {  	[tilespmem:s4], [sflag:$0x1] =	stream.linear.gather [hbm4b:s5+s8], $0xC0, $0x38;
	[tilespmem:$0x6200] =	vst v63  }
0x18f: {  	s5 =	sadd.s32 $0x540, s17  }
0x190: {  	s6 =	sadd.s32 $0x600, s17;
	(v2sf) =	vpush v0, $0xC;
	s2 =	sadd.s32 s5, s2  }
0x191: {  	s1 =	sadd.s32 s6, s1;
	s2 =	sshrl.u32 s2, $0x3  }
0x192: {  	s1 =	sshrl.u32 s1, $0x3;
	s4 =	sadd.s32 s5, s14;
	s2 =	sadd.s32 s3, s2  }
0x193: {  	[tilespmem:s4], [sflag:$0x1] =	stream.linear.gather [hbm4b:s2+s8], $0xC0, $0x38;
	[tilespmem:$0x6200] =	vst v63  }
0x194: {  	s1 =	sadd.s32 s3, s1;
	(v2sf) =	vpush v0, $0xD;
	s2 =	sadd.s32 s6, s14  }
0x195: {  	[tilespmem:s2], [sflag:$0x1] =	stream.linear.gather [hbm4b:s1+s8], $0xC0, $0x38;
	[tilespmem:$0x6200] =	vst v63  }
0x196: {  	s7 =	sadd.s32 $0x6C0, s17;
	s9 =	spop (v2sf)  }
0x197: {  	s10 =	sadd.s32 $0x780, s17;
	s2 =	sadd.s32 s7, s9  }
0x198: {  	s11 =	sadd.s32 $0x840, s17;
	s0 =	sadd.s32 s10, s19;
	s2 =	sshrl.u32 s2, $0x3  }
0x199: {  	s0 =	sshrl.u32 s0, $0x3;
	s1 =	sadd.s32 s7, s14;
	s2 =	sadd.s32 s3, s2  }
0x19a: {  	(v2sf) =	vpush v0, $0xE;
	[tilespmem:s1], [sflag:$0x1] =	stream.linear.gather [hbm4b:s2+s8], $0xC0, $0x38;
	[tilespmem:$0x6200] =	vst v63  }
0x19b: {  	s0 =	sadd.s32 s3, s0;
	s12 =	spop (v2sf);
	(v2sf) =	vpush v0, $0xF;
	s1 =	sadd.s32 s10, s14  }
0x19c: {  	[tilespmem:s1], [sflag:$0x1] =	stream.linear.gather [hbm4b:s0+s8], $0xC0, $0x38;
	[tilespmem:$0x6200] =	vst v63  }
0x19d: {  	s1 =	sadd.s32 s11, s12  }
0x19e: {  	s13 =	sadd.s32 $0x900, s17;
	s1 =	sshrl.u32 s1, $0x3  }
0x19f: {  	s15 =	spop (v2sf);
	s0 =	sadd.s32 s11, s14;
	s1 =	sadd.s32 s3, s1  }
0x1a0: {  	[tilespmem:s0], [sflag:$0x1] =	stream.linear.gather [hbm4b:s1+s8], $0xC0, $0x38;
	[tilespmem:$0x6200] =	vst v63  }
0x1a1: {  	s1 =	sadd.s32 s13, s15  }
0x1a2: {  	s16 =	sadd.s32 $0x9C0, s17;
	s1 =	sshrl.u32 s1, $0x3  }
0x1a3: {  	s18 =	spop (v2sf);
	s0 =	sadd.s32 s13, s14;
	s1 =	sadd.s32 s3, s1  }
0x1a4: {  	[tilespmem:s0], [sflag:$0x1] =	stream.linear.gather [hbm4b:s1+s8], $0xC0, $0x38;
	[tilespmem:$0x6200] =	vst v63  }
0x1a5: {  	s1 =	sadd.s32 s16, s18  }
0x1a6: {  	s1 =	sshrl.u32 s1, $0x3  }
0x1a7: {  	s0 =	sadd.s32 s16, s14;
	s1 =	sadd.s32 s3, s1  }
0x1a8: {  	[tilespmem:s0], [sflag:$0x1] =	stream.linear.gather [hbm4b:s1+s8], $0xC0, $0x38;
	[tilespmem:$0x6200] =	vst v63  }
0x1a9: {  	s19 =	sadd.s32 $0xA80, s17;
	s20 =	spop (v2sf)  }
0x1aa: {  	s21 =	sadd.s32 $0xB40, s17;
	s1 =	sadd.s32 s19, s20;
	s22 =	spop (v2sf)  }
0x1ab: {  	s1 =	sshrl.u32 s1, $0x3;
	s4 =	sadd.s32 s21, s22  }
0x1ac: {  	s0 =	sadd.s32 s19, s14;
	s1 =	sadd.s32 s3, s1;
	s4 =	sshrl.u32 s4, $0x3  }
0x1ad: {  	[tilespmem:s0], [sflag:$0x1] =	stream.linear.gather [hbm4b:s1+s8], $0xC0, $0x38;
	[tilespmem:$0x6200] =	vst v63  }
0x1ae: {  	s23 =	sadd.s32 s21, s14;
	s25 =	simm.s32 $0x1;
	s24 =	sadd.s32 s3, s4  }
0x1af: {  	[tilespmem:s23], [sflag:$0x1] =	stream.linear.gather [hbm4b:s24+s8], $0xC0, $0x38;
	[tilespmem:$0x6200] =	vst v63  }
0x1b0: {  	_ =	swait.ge [sflag:s25], $0x6000  }
0x1b1: {  	s28 =	simm.s32 $0x200;
	s29 =	simm.s32 $0x2;
	[sflag:s25] =	ssyncset.done $0x0  }
0x1b2: {  	s26 =	rddreg [dreg:$0x1d];
	[sflag:s25] =	ssyncadd.s32 $0xFFFFA000;
	s25 =	simm.s32 $0x0  }
0x1b3: {  	[hbm4b:s26+s25] =	stream.linear.scatter [tilespmem:s28], [sflag:$0x2], $0x6000, $0x38;
	[tilespmem:$0x6200] =	vst v63  }
0x1b4: {  	_ =	swait.ge [sflag:s29], $0x6000  }
0x1b5: {  	[sflag:s29] =	ssyncset.done $0x0  }
0x1b6: {  	s15 =	simm.s32 $0x180;
	[sflag:s29] =	ssyncadd.s32 $0xFFFFA000  }
0x1b7: {  	v0 =	vld [tilespmem:s15+$0x0];
	_ =	sdelay $0x4  }
0x1b8: {  	v0 =	vmul.u32 $0x3000, v0;
	_ =	sdelay $0x1  }
0x1b9: {  	s30 =	simm.s32 $0x0;
	(v2sf) =	vpush v0, $0x8  }
0x1ba: {  	s0 =	smul.u32 $0xC000, s30;
	s31 =	sand.u32 $0x30, s25;
	(v2sf) =	vpush v0, $0x7  }
0x1bb: {  	s16 =	simm.s32 $0x1;
	s17 =	smul.u32 $0xC0, s31;
	(v2sf) =	vpush v0, $0x2  }
.LBB2_8:
0x1bc: {  	(v2sf) =	vpush v0, $0x0  }
0x1bd: {  	s1 =	smov.u32 s16;
	(v2sf) =	vpush v0, $0x3  }
0x1be: {  	s0 =	sshra.s32 s0, $0x2;
	[dreg:$0x7] =	wrdreg s1;
	s4 =	sor.u32 $0xC0, s17;
	(v2sf) =	vpush v0, $0xA  }
0x1bf: {  	s13 =	sor.u32 $0x180, s17;
	s12 =	sor.u32 $0x300, s17;
	s9 =	sadd.s32 $0x600, s17;
	(v2sf) =	vpush v0, $0x1  }
0x1c0: {  	s22 =	sor.u32 $0x240, s17;
	s10 =	sor.u32 $0x3C0, s17;
	s7 =	sadd.s32 $0x6C0, s17  }
0x1c1: {  	s20 =	sadd.s32 $0xA80, s17;
	s11 =	sadd.s32 $0x480, s17;
	s30 =	sadd.s32 $0x900, s17;
	(v2sf) =	vpush v0, $0x4  }
0x1c2: {  	s8 =	sadd.s32 $0x9C0, s17;
	s14 =	sadd.s32 $0x540, s17;
	s19 =	sor.u32 $0x200, s0;
	(v2sf) =	vpush v0, $0x5  }
0x1c3: {  	s1 =	sadd.s32 $0x840, s17;
	s5 =	sadd.s32 s4, s19;
	s18 =	sadd.s32 s13, s19  }
0x1c4: {  	s26 =	sadd.s32 s12, s19;
	s0 =	sadd.s32 s9, s19;
	s6 =	sadd.s32 s22, s19  }
0x1c5: {  	s29 =	sadd.s32 s10, s19;
	s21 =	sadd.s32 s30, s19;
	[dreg:$0x11] =	wrdreg s0;
	(v2sf) =	vpush v0, $0x6  }
0x1c6: {  	s2 =	sadd.s32 s17, s19;
	s24 =	sadd.s32 s1, s19;
	[dreg:$0x13] =	wrdreg s21  }
0x1c7: {  	s28 =	sadd.s32 s7, s19;
	s0 =	sadd.s32 $0x780, s17;
	[dreg:$0x17] =	wrdreg s24  }
0x1c8: {  	s21 =	sadd.s32 s14, s19;
	s23 =	sadd.s32 s0, s19;
	s24 =	spop (v2sf)  }
0x1c9: {  	[dreg:$0x12] =	wrdreg s23;
	s23 =	sadd.s32 $0xB40, s17;
	s31 =	spop (v2sf)  }
0x1ca: {  	s9 =	sadd.s32 s9, s24;
	s14 =	sadd.s32 s14, s31;
	s31 =	spop (v2sf)  }
0x1cb: {  	(v2sf) =	vpush v0, $0x9;
	s9 =	sshrl.u32 s9, $0x3;
	s24 =	sadd.s32 s13, s31;
	s31 =	spop (v2sf)  }
0x1cc: {  	s13 =	sshrl.u32 s14, $0x3;
	s14 =	sadd.s32 s17, s31;
	s31 =	spop (v2sf)  }
0x1cd: {  	s17 =	sshrl.u32 s24, $0x3;
	s14 =	sshrl.u32 s14, $0x3;
	s24 =	spop (v2sf)  }
0x1ce: {  	s22 =	sadd.s32 s22, s31;
	s14 =	sadd.s32 s3, s14;
	s31 =	spop (v2sf)  }
0x1cf: {  	(v2sf) =	vpush v0, $0xB;
	s22 =	sshrl.u32 s22, $0x3;
	s0 =	sadd.s32 s0, s24;
	s4 =	sadd.s32 s4, s31  }
0x1d0: {  	s31 =	spop (v2sf);
	s0 =	sshrl.u32 s0, $0x3;
	s4 =	sshrl.u32 s4, $0x3  }
0x1d1: {  	s12 =	sadd.s32 s12, s31;
	s24 =	spop (v2sf);
	s31 =	simm.s32 $0x0  }
0x1d2: {  	[tilespmem:s2], [sflag:$0x1] =	stream.linear.gather [hbm4b:s14+s31], $0xC0, $0x38;
	[tilespmem:$0x6200] =	vst v63  }
0x1d3: {  	(v2sf) =	vpush v0, $0xC;
	s0 =	sadd.s32 s3, s0;
	s14 =	sadd.s32 s3, s4;
	s4 =	sshrl.u32 s12, $0x3  }
0x1d4: {  	s10 =	sadd.s32 s10, s24;
	s12 =	sadd.s32 s3, s17;
	s17 =	spop (v2sf)  }
0x1d5: {  	(v2sf) =	vpush v0, $0xD;
	[tilespmem:s5], [sflag:$0x1] =	stream.linear.gather [hbm4b:s14+s31], $0xC0, $0x38;
	[tilespmem:$0x6200] =	vst v63  }
0x1d6: {  	s5 =	sshrl.u32 s10, $0x3;
	s14 =	sadd.s32 s3, s22;
	s10 =	sadd.s32 s11, s19  }
0x1d7: {  	[tilespmem:s18], [sflag:$0x1] =	stream.linear.gather [hbm4b:s12+s31], $0xC0, $0x38;
	[tilespmem:$0x6200] =	vst v63  }
0x1d8: {  	s22 =	sadd.s32 s11, s17;
	s17 =	sadd.s32 s3, s13;
	s13 =	rddreg [dreg:$0x17]  }
0x1d9: {  	(v2sf) =	vpush v0, $0xE;
	[tilespmem:s6], [sflag:$0x1] =	stream.linear.gather [hbm4b:s14+s31], $0xC0, $0x38;
	[tilespmem:$0x6200] =	vst v63  }
0x1da: {  	s5 =	sadd.s32 s3, s5;
	s18 =	sadd.s32 s3, s4;
	s24 =	spop (v2sf)  }
0x1db: {  	(v2sf) =	vpush v0, $0xF;
	[tilespmem:s26], [sflag:$0x1] =	stream.linear.gather [hbm4b:s18+s31], $0xC0, $0x38;
	[tilespmem:$0x6200] =	vst v63  }
0x1dc: {  	s4 =	sshrl.u32 s22, $0x3;
	s22 =	sadd.s32 s3, s9;
	s9 =	rddreg [dreg:$0x12]  }
0x1dd: {  	[tilespmem:s29], [sflag:$0x1] =	stream.linear.gather [hbm4b:s5+s31], $0xC0, $0x38;
	[tilespmem:$0x6200] =	vst v63  }
0x1de: {  	s11 =	sadd.s32 s3, s4;
	s7 =	sadd.s32 s7, s24;
	s14 =	spop (v2sf)  }
0x1df: {  	[tilespmem:s10], [sflag:$0x1] =	stream.linear.gather [hbm4b:s11+s31], $0xC0, $0x38;
	[tilespmem:$0x6200] =	vst v63  }
0x1e0: {  	s24 =	rddreg [dreg:$0x11];
	s12 =	sshrl.u32 s7, $0x3;
	s1 =	sadd.s32 s1, s14  }
0x1e1: {  	[tilespmem:s21], [sflag:$0x1] =	stream.linear.gather [hbm4b:s17+s31], $0xC0, $0x38;
	[tilespmem:$0x6200] =	vst v63  }
0x1e2: {  	s26 =	sadd.s32 s3, s12;
	s18 =	spop (v2sf);
	s1 =	sshrl.u32 s1, $0x3  }
0x1e3: {  	[tilespmem:s24], [sflag:$0x1] =	stream.linear.gather [hbm4b:s22+s31], $0xC0, $0x38;
	[tilespmem:$0x6200] =	vst v63  }
0x1e4: {  	s5 =	sadd.s32 s30, s18;
	s30 =	spop (v2sf);
	s10 =	sadd.s32 s3, s1  }
0x1e5: {  	[tilespmem:s28], [sflag:$0x1] =	stream.linear.gather [hbm4b:s26+s31], $0xC0, $0x38;
	[tilespmem:$0x6200] =	vst v63  }
0x1e6: {  	s18 =	rddreg [dreg:$0x13];
	s29 =	sshrl.u32 s5, $0x3;
	s5 =	sadd.s32 s8, s30  }
0x1e7: {  	[tilespmem:s9], [sflag:$0x1] =	stream.linear.gather [hbm4b:s0+s31], $0xC0, $0x38;
	[tilespmem:$0x6200] =	vst v63  }
0x1e8: {  	s21 =	sadd.s32 s8, s19;
	s7 =	spop (v2sf);
	s11 =	sshrl.u32 s5, $0x3  }
0x1e9: {  	[tilespmem:s13], [sflag:$0x1] =	stream.linear.gather [hbm4b:s10+s31], $0xC0, $0x38;
	[tilespmem:$0x6200] =	vst v63  }
0x1ea: {  	s12 =	sadd.s32 s20, s7;
	s14 =	sadd.s32 s3, s29;
	s17 =	spop (v2sf)  }
0x1eb: {  	[tilespmem:s18], [sflag:$0x1] =	stream.linear.gather [hbm4b:s14+s31], $0xC0, $0x38;
	[tilespmem:$0x6200] =	vst v63  }
0x1ec: {  	s2 =	sshrl.u32 s12, $0x3;
	s1 =	sadd.s32 s3, s11;
	s4 =	sadd.s32 s23, s17  }
0x1ed: {  	[tilespmem:s21], [sflag:$0x1] =	stream.linear.gather [hbm4b:s1+s31], $0xC0, $0x38;
	[tilespmem:$0x6200] =	vst v63  }
0x1ee: {  	s22 =	sadd.s32 s20, s19;
	s24 =	sadd.s32 s3, s2;
	s26 =	sshrl.u32 s4, $0x3  }
0x1ef: {  	[tilespmem:s22], [sflag:$0x1] =	stream.linear.gather [hbm4b:s24+s31], $0xC0, $0x38;
	[tilespmem:$0x6200] =	vst v63  }
0x1f0: {  	s15 =	sadd.s32 $0x10, s15;
	s28 =	sadd.s32 s23, s19;
	s29 =	sadd.s32 s3, s26  }
0x1f1: {  	[tilespmem:s28], [sflag:$0x1] =	stream.linear.gather [hbm4b:s29+s31], $0xC0, $0x38;
	[tilespmem:$0x6200] =	vst v63  }
0x1f2: {  	v0 =	vld [tilespmem:s15+$0x0];
	_ =	sdelay $0x3  }
0x1f3: {  	p0 =	sne.s32 s16, $0x7  }
.Ltmp3:
0x1f4: {  	v0 =	vmul.u32 $0x3000, v0;
	(pc) =	sbr.rel @p0 .LBB2_8-.Ltmp3, $4  }
0x1f5: {  	s30 =	rddreg [dreg:$0x7]  }
0x1f6: {  	s25 =	sadd.s32 $0x10, s25;
	s0 =	sshrl.u32 s30, $0x2;
	(v2sf) =	vpush v0, $0x8  }
0x1f7: {  	s0 =	smul.u32 $0xC000, s0;
	s31 =	sand.u32 $0x30, s25;
	(v2sf) =	vpush v0, $0x7  }
0x1f8: {  	s16 =	sadd.s32 $0x1, s16;
	s17 =	smul.u32 $0xC0, s31;
	(v2sf) =	vpush v0, $0x2  }
0x1f9: {  	(v2sf) =	vpush v0, $0x0  }
0x1fa: {  	(v2sf) =	vpush v0, $0x3  }
0x1fb: {  	(v2sf) =	vpush v0, $0xA  }
0x1fc: {  	(v2sf) =	vpush v0, $0x1;
	_ =	sdelay $0x8  }
0x1fd: {  	s1 =	spop (v2sf)  }
0x1fe: {  	s2 =	spop (v2sf)  }
0x1ff: {  	(v2sf) =	vpush v0, $0x4;
	s4 =	spop (v2sf)  }
0x200: {  	s0 =	sshra.s32 s0, $0x2;
	s8 =	simm.s32 $0x0;
	s5 =	spop (v2sf)  }
0x201: {  	s14 =	sor.u32 $0x200, s0;
	(v2sf) =	vpush v0, $0x5;
	s5 =	sadd.s32 s17, s5;
	s6 =	spop (v2sf)  }
0x202: {  	s22 =	sor.u32 $0xC0, s17;
	s5 =	sshrl.u32 s5, $0x3;
	s21 =	spop (v2sf)  }
0x203: {  	s7 =	sadd.s32 s17, s14;
	s5 =	sadd.s32 s3, s5;
	s23 =	spop (v2sf)  }
0x204: {  	[tilespmem:s7], [sflag:$0x1] =	stream.linear.gather [hbm4b:s5+s8], $0xC0, $0x38;
	[tilespmem:$0x6200] =	vst v63  }
0x205: {  	s24 =	sor.u32 $0x180, s17;
	s7 =	sadd.s32 s22, s23  }
0x206: {  	s25 =	sor.u32 $0x240, s17;
	s4 =	sadd.s32 s24, s4;
	(v2sf) =	vpush v0, $0x6;
	s7 =	sshrl.u32 s7, $0x3  }
0x207: {  	s4 =	sshrl.u32 s4, $0x3;
	s5 =	sadd.s32 s22, s14;
	s7 =	sadd.s32 s3, s7  }
0x208: {  	[tilespmem:s5], [sflag:$0x1] =	stream.linear.gather [hbm4b:s7+s8], $0xC0, $0x38;
	[tilespmem:$0x6200] =	vst v63  }
0x209: {  	s4 =	sadd.s32 s3, s4;
	s26 =	sadd.s32 s25, s6;
	s5 =	sadd.s32 s24, s14  }
0x20a: {  	[tilespmem:s5], [sflag:$0x1] =	stream.linear.gather [hbm4b:s4+s8], $0xC0, $0x38;
	[tilespmem:$0x6200] =	vst v63  }
0x20b: {  	s5 =	sshrl.u32 s26, $0x3  }
0x20c: {  	s4 =	sadd.s32 s25, s14;
	s5 =	sadd.s32 s3, s5  }
0x20d: {  	[tilespmem:s4], [sflag:$0x1] =	stream.linear.gather [hbm4b:s5+s8], $0xC0, $0x38;
	[tilespmem:$0x6200] =	vst v63  }
0x20e: {  	s28 =	sor.u32 $0x300, s17;
	s29 =	spop (v2sf)  }
0x20f: {  	s5 =	sadd.s32 s28, s29  }
0x210: {  	s5 =	sshrl.u32 s5, $0x3;
	s31 =	spop (v2sf);
	(v2sf) =	vpush v0, $0x9  }
0x211: {  	s30 =	sor.u32 $0x3C0, s17;
	s4 =	sadd.s32 s28, s14;
	s5 =	sadd.s32 s3, s5  }
0x212: {  	[tilespmem:s4], [sflag:$0x1] =	stream.linear.gather [hbm4b:s5+s8], $0xC0, $0x38;
	[tilespmem:$0x6200] =	vst v63  }
0x213: {  	s5 =	sadd.s32 s30, s31  }
0x214: {  	s6 =	sadd.s32 $0x480, s17;
	s5 =	sshrl.u32 s5, $0x3  }
0x215: {  	s7 =	spop (v2sf);
	(v2sf) =	vpush v0, $0xB;
	s4 =	sadd.s32 s30, s14;
	s5 =	sadd.s32 s3, s5  }
0x216: {  	[tilespmem:s4], [sflag:$0x1] =	stream.linear.gather [hbm4b:s5+s8], $0xC0, $0x38;
	[tilespmem:$0x6200] =	vst v63  }
0x217: {  	s9 =	sadd.s32 $0x540, s17;
	s10 =	sadd.s32 $0x600, s17;
	s5 =	sadd.s32 s6, s7  }
0x218: {  	s1 =	sadd.s32 s10, s1;
	s2 =	sadd.s32 s9, s2;
	s5 =	sshrl.u32 s5, $0x3  }
0x219: {  	s2 =	sshrl.u32 s2, $0x3;
	(v2sf) =	vpush v0, $0xC;
	s4 =	sadd.s32 s6, s14;
	s5 =	sadd.s32 s3, s5  }
0x21a: {  	[tilespmem:s4], [sflag:$0x1] =	stream.linear.gather [hbm4b:s5+s8], $0xC0, $0x38;
	[tilespmem:$0x6200] =	vst v63  }
0x21b: {  	s1 =	sshrl.u32 s1, $0x3;
	s2 =	sadd.s32 s3, s2;
	s4 =	sadd.s32 s9, s14  }
0x21c: {  	[tilespmem:s4], [sflag:$0x1] =	stream.linear.gather [hbm4b:s2+s8], $0xC0, $0x38;
	[tilespmem:$0x6200] =	vst v63  }
0x21d: {  	s1 =	sadd.s32 s3, s1;
	(v2sf) =	vpush v0, $0xD;
	s2 =	sadd.s32 s10, s14  }
0x21e: {  	[tilespmem:s2], [sflag:$0x1] =	stream.linear.gather [hbm4b:s1+s8], $0xC0, $0x38;
	[tilespmem:$0x6200] =	vst v63  }
0x21f: {  	s11 =	sadd.s32 $0x6C0, s17;
	s12 =	spop (v2sf)  }
0x220: {  	s13 =	sadd.s32 $0x780, s17;
	s2 =	sadd.s32 s11, s12  }
0x221: {  	s15 =	sadd.s32 $0x840, s17;
	s0 =	sadd.s32 s13, s21;
	s2 =	sshrl.u32 s2, $0x3  }
0x222: {  	s0 =	sshrl.u32 s0, $0x3;
	s1 =	sadd.s32 s11, s14;
	s2 =	sadd.s32 s3, s2  }
0x223: {  	(v2sf) =	vpush v0, $0xE;
	[tilespmem:s1], [sflag:$0x1] =	stream.linear.gather [hbm4b:s2+s8], $0xC0, $0x38;
	[tilespmem:$0x6200] =	vst v63  }
0x224: {  	s0 =	sadd.s32 s3, s0;
	s16 =	spop (v2sf);
	s1 =	sadd.s32 s13, s14  }
0x225: {  	[tilespmem:s1], [sflag:$0x1] =	stream.linear.gather [hbm4b:s0+s8], $0xC0, $0x38;
	[tilespmem:$0x6200] =	vst v63  }
0x226: {  	(v2sf) =	vpush v0, $0xF;
	s1 =	sadd.s32 s15, s16  }
0x227: {  	s18 =	sadd.s32 $0x900, s17;
	s1 =	sshrl.u32 s1, $0x3  }
0x228: {  	s19 =	spop (v2sf);
	s0 =	sadd.s32 s15, s14;
	s1 =	sadd.s32 s3, s1  }
0x229: {  	[tilespmem:s0], [sflag:$0x1] =	stream.linear.gather [hbm4b:s1+s8], $0xC0, $0x38;
	[tilespmem:$0x6200] =	vst v63  }
0x22a: {  	s1 =	sadd.s32 s18, s19  }
0x22b: {  	s20 =	sadd.s32 $0x9C0, s17;
	s1 =	sshrl.u32 s1, $0x3  }
0x22c: {  	s21 =	spop (v2sf);
	s0 =	sadd.s32 s18, s14;
	s1 =	sadd.s32 s3, s1  }
0x22d: {  	[tilespmem:s0], [sflag:$0x1] =	stream.linear.gather [hbm4b:s1+s8], $0xC0, $0x38;
	[tilespmem:$0x6200] =	vst v63  }
0x22e: {  	s1 =	sadd.s32 s20, s21  }
0x22f: {  	s1 =	sshrl.u32 s1, $0x3  }
0x230: {  	s0 =	sadd.s32 s20, s14;
	s1 =	sadd.s32 s3, s1  }
0x231: {  	[tilespmem:s0], [sflag:$0x1] =	stream.linear.gather [hbm4b:s1+s8], $0xC0, $0x38;
	[tilespmem:$0x6200] =	vst v63  }
0x232: {  	s22 =	sadd.s32 $0xA80, s17;
	s23 =	spop (v2sf)  }
0x233: {  	s1 =	sadd.s32 s22, s23  }
0x234: {  	s24 =	sadd.s32 $0xB40, s17;
	s1 =	sshrl.u32 s1, $0x3  }
0x235: {  	s0 =	sadd.s32 s22, s14;
	s25 =	spop (v2sf);
	s1 =	sadd.s32 s3, s1  }
0x236: {  	[tilespmem:s0], [sflag:$0x1] =	stream.linear.gather [hbm4b:s1+s8], $0xC0, $0x38;
	[tilespmem:$0x6200] =	vst v63  }
0x237: {  	s1 =	sadd.s32 s24, s25  }
0x238: {  	s1 =	sshrl.u32 s1, $0x3  }
0x239: {  	s26 =	simm.s32 $0x1;
	s0 =	sadd.s32 s24, s14;
	s1 =	sadd.s32 s3, s1  }
0x23a: {  	[tilespmem:s0], [sflag:$0x1] =	stream.linear.gather [hbm4b:s1+s8], $0xC0, $0x38;
	[tilespmem:$0x6200] =	vst v63  }
0x23b: {  	_ =	swait.ge [sflag:s26], $0x6000  }
0x23c: {  	s29 =	simm.s32 $0x200;
	[sflag:s26] =	ssyncset.done $0x0  }
0x23d: {  	s2 =	simm.s32 $0x2;
	s28 =	rddreg [dreg:$0x1e];
	[sflag:s26] =	ssyncadd.s32 $0xFFFFA000  }
0x23e: {  	[hbm4b:s28+s8] =	stream.linear.scatter [tilespmem:s29], [sflag:$0x2], $0x6000, $0x38;
	[tilespmem:$0x6200] =	vst v63  }
0x23f: {  	_ =	swait.ge [sflag:s2], $0x6000  }
0x240: {  	s30 =	sld [smem:$0x7FD];
	_ =	sdelay $0x2  }
0x241: {  	s31 =	rddreg [dreg:$0x1f];
	s1 =	sadd.s32 $0x1, s30  }
0x242: {  	p0 =	sne.s32 s1, s31  }
.Ltmp4:
0x243: {  	_ = 	snop;
	(pc) =	sbr.rel @p0 .LBB2_1-.Ltmp4, $3  }
0x244: {  	_ =	sdelay $0x1  }
0x245: {  	[sflag:s2] =	ssyncset.done $0x0  }
0x246: {  	[sflag:s2] =	ssyncadd.s32 $0xFFFFA000  }
0x247: {  	_ =	sfence.sel $0x180000  }
0x248: {  	[bflag:$0x0] =	sbarrier.arrive $0xFFFF  }
0x249: {  	_ =	strace $0x90000047  }
0x24a: {  	s0 =	stileid.u32;
	[bflag:$0x2] =	sbarrier.arrive $0xFFFF  }
0x24b: {  	p0 =	sne.s32 s0, $0x0;
	s0 =	rddreg [dreg:$0x3]  }
0x24c: {  	s0 =	sadd.s32 @!p0 $0x100000, s0  }
0x24d: {  	[sflag:s0] =	ssyncadd.tile.s32 @!p0 $0x1;
	_ =	shalt  }
.Lfunc_end2:
_tile_overlayer_lowered:
.L_overlay_start_2:
0x24e: {  	(tag) =	ssettag $0x2  }
0x24f: {  	s0 =	rddreg [dreg:$0x0];
	s2 =	stileid.u32  }
0x250: {  	s1 =	rddreg [dreg:$0x1];
	p0 =	sne.s32 s2, $0x0  }
0x251: {  	s3 =	rddreg [dreg:$0x2];
	[bflag:$0x3] =	sbarrier.arrive $0xFFFF;
	s2 =	simm.s32 @!p0 $0x1C02  }
0x252: {  	[timem:s3], [sflag:s2] =	dma.local @!p0 [hbm:s0], s1  }
0x253: {  	s0 =	simm.s32 @!p0 $0x2  }
0x254: {  	_ =	swait.ge @!p0 [sflag:s0], s1  }
0x255: {  	s1 =	ssub.s32 @!p0 $0x0, s1;
	[sflag:s0] =	ssyncset.done @!p0 $0x0  }
0x256: {  	[sflag:s0] =	ssyncadd.s32 @!p0 s1  }
0x257: {  	[bflag:$0x3] =	sbarrier.arrive $0xFFFF  }
0x258: {  	_ =	shalt  }

</sc_bundles>
